<compile_context>
chip_gen: v7x
topology: tpu7x:2x2x1
jax: 0.10.2.dev20260603
libtpu: 0.0.44.dev20260713+nightly
codegen_flags: <defaults>
</compile_context>

<pallas_src>
import functools

import jax
import jax.numpy as jnp
from jax import lax
from jax.experimental import pallas as pl
from jax.experimental.pallas import tpu as pltpu
from jax.experimental.pallas import tpu_sc as plsc

N = 10000
H = 128
E = 320000

NC = 2
NS = 16
NW = NC * NS
CHUNK = 64
CPW = 160
NPH = 2
PPC = CPW // NPH
E_PAD = NW * CPW * CHUNK
R_PAD = 10240
RPW = R_PAD // NS

BLK = 1000



def _fill_rows(rows_v, val):
    v = jnp.full((16,), val, jnp.float32)

    def frow(i, carry):
        for k in range(H // 16):
            rows_v[i, pl.ds(k * 16, 16)] = v
        return carry

    lax.fori_loop(0, CHUNK, frow, 0)


def _zero_acc(rows_v, agg_s, rowbase, sem):
    _fill_rows(rows_v, 0.0)
    nblk = RPW // CHUNK
    for k in range(nblk):
        pltpu.async_copy(rows_v, agg_s.at[pl.ds(rowbase + k * CHUNK, CHUNK)],
                         sem)
    for k in range(nblk):
        pltpu.make_async_copy(rows_v, agg_s.at[pl.ds(rowbase, CHUNK)],
                              sem).wait()


def _flush_acc(b0, b1, agg_s, out_hbm, cid, rowbase, sem0, sem1):
    bufs = (b0, b1)
    sems = (sem0, sem1)
    nblk = RPW // CHUNK
    for k in range(nblk):
        b = k % 2
        r = rowbase + k * CHUNK
        if k >= 2:
            pltpu.make_async_copy(bufs[b], out_hbm.at[cid, pl.ds(0, CHUNK)],
                                  sems[b]).wait()
        pltpu.sync_copy(agg_s.at[pl.ds(r, CHUNK)], bufs[b])
        pltpu.async_copy(bufs[b], out_hbm.at[cid, pl.ds(r, CHUNK)], sems[b])
    for b in range(2):
        pltpu.make_async_copy(bufs[b], out_hbm.at[cid, pl.ds(0, CHUNK)],
                              sems[b]).wait()


def _sc_agg_body(with_counts, *refs):
    if with_counts:
        (h_hbm, src_hbm, dst_hbm,
         p_hbm, cnt_hbm,
         src_v, dst_v, rows0, rows1, rows2, agg_s, sem0, sem1, sem2) = refs
    else:
        (h_hbm, src_hbm, dst_hbm,
         p_hbm,
         src_v, dst_v, rows0, rows1, rows2, agg_s, sem0, sem1, sem2) = refs

    cid = lax.axis_index("c")
    sid = lax.axis_index("s")
    wid = sid * NC + cid
    rowbase = sid * RPW
    bufs2 = (rows0, rows1)
    sems2 = (sem0, sem1)

    if with_counts:
        _zero_acc(rows0, agg_s, rowbase, sem0)
        plsc.subcore_barrier()
        _fill_rows(rows0, 1.0)

        def cfire(j, carry):
            pltpu.async_copy(rows0, agg_s.at[dst_v.at[j]], sem0, add=True)
            return carry

        def cdrain(j, carry):
            pltpu.make_async_copy(rows0, agg_s.at[dst_v.at[0]], sem0).wait()
            return carry

        for ph in range(NPH):
            pltpu.sync_copy(dst_hbm.at[wid, pl.ds(ph * PPC, PPC)], dst_v)
            lax.fori_loop(0, PPC, cfire, 0)
            lax.fori_loop(0, PPC, cdrain, 0)
        plsc.subcore_barrier()
        _flush_acc(rows0, rows1, agg_s, cnt_hbm, cid, rowbase, sem0, sem1)
        plsc.subcore_barrier()

    _zero_acc(rows0, agg_s, rowbase, sem0)
    plsc.subcore_barrier()

    NB = 3
    bufs = (rows0, rows1, rows2)
    sems = (sem0, sem1, sem2)
    ngrp = PPC // NB - 1

    def grp(g, carry):
        for b in range(NB):
            j = NB * g + b
            pltpu.make_async_copy(h_hbm.at[src_v.at[0]], bufs[b],
                                  sems[b]).wait()
            pltpu.sync_copy(bufs[b], agg_s.at[dst_v.at[j]], add=True)
            pltpu.async_copy(h_hbm.at[src_v.at[j + NB]], bufs[b], sems[b])
        return carry

    for ph in range(NPH):
        pltpu.sync_copy(src_hbm.at[wid, pl.ds(ph * PPC, PPC)], src_v)
        pltpu.sync_copy(dst_hbm.at[wid, pl.ds(ph * PPC, PPC)], dst_v)
        for b in range(NB):
            pltpu.async_copy(h_hbm.at[src_v.at[b]], bufs[b], sems[b])
        lax.fori_loop(0, ngrp, grp, 0)
        for j in range(NB * ngrp, PPC):
            b = j % NB
            pltpu.make_async_copy(h_hbm.at[src_v.at[0]], bufs[b],
                                  sems[b]).wait()
            pltpu.sync_copy(bufs[b], agg_s.at[dst_v.at[j]], add=True)
            if j + NB < PPC:
                pltpu.async_copy(h_hbm.at[src_v.at[j + NB]], bufs[b], sems[b])

    plsc.subcore_barrier()
    _flush_acc(rows0, rows1, agg_s, p_hbm, cid, rowbase, sem0, sem1)


def _make_sc_agg(with_counts):
    mesh = plsc.VectorSubcoreMesh(core_axis_name="c", subcore_axis_name="s")
    out_type = [jax.ShapeDtypeStruct((NC, R_PAD, H), jnp.float32)]
    if with_counts:
        out_type.append(jax.ShapeDtypeStruct((NC, R_PAD, H), jnp.float32))
    return pl.kernel(
        functools.partial(_sc_agg_body, with_counts),
        out_type=tuple(out_type),
        mesh=mesh,
        scratch_types=[
            pltpu.VMEM((PPC, CHUNK), jnp.int32),
            pltpu.VMEM((PPC, CHUNK), jnp.int32),
            pltpu.VMEM((CHUNK, H), jnp.float32),
            pltpu.VMEM((CHUNK, H), jnp.float32),
            pltpu.VMEM((CHUNK, H), jnp.float32),
            pltpu.VMEM_SHARED((R_PAD, H), jnp.float32),
            pltpu.SemaphoreType.DMA,
            pltpu.SemaphoreType.DMA,
            pltpu.SemaphoreType.DMA,
        ],
        name="sc_segment_sum" + ("_cnt" if with_counts else ""),
    )



def _tc_in_body(x_ref, w_ref, b_ref, o_ref):
    o_ref[...] = jax.nn.relu(
        jnp.dot(x_ref[...], w_ref[...], preferred_element_type=jnp.float32)
        + b_ref[...])


def _tc_layer_body(p_ref, c_ref, h_ref, wl_ref, wr_ref, s_ref, t_ref,
                   o_ref, inv_ref):
    inv = 1.0 / jnp.maximum(c_ref[0, :, :1] + c_ref[1, :, :1], 1.0)
    agg = (p_ref[0] + p_ref[1]) * inv
    h = h_ref[...]
    z = (jnp.dot(agg, wl_ref[...], preferred_element_type=jnp.float32)
         + jnp.dot(h, wr_ref[...], preferred_element_type=jnp.float32))
    o_ref[...] = h + jax.nn.relu(z * s_ref[...] + t_ref[...])
    inv_ref[...] = inv


def _tc_head_body(p_ref, c_ref, h_ref, wl_ref, wr_ref, s_ref, t_ref,
                  wc1_ref, bc1_ref, wc2_ref, bc2_ref, o_ref):
    agg = (p_ref[0] + p_ref[1]) * c_ref[...]
    h = h_ref[...]
    z = (jnp.dot(agg, wl_ref[...], preferred_element_type=jnp.float32)
         + jnp.dot(h, wr_ref[...], preferred_element_type=jnp.float32))
    h2 = h + jax.nn.relu(z * s_ref[...] + t_ref[...])
    y = jax.nn.relu(
        jnp.dot(h2, wc1_ref[...], preferred_element_type=jnp.float32)
        + bc1_ref[...])
    o_ref[...] = (jnp.dot(y, wc2_ref[...], preferred_element_type=jnp.float32)
                  + bc2_ref[...])


def _row(shape):
    return pl.BlockSpec(shape, lambda i: (0,) * len(shape))


def _tc_in(x, w, b):
    return pl.pallas_call(
        _tc_in_body,
        grid=(N // BLK,),
        in_specs=[
            pl.BlockSpec((BLK, H), lambda i: (i, 0)),
            _row((H, H)),
            _row((1, H)),
        ],
        out_specs=pl.BlockSpec((BLK, H), lambda i: (i, 0)),
        out_shape=jax.ShapeDtypeStruct((N, H), jnp.float32),
    )(x, w, b)


def _tc_layer(p, c, h, wl, wr, s, t):
    return pl.pallas_call(
        _tc_layer_body,
        grid=(N // BLK,),
        in_specs=[
            pl.BlockSpec((NC, BLK, H), lambda i: (0, i, 0)),
            pl.BlockSpec((NC, BLK, H), lambda i: (0, i, 0)),
            pl.BlockSpec((BLK, H), lambda i: (i, 0)),
            _row((H, H)), _row((H, H)), _row((1, H)), _row((1, H)),
        ],
        out_specs=[
            pl.BlockSpec((BLK, H), lambda i: (i, 0)),
            pl.BlockSpec((BLK, 1), lambda i: (i, 0)),
        ],
        out_shape=[
            jax.ShapeDtypeStruct((N, H), jnp.float32),
            jax.ShapeDtypeStruct((N, 1), jnp.float32),
        ],
    )(p, c, h, wl, wr, s, t)


def _tc_head(p, c, h, wl, wr, s, t, wc1, bc1, wc2, bc2):
    return pl.pallas_call(
        _tc_head_body,
        grid=(N // BLK,),
        in_specs=[
            pl.BlockSpec((NC, BLK, H), lambda i: (0, i, 0)),
            pl.BlockSpec((BLK, 1), lambda i: (i, 0)),
            pl.BlockSpec((BLK, H), lambda i: (i, 0)),
            _row((H, H)), _row((H, H)), _row((1, H)), _row((1, H)),
            _row((H, H // 2)), _row((1, H // 2)),
            _row((H // 2, 1)), _row((1, 1)),
        ],
        out_specs=pl.BlockSpec((BLK, 1), lambda i: (i, 0)),
        out_shape=jax.ShapeDtypeStruct((N, 1), jnp.float32),
    )(p, c, h, wl, wr, s, t, wc1, bc1, wc2, bc2)



def _fold_bn(g, be, rm, rv, bl, eps=1e-5):
    s = g / jnp.sqrt(rv + eps)
    t = be - rm * s + bl * s
    return s.reshape(1, H), t.reshape(1, H)


def kernel(x, edge_index, edge_attr, W_in, b_in, Wl0, bl0, Wr0, g0, be0, rm0,
           rv0, Wl1, bl1, Wr1, g1, be1, rm1, rv1, Wc1, bc1, Wc2, bc2):
    src = edge_index[0]
    dst = edge_index[1]
    npad = E_PAD - E
    pad_src = (jnp.arange(npad, dtype=jnp.int32) * 131) % N
    pad_dst = N + (jnp.arange(npad, dtype=jnp.int32) % (R_PAD - N))
    src_r = jnp.concatenate([src, pad_src]).reshape(NW, CPW, CHUNK)
    dst_r = jnp.concatenate([dst, pad_dst]).reshape(NW, CPW, CHUNK)

    s0, t0 = _fold_bn(g0, be0, rm0, rv0, bl0)
    s1, t1 = _fold_bn(g1, be1, rm1, rv1, bl1)

    h0 = _tc_in(x, W_in, b_in.reshape(1, H))
    p0, cnt = _make_sc_agg(True)(h0, src_r, dst_r)
    h1, inv = _tc_layer(p0, cnt, h0, Wl0, Wr0, s0, t0)
    (p1,) = _make_sc_agg(False)(h1, src_r, dst_r)
    return _tc_head(p1, inv, h1, Wl1, Wr1, s1, t1,
                    Wc1, bc1.reshape(1, H // 2), Wc2, bc2.reshape(1, 1))

# --- scband reference (transcript-rebuilt; emitter-appended) ---
"""Pipeline reference for scband-knngraph-gnn-87952340287518 (READ-ONLY COPY).

The authoritative reference and input builder live on the scoring server;
editing this copy changes nothing except your own understanding.
"""

import jax, jax.numpy as jnp
import numpy as np

N = 10000
E = 320000
D_IN = 128
H = 128

def _param(key, shape, fan_in, fan_out):
    limit = float(np.sqrt(6.0 / (fan_in + fan_out)))
    return jax.random.uniform(key, shape, dtype=jnp.float32, minval=-limit, maxval=limit)

def setup_inputs(seed: int = 0):
    key = jax.random.key(seed)
    ks = jax.random.split(key, 16)
    inp = {}
    inp['x'] = jax.random.normal(ks[0], (N, D_IN), dtype=jnp.float32)
    inp['edge_index'] = jax.random.randint(ks[1], (2, E), 0, N, dtype=jnp.int32)
    inp['edge_attr'] = jax.random.uniform(ks[2], (E, 1), dtype=jnp.float32)
    inp['W_in'] = _param(ks[3], (D_IN, H), D_IN, H)
    inp['b_in'] = jnp.zeros((H,), jnp.float32)
    inp['Wl0'] = _param(ks[4], (H, H), H, H)
    inp['bl0'] = jnp.zeros((H,), jnp.float32)
    inp['Wr0'] = _param(ks[5], (H, H), H, H)
    inp['g0'] = jnp.ones((H,), jnp.float32)
    inp['be0'] = jnp.zeros((H,), jnp.float32)
    inp['rm0'] = jnp.zeros((H,), jnp.float32)
    inp['rv0'] = jnp.ones((H,), jnp.float32)
    inp['Wl1'] = _param(ks[6], (H, H), H, H)
    inp['bl1'] = jnp.zeros((H,), jnp.float32)
    inp['Wr1'] = _param(ks[7], (H, H), H, H)
    inp['g1'] = jnp.ones((H,), jnp.float32)
    inp['be1'] = jnp.zeros((H,), jnp.float32)
    inp['rm1'] = jnp.zeros((H,), jnp.float32)
    inp['rv1'] = jnp.ones((H,), jnp.float32)
    inp['Wc1'] = _param(ks[8], (H, H // 2), H, H // 2)
    inp['bc1'] = jnp.zeros((H // 2,), jnp.float32)
    inp['Wc2'] = _param(ks[9], (H // 2, 1), H // 2, 1)
    inp['bc2'] = jnp.zeros((1,), jnp.float32)
    return inp

def _sage(x, src, dst, Wl, bl, Wr):
    # PyG SAGEConv (aggr='mean', root_weight=True): lin_l(mean_agg) + lin_r(x)
    msgs = jnp.take(x, src, axis=0)
    agg = jax.ops.segment_sum(msgs, dst, num_segments=N)
    cnt = jax.ops.segment_sum(jnp.ones((src.shape[0], 1), x.dtype), dst, num_segments=N)
    agg = agg / jnp.maximum(cnt, 1.0)
    return agg @ Wl + bl + x @ Wr

def _bn(x, g, b, m, v, eps=1e-5):
    # BatchNorm1d in eval mode (running stats)
    return (x - m) / jnp.sqrt(v + eps) * g + b

def reference(x, edge_index, edge_attr, W_in, b_in, Wl0, bl0, Wr0, g0, be0, rm0, rv0, Wl1, bl1, Wr1, g1, be1, rm1, rv1, Wc1, bc1, Wc2, bc2):
    src = edge_index[0]
    dst = edge_index[1]
    h = jax.nn.relu(x @ W_in + b_in)
    # layer 0 (edge_attr is accepted but unused by the conv branch, matching the torch code)
    hn = jax.nn.relu(_bn(_sage(h, src, dst, Wl0, bl0, Wr0), g0, be0, rm0, rv0))
    h = h + hn  # dropout is identity in eval mode
    # layer 1
    hn = jax.nn.relu(_bn(_sage(h, src, dst, Wl1, bl1, Wr1), g1, be1, rm1, rv1))
    h = h + hn
    logits = jax.nn.relu(h @ Wc1 + bc1) @ Wc2 + bc2
    return logits

if __name__ == "__main__":
    import jax
    _d = setup_inputs()
    print(jax.jit(kernel)(*tuple(_d.values())))

</pallas_src>

<mosaic_0001>
#map = affine_map<(d0, d1) -> (0, 0)>
#map1 = affine_map<(d0, d1) -> (0, 0, 0)>
module attributes {stable_mosaic.version = 14 : i64} {
  func.func @sc_segment_sum_cnt(%arg0: i32, %arg1: i32, %arg2: memref<10000x128xf32, #tpu.memory_space<hbm>>, %arg3: memref<32x160x64xi32, #tpu.memory_space<hbm>>, %arg4: memref<32x160x64xi32, #tpu.memory_space<hbm>>, %arg5: memref<2x10240x128xf32, #tpu.memory_space<hbm>>, %arg6: memref<2x10240x128xf32, #tpu.memory_space<hbm>>, %arg7: memref<80x64xi32, #tpu.memory_space<vmem>>, %arg8: memref<80x64xi32, #tpu.memory_space<vmem>>, %arg9: memref<64x128xf32, #tpu.memory_space<vmem>>, %arg10: memref<64x128xf32, #tpu.memory_space<vmem>>, %arg11: memref<64x128xf32, #tpu.memory_space<vmem>>, %arg12: memref<10240x128xf32, #tpu.memory_space<vmem_shared>>, %arg13: memref<!tpu.dma_semaphore, #tpu.memory_space<semaphore_mem>>, %arg14: memref<!tpu.dma_semaphore, #tpu.memory_space<semaphore_mem>>, %arg15: memref<!tpu.dma_semaphore, #tpu.memory_space<semaphore_mem>>) attributes {dimension_semantics = [#tpu.dimension_semantics<core_parallel>, #tpu.dimension_semantics<subcore_parallel>], iteration_bounds = array<i64: 2, 16>, scalar_prefetch = 0 : i64, scratch_operands = 9 : i64, tpu.core_type = #tpu.core_type<sc_vector_subcore>, window_params = [{transform_indices = #map}, {transform_indices = #map1}, {transform_indices = #map1}, {transform_indices = #map1}, {transform_indices = #map1}]} {
    %mul3A = arith.constant 2 : i32
    %mul3A_0 = arith.muli %arg1, %mul3A : i32
    %add3A = arith.addi %mul3A_0, %arg0 : i32
    %mul3A_1 = arith.constant 640 : i32
    %mul3A_2 = arith.muli %arg1, %mul3A_1 : i32
    %broadcast_in_dim3A = arith.constant 0.000000e+00 : f32
    %broadcast_in_dim3A_3 = vector.broadcast %broadcast_in_dim3A : f32 to vector<16xf32>
    %scan3A = arith.constant 0 : i32
    %scan3A_4 = arith.constant 0 : i32
    %scan3A_5 = arith.constant 64 : i32
    %scan3A_6 = arith.addi %scan3A_4, %scan3A_5 : i32
    %scan3A_7 = arith.constant 1 : i32
    scf.for %scan3A_732 = %scan3A_4 to %scan3A_6 step %scan3A_7  : i32 {
      %swap3A = arith.index_cast %scan3A_732 : i32 to index
      %swap3A_733 = arith.constant 0 : index
      %swap3A_734 = tpu.vector_load %arg9[%swap3A, %swap3A_733] {strides = array<i32>} : memref<64x128xf32, #tpu.memory_space<vmem>>, vector<1x16xf32>,
      %swap3A_735 = vector.shape_cast %swap3A_734 : vector<1x16xf32> to vector<16xf32>
      %swap3A_736 = vector.shape_cast %broadcast_in_dim3A_3 : vector<16xf32> to vector<1x16xf32>
      tpu.vector_store %arg9[%swap3A, %swap3A_733], %swap3A_736 {strides = array<i32>} : memref<64x128xf32, #tpu.memory_space<vmem>>, vector<1x16xf32>,
      %swap3A_737 = arith.index_cast %scan3A_732 : i32 to index
      %swap3A_738 = arith.constant 16 : index
      %swap3A_739 = tpu.vector_load %arg9[%swap3A_737, %swap3A_738] {strides = array<i32>} : memref<64x128xf32, #tpu.memory_space<vmem>>, vector<1x16xf32>,
      %swap3A_740 = vector.shape_cast %swap3A_739 : vector<1x16xf32> to vector<16xf32>
      %swap3A_741 = vector.shape_cast %broadcast_in_dim3A_3 : vector<16xf32> to vector<1x16xf32>
      tpu.vector_store %arg9[%swap3A_737, %swap3A_738], %swap3A_741 {strides = array<i32>} : memref<64x128xf32, #tpu.memory_space<vmem>>, vector<1x16xf32>,
      %swap3A_742 = arith.index_cast %scan3A_732 : i32 to index
      %swap3A_743 = arith.constant 32 : index
      %swap3A_744 = tpu.vector_load %arg9[%swap3A_742, %swap3A_743] {strides = array<i32>} : memref<64x128xf32, #tpu.memory_space<vmem>>, vector<1x16xf32>,
      %swap3A_745 = vector.shape_cast %swap3A_744 : vector<1x16xf32> to vector<16xf32>
      %swap3A_746 = vector.shape_cast %broadcast_in_dim3A_3 : vector<16xf32> to vector<1x16xf32>
      tpu.vector_store %arg9[%swap3A_742, %swap3A_743], %swap3A_746 {strides = array<i32>} : memref<64x128xf32, #tpu.memory_space<vmem>>, vector<1x16xf32>,
      %swap3A_747 = arith.index_cast %scan3A_732 : i32 to index
      %swap3A_748 = arith.constant 48 : index
      %swap3A_749 = tpu.vector_load %arg9[%swap3A_747, %swap3A_748] {strides = array<i32>} : memref<64x128xf32, #tpu.memory_space<vmem>>, vector<1x16xf32>,
      %swap3A_750 = vector.shape_cast %swap3A_749 : vector<1x16xf32> to vector<16xf32>
      %swap3A_751 = vector.shape_cast %broadcast_in_dim3A_3 : vector<16xf32> to vector<1x16xf32>
      tpu.vector_store %arg9[%swap3A_747, %swap3A_748], %swap3A_751 {strides = array<i32>} : memref<64x128xf32, #tpu.memory_space<vmem>>, vector<1x16xf32>,
      %swap3A_752 = arith.index_cast %scan3A_732 : i32 to index
      %swap3A_753 = arith.constant 64 : index
      %swap3A_754 = tpu.vector_load %arg9[%swap3A_752, %swap3A_753] {strides = array<i32>} : memref<64x128xf32, #tpu.memory_space<vmem>>, vector<1x16xf32>,
      %swap3A_755 = vector.shape_cast %swap3A_754 : vector<1x16xf32> to vector<16xf32>
      %swap3A_756 = vector.shape_cast %broadcast_in_dim3A_3 : vector<16xf32> to vector<1x16xf32>
      tpu.vector_store %arg9[%swap3A_752, %swap3A_753], %swap3A_756 {strides = array<i32>} : memref<64x128xf32, #tpu.memory_space<vmem>>, vector<1x16xf32>,
      %swap3A_757 = arith.index_cast %scan3A_732 : i32 to index
      %swap3A_758 = arith.constant 80 : index
      %swap3A_759 = tpu.vector_load %arg9[%swap3A_757, %swap3A_758] {strides = array<i32>} : memref<64x128xf32, #tpu.memory_space<vmem>>, vector<1x16xf32>,
      %swap3A_760 = vector.shape_cast %swap3A_759 : vector<1x16xf32> to vector<16xf32>
      %swap3A_761 = vector.shape_cast %broadcast_in_dim3A_3 : vector<16xf32> to vector<1x16xf32>
      tpu.vector_store %arg9[%swap3A_757, %swap3A_758], %swap3A_761 {strides = array<i32>} : memref<64x128xf32, #tpu.memory_space<vmem>>, vector<1x16xf32>,
      %swap3A_762 = arith.index_cast %scan3A_732 : i32 to index
      %swap3A_763 = arith.constant 96 : index
      %swap3A_764 = tpu.vector_load %arg9[%swap3A_762, %swap3A_763] {strides = array<i32>} : memref<64x128xf32, #tpu.memory_space<vmem>>, vector<1x16xf32>,
      %swap3A_765 = vector.shape_cast %swap3A_764 : vector<1x16xf32> to vector<16xf32>
      %swap3A_766 = vector.shape_cast %broadcast_in_dim3A_3 : vector<16xf32> to vector<1x16xf32>
      tpu.vector_store %arg9[%swap3A_762, %swap3A_763], %swap3A_766 {strides = array<i32>} : memref<64x128xf32, #tpu.memory_space<vmem>>, vector<1x16xf32>,
      %swap3A_767 = arith.index_cast %scan3A_732 : i32 to index
      %swap3A_768 = arith.constant 112 : index
      %swap3A_769 = tpu.vector_load %arg9[%swap3A_767, %swap3A_768] {strides = array<i32>} : memref<64x128xf32, #tpu.memory_space<vmem>>, vector<1x16xf32>,
      %swap3A_770 = vector.shape_cast %swap3A_769 : vector<1x16xf32> to vector<16xf32>
      %swap3A_771 = vector.shape_cast %broadcast_in_dim3A_3 : vector<16xf32> to vector<1x16xf32>
      tpu.vector_store %arg9[%swap3A_767, %swap3A_768], %swap3A_771 {strides = array<i32>} : memref<64x128xf32, #tpu.memory_space<vmem>>, vector<1x16xf32>,
    }
    %scan3A_8 = arith.constant 64 : i32
    %add3A_9 = arith.constant 0 : i32
    %add3A_10 = arith.addi %mul3A_2, %add3A_9 : i32
    %dma_start3A = arith.constant 0 : i32
    %dma_start3A_11 = tpu.memref_slice %arg12[%add3A_10, %dma_start3A] : memref<10240x128xf32, #tpu.memory_space<vmem_shared>> -> memref<64x128xf32, #tpu.memory_space<vmem_shared>>
    %dma_start3A_12 = arith.constant 0 : i32
    %dma_start3A_13 = tpu.memref_slice %arg12[%add3A_10, %dma_start3A_12] : memref<10240x128xf32, #tpu.memory_space<vmem_shared>> -> memref<64x128xf32, #tpu.memory_space<vmem_shared>>
    tpu.enqueue_dma source(%arg9 : memref<64x128xf32, #tpu.memory_space<vmem>>) target(%dma_start3A_13 : memref<64x128xf32, #tpu.memory_space<vmem_shared>>) target_semaphore(%arg13 : memref<!tpu.dma_semaphore, #tpu.memory_space<semaphore_mem>>)
    %add3A_14 = arith.constant 64 : i32
    %add3A_15 = arith.addi %mul3A_2, %add3A_14 : i32
    %dma_start3A_16 = arith.constant 0 : i32
    %dma_start3A_17 = tpu.memref_slice %arg12[%add3A_15, %dma_start3A_16] : memref<10240x128xf32, #tpu.memory_space<vmem_shared>> -> memref<64x128xf32, #tpu.memory_space<vmem_shared>>
    %dma_start3A_18 = arith.constant 0 : i32
    %dma_start3A_19 = tpu.memref_slice %arg12[%add3A_15, %dma_start3A_18] : memref<10240x128xf32, #tpu.memory_space<vmem_shared>> -> memref<64x128xf32, #tpu.memory_space<vmem_shared>>
    tpu.enqueue_dma source(%arg9 : memref<64x128xf32, #tpu.memory_space<vmem>>) target(%dma_start3A_19 : memref<64x128xf32, #tpu.memory_space<vmem_shared>>) target_semaphore(%arg13 : memref<!tpu.dma_semaphore, #tpu.memory_space<semaphore_mem>>)
    %add3A_20 = arith.constant 128 : i32
    %add3A_21 = arith.addi %mul3A_2, %add3A_20 : i32
    %dma_start3A_22 = arith.constant 0 : i32
    %dma_start3A_23 = tpu.memref_slice %arg12[%add3A_21, %dma_start3A_22] : memref<10240x128xf32, #tpu.memory_space<vmem_shared>> -> memref<64x128xf32, #tpu.memory_space<vmem_shared>>
    %dma_start3A_24 = arith.constant 0 : i32
    %dma_start3A_25 = tpu.memref_slice %arg12[%add3A_21, %dma_start3A_24] : memref<10240x128xf32, #tpu.memory_space<vmem_shared>> -> memref<64x128xf32, #tpu.memory_space<vmem_shared>>
    tpu.enqueue_dma source(%arg9 : memref<64x128xf32, #tpu.memory_space<vmem>>) target(%dma_start3A_25 : memref<64x128xf32, #tpu.memory_space<vmem_shared>>) target_semaphore(%arg13 : memref<!tpu.dma_semaphore, #tpu.memory_space<semaphore_mem>>)
    %add3A_26 = arith.constant 192 : i32
    %add3A_27 = arith.addi %mul3A_2, %add3A_26 : i32
    %dma_start3A_28 = arith.constant 0 : i32
    %dma_start3A_29 = tpu.memref_slice %arg12[%add3A_27, %dma_start3A_28] : memref<10240x128xf32, #tpu.memory_space<vmem_shared>> -> memref<64x128xf32, #tpu.memory_space<vmem_shared>>
    %dma_start3A_30 = arith.constant 0 : i32
    %dma_start3A_31 = tpu.memref_slice %arg12[%add3A_27, %dma_start3A_30] : memref<10240x128xf32, #tpu.memory_space<vmem_shared>> -> memref<64x128xf32, #tpu.memory_space<vmem_shared>>
    tpu.enqueue_dma source(%arg9 : memref<64x128xf32, #tpu.memory_space<vmem>>) target(%dma_start3A_31 : memref<64x128xf32, #tpu.memory_space<vmem_shared>>) target_semaphore(%arg13 : memref<!tpu.dma_semaphore, #tpu.memory_space<semaphore_mem>>)
    %add3A_32 = arith.constant 256 : i32
    %add3A_33 = arith.addi %mul3A_2, %add3A_32 : i32
    %dma_start3A_34 = arith.constant 0 : i32
    %dma_start3A_35 = tpu.memref_slice %arg12[%add3A_33, %dma_start3A_34] : memref<10240x128xf32, #tpu.memory_space<vmem_shared>> -> memref<64x128xf32, #tpu.memory_space<vmem_shared>>
    %dma_start3A_36 = arith.constant 0 : i32
    %dma_start3A_37 = tpu.memref_slice %arg12[%add3A_33, %dma_start3A_36] : memref<10240x128xf32, #tpu.memory_space<vmem_shared>> -> memref<64x128xf32, #tpu.memory_space<vmem_shared>>
    tpu.enqueue_dma source(%arg9 : memref<64x128xf32, #tpu.memory_space<vmem>>) target(%dma_start3A_37 : memref<64x128xf32, #tpu.memory_space<vmem_shared>>) target_semaphore(%arg13 : memref<!tpu.dma_semaphore, #tpu.memory_space<semaphore_mem>>)
    %add3A_38 = arith.constant 320 : i32
    %add3A_39 = arith.addi %mul3A_2, %add3A_38 : i32
    %dma_start3A_40 = arith.constant 0 : i32
    %dma_start3A_41 = tpu.memref_slice %arg12[%add3A_39, %dma_start3A_40] : memref<10240x128xf32, #tpu.memory_space<vmem_shared>> -> memref<64x128xf32, #tpu.memory_space<vmem_shared>>
    %dma_start3A_42 = arith.constant 0 : i32
    %dma_start3A_43 = tpu.memref_slice %arg12[%add3A_39, %dma_start3A_42] : memref<10240x128xf32, #tpu.memory_space<vmem_shared>> -> memref<64x128xf32, #tpu.memory_space<vmem_shared>>
    tpu.enqueue_dma source(%arg9 : memref<64x128xf32, #tpu.memory_space<vmem>>) target(%dma_start3A_43 : memref<64x128xf32, #tpu.memory_space<vmem_shared>>) target_semaphore(%arg13 : memref<!tpu.dma_semaphore, #tpu.memory_space<semaphore_mem>>)
    %add3A_44 = arith.constant 384 : i32
    %add3A_45 = arith.addi %mul3A_2, %add3A_44 : i32
    %dma_start3A_46 = arith.constant 0 : i32
    %dma_start3A_47 = tpu.memref_slice %arg12[%add3A_45, %dma_start3A_46] : memref<10240x128xf32, #tpu.memory_space<vmem_shared>> -> memref<64x128xf32, #tpu.memory_space<vmem_shared>>
    %dma_start3A_48 = arith.constant 0 : i32
    %dma_start3A_49 = tpu.memref_slice %arg12[%add3A_45, %dma_start3A_48] : memref<10240x128xf32, #tpu.memory_space<vmem_shared>> -> memref<64x128xf32, #tpu.memory_space<vmem_shared>>
    tpu.enqueue_dma source(%arg9 : memref<64x128xf32, #tpu.memory_space<vmem>>) target(%dma_start3A_49 : memref<64x128xf32, #tpu.memory_space<vmem_shared>>) target_semaphore(%arg13 : memref<!tpu.dma_semaphore, #tpu.memory_space<semaphore_mem>>)
    %add3A_50 = arith.constant 448 : i32
    %add3A_51 = arith.addi %mul3A_2, %add3A_50 : i32
    %dma_start3A_52 = arith.constant 0 : i32
    %dma_start3A_53 = tpu.memref_slice %arg12[%add3A_51, %dma_start3A_52] : memref<10240x128xf32, #tpu.memory_space<vmem_shared>> -> memref<64x128xf32, #tpu.memory_space<vmem_shared>>
    %dma_start3A_54 = arith.constant 0 : i32
    %dma_start3A_55 = tpu.memref_slice %arg12[%add3A_51, %dma_start3A_54] : memref<10240x128xf32, #tpu.memory_space<vmem_shared>> -> memref<64x128xf32, #tpu.memory_space<vmem_shared>>
    tpu.enqueue_dma source(%arg9 : memref<64x128xf32, #tpu.memory_space<vmem>>) target(%dma_start3A_55 : memref<64x128xf32, #tpu.memory_space<vmem_shared>>) target_semaphore(%arg13 : memref<!tpu.dma_semaphore, #tpu.memory_space<semaphore_mem>>)
    %add3A_56 = arith.constant 512 : i32
    %add3A_57 = arith.addi %mul3A_2, %add3A_56 : i32
    %dma_start3A_58 = arith.constant 0 : i32
    %dma_start3A_59 = tpu.memref_slice %arg12[%add3A_57, %dma_start3A_58] : memref<10240x128xf32, #tpu.memory_space<vmem_shared>> -> memref<64x128xf32, #tpu.memory_space<vmem_shared>>
    %dma_start3A_60 = arith.constant 0 : i32
    %dma_start3A_61 = tpu.memref_slice %arg12[%add3A_57, %dma_start3A_60] : memref<10240x128xf32, #tpu.memory_space<vmem_shared>> -> memref<64x128xf32, #tpu.memory_space<vmem_shared>>
    tpu.enqueue_dma source(%arg9 : memref<64x128xf32, #tpu.memory_space<vmem>>) target(%dma_start3A_61 : memref<64x128xf32, #tpu.memory_space<vmem_shared>>) target_semaphore(%arg13 : memref<!tpu.dma_semaphore, #tpu.memory_space<semaphore_mem>>)
    %add3A_62 = arith.constant 576 : i32
    %add3A_63 = arith.addi %mul3A_2, %add3A_62 : i32
    %dma_start3A_64 = arith.constant 0 : i32
    %dma_start3A_65 = tpu.memref_slice %arg12[%add3A_63, %dma_start3A_64] : memref<10240x128xf32, #tpu.memory_space<vmem_shared>> -> memref<64x128xf32, #tpu.memory_space<vmem_shared>>
    %dma_start3A_66 = arith.constant 0 : i32
    %dma_start3A_67 = tpu.memref_slice %arg12[%add3A_63, %dma_start3A_66] : memref<10240x128xf32, #tpu.memory_space<vmem_shared>> -> memref<64x128xf32, #tpu.memory_space<vmem_shared>>
    tpu.enqueue_dma source(%arg9 : memref<64x128xf32, #tpu.memory_space<vmem>>) target(%dma_start3A_67 : memref<64x128xf32, #tpu.memory_space<vmem_shared>>) target_semaphore(%arg13 : memref<!tpu.dma_semaphore, #tpu.memory_space<semaphore_mem>>)
    %dma_wait3A = arith.constant 0 : i32
    %dma_wait3A_68 = tpu.memref_slice %arg12[%mul3A_2, %dma_wait3A] : memref<10240x128xf32, #tpu.memory_space<vmem_shared>> -> memref<64x128xf32, #tpu.memory_space<vmem_shared>>
    %dma_wait3A_69 = arith.constant 0 : i32
    %dma_wait3A_70 = tpu.memref_slice %arg12[%mul3A_2, %dma_wait3A_69] : memref<10240x128xf32, #tpu.memory_space<vmem_shared>> -> memref<64x128xf32, #tpu.memory_space<vmem_shared>>
    tpu.wait_dma2 semaphore(%arg13 : memref<!tpu.dma_semaphore, #tpu.memory_space<semaphore_mem>>) src(%arg9 : memref<64x128xf32, #tpu.memory_space<vmem>>) dst(%dma_wait3A_70 : memref<64x128xf32, #tpu.memory_space<vmem_shared>>)
    %dma_wait3A_71 = arith.constant 0 : i32
    %dma_wait3A_72 = tpu.memref_slice %arg12[%mul3A_2, %dma_wait3A_71] : memref<10240x128xf32, #tpu.memory_space<vmem_shared>> -> memref<64x128xf32, #tpu.memory_space<vmem_shared>>
    %dma_wait3A_73 = arith.constant 0 : i32
    %dma_wait3A_74 = tpu.memref_slice %arg12[%mul3A_2, %dma_wait3A_73] : memref<10240x128xf32, #tpu.memory_space<vmem_shared>> -> memref<64x128xf32, #tpu.memory_space<vmem_shared>>
    tpu.wait_dma2 semaphore(%arg13 : memref<!tpu.dma_semaphore, #tpu.memory_space<semaphore_mem>>) src(%arg9 : memref<64x128xf32, #tpu.memory_space<vmem>>) dst(%dma_wait3A_74 : memref<64x128xf32, #tpu.memory_space<vmem_shared>>)
    %dma_wait3A_75 = arith.constant 0 : i32
    %dma_wait3A_76 = tpu.memref_slice %arg12[%mul3A_2, %dma_wait3A_75] : memref<10240x128xf32, #tpu.memory_space<vmem_shared>> -> memref<64x128xf32, #tpu.memory_space<vmem_shared>>
    %dma_wait3A_77 = arith.constant 0 : i32
    %dma_wait3A_78 = tpu.memref_slice %arg12[%mul3A_2, %dma_wait3A_77] : memref<10240x128xf32, #tpu.memory_space<vmem_shared>> -> memref<64x128xf32, #tpu.memory_space<vmem_shared>>
    tpu.wait_dma2 semaphore(%arg13 : memref<!tpu.dma_semaphore, #tpu.memory_space<semaphore_mem>>) src(%arg9 : memref<64x128xf32, #tpu.memory_space<vmem>>) dst(%dma_wait3A_78 : memref<64x128xf32, #tpu.memory_space<vmem_shared>>)
    %dma_wait3A_79 = arith.constant 0 : i32
    %dma_wait3A_80 = tpu.memref_slice %arg12[%mul3A_2, %dma_wait3A_79] : memref<10240x128xf32, #tpu.memory_space<vmem_shared>> -> memref<64x128xf32, #tpu.memory_space<vmem_shared>>
    %dma_wait3A_81 = arith.constant 0 : i32
    %dma_wait3A_82 = tpu.memref_slice %arg12[%mul3A_2, %dma_wait3A_81] : memref<10240x128xf32, #tpu.memory_space<vmem_shared>> -> memref<64x128xf32, #tpu.memory_space<vmem_shared>>
    tpu.wait_dma2 semaphore(%arg13 : memref<!tpu.dma_semaphore, #tpu.memory_space<semaphore_mem>>) src(%arg9 : memref<64x128xf32, #tpu.memory_space<vmem>>) dst(%dma_wait3A_82 : memref<64x128xf32, #tpu.memory_space<vmem_shared>>)
    %dma_wait3A_83 = arith.constant 0 : i32
    %dma_wait3A_84 = tpu.memref_slice %arg12[%mul3A_2, %dma_wait3A_83] : memref<10240x128xf32, #tpu.memory_space<vmem_shared>> -> memref<64x128xf32, #tpu.memory_space<vmem_shared>>
    %dma_wait3A_85 = arith.constant 0 : i32
    %dma_wait3A_86 = tpu.memref_slice %arg12[%mul3A_2, %dma_wait3A_85] : memref<10240x128xf32, #tpu.memory_space<vmem_shared>> -> memref<64x128xf32, #tpu.memory_space<vmem_shared>>
    tpu.wait_dma2 semaphore(%arg13 : memref<!tpu.dma_semaphore, #tpu.memory_space<semaphore_mem>>) src(%arg9 : memref<64x128xf32, #tpu.memory_space<vmem>>) dst(%dma_wait3A_86 : memref<64x128xf32, #tpu.memory_space<vmem_shared>>)
    %dma_wait3A_87 = arith.constant 0 : i32
    %dma_wait3A_88 = tpu.memref_slice %arg12[%mul3A_2, %dma_wait3A_87] : memref<10240x128xf32, #tpu.memory_space<vmem_shared>> -> memref<64x128xf32, #tpu.memory_space<vmem_shared>>
    %dma_wait3A_89 = arith.constant 0 : i32
    %dma_wait3A_90 = tpu.memref_slice %arg12[%mul3A_2, %dma_wait3A_89] : memref<10240x128xf32, #tpu.memory_space<vmem_shared>> -> memref<64x128xf32, #tpu.memory_space<vmem_shared>>
    tpu.wait_dma2 semaphore(%arg13 : memref<!tpu.dma_semaphore, #tpu.memory_space<semaphore_mem>>) src(%arg9 : memref<64x128xf32, #tpu.memory_space<vmem>>) dst(%dma_wait3A_90 : memref<64x128xf32, #tpu.memory_space<vmem_shared>>)
    %dma_wait3A_91 = arith.constant 0 : i32
    %dma_wait3A_92 = tpu.memref_slice %arg12[%mul3A_2, %dma_wait3A_91] : memref<10240x128xf32, #tpu.memory_space<vmem_shared>> -> memref<64x128xf32, #tpu.memory_space<vmem_shared>>
    %dma_wait3A_93 = arith.constant 0 : i32
    %dma_wait3A_94 = tpu.memref_slice %arg12[%mul3A_2, %dma_wait3A_93] : memref<10240x128xf32, #tpu.memory_space<vmem_shared>> -> memref<64x128xf32, #tpu.memory_space<vmem_shared>>
    tpu.wait_dma2 semaphore(%arg13 : memref<!tpu.dma_semaphore, #tpu.memory_space<semaphore_mem>>) src(%arg9 : memref<64x128xf32, #tpu.memory_space<vmem>>) dst(%dma_wait3A_94 : memref<64x128xf32, #tpu.memory_space<vmem_shared>>)
    %dma_wait3A_95 = arith.constant 0 : i32
    %dma_wait3A_96 = tpu.memref_slice %arg12[%mul3A_2, %dma_wait3A_95] : memref<10240x128xf32, #tpu.memory_space<vmem_shared>> -> memref<64x128xf32, #tpu.memory_space<vmem_shared>>
    %dma_wait3A_97 = arith.constant 0 : i32
    %dma_wait3A_98 = tpu.memref_slice %arg12[%mul3A_2, %dma_wait3A_97] : memref<10240x128xf32, #tpu.memory_space<vmem_shared>> -> memref<64x128xf32, #tpu.memory_space<vmem_shared>>
    tpu.wait_dma2 semaphore(%arg13 : memref<!tpu.dma_semaphore, #tpu.memory_space<semaphore_mem>>) src(%arg9 : memref<64x128xf32, #tpu.memory_space<vmem>>) dst(%dma_wait3A_98 : memref<64x128xf32, #tpu.memory_space<vmem_shared>>)
    %dma_wait3A_99 = arith.constant 0 : i32
    %dma_wait3A_100 = tpu.memref_slice %arg12[%mul3A_2, %dma_wait3A_99] : memref<10240x128xf32, #tpu.memory_space<vmem_shared>> -> memref<64x128xf32, #tpu.memory_space<vmem_shared>>
    %dma_wait3A_101 = arith.constant 0 : i32
    %dma_wait3A_102 = tpu.memref_slice %arg12[%mul3A_2, %dma_wait3A_101] : memref<10240x128xf32, #tpu.memory_space<vmem_shared>> -> memref<64x128xf32, #tpu.memory_space<vmem_shared>>
    tpu.wait_dma2 semaphore(%arg13 : memref<!tpu.dma_semaphore, #tpu.memory_space<semaphore_mem>>) src(%arg9 : memref<64x128xf32, #tpu.memory_space<vmem>>) dst(%dma_wait3A_102 : memref<64x128xf32, #tpu.memory_space<vmem_shared>>)
    %dma_wait3A_103 = arith.constant 0 : i32
    %dma_wait3A_104 = tpu.memref_slice %arg12[%mul3A_2, %dma_wait3A_103] : memref<10240x128xf32, #tpu.memory_space<vmem_shared>> -> memref<64x128xf32, #tpu.memory_space<vmem_shared>>
    %dma_wait3A_105 = arith.constant 0 : i32
    %dma_wait3A_106 = tpu.memref_slice %arg12[%mul3A_2, %dma_wait3A_105] : memref<10240x128xf32, #tpu.memory_space<vmem_shared>> -> memref<64x128xf32, #tpu.memory_space<vmem_shared>>
    tpu.wait_dma2 semaphore(%arg13 : memref<!tpu.dma_semaphore, #tpu.memory_space<semaphore_mem>>) src(%arg9 : memref<64x128xf32, #tpu.memory_space<vmem>>) dst(%dma_wait3A_106 : memref<64x128xf32, #tpu.memory_space<vmem_shared>>)
    %barrier3A = arith.constant 0 : index
    tpu.barrier barrier_id(%barrier3A)
    %broadcast_in_dim3A_107 = arith.constant 1.000000e+00 : f32
    %broadcast_in_dim3A_108 = vector.broadcast %broadcast_in_dim3A_107 : f32 to vector<16xf32>
    %scan3A_109 = arith.constant 0 : i32
    %scan3A_110 = arith.constant 0 : i32
    %scan3A_111 = arith.constant 64 : i32
    %scan3A_112 = arith.addi %scan3A_110, %scan3A_111 : i32
    %scan3A_113 = arith.constant 1 : i32
    scf.for %scan3A_732 = %scan3A_110 to %scan3A_112 step %scan3A_113  : i32 {
      %swap3A = arith.index_cast %scan3A_732 : i32 to index
      %swap3A_733 = arith.constant 0 : index
      %swap3A_734 = tpu.vector_load %arg9[%swap3A, %swap3A_733] {strides = array<i32>} : memref<64x128xf32, #tpu.memory_space<vmem>>, vector<1x16xf32>,
      %swap3A_735 = vector.shape_cast %swap3A_734 : vector<1x16xf32> to vector<16xf32>
      %swap3A_736 = vector.shape_cast %broadcast_in_dim3A_108 : vector<16xf32> to vector<1x16xf32>
      tpu.vector_store %arg9[%swap3A, %swap3A_733], %swap3A_736 {strides = array<i32>} : memref<64x128xf32, #tpu.memory_space<vmem>>, vector<1x16xf32>,
      %swap3A_737 = arith.index_cast %scan3A_732 : i32 to index
      %swap3A_738 = arith.constant 16 : index
      %swap3A_739 = tpu.vector_load %arg9[%swap3A_737, %swap3A_738] {strides = array<i32>} : memref<64x128xf32, #tpu.memory_space<vmem>>, vector<1x16xf32>,
      %swap3A_740 = vector.shape_cast %swap3A_739 : vector<1x16xf32> to vector<16xf32>
      %swap3A_741 = vector.shape_cast %broadcast_in_dim3A_108 : vector<16xf32> to vector<1x16xf32>
      tpu.vector_store %arg9[%swap3A_737, %swap3A_738], %swap3A_741 {strides = array<i32>} : memref<64x128xf32, #tpu.memory_space<vmem>>, vector<1x16xf32>,
      %swap3A_742 = arith.index_cast %scan3A_732 : i32 to index
      %swap3A_743 = arith.constant 32 : index
      %swap3A_744 = tpu.vector_load %arg9[%swap3A_742, %swap3A_743] {strides = array<i32>} : memref<64x128xf32, #tpu.memory_space<vmem>>, vector<1x16xf32>,
      %swap3A_745 = vector.shape_cast %swap3A_744 : vector<1x16xf32> to vector<16xf32>
      %swap3A_746 = vector.shape_cast %broadcast_in_dim3A_108 : vector<16xf32> to vector<1x16xf32>
      tpu.vector_store %arg9[%swap3A_742, %swap3A_743], %swap3A_746 {strides = array<i32>} : memref<64x128xf32, #tpu.memory_space<vmem>>, vector<1x16xf32>,
      %swap3A_747 = arith.index_cast %scan3A_732 : i32 to index
      %swap3A_748 = arith.constant 48 : index
      %swap3A_749 = tpu.vector_load %arg9[%swap3A_747, %swap3A_748] {strides = array<i32>} : memref<64x128xf32, #tpu.memory_space<vmem>>, vector<1x16xf32>,
      %swap3A_750 = vector.shape_cast %swap3A_749 : vector<1x16xf32> to vector<16xf32>
      %swap3A_751 = vector.shape_cast %broadcast_in_dim3A_108 : vector<16xf32> to vector<1x16xf32>
      tpu.vector_store %arg9[%swap3A_747, %swap3A_748], %swap3A_751 {strides = array<i32>} : memref<64x128xf32, #tpu.memory_space<vmem>>, vector<1x16xf32>,
      %swap3A_752 = arith.index_cast %scan3A_732 : i32 to index
      %swap3A_753 = arith.constant 64 : index
      %swap3A_754 = tpu.vector_load %arg9[%swap3A_752, %swap3A_753] {strides = array<i32>} : memref<64x128xf32, #tpu.memory_space<vmem>>, vector<1x16xf32>,
      %swap3A_755 = vector.shape_cast %swap3A_754 : vector<1x16xf32> to vector<16xf32>
      %swap3A_756 = vector.shape_cast %broadcast_in_dim3A_108 : vector<16xf32> to vector<1x16xf32>
      tpu.vector_store %arg9[%swap3A_752, %swap3A_753], %swap3A_756 {strides = array<i32>} : memref<64x128xf32, #tpu.memory_space<vmem>>, vector<1x16xf32>,
      %swap3A_757 = arith.index_cast %scan3A_732 : i32 to index
      %swap3A_758 = arith.constant 80 : index
      %swap3A_759 = tpu.vector_load %arg9[%swap3A_757, %swap3A_758] {strides = array<i32>} : memref<64x128xf32, #tpu.memory_space<vmem>>, vector<1x16xf32>,
      %swap3A_760 = vector.shape_cast %swap3A_759 : vector<1x16xf32> to vector<16xf32>
      %swap3A_761 = vector.shape_cast %broadcast_in_dim3A_108 : vector<16xf32> to vector<1x16xf32>
      tpu.vector_store %arg9[%swap3A_757, %swap3A_758], %swap3A_761 {strides = array<i32>} : memref<64x128xf32, #tpu.memory_space<vmem>>, vector<1x16xf32>,
      %swap3A_762 = arith.index_cast %scan3A_732 : i32 to index
      %swap3A_763 = arith.constant 96 : index
      %swap3A_764 = tpu.vector_load %arg9[%swap3A_762, %swap3A_763] {strides = array<i32>} : memref<64x128xf32, #tpu.memory_space<vmem>>, vector<1x16xf32>,
      %swap3A_765 = vector.shape_cast %swap3A_764 : vector<1x16xf32> to vector<16xf32>
      %swap3A_766 = vector.shape_cast %broadcast_in_dim3A_108 : vector<16xf32> to vector<1x16xf32>
      tpu.vector_store %arg9[%swap3A_762, %swap3A_763], %swap3A_766 {strides = array<i32>} : memref<64x128xf32, #tpu.memory_space<vmem>>, vector<1x16xf32>,
      %swap3A_767 = arith.index_cast %scan3A_732 : i32 to index
      %swap3A_768 = arith.constant 112 : index
      %swap3A_769 = tpu.vector_load %arg9[%swap3A_767, %swap3A_768] {strides = array<i32>} : memref<64x128xf32, #tpu.memory_space<vmem>>, vector<1x16xf32>,
      %swap3A_770 = vector.shape_cast %swap3A_769 : vector<1x16xf32> to vector<16xf32>
      %swap3A_771 = vector.shape_cast %broadcast_in_dim3A_108 : vector<16xf32> to vector<1x16xf32>
      tpu.vector_store %arg9[%swap3A_767, %swap3A_768], %swap3A_771 {strides = array<i32>} : memref<64x128xf32, #tpu.memory_space<vmem>>, vector<1x16xf32>,
    }
    %scan3A_114 = arith.constant 64 : i32
    "tpu.region"() ({
      %run_scoped3A_732 = tpu.sem_alloc : memref<!tpu.dma_semaphore, #tpu.memory_space<semaphore_mem>>
      %dma_start3A_733 = arith.constant 0 : i32
      %dma_start3A_734 = arith.constant 0 : i32
      %dma_start3A_735 = tpu.memref_slice %arg4[%add3A, %dma_start3A_733, %dma_start3A_734] : memref<32x160x64xi32, #tpu.memory_space<hbm>> -> memref<1x80x64xi32, #tpu.memory_space<hbm>>
      %dma_start3A_736 = tpu.memref_squeeze %dma_start3A_735 : memref<1x80x64xi32, #tpu.memory_space<hbm>> -> memref<80x64xi32, #tpu.memory_space<hbm>>
      %dma_start3A_737 = arith.constant 0 : i32
      %dma_start3A_738 = arith.constant 0 : i32
      %dma_start3A_739 = tpu.memref_slice %arg4[%add3A, %dma_start3A_737, %dma_start3A_738] : memref<32x160x64xi32, #tpu.memory_space<hbm>> -> memref<1x80x64xi32, #tpu.memory_space<hbm>>
      %dma_start3A_740 = tpu.memref_squeeze %dma_start3A_739 : memref<1x80x64xi32, #tpu.memory_space<hbm>> -> memref<80x64xi32, #tpu.memory_space<hbm>>
      tpu.enqueue_dma source(%dma_start3A_740 : memref<80x64xi32, #tpu.memory_space<hbm>>) target(%arg8 : memref<80x64xi32, #tpu.memory_space<vmem>>) target_semaphore(%run_scoped3A_732 : memref<!tpu.dma_semaphore, #tpu.memory_space<semaphore_mem>>)
      %dma_wait3A_741 = arith.constant 0 : i32
      %dma_wait3A_742 = arith.constant 0 : i32
      %dma_wait3A_743 = tpu.memref_slice %arg4[%add3A, %dma_wait3A_741, %dma_wait3A_742] : memref<32x160x64xi32, #tpu.memory_space<hbm>> -> memref<1x80x64xi32, #tpu.memory_space<hbm>>
      %dma_wait3A_744 = tpu.memref_squeeze %dma_wait3A_743 : memref<1x80x64xi32, #tpu.memory_space<hbm>> -> memref<80x64xi32, #tpu.memory_space<hbm>>
      %dma_wait3A_745 = arith.constant 0 : i32
      %dma_wait3A_746 = arith.constant 0 : i32
      %dma_wait3A_747 = tpu.memref_slice %arg4[%add3A, %dma_wait3A_745, %dma_wait3A_746] : memref<32x160x64xi32, #tpu.memory_space<hbm>> -> memref<1x80x64xi32, #tpu.memory_space<hbm>>
      %dma_wait3A_748 = tpu.memref_squeeze %dma_wait3A_747 : memref<1x80x64xi32, #tpu.memory_space<hbm>> -> memref<80x64xi32, #tpu.memory_space<hbm>>
      tpu.wait_dma2 semaphore(%run_scoped3A_732 : memref<!tpu.dma_semaphore, #tpu.memory_space<semaphore_mem>>) src(%dma_wait3A_748 : memref<80x64xi32, #tpu.memory_space<hbm>>) dst(%arg8 : memref<80x64xi32, #tpu.memory_space<vmem>>)
      tpu.yield
    }) : () -> ()
    %scan3A_115 = arith.constant 0 : i32
    %scan3A_116 = arith.constant 0 : i32
    %scan3A_117 = arith.constant 80 : i32
    %scan3A_118 = arith.addi %scan3A_116, %scan3A_117 : i32
    %scan3A_119 = arith.constant 1 : i32
    scf.for %scan3A_732 = %scan3A_116 to %scan3A_118 step %scan3A_119  : i32 {
      %dma_start3A_733 = arith.constant 0 : i32
      %dma_start3A_734 = tpu.memref_slice %arg8[%scan3A_732, %dma_start3A_733] : memref<80x64xi32, #tpu.memory_space<vmem>> -> memref<1x64xi32, #tpu.memory_space<vmem>>
      %dma_start3A_735 = tpu.memref_squeeze %dma_start3A_734 : memref<1x64xi32, #tpu.memory_space<vmem>> -> memref<64xi32, #tpu.memory_space<vmem>>
      %dma_start3A_736 = arith.constant 0 : i32
      %dma_start3A_737 = arith.constant 0 : i32
      %dma_start3A_738 = tpu.memref_slice %arg12[%dma_start3A_736, %dma_start3A_737] : memref<10240x128xf32, #tpu.memory_space<vmem_shared>> -> memref<10240x128xf32, #tpu.memory_space<vmem_shared>>
      tpu.enqueue_indirect_dma source(%arg9 : memref<64x128xf32, #tpu.memory_space<vmem>>) target(%dma_start3A_738 : memref<10240x128xf32, #tpu.memory_space<vmem_shared>>) offsets(%dma_start3A_735 : memref<64xi32, #tpu.memory_space<vmem>>) semaphore(%arg13 : memref<!tpu.dma_semaphore, #tpu.memory_space<semaphore_mem>>) {add = true}
    }
    %scan3A_120 = arith.constant 80 : i32
    %scan3A_121 = arith.constant 0 : i32
    %scan3A_122 = arith.constant 0 : i32
    %scan3A_123 = arith.constant 80 : i32
    %scan3A_124 = arith.addi %scan3A_122, %scan3A_123 : i32
    %scan3A_125 = arith.constant 1 : i32
    scf.for %scan3A_732 = %scan3A_122 to %scan3A_124 step %scan3A_125  : i32 {
      %dma_wait3A_733 = arith.constant 0 : i32
      %dma_wait3A_734 = arith.constant 0 : i32
      %dma_wait3A_735 = tpu.memref_slice %arg8[%dma_wait3A_733, %dma_wait3A_734] : memref<80x64xi32, #tpu.memory_space<vmem>> -> memref<1x64xi32, #tpu.memory_space<vmem>>
      %dma_wait3A_736 = tpu.memref_squeeze %dma_wait3A_735 : memref<1x64xi32, #tpu.memory_space<vmem>> -> memref<64xi32, #tpu.memory_space<vmem>>
      %dma_wait3A_737 = arith.constant 0 : i32
      %dma_wait3A_738 = arith.constant 0 : i32
      %dma_wait3A_739 = tpu.memref_slice %arg12[%dma_wait3A_737, %dma_wait3A_738] : memref<10240x128xf32, #tpu.memory_space<vmem_shared>> -> memref<10240x128xf32, #tpu.memory_space<vmem_shared>>
      tpu.wait_indirect_dma semaphore(%arg13 : memref<!tpu.dma_semaphore, #tpu.memory_space<semaphore_mem>>) src(%arg9 : memref<64x128xf32, #tpu.memory_space<vmem>>) dst(%dma_wait3A_739 : memref<10240x128xf32, #tpu.memory_space<vmem_shared>>)
    }
    %scan3A_126 = arith.constant 80 : i32
    "tpu.region"() ({
      %run_scoped3A_732 = tpu.sem_alloc : memref<!tpu.dma_semaphore, #tpu.memory_space<semaphore_mem>>
      %dma_start3A_733 = arith.constant 80 : i32
      %dma_start3A_734 = arith.constant 0 : i32
      %dma_start3A_735 = tpu.memref_slice %arg4[%add3A, %dma_start3A_733, %dma_start3A_734] : memref<32x160x64xi32, #tpu.memory_space<hbm>> -> memref<1x80x64xi32, #tpu.memory_space<hbm>>
      %dma_start3A_736 = tpu.memref_squeeze %dma_start3A_735 : memref<1x80x64xi32, #tpu.memory_space<hbm>> -> memref<80x64xi32, #tpu.memory_space<hbm>>
      %dma_start3A_737 = arith.constant 80 : i32
      %dma_start3A_738 = arith.constant 0 : i32
      %dma_start3A_739 = tpu.memref_slice %arg4[%add3A, %dma_start3A_737, %dma_start3A_738] : memref<32x160x64xi32, #tpu.memory_space<hbm>> -> memref<1x80x64xi32, #tpu.memory_space<hbm>>
      %dma_start3A_740 = tpu.memref_squeeze %dma_start3A_739 : memref<1x80x64xi32, #tpu.memory_space<hbm>> -> memref<80x64xi32, #tpu.memory_space<hbm>>
      tpu.enqueue_dma source(%dma_start3A_740 : memref<80x64xi32, #tpu.memory_space<hbm>>) target(%arg8 : memref<80x64xi32, #tpu.memory_space<vmem>>) target_semaphore(%run_scoped3A_732 : memref<!tpu.dma_semaphore, #tpu.memory_space<semaphore_mem>>)
      %dma_wait3A_741 = arith.constant 80 : i32
      %dma_wait3A_742 = arith.constant 0 : i32
      %dma_wait3A_743 = tpu.memref_slice %arg4[%add3A, %dma_wait3A_741, %dma_wait3A_742] : memref<32x160x64xi32, #tpu.memory_space<hbm>> -> memref<1x80x64xi32, #tpu.memory_space<hbm>>
      %dma_wait3A_744 = tpu.memref_squeeze %dma_wait3A_743 : memref<1x80x64xi32, #tpu.memory_space<hbm>> -> memref<80x64xi32, #tpu.memory_space<hbm>>
      %dma_wait3A_745 = arith.constant 80 : i32
      %dma_wait3A_746 = arith.constant 0 : i32
      %dma_wait3A_747 = tpu.memref_slice %arg4[%add3A, %dma_wait3A_745, %dma_wait3A_746] : memref<32x160x64xi32, #tpu.memory_space<hbm>> -> memref<1x80x64xi32, #tpu.memory_space<hbm>>
      %dma_wait3A_748 = tpu.memref_squeeze %dma_wait3A_747 : memref<1x80x64xi32, #tpu.memory_space<hbm>> -> memref<80x64xi32, #tpu.memory_space<hbm>>
      tpu.wait_dma2 semaphore(%run_scoped3A_732 : memref<!tpu.dma_semaphore, #tpu.memory_space<semaphore_mem>>) src(%dma_wait3A_748 : memref<80x64xi32, #tpu.memory_space<hbm>>) dst(%arg8 : memref<80x64xi32, #tpu.memory_space<vmem>>)
      tpu.yield
    }) : () -> ()
    %scan3A_127 = arith.constant 0 : i32
    %scan3A_128 = arith.constant 0 : i32
    %scan3A_129 = arith.constant 80 : i32
    %scan3A_130 = arith.addi %scan3A_128, %scan3A_129 : i32
    %scan3A_131 = arith.constant 1 : i32
    scf.for %scan3A_732 = %scan3A_128 to %scan3A_130 step %scan3A_131  : i32 {
      %dma_start3A_733 = arith.constant 0 : i32
      %dma_start3A_734 = tpu.memref_slice %arg8[%scan3A_732, %dma_start3A_733] : memref<80x64xi32, #tpu.memory_space<vmem>> -> memref<1x64xi32, #tpu.memory_space<vmem>>
      %dma_start3A_735 = tpu.memref_squeeze %dma_start3A_734 : memref<1x64xi32, #tpu.memory_space<vmem>> -> memref<64xi32, #tpu.memory_space<vmem>>
      %dma_start3A_736 = arith.constant 0 : i32
      %dma_start3A_737 = arith.constant 0 : i32
      %dma_start3A_738 = tpu.memref_slice %arg12[%dma_start3A_736, %dma_start3A_737] : memref<10240x128xf32, #tpu.memory_space<vmem_shared>> -> memref<10240x128xf32, #tpu.memory_space<vmem_shared>>
      tpu.enqueue_indirect_dma source(%arg9 : memref<64x128xf32, #tpu.memory_space<vmem>>) target(%dma_start3A_738 : memref<10240x128xf32, #tpu.memory_space<vmem_shared>>) offsets(%dma_start3A_735 : memref<64xi32, #tpu.memory_space<vmem>>) semaphore(%arg13 : memref<!tpu.dma_semaphore, #tpu.memory_space<semaphore_mem>>) {add = true}
    }
    %scan3A_132 = arith.constant 80 : i32
    %scan3A_133 = arith.constant 0 : i32
    %scan3A_134 = arith.constant 0 : i32
    %scan3A_135 = arith.constant 80 : i32
    %scan3A_136 = arith.addi %scan3A_134, %scan3A_135 : i32
    %scan3A_137 = arith.constant 1 : i32
    scf.for %scan3A_732 = %scan3A_134 to %scan3A_136 step %scan3A_137  : i32 {
      %dma_wait3A_733 = arith.constant 0 : i32
      %dma_wait3A_734 = arith.constant 0 : i32
      %dma_wait3A_735 = tpu.memref_slice %arg8[%dma_wait3A_733, %dma_wait3A_734] : memref<80x64xi32, #tpu.memory_space<vmem>> -> memref<1x64xi32, #tpu.memory_space<vmem>>
      %dma_wait3A_736 = tpu.memref_squeeze %dma_wait3A_735 : memref<1x64xi32, #tpu.memory_space<vmem>> -> memref<64xi32, #tpu.memory_space<vmem>>
      %dma_wait3A_737 = arith.constant 0 : i32
      %dma_wait3A_738 = arith.constant 0 : i32
      %dma_wait3A_739 = tpu.memref_slice %arg12[%dma_wait3A_737, %dma_wait3A_738] : memref<10240x128xf32, #tpu.memory_space<vmem_shared>> -> memref<10240x128xf32, #tpu.memory_space<vmem_shared>>
      tpu.wait_indirect_dma semaphore(%arg13 : memref<!tpu.dma_semaphore, #tpu.memory_space<semaphore_mem>>) src(%arg9 : memref<64x128xf32, #tpu.memory_space<vmem>>) dst(%dma_wait3A_739 : memref<10240x128xf32, #tpu.memory_space<vmem_shared>>)
    }
    %scan3A_138 = arith.constant 80 : i32
    %barrier3A_139 = arith.constant 0 : index
    tpu.barrier barrier_id(%barrier3A_139)
    %add3A_140 = arith.constant 0 : i32
    %add3A_141 = arith.addi %mul3A_2, %add3A_140 : i32
    "tpu.region"() ({
      %run_scoped3A_732 = tpu.sem_alloc : memref<!tpu.dma_semaphore, #tpu.memory_space<semaphore_mem>>
      %dma_start3A_733 = arith.constant 0 : i32
      %dma_start3A_734 = tpu.memref_slice %arg12[%add3A_141, %dma_start3A_733] : memref<10240x128xf32, #tpu.memory_space<vmem_shared>> -> memref<64x128xf32, #tpu.memory_space<vmem_shared>>
      %dma_start3A_735 = arith.constant 0 : i32
      %dma_start3A_736 = tpu.memref_slice %arg12[%add3A_141, %dma_start3A_735] : memref<10240x128xf32, #tpu.memory_space<vmem_shared>> -> memref<64x128xf32, #tpu.memory_space<vmem_shared>>
      tpu.enqueue_dma source(%dma_start3A_736 : memref<64x128xf32, #tpu.memory_space<vmem_shared>>) target(%arg9 : memref<64x128xf32, #tpu.memory_space<vmem>>) target_semaphore(%run_scoped3A_732 : memref<!tpu.dma_semaphore, #tpu.memory_space<semaphore_mem>>)
      %dma_wait3A_737 = arith.constant 0 : i32
      %dma_wait3A_738 = tpu.memref_slice %arg12[%add3A_141, %dma_wait3A_737] : memref<10240x128xf32, #tpu.memory_space<vmem_shared>> -> memref<64x128xf32, #tpu.memory_space<vmem_shared>>
      %dma_wait3A_739 = arith.constant 0 : i32
      %dma_wait3A_740 = tpu.memref_slice %arg12[%add3A_141, %dma_wait3A_739] : memref<10240x128xf32, #tpu.memory_space<vmem_shared>> -> memref<64x128xf32, #tpu.memory_space<vmem_shared>>
      tpu.wait_dma2 semaphore(%run_scoped3A_732 : memref<!tpu.dma_semaphore, #tpu.memory_space<semaphore_mem>>) src(%dma_wait3A_740 : memref<64x128xf32, #tpu.memory_space<vmem_shared>>) dst(%arg9 : memref<64x128xf32, #tpu.memory_space<vmem>>)
      tpu.yield
    }) : () -> ()
    %dma_start3A_142 = arith.constant 0 : i32
    %dma_start3A_143 = tpu.memref_slice %arg6[%arg0, %add3A_141, %dma_start3A_142] : memref<2x10240x128xf32, #tpu.memory_space<hbm>> -> memref<1x64x128xf32, #tpu.memory_space<hbm>>
    %dma_start3A_144 = tpu.memref_squeeze %dma_start3A_143 : memref<1x64x128xf32, #tpu.memory_space<hbm>> -> memref<64x128xf32, #tpu.memory_space<hbm>>
    %dma_start3A_145 = arith.constant 0 : i32
    %dma_start3A_146 = tpu.memref_slice %arg6[%arg0, %add3A_141, %dma_start3A_145] : memref<2x10240x128xf32, #tpu.memory_space<hbm>> -> memref<1x64x128xf32, #tpu.memory_space<hbm>>
    %dma_start3A_147 = tpu.memref_squeeze %dma_start3A_146 : memref<1x64x128xf32, #tpu.memory_space<hbm>> -> memref<64x128xf32, #tpu.memory_space<hbm>>
    tpu.enqueue_dma source(%arg9 : memref<64x128xf32, #tpu.memory_space<vmem>>) target(%dma_start3A_147 : memref<64x128xf32, #tpu.memory_space<hbm>>) target_semaphore(%arg13 : memref<!tpu.dma_semaphore, #tpu.memory_space<semaphore_mem>>)
    %add3A_148 = arith.constant 64 : i32
    %add3A_149 = arith.addi %mul3A_2, %add3A_148 : i32
    "tpu.region"() ({
      %run_scoped3A_732 = tpu.sem_alloc : memref<!tpu.dma_semaphore, #tpu.memory_space<semaphore_mem>>
      %dma_start3A_733 = arith.constant 0 : i32
      %dma_start3A_734 = tpu.memref_slice %arg12[%add3A_149, %dma_start3A_733] : memref<10240x128xf32, #tpu.memory_space<vmem_shared>> -> memref<64x128xf32, #tpu.memory_space<vmem_shared>>
      %dma_start3A_735 = arith.constant 0 : i32
      %dma_start3A_736 = tpu.memref_slice %arg12[%add3A_149, %dma_start3A_735] : memref<10240x128xf32, #tpu.memory_space<vmem_shared>> -> memref<64x128xf32, #tpu.memory_space<vmem_shared>>
      tpu.enqueue_dma source(%dma_start3A_736 : memref<64x128xf32, #tpu.memory_space<vmem_shared>>) target(%arg10 : memref<64x128xf32, #tpu.memory_space<vmem>>) target_semaphore(%run_scoped3A_732 : memref<!tpu.dma_semaphore, #tpu.memory_space<semaphore_mem>>)
      %dma_wait3A_737 = arith.constant 0 : i32
      %dma_wait3A_738 = tpu.memref_slice %arg12[%add3A_149, %dma_wait3A_737] : memref<10240x128xf32, #tpu.memory_space<vmem_shared>> -> memref<64x128xf32, #tpu.memory_space<vmem_shared>>
      %dma_wait3A_739 = arith.constant 0 : i32
      %dma_wait3A_740 = tpu.memref_slice %arg12[%add3A_149, %dma_wait3A_739] : memref<10240x128xf32, #tpu.memory_space<vmem_shared>> -> memref<64x128xf32, #tpu.memory_space<vmem_shared>>
      tpu.wait_dma2 semaphore(%run_scoped3A_732 : memref<!tpu.dma_semaphore, #tpu.memory_space<semaphore_mem>>) src(%dma_wait3A_740 : memref<64x128xf32, #tpu.memory_space<vmem_shared>>) dst(%arg10 : memref<64x128xf32, #tpu.memory_space<vmem>>)
      tpu.yield
    }) : () -> ()
    %dma_start3A_150 = arith.constant 0 : i32
    %dma_start3A_151 = tpu.memref_slice %arg6[%arg0, %add3A_149, %dma_start3A_150] : memref<2x10240x128xf32, #tpu.memory_space<hbm>> -> memref<1x64x128xf32, #tpu.memory_space<hbm>>
    %dma_start3A_152 = tpu.memref_squeeze %dma_start3A_151 : memref<1x64x128xf32, #tpu.memory_space<hbm>> -> memref<64x128xf32, #tpu.memory_space<hbm>>
    %dma_start3A_153 = arith.constant 0 : i32
    %dma_start3A_154 = tpu.memref_slice %arg6[%arg0, %add3A_149, %dma_start3A_153] : memref<2x10240x128xf32, #tpu.memory_space<hbm>> -> memref<1x64x128xf32, #tpu.memory_space<hbm>>
    %dma_start3A_155 = tpu.memref_squeeze %dma_start3A_154 : memref<1x64x128xf32, #tpu.memory_space<hbm>> -> memref<64x128xf32, #tpu.memory_space<hbm>>
    tpu.enqueue_dma source(%arg10 : memref<64x128xf32, #tpu.memory_space<vmem>>) target(%dma_start3A_155 : memref<64x128xf32, #tpu.memory_space<hbm>>) target_semaphore(%arg14 : memref<!tpu.dma_semaphore, #tpu.memory_space<semaphore_mem>>)
    %add3A_156 = arith.constant 128 : i32
    %add3A_157 = arith.addi %mul3A_2, %add3A_156 : i32
    %dma_wait3A_158 = arith.constant 0 : i32
    %dma_wait3A_159 = arith.constant 0 : i32
    %dma_wait3A_160 = tpu.memref_slice %arg6[%arg0, %dma_wait3A_158, %dma_wait3A_159] : memref<2x10240x128xf32, #tpu.memory_space<hbm>> -> memref<1x64x128xf32, #tpu.memory_space<hbm>>
    %dma_wait3A_161 = tpu.memref_squeeze %dma_wait3A_160 : memref<1x64x128xf32, #tpu.memory_space<hbm>> -> memref<64x128xf32, #tpu.memory_space<hbm>>
    %dma_wait3A_162 = arith.constant 0 : i32
    %dma_wait3A_163 = arith.constant 0 : i32
    %dma_wait3A_164 = tpu.memref_slice %arg6[%arg0, %dma_wait3A_162, %dma_wait3A_163] : memref<2x10240x128xf32, #tpu.memory_space<hbm>> -> memref<1x64x128xf32, #tpu.memory_space<hbm>>
    %dma_wait3A_165 = tpu.memref_squeeze %dma_wait3A_164 : memref<1x64x128xf32, #tpu.memory_space<hbm>> -> memref<64x128xf32, #tpu.memory_space<hbm>>
    tpu.wait_dma2 semaphore(%arg13 : memref<!tpu.dma_semaphore, #tpu.memory_space<semaphore_mem>>) src(%arg9 : memref<64x128xf32, #tpu.memory_space<vmem>>) dst(%dma_wait3A_165 : memref<64x128xf32, #tpu.memory_space<hbm>>)
    "tpu.region"() ({
      %run_scoped3A_732 = tpu.sem_alloc : memref<!tpu.dma_semaphore, #tpu.memory_space<semaphore_mem>>
      %dma_start3A_733 = arith.constant 0 : i32
      %dma_start3A_734 = tpu.memref_slice %arg12[%add3A_157, %dma_start3A_733] : memref<10240x128xf32, #tpu.memory_space<vmem_shared>> -> memref<64x128xf32, #tpu.memory_space<vmem_shared>>
      %dma_start3A_735 = arith.constant 0 : i32
      %dma_start3A_736 = tpu.memref_slice %arg12[%add3A_157, %dma_start3A_735] : memref<10240x128xf32, #tpu.memory_space<vmem_shared>> -> memref<64x128xf32, #tpu.memory_space<vmem_shared>>
      tpu.enqueue_dma source(%dma_start3A_736 : memref<64x128xf32, #tpu.memory_space<vmem_shared>>) target(%arg9 : memref<64x128xf32, #tpu.memory_space<vmem>>) target_semaphore(%run_scoped3A_732 : memref<!tpu.dma_semaphore, #tpu.memory_space<semaphore_mem>>)
      %dma_wait3A_737 = arith.constant 0 : i32
      %dma_wait3A_738 = tpu.memref_slice %arg12[%add3A_157, %dma_wait3A_737] : memref<10240x128xf32, #tpu.memory_space<vmem_shared>> -> memref<64x128xf32, #tpu.memory_space<vmem_shared>>
      %dma_wait3A_739 = arith.constant 0 : i32
      %dma_wait3A_740 = tpu.memref_slice %arg12[%add3A_157, %dma_wait3A_739] : memref<10240x128xf32, #tpu.memory_space<vmem_shared>> -> memref<64x128xf32, #tpu.memory_space<vmem_shared>>
      tpu.wait_dma2 semaphore(%run_scoped3A_732 : memref<!tpu.dma_semaphore, #tpu.memory_space<semaphore_mem>>) src(%dma_wait3A_740 : memref<64x128xf32, #tpu.memory_space<vmem_shared>>) dst(%arg9 : memref<64x128xf32, #tpu.memory_space<vmem>>)
      tpu.yield
    }) : () -> ()
    %dma_start3A_166 = arith.constant 0 : i32
    %dma_start3A_167 = tpu.memref_slice %arg6[%arg0, %add3A_157, %dma_start3A_166] : memref<2x10240x128xf32, #tpu.memory_space<hbm>> -> memref<1x64x128xf32, #tpu.memory_space<hbm>>
    %dma_start3A_168 = tpu.memref_squeeze %dma_start3A_167 : memref<1x64x128xf32, #tpu.memory_space<hbm>> -> memref<64x128xf32, #tpu.memory_space<hbm>>
    %dma_start3A_169 = arith.constant 0 : i32
    %dma_start3A_170 = tpu.memref_slice %arg6[%arg0, %add3A_157, %dma_start3A_169] : memref<2x10240x128xf32, #tpu.memory_space<hbm>> -> memref<1x64x128xf32, #tpu.memory_space<hbm>>
    %dma_start3A_171 = tpu.memref_squeeze %dma_start3A_170 : memref<1x64x128xf32, #tpu.memory_space<hbm>> -> memref<64x128xf32, #tpu.memory_space<hbm>>
    tpu.enqueue_dma source(%arg9 : memref<64x128xf32, #tpu.memory_space<vmem>>) target(%dma_start3A_171 : memref<64x128xf32, #tpu.memory_space<hbm>>) target_semaphore(%arg13 : memref<!tpu.dma_semaphore, #tpu.memory_space<semaphore_mem>>)
    %add3A_172 = arith.constant 192 : i32
    %add3A_173 = arith.addi %mul3A_2, %add3A_172 : i32
    %dma_wait3A_174 = arith.constant 0 : i32
    %dma_wait3A_175 = arith.constant 0 : i32
    %dma_wait3A_176 = tpu.memref_slice %arg6[%arg0, %dma_wait3A_174, %dma_wait3A_175] : memref<2x10240x128xf32, #tpu.memory_space<hbm>> -> memref<1x64x128xf32, #tpu.memory_space<hbm>>
    %dma_wait3A_177 = tpu.memref_squeeze %dma_wait3A_176 : memref<1x64x128xf32, #tpu.memory_space<hbm>> -> memref<64x128xf32, #tpu.memory_space<hbm>>
    %dma_wait3A_178 = arith.constant 0 : i32
    %dma_wait3A_179 = arith.constant 0 : i32
    %dma_wait3A_180 = tpu.memref_slice %arg6[%arg0, %dma_wait3A_178, %dma_wait3A_179] : memref<2x10240x128xf32, #tpu.memory_space<hbm>> -> memref<1x64x128xf32, #tpu.memory_space<hbm>>
    %dma_wait3A_181 = tpu.memref_squeeze %dma_wait3A_180 : memref<1x64x128xf32, #tpu.memory_space<hbm>> -> memref<64x128xf32, #tpu.memory_space<hbm>>
    tpu.wait_dma2 semaphore(%arg14 : memref<!tpu.dma_semaphore, #tpu.memory_space<semaphore_mem>>) src(%arg10 : memref<64x128xf32, #tpu.memory_space<vmem>>) dst(%dma_wait3A_181 : memref<64x128xf32, #tpu.memory_space<hbm>>)
    "tpu.region"() ({
      %run_scoped3A_732 = tpu.sem_alloc : memref<!tpu.dma_semaphore, #tpu.memory_space<semaphore_mem>>
      %dma_start3A_733 = arith.constant 0 : i32
      %dma_start3A_734 = tpu.memref_slice %arg12[%add3A_173, %dma_start3A_733] : memref<10240x128xf32, #tpu.memory_space<vmem_shared>> -> memref<64x128xf32, #tpu.memory_space<vmem_shared>>
      %dma_start3A_735 = arith.constant 0 : i32
      %dma_start3A_736 = tpu.memref_slice %arg12[%add3A_173, %dma_start3A_735] : memref<10240x128xf32, #tpu.memory_space<vmem_shared>> -> memref<64x128xf32, #tpu.memory_space<vmem_shared>>
      tpu.enqueue_dma source(%dma_start3A_736 : memref<64x128xf32, #tpu.memory_space<vmem_shared>>) target(%arg10 : memref<64x128xf32, #tpu.memory_space<vmem>>) target_semaphore(%run_scoped3A_732 : memref<!tpu.dma_semaphore, #tpu.memory_space<semaphore_mem>>)
      %dma_wait3A_737 = arith.constant 0 : i32
      %dma_wait3A_738 = tpu.memref_slice %arg12[%add3A_173, %dma_wait3A_737] : memref<10240x128xf32, #tpu.memory_space<vmem_shared>> -> memref<64x128xf32, #tpu.memory_space<vmem_shared>>
      %dma_wait3A_739 = arith.constant 0 : i32
      %dma_wait3A_740 = tpu.memref_slice %arg12[%add3A_173, %dma_wait3A_739] : memref<10240x128xf32, #tpu.memory_space<vmem_shared>> -> memref<64x128xf32, #tpu.memory_space<vmem_shared>>
      tpu.wait_dma2 semaphore(%run_scoped3A_732 : memref<!tpu.dma_semaphore, #tpu.memory_space<semaphore_mem>>) src(%dma_wait3A_740 : memref<64x128xf32, #tpu.memory_space<vmem_shared>>) dst(%arg10 : memref<64x128xf32, #tpu.memory_space<vmem>>)
      tpu.yield
    }) : () -> ()
    %dma_start3A_182 = arith.constant 0 : i32
    %dma_start3A_183 = tpu.memref_slice %arg6[%arg0, %add3A_173, %dma_start3A_182] : memref<2x10240x128xf32, #tpu.memory_space<hbm>> -> memref<1x64x128xf32, #tpu.memory_space<hbm>>
    %dma_start3A_184 = tpu.memref_squeeze %dma_start3A_183 : memref<1x64x128xf32, #tpu.memory_space<hbm>> -> memref<64x128xf32, #tpu.memory_space<hbm>>
    %dma_start3A_185 = arith.constant 0 : i32
    %dma_start3A_186 = tpu.memref_slice %arg6[%arg0, %add3A_173, %dma_start3A_185] : memref<2x10240x128xf32, #tpu.memory_space<hbm>> -> memref<1x64x128xf32, #tpu.memory_space<hbm>>
    %dma_start3A_187 = tpu.memref_squeeze %dma_start3A_186 : memref<1x64x128xf32, #tpu.memory_space<hbm>> -> memref<64x128xf32, #tpu.memory_space<hbm>>
    tpu.enqueue_dma source(%arg10 : memref<64x128xf32, #tpu.memory_space<vmem>>) target(%dma_start3A_187 : memref<64x128xf32, #tpu.memory_space<hbm>>) target_semaphore(%arg14 : memref<!tpu.dma_semaphore, #tpu.memory_space<semaphore_mem>>)
    %add3A_188 = arith.constant 256 : i32
    %add3A_189 = arith.addi %mul3A_2, %add3A_188 : i32
    %dma_wait3A_190 = arith.constant 0 : i32
    %dma_wait3A_191 = arith.constant 0 : i32
    %dma_wait3A_192 = tpu.memref_slice %arg6[%arg0, %dma_wait3A_190, %dma_wait3A_191] : memref<2x10240x128xf32, #tpu.memory_space<hbm>> -> memref<1x64x128xf32, #tpu.memory_space<hbm>>
    %dma_wait3A_193 = tpu.memref_squeeze %dma_wait3A_192 : memref<1x64x128xf32, #tpu.memory_space<hbm>> -> memref<64x128xf32, #tpu.memory_space<hbm>>
    %dma_wait3A_194 = arith.constant 0 : i32
    %dma_wait3A_195 = arith.constant 0 : i32
    %dma_wait3A_196 = tpu.memref_slice %arg6[%arg0, %dma_wait3A_194, %dma_wait3A_195] : memref<2x10240x128xf32, #tpu.memory_space<hbm>> -> memref<1x64x128xf32, #tpu.memory_space<hbm>>
    %dma_wait3A_197 = tpu.memref_squeeze %dma_wait3A_196 : memref<1x64x128xf32, #tpu.memory_space<hbm>> -> memref<64x128xf32, #tpu.memory_space<hbm>>
    tpu.wait_dma2 semaphore(%arg13 : memref<!tpu.dma_semaphore, #tpu.memory_space<semaphore_mem>>) src(%arg9 : memref<64x128xf32, #tpu.memory_space<vmem>>) dst(%dma_wait3A_197 : memref<64x128xf32, #tpu.memory_space<hbm>>)
    "tpu.region"() ({
      %run_scoped3A_732 = tpu.sem_alloc : memref<!tpu.dma_semaphore, #tpu.memory_space<semaphore_mem>>
      %dma_start3A_733 = arith.constant 0 : i32
      %dma_start3A_734 = tpu.memref_slice %arg12[%add3A_189, %dma_start3A_733] : memref<10240x128xf32, #tpu.memory_space<vmem_shared>> -> memref<64x128xf32, #tpu.memory_space<vmem_shared>>
      %dma_start3A_735 = arith.constant 0 : i32
      %dma_start3A_736 = tpu.memref_slice %arg12[%add3A_189, %dma_start3A_735] : memref<10240x128xf32, #tpu.memory_space<vmem_shared>> -> memref<64x128xf32, #tpu.memory_space<vmem_shared>>
      tpu.enqueue_dma source(%dma_start3A_736 : memref<64x128xf32, #tpu.memory_space<vmem_shared>>) target(%arg9 : memref<64x128xf32, #tpu.memory_space<vmem>>) target_semaphore(%run_scoped3A_732 : memref<!tpu.dma_semaphore, #tpu.memory_space<semaphore_mem>>)
      %dma_wait3A_737 = arith.constant 0 : i32
      %dma_wait3A_738 = tpu.memref_slice %arg12[%add3A_189, %dma_wait3A_737] : memref<10240x128xf32, #tpu.memory_space<vmem_shared>> -> memref<64x128xf32, #tpu.memory_space<vmem_shared>>
      %dma_wait3A_739 = arith.constant 0 : i32
      %dma_wait3A_740 = tpu.memref_slice %arg12[%add3A_189, %dma_wait3A_739] : memref<10240x128xf32, #tpu.memory_space<vmem_shared>> -> memref<64x128xf32, #tpu.memory_space<vmem_shared>>
      tpu.wait_dma2 semaphore(%run_scoped3A_732 : memref<!tpu.dma_semaphore, #tpu.memory_space<semaphore_mem>>) src(%dma_wait3A_740 : memref<64x128xf32, #tpu.memory_space<vmem_shared>>) dst(%arg9 : memref<64x128xf32, #tpu.memory_space<vmem>>)
      tpu.yield
    }) : () -> ()
    %dma_start3A_198 = arith.constant 0 : i32
    %dma_start3A_199 = tpu.memref_slice %arg6[%arg0, %add3A_189, %dma_start3A_198] : memref<2x10240x128xf32, #tpu.memory_space<hbm>> -> memref<1x64x128xf32, #tpu.memory_space<hbm>>
    %dma_start3A_200 = tpu.memref_squeeze %dma_start3A_199 : memref<1x64x128xf32, #tpu.memory_space<hbm>> -> memref<64x128xf32, #tpu.memory_space<hbm>>
    %dma_start3A_201 = arith.constant 0 : i32
    %dma_start3A_202 = tpu.memref_slice %arg6[%arg0, %add3A_189, %dma_start3A_201] : memref<2x10240x128xf32, #tpu.memory_space<hbm>> -> memref<1x64x128xf32, #tpu.memory_space<hbm>>
    %dma_start3A_203 = tpu.memref_squeeze %dma_start3A_202 : memref<1x64x128xf32, #tpu.memory_space<hbm>> -> memref<64x128xf32, #tpu.memory_space<hbm>>
    tpu.enqueue_dma source(%arg9 : memref<64x128xf32, #tpu.memory_space<vmem>>) target(%dma_start3A_203 : memref<64x128xf32, #tpu.memory_space<hbm>>) target_semaphore(%arg13 : memref<!tpu.dma_semaphore, #tpu.memory_space<semaphore_mem>>)
    %add3A_204 = arith.constant 320 : i32
    %add3A_205 = arith.addi %mul3A_2, %add3A_204 : i32
    %dma_wait3A_206 = arith.constant 0 : i32
    %dma_wait3A_207 = arith.constant 0 : i32
    %dma_wait3A_208 = tpu.memref_slice %arg6[%arg0, %dma_wait3A_206, %dma_wait3A_207] : memref<2x10240x128xf32, #tpu.memory_space<hbm>> -> memref<1x64x128xf32, #tpu.memory_space<hbm>>
    %dma_wait3A_209 = tpu.memref_squeeze %dma_wait3A_208 : memref<1x64x128xf32, #tpu.memory_space<hbm>> -> memref<64x128xf32, #tpu.memory_space<hbm>>
    %dma_wait3A_210 = arith.constant 0 : i32
    %dma_wait3A_211 = arith.constant 0 : i32
    %dma_wait3A_212 = tpu.memref_slice %arg6[%arg0, %dma_wait3A_210, %dma_wait3A_211] : memref<2x10240x128xf32, #tpu.memory_space<hbm>> -> memref<1x64x128xf32, #tpu.memory_space<hbm>>
    %dma_wait3A_213 = tpu.memref_squeeze %dma_wait3A_212 : memref<1x64x128xf32, #tpu.memory_space<hbm>> -> memref<64x128xf32, #tpu.memory_space<hbm>>
    tpu.wait_dma2 semaphore(%arg14 : memref<!tpu.dma_semaphore, #tpu.memory_space<semaphore_mem>>) src(%arg10 : memref<64x128xf32, #tpu.memory_space<vmem>>) dst(%dma_wait3A_213 : memref<64x128xf32, #tpu.memory_space<hbm>>)
    "tpu.region"() ({
      %run_scoped3A_732 = tpu.sem_alloc : memref<!tpu.dma_semaphore, #tpu.memory_space<semaphore_mem>>
      %dma_start3A_733 = arith.constant 0 : i32
      %dma_start3A_734 = tpu.memref_slice %arg12[%add3A_205, %dma_start3A_733] : memref<10240x128xf32, #tpu.memory_space<vmem_shared>> -> memref<64x128xf32, #tpu.memory_space<vmem_shared>>
      %dma_start3A_735 = arith.constant 0 : i32
      %dma_start3A_736 = tpu.memref_slice %arg12[%add3A_205, %dma_start3A_735] : memref<10240x128xf32, #tpu.memory_space<vmem_shared>> -> memref<64x128xf32, #tpu.memory_space<vmem_shared>>
      tpu.enqueue_dma source(%dma_start3A_736 : memref<64x128xf32, #tpu.memory_space<vmem_shared>>) target(%arg10 : memref<64x128xf32, #tpu.memory_space<vmem>>) target_semaphore(%run_scoped3A_732 : memref<!tpu.dma_semaphore, #tpu.memory_space<semaphore_mem>>)
      %dma_wait3A_737 = arith.constant 0 : i32
      %dma_wait3A_738 = tpu.memref_slice %arg12[%add3A_205, %dma_wait3A_737] : memref<10240x128xf32, #tpu.memory_space<vmem_shared>> -> memref<64x128xf32, #tpu.memory_space<vmem_shared>>
      %dma_wait3A_739 = arith.constant 0 : i32
      %dma_wait3A_740 = tpu.memref_slice %arg12[%add3A_205, %dma_wait3A_739] : memref<10240x128xf32, #tpu.memory_space<vmem_shared>> -> memref<64x128xf32, #tpu.memory_space<vmem_shared>>
      tpu.wait_dma2 semaphore(%run_scoped3A_732 : memref<!tpu.dma_semaphore, #tpu.memory_space<semaphore_mem>>) src(%dma_wait3A_740 : memref<64x128xf32, #tpu.memory_space<vmem_shared>>) dst(%arg10 : memref<64x128xf32, #tpu.memory_space<vmem>>)
      tpu.yield
    }) : () -> ()
    %dma_start3A_214 = arith.constant 0 : i32
    %dma_start3A_215 = tpu.memref_slice %arg6[%arg0, %add3A_205, %dma_start3A_214] : memref<2x10240x128xf32, #tpu.memory_space<hbm>> -> memref<1x64x128xf32, #tpu.memory_space<hbm>>
    %dma_start3A_216 = tpu.memref_squeeze %dma_start3A_215 : memref<1x64x128xf32, #tpu.memory_space<hbm>> -> memref<64x128xf32, #tpu.memory_space<hbm>>
    %dma_start3A_217 = arith.constant 0 : i32
    %dma_start3A_218 = tpu.memref_slice %arg6[%arg0, %add3A_205, %dma_start3A_217] : memref<2x10240x128xf32, #tpu.memory_space<hbm>> -> memref<1x64x128xf32, #tpu.memory_space<hbm>>
    %dma_start3A_219 = tpu.memref_squeeze %dma_start3A_218 : memref<1x64x128xf32, #tpu.memory_space<hbm>> -> memref<64x128xf32, #tpu.memory_space<hbm>>
    tpu.enqueue_dma source(%arg10 : memref<64x128xf32, #tpu.memory_space<vmem>>) target(%dma_start3A_219 : memref<64x128xf32, #tpu.memory_space<hbm>>) target_semaphore(%arg14 : memref<!tpu.dma_semaphore, #tpu.memory_space<semaphore_mem>>)
    %add3A_220 = arith.constant 384 : i32
    %add3A_221 = arith.addi %mul3A_2, %add3A_220 : i32
    %dma_wait3A_222 = arith.constant 0 : i32
    %dma_wait3A_223 = arith.constant 0 : i32
    %dma_wait3A_224 = tpu.memref_slice %arg6[%arg0, %dma_wait3A_222, %dma_wait3A_223] : memref<2x10240x128xf32, #tpu.memory_space<hbm>> -> memref<1x64x128xf32, #tpu.memory_space<hbm>>
    %dma_wait3A_225 = tpu.memref_squeeze %dma_wait3A_224 : memref<1x64x128xf32, #tpu.memory_space<hbm>> -> memref<64x128xf32, #tpu.memory_space<hbm>>
    %dma_wait3A_226 = arith.constant 0 : i32
    %dma_wait3A_227 = arith.constant 0 : i32
    %dma_wait3A_228 = tpu.memref_slice %arg6[%arg0, %dma_wait3A_226, %dma_wait3A_227] : memref<2x10240x128xf32, #tpu.memory_space<hbm>> -> memref<1x64x128xf32, #tpu.memory_space<hbm>>
    %dma_wait3A_229 = tpu.memref_squeeze %dma_wait3A_228 : memref<1x64x128xf32, #tpu.memory_space<hbm>> -> memref<64x128xf32, #tpu.memory_space<hbm>>
    tpu.wait_dma2 semaphore(%arg13 : memref<!tpu.dma_semaphore, #tpu.memory_space<semaphore_mem>>) src(%arg9 : memref<64x128xf32, #tpu.memory_space<vmem>>) dst(%dma_wait3A_229 : memref<64x128xf32, #tpu.memory_space<hbm>>)
    "tpu.region"() ({
      %run_scoped3A_732 = tpu.sem_alloc : memref<!tpu.dma_semaphore, #tpu.memory_space<semaphore_mem>>
      %dma_start3A_733 = arith.constant 0 : i32
      %dma_start3A_734 = tpu.memref_slice %arg12[%add3A_221, %dma_start3A_733] : memref<10240x128xf32, #tpu.memory_space<vmem_shared>> -> memref<64x128xf32, #tpu.memory_space<vmem_shared>>
      %dma_start3A_735 = arith.constant 0 : i32
      %dma_start3A_736 = tpu.memref_slice %arg12[%add3A_221, %dma_start3A_735] : memref<10240x128xf32, #tpu.memory_space<vmem_shared>> -> memref<64x128xf32, #tpu.memory_space<vmem_shared>>
      tpu.enqueue_dma source(%dma_start3A_736 : memref<64x128xf32, #tpu.memory_space<vmem_shared>>) target(%arg9 : memref<64x128xf32, #tpu.memory_space<vmem>>) target_semaphore(%run_scoped3A_732 : memref<!tpu.dma_semaphore, #tpu.memory_space<semaphore_mem>>)
      %dma_wait3A_737 = arith.constant 0 : i32
      %dma_wait3A_738 = tpu.memref_slice %arg12[%add3A_221, %dma_wait3A_737] : memref<10240x128xf32, #tpu.memory_space<vmem_shared>> -> memref<64x128xf32, #tpu.memory_space<vmem_shared>>
      %dma_wait3A_739 = arith.constant 0 : i32
      %dma_wait3A_740 = tpu.memref_slice %arg12[%add3A_221, %dma_wait3A_739] : memref<10240x128xf32, #tpu.memory_space<vmem_shared>> -> memref<64x128xf32, #tpu.memory_space<vmem_shared>>
      tpu.wait_dma2 semaphore(%run_scoped3A_732 : memref<!tpu.dma_semaphore, #tpu.memory_space<semaphore_mem>>) src(%dma_wait3A_740 : memref<64x128xf32, #tpu.memory_space<vmem_shared>>) dst(%arg9 : memref<64x128xf32, #tpu.memory_space<vmem>>)
      tpu.yield
    }) : () -> ()
    %dma_start3A_230 = arith.constant 0 : i32
    %dma_start3A_231 = tpu.memref_slice %arg6[%arg0, %add3A_221, %dma_start3A_230] : memref<2x10240x128xf32, #tpu.memory_space<hbm>> -> memref<1x64x128xf32, #tpu.memory_space<hbm>>
    %dma_start3A_232 = tpu.memref_squeeze %dma_start3A_231 : memref<1x64x128xf32, #tpu.memory_space<hbm>> -> memref<64x128xf32, #tpu.memory_space<hbm>>
    %dma_start3A_233 = arith.constant 0 : i32
    %dma_start3A_234 = tpu.memref_slice %arg6[%arg0, %add3A_221, %dma_start3A_233] : memref<2x10240x128xf32, #tpu.memory_space<hbm>> -> memref<1x64x128xf32, #tpu.memory_space<hbm>>
    %dma_start3A_235 = tpu.memref_squeeze %dma_start3A_234 : memref<1x64x128xf32, #tpu.memory_space<hbm>> -> memref<64x128xf32, #tpu.memory_space<hbm>>
    tpu.enqueue_dma source(%arg9 : memref<64x128xf32, #tpu.memory_space<vmem>>) target(%dma_start3A_235 : memref<64x128xf32, #tpu.memory_space<hbm>>) target_semaphore(%arg13 : memref<!tpu.dma_semaphore, #tpu.memory_space<semaphore_mem>>)
    %add3A_236 = arith.constant 448 : i32
    %add3A_237 = arith.addi %mul3A_2, %add3A_236 : i32
    %dma_wait3A_238 = arith.constant 0 : i32
    %dma_wait3A_239 = arith.constant 0 : i32
    %dma_wait3A_240 = tpu.memref_slice %arg6[%arg0, %dma_wait3A_238, %dma_wait3A_239] : memref<2x10240x128xf32, #tpu.memory_space<hbm>> -> memref<1x64x128xf32, #tpu.memory_space<hbm>>
    %dma_wait3A_241 = tpu.memref_squeeze %dma_wait3A_240 : memref<1x64x128xf32, #tpu.memory_space<hbm>> -> memref<64x128xf32, #tpu.memory_space<hbm>>
    %dma_wait3A_242 = arith.constant 0 : i32
    %dma_wait3A_243 = arith.constant 0 : i32
    %dma_wait3A_244 = tpu.memref_slice %arg6[%arg0, %dma_wait3A_242, %dma_wait3A_243] : memref<2x10240x128xf32, #tpu.memory_space<hbm>> -> memref<1x64x128xf32, #tpu.memory_space<hbm>>
    %dma_wait3A_245 = tpu.memref_squeeze %dma_wait3A_244 : memref<1x64x128xf32, #tpu.memory_space<hbm>> -> memref<64x128xf32, #tpu.memory_space<hbm>>
    tpu.wait_dma2 semaphore(%arg14 : memref<!tpu.dma_semaphore, #tpu.memory_space<semaphore_mem>>) src(%arg10 : memref<64x128xf32, #tpu.memory_space<vmem>>) dst(%dma_wait3A_245 : memref<64x128xf32, #tpu.memory_space<hbm>>)
    "tpu.region"() ({
      %run_scoped3A_732 = tpu.sem_alloc : memref<!tpu.dma_semaphore, #tpu.memory_space<semaphore_mem>>
      %dma_start3A_733 = arith.constant 0 : i32
      %dma_start3A_734 = tpu.memref_slice %arg12[%add3A_237, %dma_start3A_733] : memref<10240x128xf32, #tpu.memory_space<vmem_shared>> -> memref<64x128xf32, #tpu.memory_space<vmem_shared>>
      %dma_start3A_735 = arith.constant 0 : i32
      %dma_start3A_736 = tpu.memref_slice %arg12[%add3A_237, %dma_start3A_735] : memref<10240x128xf32, #tpu.memory_space<vmem_shared>> -> memref<64x128xf32, #tpu.memory_space<vmem_shared>>
      tpu.enqueue_dma source(%dma_start3A_736 : memref<64x128xf32, #tpu.memory_space<vmem_shared>>) target(%arg10 : memref<64x128xf32, #tpu.memory_space<vmem>>) target_semaphore(%run_scoped3A_732 : memref<!tpu.dma_semaphore, #tpu.memory_space<semaphore_mem>>)
      %dma_wait3A_737 = arith.constant 0 : i32
      %dma_wait3A_738 = tpu.memref_slice %arg12[%add3A_237, %dma_wait3A_737] : memref<10240x128xf32, #tpu.memory_space<vmem_shared>> -> memref<64x128xf32, #tpu.memory_space<vmem_shared>>
      %dma_wait3A_739 = arith.constant 0 : i32
      %dma_wait3A_740 = tpu.memref_slice %arg12[%add3A_237, %dma_wait3A_739] : memref<10240x128xf32, #tpu.memory_space<vmem_shared>> -> memref<64x128xf32, #tpu.memory_space<vmem_shared>>
      tpu.wait_dma2 semaphore(%run_scoped3A_732 : memref<!tpu.dma_semaphore, #tpu.memory_space<semaphore_mem>>) src(%dma_wait3A_740 : memref<64x128xf32, #tpu.memory_space<vmem_shared>>) dst(%arg10 : memref<64x128xf32, #tpu.memory_space<vmem>>)
      tpu.yield
    }) : () -> ()
    %dma_start3A_246 = arith.constant 0 : i32
    %dma_start3A_247 = tpu.memref_slice %arg6[%arg0, %add3A_237, %dma_start3A_246] : memref<2x10240x128xf32, #tpu.memory_space<hbm>> -> memref<1x64x128xf32, #tpu.memory_space<hbm>>
    %dma_start3A_248 = tpu.memref_squeeze %dma_start3A_247 : memref<1x64x128xf32, #tpu.memory_space<hbm>> -> memref<64x128xf32, #tpu.memory_space<hbm>>
    %dma_start3A_249 = arith.constant 0 : i32
    %dma_start3A_250 = tpu.memref_slice %arg6[%arg0, %add3A_237, %dma_start3A_249] : memref<2x10240x128xf32, #tpu.memory_space<hbm>> -> memref<1x64x128xf32, #tpu.memory_space<hbm>>
    %dma_start3A_251 = tpu.memref_squeeze %dma_start3A_250 : memref<1x64x128xf32, #tpu.memory_space<hbm>> -> memref<64x128xf32, #tpu.memory_space<hbm>>
    tpu.enqueue_dma source(%arg10 : memref<64x128xf32, #tpu.memory_space<vmem>>) target(%dma_start3A_251 : memref<64x128xf32, #tpu.memory_space<hbm>>) target_semaphore(%arg14 : memref<!tpu.dma_semaphore, #tpu.memory_space<semaphore_mem>>)
    %add3A_252 = arith.constant 512 : i32
    %add3A_253 = arith.addi %mul3A_2, %add3A_252 : i32
    %dma_wait3A_254 = arith.constant 0 : i32
    %dma_wait3A_255 = arith.constant 0 : i32
    %dma_wait3A_256 = tpu.memref_slice %arg6[%arg0, %dma_wait3A_254, %dma_wait3A_255] : memref<2x10240x128xf32, #tpu.memory_space<hbm>> -> memref<1x64x128xf32, #tpu.memory_space<hbm>>
    %dma_wait3A_257 = tpu.memref_squeeze %dma_wait3A_256 : memref<1x64x128xf32, #tpu.memory_space<hbm>> -> memref<64x128xf32, #tpu.memory_space<hbm>>
    %dma_wait3A_258 = arith.constant 0 : i32
    %dma_wait3A_259 = arith.constant 0 : i32
    %dma_wait3A_260 = tpu.memref_slice %arg6[%arg0, %dma_wait3A_258, %dma_wait3A_259] : memref<2x10240x128xf32, #tpu.memory_space<hbm>> -> memref<1x64x128xf32, #tpu.memory_space<hbm>>
    %dma_wait3A_261 = tpu.memref_squeeze %dma_wait3A_260 : memref<1x64x128xf32, #tpu.memory_space<hbm>> -> memref<64x128xf32, #tpu.memory_space<hbm>>
    tpu.wait_dma2 semaphore(%arg13 : memref<!tpu.dma_semaphore, #tpu.memory_space<semaphore_mem>>) src(%arg9 : memref<64x128xf32, #tpu.memory_space<vmem>>) dst(%dma_wait3A_261 : memref<64x128xf32, #tpu.memory_space<hbm>>)
    "tpu.region"() ({
      %run_scoped3A_732 = tpu.sem_alloc : memref<!tpu.dma_semaphore, #tpu.memory_space<semaphore_mem>>
      %dma_start3A_733 = arith.constant 0 : i32
      %dma_start3A_734 = tpu.memref_slice %arg12[%add3A_253, %dma_start3A_733] : memref<10240x128xf32, #tpu.memory_space<vmem_shared>> -> memref<64x128xf32, #tpu.memory_space<vmem_shared>>
      %dma_start3A_735 = arith.constant 0 : i32
      %dma_start3A_736 = tpu.memref_slice %arg12[%add3A_253, %dma_start3A_735] : memref<10240x128xf32, #tpu.memory_space<vmem_shared>> -> memref<64x128xf32, #tpu.memory_space<vmem_shared>>
      tpu.enqueue_dma source(%dma_start3A_736 : memref<64x128xf32, #tpu.memory_space<vmem_shared>>) target(%arg9 : memref<64x128xf32, #tpu.memory_space<vmem>>) target_semaphore(%run_scoped3A_732 : memref<!tpu.dma_semaphore, #tpu.memory_space<semaphore_mem>>)
      %dma_wait3A_737 = arith.constant 0 : i32
      %dma_wait3A_738 = tpu.memref_slice %arg12[%add3A_253, %dma_wait3A_737] : memref<10240x128xf32, #tpu.memory_space<vmem_shared>> -> memref<64x128xf32, #tpu.memory_space<vmem_shared>>
      %dma_wait3A_739 = arith.constant 0 : i32
      %dma_wait3A_740 = tpu.memref_slice %arg12[%add3A_253, %dma_wait3A_739] : memref<10240x128xf32, #tpu.memory_space<vmem_shared>> -> memref<64x128xf32, #tpu.memory_space<vmem_shared>>
      tpu.wait_dma2 semaphore(%run_scoped3A_732 : memref<!tpu.dma_semaphore, #tpu.memory_space<semaphore_mem>>) src(%dma_wait3A_740 : memref<64x128xf32, #tpu.memory_space<vmem_shared>>) dst(%arg9 : memref<64x128xf32, #tpu.memory_space<vmem>>)
      tpu.yield
    }) : () -> ()
    %dma_start3A_262 = arith.constant 0 : i32
    %dma_start3A_263 = tpu.memref_slice %arg6[%arg0, %add3A_253, %dma_start3A_262] : memref<2x10240x128xf32, #tpu.memory_space<hbm>> -> memref<1x64x128xf32, #tpu.memory_space<hbm>>
    %dma_start3A_264 = tpu.memref_squeeze %dma_start3A_263 : memref<1x64x128xf32, #tpu.memory_space<hbm>> -> memref<64x128xf32, #tpu.memory_space<hbm>>
    %dma_start3A_265 = arith.constant 0 : i32
    %dma_start3A_266 = tpu.memref_slice %arg6[%arg0, %add3A_253, %dma_start3A_265] : memref<2x10240x128xf32, #tpu.memory_space<hbm>> -> memref<1x64x128xf32, #tpu.memory_space<hbm>>
    %dma_start3A_267 = tpu.memref_squeeze %dma_start3A_266 : memref<1x64x128xf32, #tpu.memory_space<hbm>> -> memref<64x128xf32, #tpu.memory_space<hbm>>
    tpu.enqueue_dma source(%arg9 : memref<64x128xf32, #tpu.memory_space<vmem>>) target(%dma_start3A_267 : memref<64x128xf32, #tpu.memory_space<hbm>>) target_semaphore(%arg13 : memref<!tpu.dma_semaphore, #tpu.memory_space<semaphore_mem>>)
    %add3A_268 = arith.constant 576 : i32
    %add3A_269 = arith.addi %mul3A_2, %add3A_268 : i32
    %dma_wait3A_270 = arith.constant 0 : i32
    %dma_wait3A_271 = arith.constant 0 : i32
    %dma_wait3A_272 = tpu.memref_slice %arg6[%arg0, %dma_wait3A_270, %dma_wait3A_271] : memref<2x10240x128xf32, #tpu.memory_space<hbm>> -> memref<1x64x128xf32, #tpu.memory_space<hbm>>
    %dma_wait3A_273 = tpu.memref_squeeze %dma_wait3A_272 : memref<1x64x128xf32, #tpu.memory_space<hbm>> -> memref<64x128xf32, #tpu.memory_space<hbm>>
    %dma_wait3A_274 = arith.constant 0 : i32
    %dma_wait3A_275 = arith.constant 0 : i32
    %dma_wait3A_276 = tpu.memref_slice %arg6[%arg0, %dma_wait3A_274, %dma_wait3A_275] : memref<2x10240x128xf32, #tpu.memory_space<hbm>> -> memref<1x64x128xf32, #tpu.memory_space<hbm>>
    %dma_wait3A_277 = tpu.memref_squeeze %dma_wait3A_276 : memref<1x64x128xf32, #tpu.memory_space<hbm>> -> memref<64x128xf32, #tpu.memory_space<hbm>>
    tpu.wait_dma2 semaphore(%arg14 : memref<!tpu.dma_semaphore, #tpu.memory_space<semaphore_mem>>) src(%arg10 : memref<64x128xf32, #tpu.memory_space<vmem>>) dst(%dma_wait3A_277 : memref<64x128xf32, #tpu.memory_space<hbm>>)
    "tpu.region"() ({
      %run_scoped3A_732 = tpu.sem_alloc : memref<!tpu.dma_semaphore, #tpu.memory_space<semaphore_mem>>
      %dma_start3A_733 = arith.constant 0 : i32
      %dma_start3A_734 = tpu.memref_slice %arg12[%add3A_269, %dma_start3A_733] : memref<10240x128xf32, #tpu.memory_space<vmem_shared>> -> memref<64x128xf32, #tpu.memory_space<vmem_shared>>
      %dma_start3A_735 = arith.constant 0 : i32
      %dma_start3A_736 = tpu.memref_slice %arg12[%add3A_269, %dma_start3A_735] : memref<10240x128xf32, #tpu.memory_space<vmem_shared>> -> memref<64x128xf32, #tpu.memory_space<vmem_shared>>
      tpu.enqueue_dma source(%dma_start3A_736 : memref<64x128xf32, #tpu.memory_space<vmem_shared>>) target(%arg10 : memref<64x128xf32, #tpu.memory_space<vmem>>) target_semaphore(%run_scoped3A_732 : memref<!tpu.dma_semaphore, #tpu.memory_space<semaphore_mem>>)
      %dma_wait3A_737 = arith.constant 0 : i32
      %dma_wait3A_738 = tpu.memref_slice %arg12[%add3A_269, %dma_wait3A_737] : memref<10240x128xf32, #tpu.memory_space<vmem_shared>> -> memref<64x128xf32, #tpu.memory_space<vmem_shared>>
      %dma_wait3A_739 = arith.constant 0 : i32
      %dma_wait3A_740 = tpu.memref_slice %arg12[%add3A_269, %dma_wait3A_739] : memref<10240x128xf32, #tpu.memory_space<vmem_shared>> -> memref<64x128xf32, #tpu.memory_space<vmem_shared>>
      tpu.wait_dma2 semaphore(%run_scoped3A_732 : memref<!tpu.dma_semaphore, #tpu.memory_space<semaphore_mem>>) src(%dma_wait3A_740 : memref<64x128xf32, #tpu.memory_space<vmem_shared>>) dst(%arg10 : memref<64x128xf32, #tpu.memory_space<vmem>>)
      tpu.yield
    }) : () -> ()
    %dma_start3A_278 = arith.constant 0 : i32
    %dma_start3A_279 = tpu.memref_slice %arg6[%arg0, %add3A_269, %dma_start3A_278] : memref<2x10240x128xf32, #tpu.memory_space<hbm>> -> memref<1x64x128xf32, #tpu.memory_space<hbm>>
    %dma_start3A_280 = tpu.memref_squeeze %dma_start3A_279 : memref<1x64x128xf32, #tpu.memory_space<hbm>> -> memref<64x128xf32, #tpu.memory_space<hbm>>
    %dma_start3A_281 = arith.constant 0 : i32
    %dma_start3A_282 = tpu.memref_slice %arg6[%arg0, %add3A_269, %dma_start3A_281] : memref<2x10240x128xf32, #tpu.memory_space<hbm>> -> memref<1x64x128xf32, #tpu.memory_space<hbm>>
    %dma_start3A_283 = tpu.memref_squeeze %dma_start3A_282 : memref<1x64x128xf32, #tpu.memory_space<hbm>> -> memref<64x128xf32, #tpu.memory_space<hbm>>
    tpu.enqueue_dma source(%arg10 : memref<64x128xf32, #tpu.memory_space<vmem>>) target(%dma_start3A_283 : memref<64x128xf32, #tpu.memory_space<hbm>>) target_semaphore(%arg14 : memref<!tpu.dma_semaphore, #tpu.memory_space<semaphore_mem>>)
    %dma_wait3A_284 = arith.constant 0 : i32
    %dma_wait3A_285 = arith.constant 0 : i32
    %dma_wait3A_286 = tpu.memref_slice %arg6[%arg0, %dma_wait3A_284, %dma_wait3A_285] : memref<2x10240x128xf32, #tpu.memory_space<hbm>> -> memref<1x64x128xf32, #tpu.memory_space<hbm>>
    %dma_wait3A_287 = tpu.memref_squeeze %dma_wait3A_286 : memref<1x64x128xf32, #tpu.memory_space<hbm>> -> memref<64x128xf32, #tpu.memory_space<hbm>>
    %dma_wait3A_288 = arith.constant 0 : i32
    %dma_wait3A_289 = arith.constant 0 : i32
    %dma_wait3A_290 = tpu.memref_slice %arg6[%arg0, %dma_wait3A_288, %dma_wait3A_289] : memref<2x10240x128xf32, #tpu.memory_space<hbm>> -> memref<1x64x128xf32, #tpu.memory_space<hbm>>
    %dma_wait3A_291 = tpu.memref_squeeze %dma_wait3A_290 : memref<1x64x128xf32, #tpu.memory_space<hbm>> -> memref<64x128xf32, #tpu.memory_space<hbm>>
    tpu.wait_dma2 semaphore(%arg13 : memref<!tpu.dma_semaphore, #tpu.memory_space<semaphore_mem>>) src(%arg9 : memref<64x128xf32, #tpu.memory_space<vmem>>) dst(%dma_wait3A_291 : memref<64x128xf32, #tpu.memory_space<hbm>>)
    %dma_wait3A_292 = arith.constant 0 : i32
    %dma_wait3A_293 = arith.constant 0 : i32
    %dma_wait3A_294 = tpu.memref_slice %arg6[%arg0, %dma_wait3A_292, %dma_wait3A_293] : memref<2x10240x128xf32, #tpu.memory_space<hbm>> -> memref<1x64x128xf32, #tpu.memory_space<hbm>>
    %dma_wait3A_295 = tpu.memref_squeeze %dma_wait3A_294 : memref<1x64x128xf32, #tpu.memory_space<hbm>> -> memref<64x128xf32, #tpu.memory_space<hbm>>
    %dma_wait3A_296 = arith.constant 0 : i32
    %dma_wait3A_297 = arith.constant 0 : i32
    %dma_wait3A_298 = tpu.memref_slice %arg6[%arg0, %dma_wait3A_296, %dma_wait3A_297] : memref<2x10240x128xf32, #tpu.memory_space<hbm>> -> memref<1x64x128xf32, #tpu.memory_space<hbm>>
    %dma_wait3A_299 = tpu.memref_squeeze %dma_wait3A_298 : memref<1x64x128xf32, #tpu.memory_space<hbm>> -> memref<64x128xf32, #tpu.memory_space<hbm>>
    tpu.wait_dma2 semaphore(%arg14 : memref<!tpu.dma_semaphore, #tpu.memory_space<semaphore_mem>>) src(%arg10 : memref<64x128xf32, #tpu.memory_space<vmem>>) dst(%dma_wait3A_299 : memref<64x128xf32, #tpu.memory_space<hbm>>)
    %barrier3A_300 = arith.constant 0 : index
    tpu.barrier barrier_id(%barrier3A_300)
    %broadcast_in_dim3A_301 = arith.constant 0.000000e+00 : f32
    %broadcast_in_dim3A_302 = vector.broadcast %broadcast_in_dim3A_301 : f32 to vector<16xf32>
    %scan3A_303 = arith.constant 0 : i32
    %scan3A_304 = arith.constant 0 : i32
    %scan3A_305 = arith.constant 64 : i32
    %scan3A_306 = arith.addi %scan3A_304, %scan3A_305 : i32
    %scan3A_307 = arith.constant 1 : i32
    scf.for %scan3A_732 = %scan3A_304 to %scan3A_306 step %scan3A_307  : i32 {
      %swap3A = arith.index_cast %scan3A_732 : i32 to index
      %swap3A_733 = arith.constant 0 : index
      %swap3A_734 = tpu.vector_load %arg9[%swap3A, %swap3A_733] {strides = array<i32>} : memref<64x128xf32, #tpu.memory_space<vmem>>, vector<1x16xf32>,
      %swap3A_735 = vector.shape_cast %swap3A_734 : vector<1x16xf32> to vector<16xf32>
      %swap3A_736 = vector.shape_cast %broadcast_in_dim3A_302 : vector<16xf32> to vector<1x16xf32>
      tpu.vector_store %arg9[%swap3A, %swap3A_733], %swap3A_736 {strides = array<i32>} : memref<64x128xf32, #tpu.memory_space<vmem>>, vector<1x16xf32>,
      %swap3A_737 = arith.index_cast %scan3A_732 : i32 to index
      %swap3A_738 = arith.constant 16 : index
      %swap3A_739 = tpu.vector_load %arg9[%swap3A_737, %swap3A_738] {strides = array<i32>} : memref<64x128xf32, #tpu.memory_space<vmem>>, vector<1x16xf32>,
      %swap3A_740 = vector.shape_cast %swap3A_739 : vector<1x16xf32> to vector<16xf32>
      %swap3A_741 = vector.shape_cast %broadcast_in_dim3A_302 : vector<16xf32> to vector<1x16xf32>
      tpu.vector_store %arg9[%swap3A_737, %swap3A_738], %swap3A_741 {strides = array<i32>} : memref<64x128xf32, #tpu.memory_space<vmem>>, vector<1x16xf32>,
      %swap3A_742 = arith.index_cast %scan3A_732 : i32 to index
      %swap3A_743 = arith.constant 32 : index
      %swap3A_744 = tpu.vector_load %arg9[%swap3A_742, %swap3A_743] {strides = array<i32>} : memref<64x128xf32, #tpu.memory_space<vmem>>, vector<1x16xf32>,
      %swap3A_745 = vector.shape_cast %swap3A_744 : vector<1x16xf32> to vector<16xf32>
      %swap3A_746 = vector.shape_cast %broadcast_in_dim3A_302 : vector<16xf32> to vector<1x16xf32>
      tpu.vector_store %arg9[%swap3A_742, %swap3A_743], %swap3A_746 {strides = array<i32>} : memref<64x128xf32, #tpu.memory_space<vmem>>, vector<1x16xf32>,
      %swap3A_747 = arith.index_cast %scan3A_732 : i32 to index
      %swap3A_748 = arith.constant 48 : index
      %swap3A_749 = tpu.vector_load %arg9[%swap3A_747, %swap3A_748] {strides = array<i32>} : memref<64x128xf32, #tpu.memory_space<vmem>>, vector<1x16xf32>,
      %swap3A_750 = vector.shape_cast %swap3A_749 : vector<1x16xf32> to vector<16xf32>
      %swap3A_751 = vector.shape_cast %broadcast_in_dim3A_302 : vector<16xf32> to vector<1x16xf32>
      tpu.vector_store %arg9[%swap3A_747, %swap3A_748], %swap3A_751 {strides = array<i32>} : memref<64x128xf32, #tpu.memory_space<vmem>>, vector<1x16xf32>,
      %swap3A_752 = arith.index_cast %scan3A_732 : i32 to index
      %swap3A_753 = arith.constant 64 : index
      %swap3A_754 = tpu.vector_load %arg9[%swap3A_752, %swap3A_753] {strides = array<i32>} : memref<64x128xf32, #tpu.memory_space<vmem>>, vector<1x16xf32>,
      %swap3A_755 = vector.shape_cast %swap3A_754 : vector<1x16xf32> to vector<16xf32>
      %swap3A_756 = vector.shape_cast %broadcast_in_dim3A_302 : vector<16xf32> to vector<1x16xf32>
      tpu.vector_store %arg9[%swap3A_752, %swap3A_753], %swap3A_756 {strides = array<i32>} : memref<64x128xf32, #tpu.memory_space<vmem>>, vector<1x16xf32>,
      %swap3A_757 = arith.index_cast %scan3A_732 : i32 to index
      %swap3A_758 = arith.constant 80 : index
      %swap3A_759 = tpu.vector_load %arg9[%swap3A_757, %swap3A_758] {strides = array<i32>} : memref<64x128xf32, #tpu.memory_space<vmem>>, vector<1x16xf32>,
      %swap3A_760 = vector.shape_cast %swap3A_759 : vector<1x16xf32> to vector<16xf32>
      %swap3A_761 = vector.shape_cast %broadcast_in_dim3A_302 : vector<16xf32> to vector<1x16xf32>
      tpu.vector_store %arg9[%swap3A_757, %swap3A_758], %swap3A_761 {strides = array<i32>} : memref<64x128xf32, #tpu.memory_space<vmem>>, vector<1x16xf32>,
      %swap3A_762 = arith.index_cast %scan3A_732 : i32 to index
      %swap3A_763 = arith.constant 96 : index
      %swap3A_764 = tpu.vector_load %arg9[%swap3A_762, %swap3A_763] {strides = array<i32>} : memref<64x128xf32, #tpu.memory_space<vmem>>, vector<1x16xf32>,
      %swap3A_765 = vector.shape_cast %swap3A_764 : vector<1x16xf32> to vector<16xf32>
      %swap3A_766 = vector.shape_cast %broadcast_in_dim3A_302 : vector<16xf32> to vector<1x16xf32>
      tpu.vector_store %arg9[%swap3A_762, %swap3A_763], %swap3A_766 {strides = array<i32>} : memref<64x128xf32, #tpu.memory_space<vmem>>, vector<1x16xf32>,
      %swap3A_767 = arith.index_cast %scan3A_732 : i32 to index
      %swap3A_768 = arith.constant 112 : index
      %swap3A_769 = tpu.vector_load %arg9[%swap3A_767, %swap3A_768] {strides = array<i32>} : memref<64x128xf32, #tpu.memory_space<vmem>>, vector<1x16xf32>,
      %swap3A_770 = vector.shape_cast %swap3A_769 : vector<1x16xf32> to vector<16xf32>
      %swap3A_771 = vector.shape_cast %broadcast_in_dim3A_302 : vector<16xf32> to vector<1x16xf32>
      tpu.vector_store %arg9[%swap3A_767, %swap3A_768], %swap3A_771 {strides = array<i32>} : memref<64x128xf32, #tpu.memory_space<vmem>>, vector<1x16xf32>,
    }
    %scan3A_308 = arith.constant 64 : i32
    %add3A_309 = arith.constant 0 : i32
    %add3A_310 = arith.addi %mul3A_2, %add3A_309 : i32
    %dma_start3A_311 = arith.constant 0 : i32
    %dma_start3A_312 = tpu.memref_slice %arg12[%add3A_310, %dma_start3A_311] : memref<10240x128xf32, #tpu.memory_space<vmem_shared>> -> memref<64x128xf32, #tpu.memory_space<vmem_shared>>
    %dma_start3A_313 = arith.constant 0 : i32
    %dma_start3A_314 = tpu.memref_slice %arg12[%add3A_310, %dma_start3A_313] : memref<10240x128xf32, #tpu.memory_space<vmem_shared>> -> memref<64x128xf32, #tpu.memory_space<vmem_shared>>
    tpu.enqueue_dma source(%arg9 : memref<64x128xf32, #tpu.memory_space<vmem>>) target(%dma_start3A_314 : memref<64x128xf32, #tpu.memory_space<vmem_shared>>) target_semaphore(%arg13 : memref<!tpu.dma_semaphore, #tpu.memory_space<semaphore_mem>>)
    %add3A_315 = arith.constant 64 : i32
    %add3A_316 = arith.addi %mul3A_2, %add3A_315 : i32
    %dma_start3A_317 = arith.constant 0 : i32
    %dma_start3A_318 = tpu.memref_slice %arg12[%add3A_316, %dma_start3A_317] : memref<10240x128xf32, #tpu.memory_space<vmem_shared>> -> memref<64x128xf32, #tpu.memory_space<vmem_shared>>
    %dma_start3A_319 = arith.constant 0 : i32
    %dma_start3A_320 = tpu.memref_slice %arg12[%add3A_316, %dma_start3A_319] : memref<10240x128xf32, #tpu.memory_space<vmem_shared>> -> memref<64x128xf32, #tpu.memory_space<vmem_shared>>
    tpu.enqueue_dma source(%arg9 : memref<64x128xf32, #tpu.memory_space<vmem>>) target(%dma_start3A_320 : memref<64x128xf32, #tpu.memory_space<vmem_shared>>) target_semaphore(%arg13 : memref<!tpu.dma_semaphore, #tpu.memory_space<semaphore_mem>>)
    %add3A_321 = arith.constant 128 : i32
    %add3A_322 = arith.addi %mul3A_2, %add3A_321 : i32
    %dma_start3A_323 = arith.constant 0 : i32
    %dma_start3A_324 = tpu.memref_slice %arg12[%add3A_322, %dma_start3A_323] : memref<10240x128xf32, #tpu.memory_space<vmem_shared>> -> memref<64x128xf32, #tpu.memory_space<vmem_shared>>
    %dma_start3A_325 = arith.constant 0 : i32
    %dma_start3A_326 = tpu.memref_slice %arg12[%add3A_322, %dma_start3A_325] : memref<10240x128xf32, #tpu.memory_space<vmem_shared>> -> memref<64x128xf32, #tpu.memory_space<vmem_shared>>
    tpu.enqueue_dma source(%arg9 : memref<64x128xf32, #tpu.memory_space<vmem>>) target(%dma_start3A_326 : memref<64x128xf32, #tpu.memory_space<vmem_shared>>) target_semaphore(%arg13 : memref<!tpu.dma_semaphore, #tpu.memory_space<semaphore_mem>>)
    %add3A_327 = arith.constant 192 : i32
    %add3A_328 = arith.addi %mul3A_2, %add3A_327 : i32
    %dma_start3A_329 = arith.constant 0 : i32
    %dma_start3A_330 = tpu.memref_slice %arg12[%add3A_328, %dma_start3A_329] : memref<10240x128xf32, #tpu.memory_space<vmem_shared>> -> memref<64x128xf32, #tpu.memory_space<vmem_shared>>
    %dma_start3A_331 = arith.constant 0 : i32
    %dma_start3A_332 = tpu.memref_slice %arg12[%add3A_328, %dma_start3A_331] : memref<10240x128xf32, #tpu.memory_space<vmem_shared>> -> memref<64x128xf32, #tpu.memory_space<vmem_shared>>
    tpu.enqueue_dma source(%arg9 : memref<64x128xf32, #tpu.memory_space<vmem>>) target(%dma_start3A_332 : memref<64x128xf32, #tpu.memory_space<vmem_shared>>) target_semaphore(%arg13 : memref<!tpu.dma_semaphore, #tpu.memory_space<semaphore_mem>>)
    %add3A_333 = arith.constant 256 : i32
    %add3A_334 = arith.addi %mul3A_2, %add3A_333 : i32
    %dma_start3A_335 = arith.constant 0 : i32
    %dma_start3A_336 = tpu.memref_slice %arg12[%add3A_334, %dma_start3A_335] : memref<10240x128xf32, #tpu.memory_space<vmem_shared>> -> memref<64x128xf32, #tpu.memory_space<vmem_shared>>
    %dma_start3A_337 = arith.constant 0 : i32
    %dma_start3A_338 = tpu.memref_slice %arg12[%add3A_334, %dma_start3A_337] : memref<10240x128xf32, #tpu.memory_space<vmem_shared>> -> memref<64x128xf32, #tpu.memory_space<vmem_shared>>
    tpu.enqueue_dma source(%arg9 : memref<64x128xf32, #tpu.memory_space<vmem>>) target(%dma_start3A_338 : memref<64x128xf32, #tpu.memory_space<vmem_shared>>) target_semaphore(%arg13 : memref<!tpu.dma_semaphore, #tpu.memory_space<semaphore_mem>>)
    %add3A_339 = arith.constant 320 : i32
    %add3A_340 = arith.addi %mul3A_2, %add3A_339 : i32
    %dma_start3A_341 = arith.constant 0 : i32
    %dma_start3A_342 = tpu.memref_slice %arg12[%add3A_340, %dma_start3A_341] : memref<10240x128xf32, #tpu.memory_space<vmem_shared>> -> memref<64x128xf32, #tpu.memory_space<vmem_shared>>
    %dma_start3A_343 = arith.constant 0 : i32
    %dma_start3A_344 = tpu.memref_slice %arg12[%add3A_340, %dma_start3A_343] : memref<10240x128xf32, #tpu.memory_space<vmem_shared>> -> memref<64x128xf32, #tpu.memory_space<vmem_shared>>
    tpu.enqueue_dma source(%arg9 : memref<64x128xf32, #tpu.memory_space<vmem>>) target(%dma_start3A_344 : memref<64x128xf32, #tpu.memory_space<vmem_shared>>) target_semaphore(%arg13 : memref<!tpu.dma_semaphore, #tpu.memory_space<semaphore_mem>>)
    %add3A_345 = arith.constant 384 : i32
    %add3A_346 = arith.addi %mul3A_2, %add3A_345 : i32
    %dma_start3A_347 = arith.constant 0 : i32
    %dma_start3A_348 = tpu.memref_slice %arg12[%add3A_346, %dma_start3A_347] : memref<10240x128xf32, #tpu.memory_space<vmem_shared>> -> memref<64x128xf32, #tpu.memory_space<vmem_shared>>
    %dma_start3A_349 = arith.constant 0 : i32
    %dma_start3A_350 = tpu.memref_slice %arg12[%add3A_346, %dma_start3A_349] : memref<10240x128xf32, #tpu.memory_space<vmem_shared>> -> memref<64x128xf32, #tpu.memory_space<vmem_shared>>
    tpu.enqueue_dma source(%arg9 : memref<64x128xf32, #tpu.memory_space<vmem>>) target(%dma_start3A_350 : memref<64x128xf32, #tpu.memory_space<vmem_shared>>) target_semaphore(%arg13 : memref<!tpu.dma_semaphore, #tpu.memory_space<semaphore_mem>>)
    %add3A_351 = arith.constant 448 : i32
    %add3A_352 = arith.addi %mul3A_2, %add3A_351 : i32
    %dma_start3A_353 = arith.constant 0 : i32
    %dma_start3A_354 = tpu.memref_slice %arg12[%add3A_352, %dma_start3A_353] : memref<10240x128xf32, #tpu.memory_space<vmem_shared>> -> memref<64x128xf32, #tpu.memory_space<vmem_shared>>
    %dma_start3A_355 = arith.constant 0 : i32
    %dma_start3A_356 = tpu.memref_slice %arg12[%add3A_352, %dma_start3A_355] : memref<10240x128xf32, #tpu.memory_space<vmem_shared>> -> memref<64x128xf32, #tpu.memory_space<vmem_shared>>
    tpu.enqueue_dma source(%arg9 : memref<64x128xf32, #tpu.memory_space<vmem>>) target(%dma_start3A_356 : memref<64x128xf32, #tpu.memory_space<vmem_shared>>) target_semaphore(%arg13 : memref<!tpu.dma_semaphore, #tpu.memory_space<semaphore_mem>>)
    %add3A_357 = arith.constant 512 : i32
    %add3A_358 = arith.addi %mul3A_2, %add3A_357 : i32
    %dma_start3A_359 = arith.constant 0 : i32
    %dma_start3A_360 = tpu.memref_slice %arg12[%add3A_358, %dma_start3A_359] : memref<10240x128xf32, #tpu.memory_space<vmem_shared>> -> memref<64x128xf32, #tpu.memory_space<vmem_shared>>
    %dma_start3A_361 = arith.constant 0 : i32
    %dma_start3A_362 = tpu.memref_slice %arg12[%add3A_358, %dma_start3A_361] : memref<10240x128xf32, #tpu.memory_space<vmem_shared>> -> memref<64x128xf32, #tpu.memory_space<vmem_shared>>
    tpu.enqueue_dma source(%arg9 : memref<64x128xf32, #tpu.memory_space<vmem>>) target(%dma_start3A_362 : memref<64x128xf32, #tpu.memory_space<vmem_shared>>) target_semaphore(%arg13 : memref<!tpu.dma_semaphore, #tpu.memory_space<semaphore_mem>>)
    %add3A_363 = arith.constant 576 : i32
    %add3A_364 = arith.addi %mul3A_2, %add3A_363 : i32
    %dma_start3A_365 = arith.constant 0 : i32
    %dma_start3A_366 = tpu.memref_slice %arg12[%add3A_364, %dma_start3A_365] : memref<10240x128xf32, #tpu.memory_space<vmem_shared>> -> memref<64x128xf32, #tpu.memory_space<vmem_shared>>
    %dma_start3A_367 = arith.constant 0 : i32
    %dma_start3A_368 = tpu.memref_slice %arg12[%add3A_364, %dma_start3A_367] : memref<10240x128xf32, #tpu.memory_space<vmem_shared>> -> memref<64x128xf32, #tpu.memory_space<vmem_shared>>
    tpu.enqueue_dma source(%arg9 : memref<64x128xf32, #tpu.memory_space<vmem>>) target(%dma_start3A_368 : memref<64x128xf32, #tpu.memory_space<vmem_shared>>) target_semaphore(%arg13 : memref<!tpu.dma_semaphore, #tpu.memory_space<semaphore_mem>>)
    %dma_wait3A_369 = arith.constant 0 : i32
    %dma_wait3A_370 = tpu.memref_slice %arg12[%mul3A_2, %dma_wait3A_369] : memref<10240x128xf32, #tpu.memory_space<vmem_shared>> -> memref<64x128xf32, #tpu.memory_space<vmem_shared>>
    %dma_wait3A_371 = arith.constant 0 : i32
    %dma_wait3A_372 = tpu.memref_slice %arg12[%mul3A_2, %dma_wait3A_371] : memref<10240x128xf32, #tpu.memory_space<vmem_shared>> -> memref<64x128xf32, #tpu.memory_space<vmem_shared>>
    tpu.wait_dma2 semaphore(%arg13 : memref<!tpu.dma_semaphore, #tpu.memory_space<semaphore_mem>>) src(%arg9 : memref<64x128xf32, #tpu.memory_space<vmem>>) dst(%dma_wait3A_372 : memref<64x128xf32, #tpu.memory_space<vmem_shared>>)
    %dma_wait3A_373 = arith.constant 0 : i32
    %dma_wait3A_374 = tpu.memref_slice %arg12[%mul3A_2, %dma_wait3A_373] : memref<10240x128xf32, #tpu.memory_space<vmem_shared>> -> memref<64x128xf32, #tpu.memory_space<vmem_shared>>
    %dma_wait3A_375 = arith.constant 0 : i32
    %dma_wait3A_376 = tpu.memref_slice %arg12[%mul3A_2, %dma_wait3A_375] : memref<10240x128xf32, #tpu.memory_space<vmem_shared>> -> memref<64x128xf32, #tpu.memory_space<vmem_shared>>
    tpu.wait_dma2 semaphore(%arg13 : memref<!tpu.dma_semaphore, #tpu.memory_space<semaphore_mem>>) src(%arg9 : memref<64x128xf32, #tpu.memory_space<vmem>>) dst(%dma_wait3A_376 : memref<64x128xf32, #tpu.memory_space<vmem_shared>>)
    %dma_wait3A_377 = arith.constant 0 : i32
    %dma_wait3A_378 = tpu.memref_slice %arg12[%mul3A_2, %dma_wait3A_377] : memref<10240x128xf32, #tpu.memory_space<vmem_shared>> -> memref<64x128xf32, #tpu.memory_space<vmem_shared>>
    %dma_wait3A_379 = arith.constant 0 : i32
    %dma_wait3A_380 = tpu.memref_slice %arg12[%mul3A_2, %dma_wait3A_379] : memref<10240x128xf32, #tpu.memory_space<vmem_shared>> -> memref<64x128xf32, #tpu.memory_space<vmem_shared>>
    tpu.wait_dma2 semaphore(%arg13 : memref<!tpu.dma_semaphore, #tpu.memory_space<semaphore_mem>>) src(%arg9 : memref<64x128xf32, #tpu.memory_space<vmem>>) dst(%dma_wait3A_380 : memref<64x128xf32, #tpu.memory_space<vmem_shared>>)
    %dma_wait3A_381 = arith.constant 0 : i32
    %dma_wait3A_382 = tpu.memref_slice %arg12[%mul3A_2, %dma_wait3A_381] : memref<10240x128xf32, #tpu.memory_space<vmem_shared>> -> memref<64x128xf32, #tpu.memory_space<vmem_shared>>
    %dma_wait3A_383 = arith.constant 0 : i32
    %dma_wait3A_384 = tpu.memref_slice %arg12[%mul3A_2, %dma_wait3A_383] : memref<10240x128xf32, #tpu.memory_space<vmem_shared>> -> memref<64x128xf32, #tpu.memory_space<vmem_shared>>
    tpu.wait_dma2 semaphore(%arg13 : memref<!tpu.dma_semaphore, #tpu.memory_space<semaphore_mem>>) src(%arg9 : memref<64x128xf32, #tpu.memory_space<vmem>>) dst(%dma_wait3A_384 : memref<64x128xf32, #tpu.memory_space<vmem_shared>>)
    %dma_wait3A_385 = arith.constant 0 : i32
    %dma_wait3A_386 = tpu.memref_slice %arg12[%mul3A_2, %dma_wait3A_385] : memref<10240x128xf32, #tpu.memory_space<vmem_shared>> -> memref<64x128xf32, #tpu.memory_space<vmem_shared>>
    %dma_wait3A_387 = arith.constant 0 : i32
    %dma_wait3A_388 = tpu.memref_slice %arg12[%mul3A_2, %dma_wait3A_387] : memref<10240x128xf32, #tpu.memory_space<vmem_shared>> -> memref<64x128xf32, #tpu.memory_space<vmem_shared>>
    tpu.wait_dma2 semaphore(%arg13 : memref<!tpu.dma_semaphore, #tpu.memory_space<semaphore_mem>>) src(%arg9 : memref<64x128xf32, #tpu.memory_space<vmem>>) dst(%dma_wait3A_388 : memref<64x128xf32, #tpu.memory_space<vmem_shared>>)
    %dma_wait3A_389 = arith.constant 0 : i32
    %dma_wait3A_390 = tpu.memref_slice %arg12[%mul3A_2, %dma_wait3A_389] : memref<10240x128xf32, #tpu.memory_space<vmem_shared>> -> memref<64x128xf32, #tpu.memory_space<vmem_shared>>
    %dma_wait3A_391 = arith.constant 0 : i32
    %dma_wait3A_392 = tpu.memref_slice %arg12[%mul3A_2, %dma_wait3A_391] : memref<10240x128xf32, #tpu.memory_space<vmem_shared>> -> memref<64x128xf32, #tpu.memory_space<vmem_shared>>
    tpu.wait_dma2 semaphore(%arg13 : memref<!tpu.dma_semaphore, #tpu.memory_space<semaphore_mem>>) src(%arg9 : memref<64x128xf32, #tpu.memory_space<vmem>>) dst(%dma_wait3A_392 : memref<64x128xf32, #tpu.memory_space<vmem_shared>>)
    %dma_wait3A_393 = arith.constant 0 : i32
    %dma_wait3A_394 = tpu.memref_slice %arg12[%mul3A_2, %dma_wait3A_393] : memref<10240x128xf32, #tpu.memory_space<vmem_shared>> -> memref<64x128xf32, #tpu.memory_space<vmem_shared>>
    %dma_wait3A_395 = arith.constant 0 : i32
    %dma_wait3A_396 = tpu.memref_slice %arg12[%mul3A_2, %dma_wait3A_395] : memref<10240x128xf32, #tpu.memory_space<vmem_shared>> -> memref<64x128xf32, #tpu.memory_space<vmem_shared>>
    tpu.wait_dma2 semaphore(%arg13 : memref<!tpu.dma_semaphore, #tpu.memory_space<semaphore_mem>>) src(%arg9 : memref<64x128xf32, #tpu.memory_space<vmem>>) dst(%dma_wait3A_396 : memref<64x128xf32, #tpu.memory_space<vmem_shared>>)
    %dma_wait3A_397 = arith.constant 0 : i32
    %dma_wait3A_398 = tpu.memref_slice %arg12[%mul3A_2, %dma_wait3A_397] : memref<10240x128xf32, #tpu.memory_space<vmem_shared>> -> memref<64x128xf32, #tpu.memory_space<vmem_shared>>
    %dma_wait3A_399 = arith.constant 0 : i32
    %dma_wait3A_400 = tpu.memref_slice %arg12[%mul3A_2, %dma_wait3A_399] : memref<10240x128xf32, #tpu.memory_space<vmem_shared>> -> memref<64x128xf32, #tpu.memory_space<vmem_shared>>
    tpu.wait_dma2 semaphore(%arg13 : memref<!tpu.dma_semaphore, #tpu.memory_space<semaphore_mem>>) src(%arg9 : memref<64x128xf32, #tpu.memory_space<vmem>>) dst(%dma_wait3A_400 : memref<64x128xf32, #tpu.memory_space<vmem_shared>>)
    %dma_wait3A_401 = arith.constant 0 : i32
    %dma_wait3A_402 = tpu.memref_slice %arg12[%mul3A_2, %dma_wait3A_401] : memref<10240x128xf32, #tpu.memory_space<vmem_shared>> -> memref<64x128xf32, #tpu.memory_space<vmem_shared>>
    %dma_wait3A_403 = arith.constant 0 : i32
    %dma_wait3A_404 = tpu.memref_slice %arg12[%mul3A_2, %dma_wait3A_403] : memref<10240x128xf32, #tpu.memory_space<vmem_shared>> -> memref<64x128xf32, #tpu.memory_space<vmem_shared>>
    tpu.wait_dma2 semaphore(%arg13 : memref<!tpu.dma_semaphore, #tpu.memory_space<semaphore_mem>>) src(%arg9 : memref<64x128xf32, #tpu.memory_space<vmem>>) dst(%dma_wait3A_404 : memref<64x128xf32, #tpu.memory_space<vmem_shared>>)
    %dma_wait3A_405 = arith.constant 0 : i32
    %dma_wait3A_406 = tpu.memref_slice %arg12[%mul3A_2, %dma_wait3A_405] : memref<10240x128xf32, #tpu.memory_space<vmem_shared>> -> memref<64x128xf32, #tpu.memory_space<vmem_shared>>
    %dma_wait3A_407 = arith.constant 0 : i32
    %dma_wait3A_408 = tpu.memref_slice %arg12[%mul3A_2, %dma_wait3A_407] : memref<10240x128xf32, #tpu.memory_space<vmem_shared>> -> memref<64x128xf32, #tpu.memory_space<vmem_shared>>
    tpu.wait_dma2 semaphore(%arg13 : memref<!tpu.dma_semaphore, #tpu.memory_space<semaphore_mem>>) src(%arg9 : memref<64x128xf32, #tpu.memory_space<vmem>>) dst(%dma_wait3A_408 : memref<64x128xf32, #tpu.memory_space<vmem_shared>>)
    %barrier3A_409 = arith.constant 0 : index
    tpu.barrier barrier_id(%barrier3A_409)
    "tpu.region"() ({
      %run_scoped3A_732 = tpu.sem_alloc : memref<!tpu.dma_semaphore, #tpu.memory_space<semaphore_mem>>
      %dma_start3A_733 = arith.constant 0 : i32
      %dma_start3A_734 = arith.constant 0 : i32
      %dma_start3A_735 = tpu.memref_slice %arg3[%add3A, %dma_start3A_733, %dma_start3A_734] : memref<32x160x64xi32, #tpu.memory_space<hbm>> -> memref<1x80x64xi32, #tpu.memory_space<hbm>>
      %dma_start3A_736 = tpu.memref_squeeze %dma_start3A_735 : memref<1x80x64xi32, #tpu.memory_space<hbm>> -> memref<80x64xi32, #tpu.memory_space<hbm>>
      %dma_start3A_737 = arith.constant 0 : i32
      %dma_start3A_738 = arith.constant 0 : i32
      %dma_start3A_739 = tpu.memref_slice %arg3[%add3A, %dma_start3A_737, %dma_start3A_738] : memref<32x160x64xi32, #tpu.memory_space<hbm>> -> memref<1x80x64xi32, #tpu.memory_space<hbm>>
      %dma_start3A_740 = tpu.memref_squeeze %dma_start3A_739 : memref<1x80x64xi32, #tpu.memory_space<hbm>> -> memref<80x64xi32, #tpu.memory_space<hbm>>
      tpu.enqueue_dma source(%dma_start3A_740 : memref<80x64xi32, #tpu.memory_space<hbm>>) target(%arg7 : memref<80x64xi32, #tpu.memory_space<vmem>>) target_semaphore(%run_scoped3A_732 : memref<!tpu.dma_semaphore, #tpu.memory_space<semaphore_mem>>)
      %dma_wait3A_741 = arith.constant 0 : i32
      %dma_wait3A_742 = arith.constant 0 : i32
      %dma_wait3A_743 = tpu.memref_slice %arg3[%add3A, %dma_wait3A_741, %dma_wait3A_742] : memref<32x160x64xi32, #tpu.memory_space<hbm>> -> memref<1x80x64xi32, #tpu.memory_space<hbm>>
      %dma_wait3A_744 = tpu.memref_squeeze %dma_wait3A_743 : memref<1x80x64xi32, #tpu.memory_space<hbm>> -> memref<80x64xi32, #tpu.memory_space<hbm>>
      %dma_wait3A_745 = arith.constant 0 : i32
      %dma_wait3A_746 = arith.constant 0 : i32
      %dma_wait3A_747 = tpu.memref_slice %arg3[%add3A, %dma_wait3A_745, %dma_wait3A_746] : memref<32x160x64xi32, #tpu.memory_space<hbm>> -> memref<1x80x64xi32, #tpu.memory_space<hbm>>
      %dma_wait3A_748 = tpu.memref_squeeze %dma_wait3A_747 : memref<1x80x64xi32, #tpu.memory_space<hbm>> -> memref<80x64xi32, #tpu.memory_space<hbm>>
      tpu.wait_dma2 semaphore(%run_scoped3A_732 : memref<!tpu.dma_semaphore, #tpu.memory_space<semaphore_mem>>) src(%dma_wait3A_748 : memref<80x64xi32, #tpu.memory_space<hbm>>) dst(%arg7 : memref<80x64xi32, #tpu.memory_space<vmem>>)
      tpu.yield
    }) : () -> ()
    "tpu.region"() ({
      %run_scoped3A_732 = tpu.sem_alloc : memref<!tpu.dma_semaphore, #tpu.memory_space<semaphore_mem>>
      %dma_start3A_733 = arith.constant 0 : i32
      %dma_start3A_734 = arith.constant 0 : i32
      %dma_start3A_735 = tpu.memref_slice %arg4[%add3A, %dma_start3A_733, %dma_start3A_734] : memref<32x160x64xi32, #tpu.memory_space<hbm>> -> memref<1x80x64xi32, #tpu.memory_space<hbm>>
      %dma_start3A_736 = tpu.memref_squeeze %dma_start3A_735 : memref<1x80x64xi32, #tpu.memory_space<hbm>> -> memref<80x64xi32, #tpu.memory_space<hbm>>
      %dma_start3A_737 = arith.constant 0 : i32
      %dma_start3A_738 = arith.constant 0 : i32
      %dma_start3A_739 = tpu.memref_slice %arg4[%add3A, %dma_start3A_737, %dma_start3A_738] : memref<32x160x64xi32, #tpu.memory_space<hbm>> -> memref<1x80x64xi32, #tpu.memory_space<hbm>>
      %dma_start3A_740 = tpu.memref_squeeze %dma_start3A_739 : memref<1x80x64xi32, #tpu.memory_space<hbm>> -> memref<80x64xi32, #tpu.memory_space<hbm>>
      tpu.enqueue_dma source(%dma_start3A_740 : memref<80x64xi32, #tpu.memory_space<hbm>>) target(%arg8 : memref<80x64xi32, #tpu.memory_space<vmem>>) target_semaphore(%run_scoped3A_732 : memref<!tpu.dma_semaphore, #tpu.memory_space<semaphore_mem>>)
      %dma_wait3A_741 = arith.constant 0 : i32
      %dma_wait3A_742 = arith.constant 0 : i32
      %dma_wait3A_743 = tpu.memref_slice %arg4[%add3A, %dma_wait3A_741, %dma_wait3A_742] : memref<32x160x64xi32, #tpu.memory_space<hbm>> -> memref<1x80x64xi32, #tpu.memory_space<hbm>>
      %dma_wait3A_744 = tpu.memref_squeeze %dma_wait3A_743 : memref<1x80x64xi32, #tpu.memory_space<hbm>> -> memref<80x64xi32, #tpu.memory_space<hbm>>
      %dma_wait3A_745 = arith.constant 0 : i32
      %dma_wait3A_746 = arith.constant 0 : i32
      %dma_wait3A_747 = tpu.memref_slice %arg4[%add3A, %dma_wait3A_745, %dma_wait3A_746] : memref<32x160x64xi32, #tpu.memory_space<hbm>> -> memref<1x80x64xi32, #tpu.memory_space<hbm>>
      %dma_wait3A_748 = tpu.memref_squeeze %dma_wait3A_747 : memref<1x80x64xi32, #tpu.memory_space<hbm>> -> memref<80x64xi32, #tpu.memory_space<hbm>>
      tpu.wait_dma2 semaphore(%run_scoped3A_732 : memref<!tpu.dma_semaphore, #tpu.memory_space<semaphore_mem>>) src(%dma_wait3A_748 : memref<80x64xi32, #tpu.memory_space<hbm>>) dst(%arg8 : memref<80x64xi32, #tpu.memory_space<vmem>>)
      tpu.yield
    }) : () -> ()
    %dma_start3A_410 = arith.constant 0 : i32
    %dma_start3A_411 = arith.constant 0 : i32
    %dma_start3A_412 = tpu.memref_slice %arg7[%dma_start3A_410, %dma_start3A_411] : memref<80x64xi32, #tpu.memory_space<vmem>> -> memref<1x64xi32, #tpu.memory_space<vmem>>
    %dma_start3A_413 = tpu.memref_squeeze %dma_start3A_412 : memref<1x64xi32, #tpu.memory_space<vmem>> -> memref<64xi32, #tpu.memory_space<vmem>>
    %dma_start3A_414 = arith.constant 0 : i32
    %dma_start3A_415 = arith.constant 0 : i32
    %dma_start3A_416 = tpu.memref_slice %arg2[%dma_start3A_414, %dma_start3A_415] : memref<10000x128xf32, #tpu.memory_space<hbm>> -> memref<10000x128xf32, #tpu.memory_space<hbm>>
    tpu.enqueue_indirect_dma source(%dma_start3A_416 : memref<10000x128xf32, #tpu.memory_space<hbm>>) target(%arg9 : memref<64x128xf32, #tpu.memory_space<vmem>>) offsets(%dma_start3A_413 : memref<64xi32, #tpu.memory_space<vmem>>) semaphore(%arg13 : memref<!tpu.dma_semaphore, #tpu.memory_space<semaphore_mem>>)
    %dma_start3A_417 = arith.constant 1 : i32
    %dma_start3A_418 = arith.constant 0 : i32
    %dma_start3A_419 = tpu.memref_slice %arg7[%dma_start3A_417, %dma_start3A_418] : memref<80x64xi32, #tpu.memory_space<vmem>> -> memref<1x64xi32, #tpu.memory_space<vmem>>
    %dma_start3A_420 = tpu.memref_squeeze %dma_start3A_419 : memref<1x64xi32, #tpu.memory_space<vmem>> -> memref<64xi32, #tpu.memory_space<vmem>>
    %dma_start3A_421 = arith.constant 0 : i32
    %dma_start3A_422 = arith.constant 0 : i32
    %dma_start3A_423 = tpu.memref_slice %arg2[%dma_start3A_421, %dma_start3A_422] : memref<10000x128xf32, #tpu.memory_space<hbm>> -> memref<10000x128xf32, #tpu.memory_space<hbm>>
    tpu.enqueue_indirect_dma source(%dma_start3A_423 : memref<10000x128xf32, #tpu.memory_space<hbm>>) target(%arg10 : memref<64x128xf32, #tpu.memory_space<vmem>>) offsets(%dma_start3A_420 : memref<64xi32, #tpu.memory_space<vmem>>) semaphore(%arg14 : memref<!tpu.dma_semaphore, #tpu.memory_space<semaphore_mem>>)
    %dma_start3A_424 = arith.constant 2 : i32
    %dma_start3A_425 = arith.constant 0 : i32
    %dma_start3A_426 = tpu.memref_slice %arg7[%dma_start3A_424, %dma_start3A_425] : memref<80x64xi32, #tpu.memory_space<vmem>> -> memref<1x64xi32, #tpu.memory_space<vmem>>
    %dma_start3A_427 = tpu.memref_squeeze %dma_start3A_426 : memref<1x64xi32, #tpu.memory_space<vmem>> -> memref<64xi32, #tpu.memory_space<vmem>>
    %dma_start3A_428 = arith.constant 0 : i32
    %dma_start3A_429 = arith.constant 0 : i32
    %dma_start3A_430 = tpu.memref_slice %arg2[%dma_start3A_428, %dma_start3A_429] : memref<10000x128xf32, #tpu.memory_space<hbm>> -> memref<10000x128xf32, #tpu.memory_space<hbm>>
    tpu.enqueue_indirect_dma source(%dma_start3A_430 : memref<10000x128xf32, #tpu.memory_space<hbm>>) target(%arg11 : memref<64x128xf32, #tpu.memory_space<vmem>>) offsets(%dma_start3A_427 : memref<64xi32, #tpu.memory_space<vmem>>) semaphore(%arg15 : memref<!tpu.dma_semaphore, #tpu.memory_space<semaphore_mem>>)
    %scan3A_431 = arith.constant 0 : i32
    %scan3A_432 = arith.constant 0 : i32
    %scan3A_433 = arith.constant 25 : i32
    %scan3A_434 = arith.addi %scan3A_432, %scan3A_433 : i32
    %scan3A_435 = arith.constant 1 : i32
    scf.for %scan3A_732 = %scan3A_432 to %scan3A_434 step %scan3A_435  : i32 {
      %mul3A_733 = arith.constant 3 : i32
      %mul3A_734 = arith.muli %mul3A_733, %scan3A_732 : i32
      %add3A_735 = arith.constant 0 : i32
      %add3A_736 = arith.addi %mul3A_734, %add3A_735 : i32
      %dma_wait3A_737 = arith.constant 0 : i32
      %dma_wait3A_738 = arith.constant 0 : i32
      %dma_wait3A_739 = tpu.memref_slice %arg7[%dma_wait3A_737, %dma_wait3A_738] : memref<80x64xi32, #tpu.memory_space<vmem>> -> memref<1x64xi32, #tpu.memory_space<vmem>>
      %dma_wait3A_740 = tpu.memref_squeeze %dma_wait3A_739 : memref<1x64xi32, #tpu.memory_space<vmem>> -> memref<64xi32, #tpu.memory_space<vmem>>
      %dma_wait3A_741 = arith.constant 0 : i32
      %dma_wait3A_742 = arith.constant 0 : i32
      %dma_wait3A_743 = tpu.memref_slice %arg2[%dma_wait3A_741, %dma_wait3A_742] : memref<10000x128xf32, #tpu.memory_space<hbm>> -> memref<10000x128xf32, #tpu.memory_space<hbm>>
      tpu.wait_indirect_dma semaphore(%arg13 : memref<!tpu.dma_semaphore, #tpu.memory_space<semaphore_mem>>) src(%dma_wait3A_743 : memref<10000x128xf32, #tpu.memory_space<hbm>>) dst(%arg9 : memref<64x128xf32, #tpu.memory_space<vmem>>)
      "tpu.region"() ({
        %run_scoped3A_790 = tpu.sem_alloc : memref<!tpu.dma_semaphore, #tpu.memory_space<semaphore_mem>>
        %dma_start3A_791 = arith.constant 0 : i32
        %dma_start3A_792 = tpu.memref_slice %arg8[%add3A_736, %dma_start3A_791] : memref<80x64xi32, #tpu.memory_space<vmem>> -> memref<1x64xi32, #tpu.memory_space<vmem>>
        %dma_start3A_793 = tpu.memref_squeeze %dma_start3A_792 : memref<1x64xi32, #tpu.memory_space<vmem>> -> memref<64xi32, #tpu.memory_space<vmem>>
        %dma_start3A_794 = arith.constant 0 : i32
        %dma_start3A_795 = arith.constant 0 : i32
        %dma_start3A_796 = tpu.memref_slice %arg12[%dma_start3A_794, %dma_start3A_795] : memref<10240x128xf32, #tpu.memory_space<vmem_shared>> -> memref<10240x128xf32, #tpu.memory_space<vmem_shared>>
        tpu.enqueue_indirect_dma source(%arg9 : memref<64x128xf32, #tpu.memory_space<vmem>>) target(%dma_start3A_796 : memref<10240x128xf32, #tpu.memory_space<vmem_shared>>) offsets(%dma_start3A_793 : memref<64xi32, #tpu.memory_space<vmem>>) semaphore(%run_scoped3A_790 : memref<!tpu.dma_semaphore, #tpu.memory_space<semaphore_mem>>) {add = true}
        %dma_wait3A_797 = arith.constant 0 : i32
        %dma_wait3A_798 = tpu.memref_slice %arg8[%add3A_736, %dma_wait3A_797] : memref<80x64xi32, #tpu.memory_space<vmem>> -> memref<1x64xi32, #tpu.memory_space<vmem>>
        %dma_wait3A_799 = tpu.memref_squeeze %dma_wait3A_798 : memref<1x64xi32, #tpu.memory_space<vmem>> -> memref<64xi32, #tpu.memory_space<vmem>>
        %dma_wait3A_800 = arith.constant 0 : i32
        %dma_wait3A_801 = arith.constant 0 : i32
        %dma_wait3A_802 = tpu.memref_slice %arg12[%dma_wait3A_800, %dma_wait3A_801] : memref<10240x128xf32, #tpu.memory_space<vmem_shared>> -> memref<10240x128xf32, #tpu.memory_space<vmem_shared>>
        tpu.wait_indirect_dma semaphore(%run_scoped3A_790 : memref<!tpu.dma_semaphore, #tpu.memory_space<semaphore_mem>>) src(%arg9 : memref<64x128xf32, #tpu.memory_space<vmem>>) dst(%dma_wait3A_802 : memref<10240x128xf32, #tpu.memory_space<vmem_shared>>)
        tpu.yield
      }) : () -> ()
      %add3A_744 = arith.constant 3 : i32
      %add3A_745 = arith.addi %add3A_736, %add3A_744 : i32
      %dma_start3A_746 = arith.constant 0 : i32
      %dma_start3A_747 = tpu.memref_slice %arg7[%add3A_745, %dma_start3A_746] : memref<80x64xi32, #tpu.memory_space<vmem>> -> memref<1x64xi32, #tpu.memory_space<vmem>>
      %dma_start3A_748 = tpu.memref_squeeze %dma_start3A_747 : memref<1x64xi32, #tpu.memory_space<vmem>> -> memref<64xi32, #tpu.memory_space<vmem>>
      %dma_start3A_749 = arith.constant 0 : i32
      %dma_start3A_750 = arith.constant 0 : i32
      %dma_start3A_751 = tpu.memref_slice %arg2[%dma_start3A_749, %dma_start3A_750] : memref<10000x128xf32, #tpu.memory_space<hbm>> -> memref<10000x128xf32, #tpu.memory_space<hbm>>
      tpu.enqueue_indirect_dma source(%dma_start3A_751 : memref<10000x128xf32, #tpu.memory_space<hbm>>) target(%arg9 : memref<64x128xf32, #tpu.memory_space<vmem>>) offsets(%dma_start3A_748 : memref<64xi32, #tpu.memory_space<vmem>>) semaphore(%arg13 : memref<!tpu.dma_semaphore, #tpu.memory_space<semaphore_mem>>)
      %mul3A_752 = arith.constant 3 : i32
      %mul3A_753 = arith.muli %mul3A_752, %scan3A_732 : i32
      %add3A_754 = arith.constant 1 : i32
      %add3A_755 = arith.addi %mul3A_753, %add3A_754 : i32
      %dma_wait3A_756 = arith.constant 0 : i32
      %dma_wait3A_757 = arith.constant 0 : i32
      %dma_wait3A_758 = tpu.memref_slice %arg7[%dma_wait3A_756, %dma_wait3A_757] : memref<80x64xi32, #tpu.memory_space<vmem>> -> memref<1x64xi32, #tpu.memory_space<vmem>>
      %dma_wait3A_759 = tpu.memref_squeeze %dma_wait3A_758 : memref<1x64xi32, #tpu.memory_space<vmem>> -> memref<64xi32, #tpu.memory_space<vmem>>
      %dma_wait3A_760 = arith.constant 0 : i32
      %dma_wait3A_761 = arith.constant 0 : i32
      %dma_wait3A_762 = tpu.memref_slice %arg2[%dma_wait3A_760, %dma_wait3A_761] : memref<10000x128xf32, #tpu.memory_space<hbm>> -> memref<10000x128xf32, #tpu.memory_space<hbm>>
      tpu.wait_indirect_dma semaphore(%arg14 : memref<!tpu.dma_semaphore, #tpu.memory_space<semaphore_mem>>) src(%dma_wait3A_762 : memref<10000x128xf32, #tpu.memory_space<hbm>>) dst(%arg10 : memref<64x128xf32, #tpu.memory_space<vmem>>)
      "tpu.region"() ({
        %run_scoped3A_790 = tpu.sem_alloc : memref<!tpu.dma_semaphore, #tpu.memory_space<semaphore_mem>>
        %dma_start3A_791 = arith.constant 0 : i32
        %dma_start3A_792 = tpu.memref_slice %arg8[%add3A_755, %dma_start3A_791] : memref<80x64xi32, #tpu.memory_space<vmem>> -> memref<1x64xi32, #tpu.memory_space<vmem>>
        %dma_start3A_793 = tpu.memref_squeeze %dma_start3A_792 : memref<1x64xi32, #tpu.memory_space<vmem>> -> memref<64xi32, #tpu.memory_space<vmem>>
        %dma_start3A_794 = arith.constant 0 : i32
        %dma_start3A_795 = arith.constant 0 : i32
        %dma_start3A_796 = tpu.memref_slice %arg12[%dma_start3A_794, %dma_start3A_795] : memref<10240x128xf32, #tpu.memory_space<vmem_shared>> -> memref<10240x128xf32, #tpu.memory_space<vmem_shared>>
        tpu.enqueue_indirect_dma source(%arg10 : memref<64x128xf32, #tpu.memory_space<vmem>>) target(%dma_start3A_796 : memref<10240x128xf32, #tpu.memory_space<vmem_shared>>) offsets(%dma_start3A_793 : memref<64xi32, #tpu.memory_space<vmem>>) semaphore(%run_scoped3A_790 : memref<!tpu.dma_semaphore, #tpu.memory_space<semaphore_mem>>) {add = true}
        %dma_wait3A_797 = arith.constant 0 : i32
        %dma_wait3A_798 = tpu.memref_slice %arg8[%add3A_755, %dma_wait3A_797] : memref<80x64xi32, #tpu.memory_space<vmem>> -> memref<1x64xi32, #tpu.memory_space<vmem>>
        %dma_wait3A_799 = tpu.memref_squeeze %dma_wait3A_798 : memref<1x64xi32, #tpu.memory_space<vmem>> -> memref<64xi32, #tpu.memory_space<vmem>>
        %dma_wait3A_800 = arith.constant 0 : i32
        %dma_wait3A_801 = arith.constant 0 : i32
        %dma_wait3A_802 = tpu.memref_slice %arg12[%dma_wait3A_800, %dma_wait3A_801] : memref<10240x128xf32, #tpu.memory_space<vmem_shared>> -> memref<10240x128xf32, #tpu.memory_space<vmem_shared>>
        tpu.wait_indirect_dma semaphore(%run_scoped3A_790 : memref<!tpu.dma_semaphore, #tpu.memory_space<semaphore_mem>>) src(%arg10 : memref<64x128xf32, #tpu.memory_space<vmem>>) dst(%dma_wait3A_802 : memref<10240x128xf32, #tpu.memory_space<vmem_shared>>)
        tpu.yield
      }) : () -> ()
      %add3A_763 = arith.constant 3 : i32
      %add3A_764 = arith.addi %add3A_755, %add3A_763 : i32
      %dma_start3A_765 = arith.constant 0 : i32
      %dma_start3A_766 = tpu.memref_slice %arg7[%add3A_764, %dma_start3A_765] : memref<80x64xi32, #tpu.memory_space<vmem>> -> memref<1x64xi32, #tpu.memory_space<vmem>>
      %dma_start3A_767 = tpu.memref_squeeze %dma_start3A_766 : memref<1x64xi32, #tpu.memory_space<vmem>> -> memref<64xi32, #tpu.memory_space<vmem>>
      %dma_start3A_768 = arith.constant 0 : i32
      %dma_start3A_769 = arith.constant 0 : i32
      %dma_start3A_770 = tpu.memref_slice %arg2[%dma_start3A_768, %dma_start3A_769] : memref<10000x128xf32, #tpu.memory_space<hbm>> -> memref<10000x128xf32, #tpu.memory_space<hbm>>
      tpu.enqueue_indirect_dma source(%dma_start3A_770 : memref<10000x128xf32, #tpu.memory_space<hbm>>) target(%arg10 : memref<64x128xf32, #tpu.memory_space<vmem>>) offsets(%dma_start3A_767 : memref<64xi32, #tpu.memory_space<vmem>>) semaphore(%arg14 : memref<!tpu.dma_semaphore, #tpu.memory_space<semaphore_mem>>)
      %mul3A_771 = arith.constant 3 : i32
      %mul3A_772 = arith.muli %mul3A_771, %scan3A_732 : i32
      %add3A_773 = arith.constant 2 : i32
      %add3A_774 = arith.addi %mul3A_772, %add3A_773 : i32
      %dma_wait3A_775 = arith.constant 0 : i32
      %dma_wait3A_776 = arith.constant 0 : i32
      %dma_wait3A_777 = tpu.memref_slice %arg7[%dma_wait3A_775, %dma_wait3A_776] : memref<80x64xi32, #tpu.memory_space<vmem>> -> memref<1x64xi32, #tpu.memory_space<vmem>>
      %dma_wait3A_778 = tpu.memref_squeeze %dma_wait3A_777 : memref<1x64xi32, #tpu.memory_space<vmem>> -> memref<64xi32, #tpu.memory_space<vmem>>
      %dma_wait3A_779 = arith.constant 0 : i32
      %dma_wait3A_780 = arith.constant 0 : i32
      %dma_wait3A_781 = tpu.memref_slice %arg2[%dma_wait3A_779, %dma_wait3A_780] : memref<10000x128xf32, #tpu.memory_space<hbm>> -> memref<10000x128xf32, #tpu.memory_space<hbm>>
      tpu.wait_indirect_dma semaphore(%arg15 : memref<!tpu.dma_semaphore, #tpu.memory_space<semaphore_mem>>) src(%dma_wait3A_781 : memref<10000x128xf32, #tpu.memory_space<hbm>>) dst(%arg11 : memref<64x128xf32, #tpu.memory_space<vmem>>)
      "tpu.region"() ({
        %run_scoped3A_790 = tpu.sem_alloc : memref<!tpu.dma_semaphore, #tpu.memory_space<semaphore_mem>>
        %dma_start3A_791 = arith.constant 0 : i32
        %dma_start3A_792 = tpu.memref_slice %arg8[%add3A_774, %dma_start3A_791] : memref<80x64xi32, #tpu.memory_space<vmem>> -> memref<1x64xi32, #tpu.memory_space<vmem>>
        %dma_start3A_793 = tpu.memref_squeeze %dma_start3A_792 : memref<1x64xi32, #tpu.memory_space<vmem>> -> memref<64xi32, #tpu.memory_space<vmem>>
        %dma_start3A_794 = arith.constant 0 : i32
        %dma_start3A_795 = arith.constant 0 : i32
        %dma_start3A_796 = tpu.memref_slice %arg12[%dma_start3A_794, %dma_start3A_795] : memref<10240x128xf32, #tpu.memory_space<vmem_shared>> -> memref<10240x128xf32, #tpu.memory_space<vmem_shared>>
        tpu.enqueue_indirect_dma source(%arg11 : memref<64x128xf32, #tpu.memory_space<vmem>>) target(%dma_start3A_796 : memref<10240x128xf32, #tpu.memory_space<vmem_shared>>) offsets(%dma_start3A_793 : memref<64xi32, #tpu.memory_space<vmem>>) semaphore(%run_scoped3A_790 : memref<!tpu.dma_semaphore, #tpu.memory_space<semaphore_mem>>) {add = true}
        %dma_wait3A_797 = arith.constant 0 : i32
        %dma_wait3A_798 = tpu.memref_slice %arg8[%add3A_774, %dma_wait3A_797] : memref<80x64xi32, #tpu.memory_space<vmem>> -> memref<1x64xi32, #tpu.memory_space<vmem>>
        %dma_wait3A_799 = tpu.memref_squeeze %dma_wait3A_798 : memref<1x64xi32, #tpu.memory_space<vmem>> -> memref<64xi32, #tpu.memory_space<vmem>>
        %dma_wait3A_800 = arith.constant 0 : i32
        %dma_wait3A_801 = arith.constant 0 : i32
        %dma_wait3A_802 = tpu.memref_slice %arg12[%dma_wait3A_800, %dma_wait3A_801] : memref<10240x128xf32, #tpu.memory_space<vmem_shared>> -> memref<10240x128xf32, #tpu.memory_space<vmem_shared>>
        tpu.wait_indirect_dma semaphore(%run_scoped3A_790 : memref<!tpu.dma_semaphore, #tpu.memory_space<semaphore_mem>>) src(%arg11 : memref<64x128xf32, #tpu.memory_space<vmem>>) dst(%dma_wait3A_802 : memref<10240x128xf32, #tpu.memory_space<vmem_shared>>)
        tpu.yield
      }) : () -> ()
      %add3A_782 = arith.constant 3 : i32
      %add3A_783 = arith.addi %add3A_774, %add3A_782 : i32
      %dma_start3A_784 = arith.constant 0 : i32
      %dma_start3A_785 = tpu.memref_slice %arg7[%add3A_783, %dma_start3A_784] : memref<80x64xi32, #tpu.memory_space<vmem>> -> memref<1x64xi32, #tpu.memory_space<vmem>>
      %dma_start3A_786 = tpu.memref_squeeze %dma_start3A_785 : memref<1x64xi32, #tpu.memory_space<vmem>> -> memref<64xi32, #tpu.memory_space<vmem>>
      %dma_start3A_787 = arith.constant 0 : i32
      %dma_start3A_788 = arith.constant 0 : i32
      %dma_start3A_789 = tpu.memref_slice %arg2[%dma_start3A_787, %dma_start3A_788] : memref<10000x128xf32, #tpu.memory_space<hbm>> -> memref<10000x128xf32, #tpu.memory_space<hbm>>
      tpu.enqueue_indirect_dma source(%dma_start3A_789 : memref<10000x128xf32, #tpu.memory_space<hbm>>) target(%arg11 : memref<64x128xf32, #tpu.memory_space<vmem>>) offsets(%dma_start3A_786 : memref<64xi32, #tpu.memory_space<vmem>>) semaphore(%arg15 : memref<!tpu.dma_semaphore, #tpu.memory_space<semaphore_mem>>)
    }
    %scan3A_436 = arith.constant 25 : i32
    %dma_wait3A_437 = arith.constant 0 : i32
    %dma_wait3A_438 = arith.constant 0 : i32
    %dma_wait3A_439 = tpu.memref_slice %arg7[%dma_wait3A_437, %dma_wait3A_438] : memref<80x64xi32, #tpu.memory_space<vmem>> -> memref<1x64xi32, #tpu.memory_space<vmem>>
    %dma_wait3A_440 = tpu.memref_squeeze %dma_wait3A_439 : memref<1x64xi32, #tpu.memory_space<vmem>> -> memref<64xi32, #tpu.memory_space<vmem>>
    %dma_wait3A_441 = arith.constant 0 : i32
    %dma_wait3A_442 = arith.constant 0 : i32
    %dma_wait3A_443 = tpu.memref_slice %arg2[%dma_wait3A_441, %dma_wait3A_442] : memref<10000x128xf32, #tpu.memory_space<hbm>> -> memref<10000x128xf32, #tpu.memory_space<hbm>>
    tpu.wait_indirect_dma semaphore(%arg13 : memref<!tpu.dma_semaphore, #tpu.memory_space<semaphore_mem>>) src(%dma_wait3A_443 : memref<10000x128xf32, #tpu.memory_space<hbm>>) dst(%arg9 : memref<64x128xf32, #tpu.memory_space<vmem>>)
    %run_scoped3A = arith.constant 75 : i32
    "tpu.region"() ({
      %run_scoped3A_732 = tpu.sem_alloc : memref<!tpu.dma_semaphore, #tpu.memory_space<semaphore_mem>>
      %dma_start3A_733 = arith.constant 0 : i32
      %dma_start3A_734 = tpu.memref_slice %arg8[%run_scoped3A, %dma_start3A_733] : memref<80x64xi32, #tpu.memory_space<vmem>> -> memref<1x64xi32, #tpu.memory_space<vmem>>
      %dma_start3A_735 = tpu.memref_squeeze %dma_start3A_734 : memref<1x64xi32, #tpu.memory_space<vmem>> -> memref<64xi32, #tpu.memory_space<vmem>>
      %dma_start3A_736 = arith.constant 0 : i32
      %dma_start3A_737 = arith.constant 0 : i32
      %dma_start3A_738 = tpu.memref_slice %arg12[%dma_start3A_736, %dma_start3A_737] : memref<10240x128xf32, #tpu.memory_space<vmem_shared>> -> memref<10240x128xf32, #tpu.memory_space<vmem_shared>>
      tpu.enqueue_indirect_dma source(%arg9 : memref<64x128xf32, #tpu.memory_space<vmem>>) target(%dma_start3A_738 : memref<10240x128xf32, #tpu.memory_space<vmem_shared>>) offsets(%dma_start3A_735 : memref<64xi32, #tpu.memory_space<vmem>>) semaphore(%run_scoped3A_732 : memref<!tpu.dma_semaphore, #tpu.memory_space<semaphore_mem>>) {add = true}
      %dma_wait3A_739 = arith.constant 0 : i32
      %dma_wait3A_740 = tpu.memref_slice %arg8[%run_scoped3A, %dma_wait3A_739] : memref<80x64xi32, #tpu.memory_space<vmem>> -> memref<1x64xi32, #tpu.memory_space<vmem>>
      %dma_wait3A_741 = tpu.memref_squeeze %dma_wait3A_740 : memref<1x64xi32, #tpu.memory_space<vmem>> -> memref<64xi32, #tpu.memory_space<vmem>>
      %dma_wait3A_742 = arith.constant 0 : i32
      %dma_wait3A_743 = arith.constant 0 : i32
      %dma_wait3A_744 = tpu.memref_slice %arg12[%dma_wait3A_742, %dma_wait3A_743] : memref<10240x128xf32, #tpu.memory_space<vmem_shared>> -> memref<10240x128xf32, #tpu.memory_space<vmem_shared>>
      tpu.wait_indirect_dma semaphore(%run_scoped3A_732 : memref<!tpu.dma_semaphore, #tpu.memory_space<semaphore_mem>>) src(%arg9 : memref<64x128xf32, #tpu.memory_space<vmem>>) dst(%dma_wait3A_744 : memref<10240x128xf32, #tpu.memory_space<vmem_shared>>)
      tpu.yield
    }) : () -> ()
    %dma_start3A_444 = arith.constant 78 : i32
    %dma_start3A_445 = arith.constant 0 : i32
    %dma_start3A_446 = tpu.memref_slice %arg7[%dma_start3A_444, %dma_start3A_445] : memref<80x64xi32, #tpu.memory_space<vmem>> -> memref<1x64xi32, #tpu.memory_space<vmem>>
    %dma_start3A_447 = tpu.memref_squeeze %dma_start3A_446 : memref<1x64xi32, #tpu.memory_space<vmem>> -> memref<64xi32, #tpu.memory_space<vmem>>
    %dma_start3A_448 = arith.constant 0 : i32
    %dma_start3A_449 = arith.constant 0 : i32
    %dma_start3A_450 = tpu.memref_slice %arg2[%dma_start3A_448, %dma_start3A_449] : memref<10000x128xf32, #tpu.memory_space<hbm>> -> memref<10000x128xf32, #tpu.memory_space<hbm>>
    tpu.enqueue_indirect_dma source(%dma_start3A_450 : memref<10000x128xf32, #tpu.memory_space<hbm>>) target(%arg9 : memref<64x128xf32, #tpu.memory_space<vmem>>) offsets(%dma_start3A_447 : memref<64xi32, #tpu.memory_space<vmem>>) semaphore(%arg13 : memref<!tpu.dma_semaphore, #tpu.memory_space<semaphore_mem>>)
    %dma_wait3A_451 = arith.constant 0 : i32
    %dma_wait3A_452 = arith.constant 0 : i32
    %dma_wait3A_453 = tpu.memref_slice %arg7[%dma_wait3A_451, %dma_wait3A_452] : memref<80x64xi32, #tpu.memory_space<vmem>> -> memref<1x64xi32, #tpu.memory_space<vmem>>
    %dma_wait3A_454 = tpu.memref_squeeze %dma_wait3A_453 : memref<1x64xi32, #tpu.memory_space<vmem>> -> memref<64xi32, #tpu.memory_space<vmem>>
    %dma_wait3A_455 = arith.constant 0 : i32
    %dma_wait3A_456 = arith.constant 0 : i32
    %dma_wait3A_457 = tpu.memref_slice %arg2[%dma_wait3A_455, %dma_wait3A_456] : memref<10000x128xf32, #tpu.memory_space<hbm>> -> memref<10000x128xf32, #tpu.memory_space<hbm>>
    tpu.wait_indirect_dma semaphore(%arg14 : memref<!tpu.dma_semaphore, #tpu.memory_space<semaphore_mem>>) src(%dma_wait3A_457 : memref<10000x128xf32, #tpu.memory_space<hbm>>) dst(%arg10 : memref<64x128xf32, #tpu.memory_space<vmem>>)
    %run_scoped3A_458 = arith.constant 76 : i32
    "tpu.region"() ({
      %run_scoped3A_732 = tpu.sem_alloc : memref<!tpu.dma_semaphore, #tpu.memory_space<semaphore_mem>>
      %dma_start3A_733 = arith.constant 0 : i32
      %dma_start3A_734 = tpu.memref_slice %arg8[%run_scoped3A_458, %dma_start3A_733] : memref<80x64xi32, #tpu.memory_space<vmem>> -> memref<1x64xi32, #tpu.memory_space<vmem>>
      %dma_start3A_735 = tpu.memref_squeeze %dma_start3A_734 : memref<1x64xi32, #tpu.memory_space<vmem>> -> memref<64xi32, #tpu.memory_space<vmem>>
      %dma_start3A_736 = arith.constant 0 : i32
      %dma_start3A_737 = arith.constant 0 : i32
      %dma_start3A_738 = tpu.memref_slice %arg12[%dma_start3A_736, %dma_start3A_737] : memref<10240x128xf32, #tpu.memory_space<vmem_shared>> -> memref<10240x128xf32, #tpu.memory_space<vmem_shared>>
      tpu.enqueue_indirect_dma source(%arg10 : memref<64x128xf32, #tpu.memory_space<vmem>>) target(%dma_start3A_738 : memref<10240x128xf32, #tpu.memory_space<vmem_shared>>) offsets(%dma_start3A_735 : memref<64xi32, #tpu.memory_space<vmem>>) semaphore(%run_scoped3A_732 : memref<!tpu.dma_semaphore, #tpu.memory_space<semaphore_mem>>) {add = true}
      %dma_wait3A_739 = arith.constant 0 : i32
      %dma_wait3A_740 = tpu.memref_slice %arg8[%run_scoped3A_458, %dma_wait3A_739] : memref<80x64xi32, #tpu.memory_space<vmem>> -> memref<1x64xi32, #tpu.memory_space<vmem>>
      %dma_wait3A_741 = tpu.memref_squeeze %dma_wait3A_740 : memref<1x64xi32, #tpu.memory_space<vmem>> -> memref<64xi32, #tpu.memory_space<vmem>>
      %dma_wait3A_742 = arith.constant 0 : i32
      %dma_wait3A_743 = arith.constant 0 : i32
      %dma_wait3A_744 = tpu.memref_slice %arg12[%dma_wait3A_742, %dma_wait3A_743] : memref<10240x128xf32, #tpu.memory_space<vmem_shared>> -> memref<10240x128xf32, #tpu.memory_space<vmem_shared>>
      tpu.wait_indirect_dma semaphore(%run_scoped3A_732 : memref<!tpu.dma_semaphore, #tpu.memory_space<semaphore_mem>>) src(%arg10 : memref<64x128xf32, #tpu.memory_space<vmem>>) dst(%dma_wait3A_744 : memref<10240x128xf32, #tpu.memory_space<vmem_shared>>)
      tpu.yield
    }) : () -> ()
    %dma_start3A_459 = arith.constant 79 : i32
    %dma_start3A_460 = arith.constant 0 : i32
    %dma_start3A_461 = tpu.memref_slice %arg7[%dma_start3A_459, %dma_start3A_460] : memref<80x64xi32, #tpu.memory_space<vmem>> -> memref<1x64xi32, #tpu.memory_space<vmem>>
    %dma_start3A_462 = tpu.memref_squeeze %dma_start3A_461 : memref<1x64xi32, #tpu.memory_space<vmem>> -> memref<64xi32, #tpu.memory_space<vmem>>
    %dma_start3A_463 = arith.constant 0 : i32
    %dma_start3A_464 = arith.constant 0 : i32
    %dma_start3A_465 = tpu.memref_slice %arg2[%dma_start3A_463, %dma_start3A_464] : memref<10000x128xf32, #tpu.memory_space<hbm>> -> memref<10000x128xf32, #tpu.memory_space<hbm>>
    tpu.enqueue_indirect_dma source(%dma_start3A_465 : memref<10000x128xf32, #tpu.memory_space<hbm>>) target(%arg10 : memref<64x128xf32, #tpu.memory_space<vmem>>) offsets(%dma_start3A_462 : memref<64xi32, #tpu.memory_space<vmem>>) semaphore(%arg14 : memref<!tpu.dma_semaphore, #tpu.memory_space<semaphore_mem>>)
    %dma_wait3A_466 = arith.constant 0 : i32
    %dma_wait3A_467 = arith.constant 0 : i32
    %dma_wait3A_468 = tpu.memref_slice %arg7[%dma_wait3A_466, %dma_wait3A_467] : memref<80x64xi32, #tpu.memory_space<vmem>> -> memref<1x64xi32, #tpu.memory_space<vmem>>
    %dma_wait3A_469 = tpu.memref_squeeze %dma_wait3A_468 : memref<1x64xi32, #tpu.memory_space<vmem>> -> memref<64xi32, #tpu.memory_space<vmem>>
    %dma_wait3A_470 = arith.constant 0 : i32
    %dma_wait3A_471 = arith.constant 0 : i32
    %dma_wait3A_472 = tpu.memref_slice %arg2[%dma_wait3A_470, %dma_wait3A_471] : memref<10000x128xf32, #tpu.memory_space<hbm>> -> memref<10000x128xf32, #tpu.memory_space<hbm>>
    tpu.wait_indirect_dma semaphore(%arg15 : memref<!tpu.dma_semaphore, #tpu.memory_space<semaphore_mem>>) src(%dma_wait3A_472 : memref<10000x128xf32, #tpu.memory_space<hbm>>) dst(%arg11 : memref<64x128xf32, #tpu.memory_space<vmem>>)
    %run_scoped3A_473 = arith.constant 77 : i32
    "tpu.region"() ({
      %run_scoped3A_732 = tpu.sem_alloc : memref<!tpu.dma_semaphore, #tpu.memory_space<semaphore_mem>>
      %dma_start3A_733 = arith.constant 0 : i32
      %dma_start3A_734 = tpu.memref_slice %arg8[%run_scoped3A_473, %dma_start3A_733] : memref<80x64xi32, #tpu.memory_space<vmem>> -> memref<1x64xi32, #tpu.memory_space<vmem>>
      %dma_start3A_735 = tpu.memref_squeeze %dma_start3A_734 : memref<1x64xi32, #tpu.memory_space<vmem>> -> memref<64xi32, #tpu.memory_space<vmem>>
      %dma_start3A_736 = arith.constant 0 : i32
      %dma_start3A_737 = arith.constant 0 : i32
      %dma_start3A_738 = tpu.memref_slice %arg12[%dma_start3A_736, %dma_start3A_737] : memref<10240x128xf32, #tpu.memory_space<vmem_shared>> -> memref<10240x128xf32, #tpu.memory_space<vmem_shared>>
      tpu.enqueue_indirect_dma source(%arg11 : memref<64x128xf32, #tpu.memory_space<vmem>>) target(%dma_start3A_738 : memref<10240x128xf32, #tpu.memory_space<vmem_shared>>) offsets(%dma_start3A_735 : memref<64xi32, #tpu.memory_space<vmem>>) semaphore(%run_scoped3A_732 : memref<!tpu.dma_semaphore, #tpu.memory_space<semaphore_mem>>) {add = true}
      %dma_wait3A_739 = arith.constant 0 : i32
      %dma_wait3A_740 = tpu.memref_slice %arg8[%run_scoped3A_473, %dma_wait3A_739] : memref<80x64xi32, #tpu.memory_space<vmem>> -> memref<1x64xi32, #tpu.memory_space<vmem>>
      %dma_wait3A_741 = tpu.memref_squeeze %dma_wait3A_740 : memref<1x64xi32, #tpu.memory_space<vmem>> -> memref<64xi32, #tpu.memory_space<vmem>>
      %dma_wait3A_742 = arith.constant 0 : i32
      %dma_wait3A_743 = arith.constant 0 : i32
      %dma_wait3A_744 = tpu.memref_slice %arg12[%dma_wait3A_742, %dma_wait3A_743] : memref<10240x128xf32, #tpu.memory_space<vmem_shared>> -> memref<10240x128xf32, #tpu.memory_space<vmem_shared>>
      tpu.wait_indirect_dma semaphore(%run_scoped3A_732 : memref<!tpu.dma_semaphore, #tpu.memory_space<semaphore_mem>>) src(%arg11 : memref<64x128xf32, #tpu.memory_space<vmem>>) dst(%dma_wait3A_744 : memref<10240x128xf32, #tpu.memory_space<vmem_shared>>)
      tpu.yield
    }) : () -> ()
    %dma_wait3A_474 = arith.constant 0 : i32
    %dma_wait3A_475 = arith.constant 0 : i32
    %dma_wait3A_476 = tpu.memref_slice %arg7[%dma_wait3A_474, %dma_wait3A_475] : memref<80x64xi32, #tpu.memory_space<vmem>> -> memref<1x64xi32, #tpu.memory_space<vmem>>
    %dma_wait3A_477 = tpu.memref_squeeze %dma_wait3A_476 : memref<1x64xi32, #tpu.memory_space<vmem>> -> memref<64xi32, #tpu.memory_space<vmem>>
    %dma_wait3A_478 = arith.constant 0 : i32
    %dma_wait3A_479 = arith.constant 0 : i32
    %dma_wait3A_480 = tpu.memref_slice %arg2[%dma_wait3A_478, %dma_wait3A_479] : memref<10000x128xf32, #tpu.memory_space<hbm>> -> memref<10000x128xf32, #tpu.memory_space<hbm>>
    tpu.wait_indirect_dma semaphore(%arg13 : memref<!tpu.dma_semaphore, #tpu.memory_space<semaphore_mem>>) src(%dma_wait3A_480 : memref<10000x128xf32, #tpu.memory_space<hbm>>) dst(%arg9 : memref<64x128xf32, #tpu.memory_space<vmem>>)
    %run_scoped3A_481 = arith.constant 78 : i32
    "tpu.region"() ({
      %run_scoped3A_732 = tpu.sem_alloc : memref<!tpu.dma_semaphore, #tpu.memory_space<semaphore_mem>>
      %dma_start3A_733 = arith.constant 0 : i32
      %dma_start3A_734 = tpu.memref_slice %arg8[%run_scoped3A_481, %dma_start3A_733] : memref<80x64xi32, #tpu.memory_space<vmem>> -> memref<1x64xi32, #tpu.memory_space<vmem>>
      %dma_start3A_735 = tpu.memref_squeeze %dma_start3A_734 : memref<1x64xi32, #tpu.memory_space<vmem>> -> memref<64xi32, #tpu.memory_space<vmem>>
      %dma_start3A_736 = arith.constant 0 : i32
      %dma_start3A_737 = arith.constant 0 : i32
      %dma_start3A_738 = tpu.memref_slice %arg12[%dma_start3A_736, %dma_start3A_737] : memref<10240x128xf32, #tpu.memory_space<vmem_shared>> -> memref<10240x128xf32, #tpu.memory_space<vmem_shared>>
      tpu.enqueue_indirect_dma source(%arg9 : memref<64x128xf32, #tpu.memory_space<vmem>>) target(%dma_start3A_738 : memref<10240x128xf32, #tpu.memory_space<vmem_shared>>) offsets(%dma_start3A_735 : memref<64xi32, #tpu.memory_space<vmem>>) semaphore(%run_scoped3A_732 : memref<!tpu.dma_semaphore, #tpu.memory_space<semaphore_mem>>) {add = true}
      %dma_wait3A_739 = arith.constant 0 : i32
      %dma_wait3A_740 = tpu.memref_slice %arg8[%run_scoped3A_481, %dma_wait3A_739] : memref<80x64xi32, #tpu.memory_space<vmem>> -> memref<1x64xi32, #tpu.memory_space<vmem>>
      %dma_wait3A_741 = tpu.memref_squeeze %dma_wait3A_740 : memref<1x64xi32, #tpu.memory_space<vmem>> -> memref<64xi32, #tpu.memory_space<vmem>>
      %dma_wait3A_742 = arith.constant 0 : i32
      %dma_wait3A_743 = arith.constant 0 : i32
      %dma_wait3A_744 = tpu.memref_slice %arg12[%dma_wait3A_742, %dma_wait3A_743] : memref<10240x128xf32, #tpu.memory_space<vmem_shared>> -> memref<10240x128xf32, #tpu.memory_space<vmem_shared>>
      tpu.wait_indirect_dma semaphore(%run_scoped3A_732 : memref<!tpu.dma_semaphore, #tpu.memory_space<semaphore_mem>>) src(%arg9 : memref<64x128xf32, #tpu.memory_space<vmem>>) dst(%dma_wait3A_744 : memref<10240x128xf32, #tpu.memory_space<vmem_shared>>)
      tpu.yield
    }) : () -> ()
    %dma_wait3A_482 = arith.constant 0 : i32
    %dma_wait3A_483 = arith.constant 0 : i32
    %dma_wait3A_484 = tpu.memref_slice %arg7[%dma_wait3A_482, %dma_wait3A_483] : memref<80x64xi32, #tpu.memory_space<vmem>> -> memref<1x64xi32, #tpu.memory_space<vmem>>
    %dma_wait3A_485 = tpu.memref_squeeze %dma_wait3A_484 : memref<1x64xi32, #tpu.memory_space<vmem>> -> memref<64xi32, #tpu.memory_space<vmem>>
    %dma_wait3A_486 = arith.constant 0 : i32
    %dma_wait3A_487 = arith.constant 0 : i32
    %dma_wait3A_488 = tpu.memref_slice %arg2[%dma_wait3A_486, %dma_wait3A_487] : memref<10000x128xf32, #tpu.memory_space<hbm>> -> memref<10000x128xf32, #tpu.memory_space<hbm>>
    tpu.wait_indirect_dma semaphore(%arg14 : memref<!tpu.dma_semaphore, #tpu.memory_space<semaphore_mem>>) src(%dma_wait3A_488 : memref<10000x128xf32, #tpu.memory_space<hbm>>) dst(%arg10 : memref<64x128xf32, #tpu.memory_space<vmem>>)
    %run_scoped3A_489 = arith.constant 79 : i32
    "tpu.region"() ({
      %run_scoped3A_732 = tpu.sem_alloc : memref<!tpu.dma_semaphore, #tpu.memory_space<semaphore_mem>>
      %dma_start3A_733 = arith.constant 0 : i32
      %dma_start3A_734 = tpu.memref_slice %arg8[%run_scoped3A_489, %dma_start3A_733] : memref<80x64xi32, #tpu.memory_space<vmem>> -> memref<1x64xi32, #tpu.memory_space<vmem>>
      %dma_start3A_735 = tpu.memref_squeeze %dma_start3A_734 : memref<1x64xi32, #tpu.memory_space<vmem>> -> memref<64xi32, #tpu.memory_space<vmem>>
      %dma_start3A_736 = arith.constant 0 : i32
      %dma_start3A_737 = arith.constant 0 : i32
      %dma_start3A_738 = tpu.memref_slice %arg12[%dma_start3A_736, %dma_start3A_737] : memref<10240x128xf32, #tpu.memory_space<vmem_shared>> -> memref<10240x128xf32, #tpu.memory_space<vmem_shared>>
      tpu.enqueue_indirect_dma source(%arg10 : memref<64x128xf32, #tpu.memory_space<vmem>>) target(%dma_start3A_738 : memref<10240x128xf32, #tpu.memory_space<vmem_shared>>) offsets(%dma_start3A_735 : memref<64xi32, #tpu.memory_space<vmem>>) semaphore(%run_scoped3A_732 : memref<!tpu.dma_semaphore, #tpu.memory_space<semaphore_mem>>) {add = true}
      %dma_wait3A_739 = arith.constant 0 : i32
      %dma_wait3A_740 = tpu.memref_slice %arg8[%run_scoped3A_489, %dma_wait3A_739] : memref<80x64xi32, #tpu.memory_space<vmem>> -> memref<1x64xi32, #tpu.memory_space<vmem>>
      %dma_wait3A_741 = tpu.memref_squeeze %dma_wait3A_740 : memref<1x64xi32, #tpu.memory_space<vmem>> -> memref<64xi32, #tpu.memory_space<vmem>>
      %dma_wait3A_742 = arith.constant 0 : i32
      %dma_wait3A_743 = arith.constant 0 : i32
      %dma_wait3A_744 = tpu.memref_slice %arg12[%dma_wait3A_742, %dma_wait3A_743] : memref<10240x128xf32, #tpu.memory_space<vmem_shared>> -> memref<10240x128xf32, #tpu.memory_space<vmem_shared>>
      tpu.wait_indirect_dma semaphore(%run_scoped3A_732 : memref<!tpu.dma_semaphore, #tpu.memory_space<semaphore_mem>>) src(%arg10 : memref<64x128xf32, #tpu.memory_space<vmem>>) dst(%dma_wait3A_744 : memref<10240x128xf32, #tpu.memory_space<vmem_shared>>)
      tpu.yield
    }) : () -> ()
    "tpu.region"() ({
      %run_scoped3A_732 = tpu.sem_alloc : memref<!tpu.dma_semaphore, #tpu.memory_space<semaphore_mem>>
      %dma_start3A_733 = arith.constant 80 : i32
      %dma_start3A_734 = arith.constant 0 : i32
      %dma_start3A_735 = tpu.memref_slice %arg3[%add3A, %dma_start3A_733, %dma_start3A_734] : memref<32x160x64xi32, #tpu.memory_space<hbm>> -> memref<1x80x64xi32, #tpu.memory_space<hbm>>
      %dma_start3A_736 = tpu.memref_squeeze %dma_start3A_735 : memref<1x80x64xi32, #tpu.memory_space<hbm>> -> memref<80x64xi32, #tpu.memory_space<hbm>>
      %dma_start3A_737 = arith.constant 80 : i32
      %dma_start3A_738 = arith.constant 0 : i32
      %dma_start3A_739 = tpu.memref_slice %arg3[%add3A, %dma_start3A_737, %dma_start3A_738] : memref<32x160x64xi32, #tpu.memory_space<hbm>> -> memref<1x80x64xi32, #tpu.memory_space<hbm>>
      %dma_start3A_740 = tpu.memref_squeeze %dma_start3A_739 : memref<1x80x64xi32, #tpu.memory_space<hbm>> -> memref<80x64xi32, #tpu.memory_space<hbm>>
      tpu.enqueue_dma source(%dma_start3A_740 : memref<80x64xi32, #tpu.memory_space<hbm>>) target(%arg7 : memref<80x64xi32, #tpu.memory_space<vmem>>) target_semaphore(%run_scoped3A_732 : memref<!tpu.dma_semaphore, #tpu.memory_space<semaphore_mem>>)
      %dma_wait3A_741 = arith.constant 80 : i32
      %dma_wait3A_742 = arith.constant 0 : i32
      %dma_wait3A_743 = tpu.memref_slice %arg3[%add3A, %dma_wait3A_741, %dma_wait3A_742] : memref<32x160x64xi32, #tpu.memory_space<hbm>> -> memref<1x80x64xi32, #tpu.memory_space<hbm>>
      %dma_wait3A_744 = tpu.memref_squeeze %dma_wait3A_743 : memref<1x80x64xi32, #tpu.memory_space<hbm>> -> memref<80x64xi32, #tpu.memory_space<hbm>>
      %dma_wait3A_745 = arith.constant 80 : i32
      %dma_wait3A_746 = arith.constant 0 : i32
      %dma_wait3A_747 = tpu.memref_slice %arg3[%add3A, %dma_wait3A_745, %dma_wait3A_746] : memref<32x160x64xi32, #tpu.memory_space<hbm>> -> memref<1x80x64xi32, #tpu.memory_space<hbm>>
      %dma_wait3A_748 = tpu.memref_squeeze %dma_wait3A_747 : memref<1x80x64xi32, #tpu.memory_space<hbm>> -> memref<80x64xi32, #tpu.memory_space<hbm>>
      tpu.wait_dma2 semaphore(%run_scoped3A_732 : memref<!tpu.dma_semaphore, #tpu.memory_space<semaphore_mem>>) src(%dma_wait3A_748 : memref<80x64xi32, #tpu.memory_space<hbm>>) dst(%arg7 : memref<80x64xi32, #tpu.memory_space<vmem>>)
      tpu.yield
    }) : () -> ()
    "tpu.region"() ({
      %run_scoped3A_732 = tpu.sem_alloc : memref<!tpu.dma_semaphore, #tpu.memory_space<semaphore_mem>>
      %dma_start3A_733 = arith.constant 80 : i32
      %dma_start3A_734 = arith.constant 0 : i32
      %dma_start3A_735 = tpu.memref_slice %arg4[%add3A, %dma_start3A_733, %dma_start3A_734] : memref<32x160x64xi32, #tpu.memory_space<hbm>> -> memref<1x80x64xi32, #tpu.memory_space<hbm>>
      %dma_start3A_736 = tpu.memref_squeeze %dma_start3A_735 : memref<1x80x64xi32, #tpu.memory_space<hbm>> -> memref<80x64xi32, #tpu.memory_space<hbm>>
      %dma_start3A_737 = arith.constant 80 : i32
      %dma_start3A_738 = arith.constant 0 : i32
      %dma_start3A_739 = tpu.memref_slice %arg4[%add3A, %dma_start3A_737, %dma_start3A_738] : memref<32x160x64xi32, #tpu.memory_space<hbm>> -> memref<1x80x64xi32, #tpu.memory_space<hbm>>
      %dma_start3A_740 = tpu.memref_squeeze %dma_start3A_739 : memref<1x80x64xi32, #tpu.memory_space<hbm>> -> memref<80x64xi32, #tpu.memory_space<hbm>>
      tpu.enqueue_dma source(%dma_start3A_740 : memref<80x64xi32, #tpu.memory_space<hbm>>) target(%arg8 : memref<80x64xi32, #tpu.memory_space<vmem>>) target_semaphore(%run_scoped3A_732 : memref<!tpu.dma_semaphore, #tpu.memory_space<semaphore_mem>>)
      %dma_wait3A_741 = arith.constant 80 : i32
      %dma_wait3A_742 = arith.constant 0 : i32
      %dma_wait3A_743 = tpu.memref_slice %arg4[%add3A, %dma_wait3A_741, %dma_wait3A_742] : memref<32x160x64xi32, #tpu.memory_space<hbm>> -> memref<1x80x64xi32, #tpu.memory_space<hbm>>
      %dma_wait3A_744 = tpu.memref_squeeze %dma_wait3A_743 : memref<1x80x64xi32, #tpu.memory_space<hbm>> -> memref<80x64xi32, #tpu.memory_space<hbm>>
      %dma_wait3A_745 = arith.constant 80 : i32
      %dma_wait3A_746 = arith.constant 0 : i32
      %dma_wait3A_747 = tpu.memref_slice %arg4[%add3A, %dma_wait3A_745, %dma_wait3A_746] : memref<32x160x64xi32, #tpu.memory_space<hbm>> -> memref<1x80x64xi32, #tpu.memory_space<hbm>>
      %dma_wait3A_748 = tpu.memref_squeeze %dma_wait3A_747 : memref<1x80x64xi32, #tpu.memory_space<hbm>> -> memref<80x64xi32, #tpu.memory_space<hbm>>
      tpu.wait_dma2 semaphore(%run_scoped3A_732 : memref<!tpu.dma_semaphore, #tpu.memory_space<semaphore_mem>>) src(%dma_wait3A_748 : memref<80x64xi32, #tpu.memory_space<hbm>>) dst(%arg8 : memref<80x64xi32, #tpu.memory_space<vmem>>)
      tpu.yield
    }) : () -> ()
    %dma_start3A_490 = arith.constant 0 : i32
    %dma_start3A_491 = arith.constant 0 : i32
    %dma_start3A_492 = tpu.memref_slice %arg7[%dma_start3A_490, %dma_start3A_491] : memref<80x64xi32, #tpu.memory_space<vmem>> -> memref<1x64xi32, #tpu.memory_space<vmem>>
    %dma_start3A_493 = tpu.memref_squeeze %dma_start3A_492 : memref<1x64xi32, #tpu.memory_space<vmem>> -> memref<64xi32, #tpu.memory_space<vmem>>
    %dma_start3A_494 = arith.constant 0 : i32
    %dma_start3A_495 = arith.constant 0 : i32
    %dma_start3A_496 = tpu.memref_slice %arg2[%dma_start3A_494, %dma_start3A_495] : memref<10000x128xf32, #tpu.memory_space<hbm>> -> memref<10000x128xf32, #tpu.memory_space<hbm>>
    tpu.enqueue_indirect_dma source(%dma_start3A_496 : memref<10000x128xf32, #tpu.memory_space<hbm>>) target(%arg9 : memref<64x128xf32, #tpu.memory_space<vmem>>) offsets(%dma_start3A_493 : memref<64xi32, #tpu.memory_space<vmem>>) semaphore(%arg13 : memref<!tpu.dma_semaphore, #tpu.memory_space<semaphore_mem>>)
    %dma_start3A_497 = arith.constant 1 : i32
    %dma_start3A_498 = arith.constant 0 : i32
    %dma_start3A_499 = tpu.memref_slice %arg7[%dma_start3A_497, %dma_start3A_498] : memref<80x64xi32, #tpu.memory_space<vmem>> -> memref<1x64xi32, #tpu.memory_space<vmem>>
    %dma_start3A_500 = tpu.memref_squeeze %dma_start3A_499 : memref<1x64xi32, #tpu.memory_space<vmem>> -> memref<64xi32, #tpu.memory_space<vmem>>
    %dma_start3A_501 = arith.constant 0 : i32
    %dma_start3A_502 = arith.constant 0 : i32
    %dma_start3A_503 = tpu.memref_slice %arg2[%dma_start3A_501, %dma_start3A_502] : memref<10000x128xf32, #tpu.memory_space<hbm>> -> memref<10000x128xf32, #tpu.memory_space<hbm>>
    tpu.enqueue_indirect_dma source(%dma_start3A_503 : memref<10000x128xf32, #tpu.memory_space<hbm>>) target(%arg10 : memref<64x128xf32, #tpu.memory_space<vmem>>) offsets(%dma_start3A_500 : memref<64xi32, #tpu.memory_space<vmem>>) semaphore(%arg14 : memref<!tpu.dma_semaphore, #tpu.memory_space<semaphore_mem>>)
    %dma_start3A_504 = arith.constant 2 : i32
    %dma_start3A_505 = arith.constant 0 : i32
    %dma_start3A_506 = tpu.memref_slice %arg7[%dma_start3A_504, %dma_start3A_505] : memref<80x64xi32, #tpu.memory_space<vmem>> -> memref<1x64xi32, #tpu.memory_space<vmem>>
    %dma_start3A_507 = tpu.memref_squeeze %dma_start3A_506 : memref<1x64xi32, #tpu.memory_space<vmem>> -> memref<64xi32, #tpu.memory_space<vmem>>
    %dma_start3A_508 = arith.constant 0 : i32
    %dma_start3A_509 = arith.constant 0 : i32
    %dma_start3A_510 = tpu.memref_slice %arg2[%dma_start3A_508, %dma_start3A_509] : memref<10000x128xf32, #tpu.memory_space<hbm>> -> memref<10000x128xf32, #tpu.memory_space<hbm>>
    tpu.enqueue_indirect_dma source(%dma_start3A_510 : memref<10000x128xf32, #tpu.memory_space<hbm>>) target(%arg11 : memref<64x128xf32, #tpu.memory_space<vmem>>) offsets(%dma_start3A_507 : memref<64xi32, #tpu.memory_space<vmem>>) semaphore(%arg15 : memref<!tpu.dma_semaphore, #tpu.memory_space<semaphore_mem>>)
    %scan3A_511 = arith.constant 0 : i32
    %scan3A_512 = arith.constant 0 : i32
    %scan3A_513 = arith.constant 25 : i32
    %scan3A_514 = arith.addi %scan3A_512, %scan3A_513 : i32
    %scan3A_515 = arith.constant 1 : i32
    scf.for %scan3A_732 = %scan3A_512 to %scan3A_514 step %scan3A_515  : i32 {
      %mul3A_733 = arith.constant 3 : i32
      %mul3A_734 = arith.muli %mul3A_733, %scan3A_732 : i32
      %add3A_735 = arith.constant 0 : i32
      %add3A_736 = arith.addi %mul3A_734, %add3A_735 : i32
      %dma_wait3A_737 = arith.constant 0 : i32
      %dma_wait3A_738 = arith.constant 0 : i32
      %dma_wait3A_739 = tpu.memref_slice %arg7[%dma_wait3A_737, %dma_wait3A_738] : memref<80x64xi32, #tpu.memory_space<vmem>> -> memref<1x64xi32, #tpu.memory_space<vmem>>
      %dma_wait3A_740 = tpu.memref_squeeze %dma_wait3A_739 : memref<1x64xi32, #tpu.memory_space<vmem>> -> memref<64xi32, #tpu.memory_space<vmem>>
      %dma_wait3A_741 = arith.constant 0 : i32
      %dma_wait3A_742 = arith.constant 0 : i32
      %dma_wait3A_743 = tpu.memref_slice %arg2[%dma_wait3A_741, %dma_wait3A_742] : memref<10000x128xf32, #tpu.memory_space<hbm>> -> memref<10000x128xf32, #tpu.memory_space<hbm>>
      tpu.wait_indirect_dma semaphore(%arg13 : memref<!tpu.dma_semaphore, #tpu.memory_space<semaphore_mem>>) src(%dma_wait3A_743 : memref<10000x128xf32, #tpu.memory_space<hbm>>) dst(%arg9 : memref<64x128xf32, #tpu.memory_space<vmem>>)
      "tpu.region"() ({
        %run_scoped3A_790 = tpu.sem_alloc : memref<!tpu.dma_semaphore, #tpu.memory_space<semaphore_mem>>
        %dma_start3A_791 = arith.constant 0 : i32
        %dma_start3A_792 = tpu.memref_slice %arg8[%add3A_736, %dma_start3A_791] : memref<80x64xi32, #tpu.memory_space<vmem>> -> memref<1x64xi32, #tpu.memory_space<vmem>>
        %dma_start3A_793 = tpu.memref_squeeze %dma_start3A_792 : memref<1x64xi32, #tpu.memory_space<vmem>> -> memref<64xi32, #tpu.memory_space<vmem>>
        %dma_start3A_794 = arith.constant 0 : i32
        %dma_start3A_795 = arith.constant 0 : i32
        %dma_start3A_796 = tpu.memref_slice %arg12[%dma_start3A_794, %dma_start3A_795] : memref<10240x128xf32, #tpu.memory_space<vmem_shared>> -> memref<10240x128xf32, #tpu.memory_space<vmem_shared>>
        tpu.enqueue_indirect_dma source(%arg9 : memref<64x128xf32, #tpu.memory_space<vmem>>) target(%dma_start3A_796 : memref<10240x128xf32, #tpu.memory_space<vmem_shared>>) offsets(%dma_start3A_793 : memref<64xi32, #tpu.memory_space<vmem>>) semaphore(%run_scoped3A_790 : memref<!tpu.dma_semaphore, #tpu.memory_space<semaphore_mem>>) {add = true}
        %dma_wait3A_797 = arith.constant 0 : i32
        %dma_wait3A_798 = tpu.memref_slice %arg8[%add3A_736, %dma_wait3A_797] : memref<80x64xi32, #tpu.memory_space<vmem>> -> memref<1x64xi32, #tpu.memory_space<vmem>>
        %dma_wait3A_799 = tpu.memref_squeeze %dma_wait3A_798 : memref<1x64xi32, #tpu.memory_space<vmem>> -> memref<64xi32, #tpu.memory_space<vmem>>
        %dma_wait3A_800 = arith.constant 0 : i32
        %dma_wait3A_801 = arith.constant 0 : i32
        %dma_wait3A_802 = tpu.memref_slice %arg12[%dma_wait3A_800, %dma_wait3A_801] : memref<10240x128xf32, #tpu.memory_space<vmem_shared>> -> memref<10240x128xf32, #tpu.memory_space<vmem_shared>>
        tpu.wait_indirect_dma semaphore(%run_scoped3A_790 : memref<!tpu.dma_semaphore, #tpu.memory_space<semaphore_mem>>) src(%arg9 : memref<64x128xf32, #tpu.memory_space<vmem>>) dst(%dma_wait3A_802 : memref<10240x128xf32, #tpu.memory_space<vmem_shared>>)
        tpu.yield
      }) : () -> ()
      %add3A_744 = arith.constant 3 : i32
      %add3A_745 = arith.addi %add3A_736, %add3A_744 : i32
      %dma_start3A_746 = arith.constant 0 : i32
      %dma_start3A_747 = tpu.memref_slice %arg7[%add3A_745, %dma_start3A_746] : memref<80x64xi32, #tpu.memory_space<vmem>> -> memref<1x64xi32, #tpu.memory_space<vmem>>
      %dma_start3A_748 = tpu.memref_squeeze %dma_start3A_747 : memref<1x64xi32, #tpu.memory_space<vmem>> -> memref<64xi32, #tpu.memory_space<vmem>>
      %dma_start3A_749 = arith.constant 0 : i32
      %dma_start3A_750 = arith.constant 0 : i32
      %dma_start3A_751 = tpu.memref_slice %arg2[%dma_start3A_749, %dma_start3A_750] : memref<10000x128xf32, #tpu.memory_space<hbm>> -> memref<10000x128xf32, #tpu.memory_space<hbm>>
      tpu.enqueue_indirect_dma source(%dma_start3A_751 : memref<10000x128xf32, #tpu.memory_space<hbm>>) target(%arg9 : memref<64x128xf32, #tpu.memory_space<vmem>>) offsets(%dma_start3A_748 : memref<64xi32, #tpu.memory_space<vmem>>) semaphore(%arg13 : memref<!tpu.dma_semaphore, #tpu.memory_space<semaphore_mem>>)
      %mul3A_752 = arith.constant 3 : i32
      %mul3A_753 = arith.muli %mul3A_752, %scan3A_732 : i32
      %add3A_754 = arith.constant 1 : i32
      %add3A_755 = arith.addi %mul3A_753, %add3A_754 : i32
      %dma_wait3A_756 = arith.constant 0 : i32
      %dma_wait3A_757 = arith.constant 0 : i32
      %dma_wait3A_758 = tpu.memref_slice %arg7[%dma_wait3A_756, %dma_wait3A_757] : memref<80x64xi32, #tpu.memory_space<vmem>> -> memref<1x64xi32, #tpu.memory_space<vmem>>
      %dma_wait3A_759 = tpu.memref_squeeze %dma_wait3A_758 : memref<1x64xi32, #tpu.memory_space<vmem>> -> memref<64xi32, #tpu.memory_space<vmem>>
      %dma_wait3A_760 = arith.constant 0 : i32
      %dma_wait3A_761 = arith.constant 0 : i32
      %dma_wait3A_762 = tpu.memref_slice %arg2[%dma_wait3A_760, %dma_wait3A_761] : memref<10000x128xf32, #tpu.memory_space<hbm>> -> memref<10000x128xf32, #tpu.memory_space<hbm>>
      tpu.wait_indirect_dma semaphore(%arg14 : memref<!tpu.dma_semaphore, #tpu.memory_space<semaphore_mem>>) src(%dma_wait3A_762 : memref<10000x128xf32, #tpu.memory_space<hbm>>) dst(%arg10 : memref<64x128xf32, #tpu.memory_space<vmem>>)
      "tpu.region"() ({
        %run_scoped3A_790 = tpu.sem_alloc : memref<!tpu.dma_semaphore, #tpu.memory_space<semaphore_mem>>
        %dma_start3A_791 = arith.constant 0 : i32
        %dma_start3A_792 = tpu.memref_slice %arg8[%add3A_755, %dma_start3A_791] : memref<80x64xi32, #tpu.memory_space<vmem>> -> memref<1x64xi32, #tpu.memory_space<vmem>>
        %dma_start3A_793 = tpu.memref_squeeze %dma_start3A_792 : memref<1x64xi32, #tpu.memory_space<vmem>> -> memref<64xi32, #tpu.memory_space<vmem>>
        %dma_start3A_794 = arith.constant 0 : i32
        %dma_start3A_795 = arith.constant 0 : i32
        %dma_start3A_796 = tpu.memref_slice %arg12[%dma_start3A_794, %dma_start3A_795] : memref<10240x128xf32, #tpu.memory_space<vmem_shared>> -> memref<10240x128xf32, #tpu.memory_space<vmem_shared>>
        tpu.enqueue_indirect_dma source(%arg10 : memref<64x128xf32, #tpu.memory_space<vmem>>) target(%dma_start3A_796 : memref<10240x128xf32, #tpu.memory_space<vmem_shared>>) offsets(%dma_start3A_793 : memref<64xi32, #tpu.memory_space<vmem>>) semaphore(%run_scoped3A_790 : memref<!tpu.dma_semaphore, #tpu.memory_space<semaphore_mem>>) {add = true}
        %dma_wait3A_797 = arith.constant 0 : i32
        %dma_wait3A_798 = tpu.memref_slice %arg8[%add3A_755, %dma_wait3A_797] : memref<80x64xi32, #tpu.memory_space<vmem>> -> memref<1x64xi32, #tpu.memory_space<vmem>>
        %dma_wait3A_799 = tpu.memref_squeeze %dma_wait3A_798 : memref<1x64xi32, #tpu.memory_space<vmem>> -> memref<64xi32, #tpu.memory_space<vmem>>
        %dma_wait3A_800 = arith.constant 0 : i32
        %dma_wait3A_801 = arith.constant 0 : i32
        %dma_wait3A_802 = tpu.memref_slice %arg12[%dma_wait3A_800, %dma_wait3A_801] : memref<10240x128xf32, #tpu.memory_space<vmem_shared>> -> memref<10240x128xf32, #tpu.memory_space<vmem_shared>>
        tpu.wait_indirect_dma semaphore(%run_scoped3A_790 : memref<!tpu.dma_semaphore, #tpu.memory_space<semaphore_mem>>) src(%arg10 : memref<64x128xf32, #tpu.memory_space<vmem>>) dst(%dma_wait3A_802 : memref<10240x128xf32, #tpu.memory_space<vmem_shared>>)
        tpu.yield
      }) : () -> ()
      %add3A_763 = arith.constant 3 : i32
      %add3A_764 = arith.addi %add3A_755, %add3A_763 : i32
      %dma_start3A_765 = arith.constant 0 : i32
      %dma_start3A_766 = tpu.memref_slice %arg7[%add3A_764, %dma_start3A_765] : memref<80x64xi32, #tpu.memory_space<vmem>> -> memref<1x64xi32, #tpu.memory_space<vmem>>
      %dma_start3A_767 = tpu.memref_squeeze %dma_start3A_766 : memref<1x64xi32, #tpu.memory_space<vmem>> -> memref<64xi32, #tpu.memory_space<vmem>>
      %dma_start3A_768 = arith.constant 0 : i32
      %dma_start3A_769 = arith.constant 0 : i32
      %dma_start3A_770 = tpu.memref_slice %arg2[%dma_start3A_768, %dma_start3A_769] : memref<10000x128xf32, #tpu.memory_space<hbm>> -> memref<10000x128xf32, #tpu.memory_space<hbm>>
      tpu.enqueue_indirect_dma source(%dma_start3A_770 : memref<10000x128xf32, #tpu.memory_space<hbm>>) target(%arg10 : memref<64x128xf32, #tpu.memory_space<vmem>>) offsets(%dma_start3A_767 : memref<64xi32, #tpu.memory_space<vmem>>) semaphore(%arg14 : memref<!tpu.dma_semaphore, #tpu.memory_space<semaphore_mem>>)
      %mul3A_771 = arith.constant 3 : i32
      %mul3A_772 = arith.muli %mul3A_771, %scan3A_732 : i32
      %add3A_773 = arith.constant 2 : i32
      %add3A_774 = arith.addi %mul3A_772, %add3A_773 : i32
      %dma_wait3A_775 = arith.constant 0 : i32
      %dma_wait3A_776 = arith.constant 0 : i32
      %dma_wait3A_777 = tpu.memref_slice %arg7[%dma_wait3A_775, %dma_wait3A_776] : memref<80x64xi32, #tpu.memory_space<vmem>> -> memref<1x64xi32, #tpu.memory_space<vmem>>
      %dma_wait3A_778 = tpu.memref_squeeze %dma_wait3A_777 : memref<1x64xi32, #tpu.memory_space<vmem>> -> memref<64xi32, #tpu.memory_space<vmem>>
      %dma_wait3A_779 = arith.constant 0 : i32
      %dma_wait3A_780 = arith.constant 0 : i32
      %dma_wait3A_781 = tpu.memref_slice %arg2[%dma_wait3A_779, %dma_wait3A_780] : memref<10000x128xf32, #tpu.memory_space<hbm>> -> memref<10000x128xf32, #tpu.memory_space<hbm>>
      tpu.wait_indirect_dma semaphore(%arg15 : memref<!tpu.dma_semaphore, #tpu.memory_space<semaphore_mem>>) src(%dma_wait3A_781 : memref<10000x128xf32, #tpu.memory_space<hbm>>) dst(%arg11 : memref<64x128xf32, #tpu.memory_space<vmem>>)
      "tpu.region"() ({
        %run_scoped3A_790 = tpu.sem_alloc : memref<!tpu.dma_semaphore, #tpu.memory_space<semaphore_mem>>
        %dma_start3A_791 = arith.constant 0 : i32
        %dma_start3A_792 = tpu.memref_slice %arg8[%add3A_774, %dma_start3A_791] : memref<80x64xi32, #tpu.memory_space<vmem>> -> memref<1x64xi32, #tpu.memory_space<vmem>>
        %dma_start3A_793 = tpu.memref_squeeze %dma_start3A_792 : memref<1x64xi32, #tpu.memory_space<vmem>> -> memref<64xi32, #tpu.memory_space<vmem>>
        %dma_start3A_794 = arith.constant 0 : i32
        %dma_start3A_795 = arith.constant 0 : i32
        %dma_start3A_796 = tpu.memref_slice %arg12[%dma_start3A_794, %dma_start3A_795] : memref<10240x128xf32, #tpu.memory_space<vmem_shared>> -> memref<10240x128xf32, #tpu.memory_space<vmem_shared>>
        tpu.enqueue_indirect_dma source(%arg11 : memref<64x128xf32, #tpu.memory_space<vmem>>) target(%dma_start3A_796 : memref<10240x128xf32, #tpu.memory_space<vmem_shared>>) offsets(%dma_start3A_793 : memref<64xi32, #tpu.memory_space<vmem>>) semaphore(%run_scoped3A_790 : memref<!tpu.dma_semaphore, #tpu.memory_space<semaphore_mem>>) {add = true}
        %dma_wait3A_797 = arith.constant 0 : i32
        %dma_wait3A_798 = tpu.memref_slice %arg8[%add3A_774, %dma_wait3A_797] : memref<80x64xi32, #tpu.memory_space<vmem>> -> memref<1x64xi32, #tpu.memory_space<vmem>>
        %dma_wait3A_799 = tpu.memref_squeeze %dma_wait3A_798 : memref<1x64xi32, #tpu.memory_space<vmem>> -> memref<64xi32, #tpu.memory_space<vmem>>
        %dma_wait3A_800 = arith.constant 0 : i32
        %dma_wait3A_801 = arith.constant 0 : i32
        %dma_wait3A_802 = tpu.memref_slice %arg12[%dma_wait3A_800, %dma_wait3A_801] : memref<10240x128xf32, #tpu.memory_space<vmem_shared>> -> memref<10240x128xf32, #tpu.memory_space<vmem_shared>>
        tpu.wait_indirect_dma semaphore(%run_scoped3A_790 : memref<!tpu.dma_semaphore, #tpu.memory_space<semaphore_mem>>) src(%arg11 : memref<64x128xf32, #tpu.memory_space<vmem>>) dst(%dma_wait3A_802 : memref<10240x128xf32, #tpu.memory_space<vmem_shared>>)
        tpu.yield
      }) : () -> ()
      %add3A_782 = arith.constant 3 : i32
      %add3A_783 = arith.addi %add3A_774, %add3A_782 : i32
      %dma_start3A_784 = arith.constant 0 : i32
      %dma_start3A_785 = tpu.memref_slice %arg7[%add3A_783, %dma_start3A_784] : memref<80x64xi32, #tpu.memory_space<vmem>> -> memref<1x64xi32, #tpu.memory_space<vmem>>
      %dma_start3A_786 = tpu.memref_squeeze %dma_start3A_785 : memref<1x64xi32, #tpu.memory_space<vmem>> -> memref<64xi32, #tpu.memory_space<vmem>>
      %dma_start3A_787 = arith.constant 0 : i32
      %dma_start3A_788 = arith.constant 0 : i32
      %dma_start3A_789 = tpu.memref_slice %arg2[%dma_start3A_787, %dma_start3A_788] : memref<10000x128xf32, #tpu.memory_space<hbm>> -> memref<10000x128xf32, #tpu.memory_space<hbm>>
      tpu.enqueue_indirect_dma source(%dma_start3A_789 : memref<10000x128xf32, #tpu.memory_space<hbm>>) target(%arg11 : memref<64x128xf32, #tpu.memory_space<vmem>>) offsets(%dma_start3A_786 : memref<64xi32, #tpu.memory_space<vmem>>) semaphore(%arg15 : memref<!tpu.dma_semaphore, #tpu.memory_space<semaphore_mem>>)
    }
    %scan3A_516 = arith.constant 25 : i32
    %dma_wait3A_517 = arith.constant 0 : i32
    %dma_wait3A_518 = arith.constant 0 : i32
    %dma_wait3A_519 = tpu.memref_slice %arg7[%dma_wait3A_517, %dma_wait3A_518] : memref<80x64xi32, #tpu.memory_space<vmem>> -> memref<1x64xi32, #tpu.memory_space<vmem>>
    %dma_wait3A_520 = tpu.memref_squeeze %dma_wait3A_519 : memref<1x64xi32, #tpu.memory_space<vmem>> -> memref<64xi32, #tpu.memory_space<vmem>>
    %dma_wait3A_521 = arith.constant 0 : i32
    %dma_wait3A_522 = arith.constant 0 : i32
    %dma_wait3A_523 = tpu.memref_slice %arg2[%dma_wait3A_521, %dma_wait3A_522] : memref<10000x128xf32, #tpu.memory_space<hbm>> -> memref<10000x128xf32, #tpu.memory_space<hbm>>
    tpu.wait_indirect_dma semaphore(%arg13 : memref<!tpu.dma_semaphore, #tpu.memory_space<semaphore_mem>>) src(%dma_wait3A_523 : memref<10000x128xf32, #tpu.memory_space<hbm>>) dst(%arg9 : memref<64x128xf32, #tpu.memory_space<vmem>>)
    %run_scoped3A_524 = arith.constant 75 : i32
    "tpu.region"() ({
      %run_scoped3A_732 = tpu.sem_alloc : memref<!tpu.dma_semaphore, #tpu.memory_space<semaphore_mem>>
      %dma_start3A_733 = arith.constant 0 : i32
      %dma_start3A_734 = tpu.memref_slice %arg8[%run_scoped3A_524, %dma_start3A_733] : memref<80x64xi32, #tpu.memory_space<vmem>> -> memref<1x64xi32, #tpu.memory_space<vmem>>
      %dma_start3A_735 = tpu.memref_squeeze %dma_start3A_734 : memref<1x64xi32, #tpu.memory_space<vmem>> -> memref<64xi32, #tpu.memory_space<vmem>>
      %dma_start3A_736 = arith.constant 0 : i32
      %dma_start3A_737 = arith.constant 0 : i32
      %dma_start3A_738 = tpu.memref_slice %arg12[%dma_start3A_736, %dma_start3A_737] : memref<10240x128xf32, #tpu.memory_space<vmem_shared>> -> memref<10240x128xf32, #tpu.memory_space<vmem_shared>>
      tpu.enqueue_indirect_dma source(%arg9 : memref<64x128xf32, #tpu.memory_space<vmem>>) target(%dma_start3A_738 : memref<10240x128xf32, #tpu.memory_space<vmem_shared>>) offsets(%dma_start3A_735 : memref<64xi32, #tpu.memory_space<vmem>>) semaphore(%run_scoped3A_732 : memref<!tpu.dma_semaphore, #tpu.memory_space<semaphore_mem>>) {add = true}
      %dma_wait3A_739 = arith.constant 0 : i32
      %dma_wait3A_740 = tpu.memref_slice %arg8[%run_scoped3A_524, %dma_wait3A_739] : memref<80x64xi32, #tpu.memory_space<vmem>> -> memref<1x64xi32, #tpu.memory_space<vmem>>
      %dma_wait3A_741 = tpu.memref_squeeze %dma_wait3A_740 : memref<1x64xi32, #tpu.memory_space<vmem>> -> memref<64xi32, #tpu.memory_space<vmem>>
      %dma_wait3A_742 = arith.constant 0 : i32
      %dma_wait3A_743 = arith.constant 0 : i32
      %dma_wait3A_744 = tpu.memref_slice %arg12[%dma_wait3A_742, %dma_wait3A_743] : memref<10240x128xf32, #tpu.memory_space<vmem_shared>> -> memref<10240x128xf32, #tpu.memory_space<vmem_shared>>
      tpu.wait_indirect_dma semaphore(%run_scoped3A_732 : memref<!tpu.dma_semaphore, #tpu.memory_space<semaphore_mem>>) src(%arg9 : memref<64x128xf32, #tpu.memory_space<vmem>>) dst(%dma_wait3A_744 : memref<10240x128xf32, #tpu.memory_space<vmem_shared>>)
      tpu.yield
    }) : () -> ()
    %dma_start3A_525 = arith.constant 78 : i32
    %dma_start3A_526 = arith.constant 0 : i32
    %dma_start3A_527 = tpu.memref_slice %arg7[%dma_start3A_525, %dma_start3A_526] : memref<80x64xi32, #tpu.memory_space<vmem>> -> memref<1x64xi32, #tpu.memory_space<vmem>>
    %dma_start3A_528 = tpu.memref_squeeze %dma_start3A_527 : memref<1x64xi32, #tpu.memory_space<vmem>> -> memref<64xi32, #tpu.memory_space<vmem>>
    %dma_start3A_529 = arith.constant 0 : i32
    %dma_start3A_530 = arith.constant 0 : i32
    %dma_start3A_531 = tpu.memref_slice %arg2[%dma_start3A_529, %dma_start3A_530] : memref<10000x128xf32, #tpu.memory_space<hbm>> -> memref<10000x128xf32, #tpu.memory_space<hbm>>
    tpu.enqueue_indirect_dma source(%dma_start3A_531 : memref<10000x128xf32, #tpu.memory_space<hbm>>) target(%arg9 : memref<64x128xf32, #tpu.memory_space<vmem>>) offsets(%dma_start3A_528 : memref<64xi32, #tpu.memory_space<vmem>>) semaphore(%arg13 : memref<!tpu.dma_semaphore, #tpu.memory_space<semaphore_mem>>)
    %dma_wait3A_532 = arith.constant 0 : i32
    %dma_wait3A_533 = arith.constant 0 : i32
    %dma_wait3A_534 = tpu.memref_slice %arg7[%dma_wait3A_532, %dma_wait3A_533] : memref<80x64xi32, #tpu.memory_space<vmem>> -> memref<1x64xi32, #tpu.memory_space<vmem>>
    %dma_wait3A_535 = tpu.memref_squeeze %dma_wait3A_534 : memref<1x64xi32, #tpu.memory_space<vmem>> -> memref<64xi32, #tpu.memory_space<vmem>>
    %dma_wait3A_536 = arith.constant 0 : i32
    %dma_wait3A_537 = arith.constant 0 : i32
    %dma_wait3A_538 = tpu.memref_slice %arg2[%dma_wait3A_536, %dma_wait3A_537] : memref<10000x128xf32, #tpu.memory_space<hbm>> -> memref<10000x128xf32, #tpu.memory_space<hbm>>
    tpu.wait_indirect_dma semaphore(%arg14 : memref<!tpu.dma_semaphore, #tpu.memory_space<semaphore_mem>>) src(%dma_wait3A_538 : memref<10000x128xf32, #tpu.memory_space<hbm>>) dst(%arg10 : memref<64x128xf32, #tpu.memory_space<vmem>>)
    %run_scoped3A_539 = arith.constant 76 : i32
    "tpu.region"() ({
      %run_scoped3A_732 = tpu.sem_alloc : memref<!tpu.dma_semaphore, #tpu.memory_space<semaphore_mem>>
      %dma_start3A_733 = arith.constant 0 : i32
      %dma_start3A_734 = tpu.memref_slice %arg8[%run_scoped3A_539, %dma_start3A_733] : memref<80x64xi32, #tpu.memory_space<vmem>> -> memref<1x64xi32, #tpu.memory_space<vmem>>
      %dma_start3A_735 = tpu.memref_squeeze %dma_start3A_734 : memref<1x64xi32, #tpu.memory_space<vmem>> -> memref<64xi32, #tpu.memory_space<vmem>>
      %dma_start3A_736 = arith.constant 0 : i32
      %dma_start3A_737 = arith.constant 0 : i32
      %dma_start3A_738 = tpu.memref_slice %arg12[%dma_start3A_736, %dma_start3A_737] : memref<10240x128xf32, #tpu.memory_space<vmem_shared>> -> memref<10240x128xf32, #tpu.memory_space<vmem_shared>>
      tpu.enqueue_indirect_dma source(%arg10 : memref<64x128xf32, #tpu.memory_space<vmem>>) target(%dma_start3A_738 : memref<10240x128xf32, #tpu.memory_space<vmem_shared>>) offsets(%dma_start3A_735 : memref<64xi32, #tpu.memory_space<vmem>>) semaphore(%run_scoped3A_732 : memref<!tpu.dma_semaphore, #tpu.memory_space<semaphore_mem>>) {add = true}
      %dma_wait3A_739 = arith.constant 0 : i32
      %dma_wait3A_740 = tpu.memref_slice %arg8[%run_scoped3A_539, %dma_wait3A_739] : memref<80x64xi32, #tpu.memory_space<vmem>> -> memref<1x64xi32, #tpu.memory_space<vmem>>
      %dma_wait3A_741 = tpu.memref_squeeze %dma_wait3A_740 : memref<1x64xi32, #tpu.memory_space<vmem>> -> memref<64xi32, #tpu.memory_space<vmem>>
      %dma_wait3A_742 = arith.constant 0 : i32
      %dma_wait3A_743 = arith.constant 0 : i32
      %dma_wait3A_744 = tpu.memref_slice %arg12[%dma_wait3A_742, %dma_wait3A_743] : memref<10240x128xf32, #tpu.memory_space<vmem_shared>> -> memref<10240x128xf32, #tpu.memory_space<vmem_shared>>
      tpu.wait_indirect_dma semaphore(%run_scoped3A_732 : memref<!tpu.dma_semaphore, #tpu.memory_space<semaphore_mem>>) src(%arg10 : memref<64x128xf32, #tpu.memory_space<vmem>>) dst(%dma_wait3A_744 : memref<10240x128xf32, #tpu.memory_space<vmem_shared>>)
      tpu.yield
    }) : () -> ()
    %dma_start3A_540 = arith.constant 79 : i32
    %dma_start3A_541 = arith.constant 0 : i32
    %dma_start3A_542 = tpu.memref_slice %arg7[%dma_start3A_540, %dma_start3A_541] : memref<80x64xi32, #tpu.memory_space<vmem>> -> memref<1x64xi32, #tpu.memory_space<vmem>>
    %dma_start3A_543 = tpu.memref_squeeze %dma_start3A_542 : memref<1x64xi32, #tpu.memory_space<vmem>> -> memref<64xi32, #tpu.memory_space<vmem>>
    %dma_start3A_544 = arith.constant 0 : i32
    %dma_start3A_545 = arith.constant 0 : i32
    %dma_start3A_546 = tpu.memref_slice %arg2[%dma_start3A_544, %dma_start3A_545] : memref<10000x128xf32, #tpu.memory_space<hbm>> -> memref<10000x128xf32, #tpu.memory_space<hbm>>
    tpu.enqueue_indirect_dma source(%dma_start3A_546 : memref<10000x128xf32, #tpu.memory_space<hbm>>) target(%arg10 : memref<64x128xf32, #tpu.memory_space<vmem>>) offsets(%dma_start3A_543 : memref<64xi32, #tpu.memory_space<vmem>>) semaphore(%arg14 : memref<!tpu.dma_semaphore, #tpu.memory_space<semaphore_mem>>)
    %dma_wait3A_547 = arith.constant 0 : i32
    %dma_wait3A_548 = arith.constant 0 : i32
    %dma_wait3A_549 = tpu.memref_slice %arg7[%dma_wait3A_547, %dma_wait3A_548] : memref<80x64xi32, #tpu.memory_space<vmem>> -> memref<1x64xi32, #tpu.memory_space<vmem>>
    %dma_wait3A_550 = tpu.memref_squeeze %dma_wait3A_549 : memref<1x64xi32, #tpu.memory_space<vmem>> -> memref<64xi32, #tpu.memory_space<vmem>>
    %dma_wait3A_551 = arith.constant 0 : i32
    %dma_wait3A_552 = arith.constant 0 : i32
    %dma_wait3A_553 = tpu.memref_slice %arg2[%dma_wait3A_551, %dma_wait3A_552] : memref<10000x128xf32, #tpu.memory_space<hbm>> -> memref<10000x128xf32, #tpu.memory_space<hbm>>
    tpu.wait_indirect_dma semaphore(%arg15 : memref<!tpu.dma_semaphore, #tpu.memory_space<semaphore_mem>>) src(%dma_wait3A_553 : memref<10000x128xf32, #tpu.memory_space<hbm>>) dst(%arg11 : memref<64x128xf32, #tpu.memory_space<vmem>>)
    %run_scoped3A_554 = arith.constant 77 : i32
    "tpu.region"() ({
      %run_scoped3A_732 = tpu.sem_alloc : memref<!tpu.dma_semaphore, #tpu.memory_space<semaphore_mem>>
      %dma_start3A_733 = arith.constant 0 : i32
      %dma_start3A_734 = tpu.memref_slice %arg8[%run_scoped3A_554, %dma_start3A_733] : memref<80x64xi32, #tpu.memory_space<vmem>> -> memref<1x64xi32, #tpu.memory_space<vmem>>
      %dma_start3A_735 = tpu.memref_squeeze %dma_start3A_734 : memref<1x64xi32, #tpu.memory_space<vmem>> -> memref<64xi32, #tpu.memory_space<vmem>>
      %dma_start3A_736 = arith.constant 0 : i32
      %dma_start3A_737 = arith.constant 0 : i32
      %dma_start3A_738 = tpu.memref_slice %arg12[%dma_start3A_736, %dma_start3A_737] : memref<10240x128xf32, #tpu.memory_space<vmem_shared>> -> memref<10240x128xf32, #tpu.memory_space<vmem_shared>>
      tpu.enqueue_indirect_dma source(%arg11 : memref<64x128xf32, #tpu.memory_space<vmem>>) target(%dma_start3A_738 : memref<10240x128xf32, #tpu.memory_space<vmem_shared>>) offsets(%dma_start3A_735 : memref<64xi32, #tpu.memory_space<vmem>>) semaphore(%run_scoped3A_732 : memref<!tpu.dma_semaphore, #tpu.memory_space<semaphore_mem>>) {add = true}
      %dma_wait3A_739 = arith.constant 0 : i32
      %dma_wait3A_740 = tpu.memref_slice %arg8[%run_scoped3A_554, %dma_wait3A_739] : memref<80x64xi32, #tpu.memory_space<vmem>> -> memref<1x64xi32, #tpu.memory_space<vmem>>
      %dma_wait3A_741 = tpu.memref_squeeze %dma_wait3A_740 : memref<1x64xi32, #tpu.memory_space<vmem>> -> memref<64xi32, #tpu.memory_space<vmem>>
      %dma_wait3A_742 = arith.constant 0 : i32
      %dma_wait3A_743 = arith.constant 0 : i32
      %dma_wait3A_744 = tpu.memref_slice %arg12[%dma_wait3A_742, %dma_wait3A_743] : memref<10240x128xf32, #tpu.memory_space<vmem_shared>> -> memref<10240x128xf32, #tpu.memory_space<vmem_shared>>
      tpu.wait_indirect_dma semaphore(%run_scoped3A_732 : memref<!tpu.dma_semaphore, #tpu.memory_space<semaphore_mem>>) src(%arg11 : memref<64x128xf32, #tpu.memory_space<vmem>>) dst(%dma_wait3A_744 : memref<10240x128xf32, #tpu.memory_space<vmem_shared>>)
      tpu.yield
    }) : () -> ()
    %dma_wait3A_555 = arith.constant 0 : i32
    %dma_wait3A_556 = arith.constant 0 : i32
    %dma_wait3A_557 = tpu.memref_slice %arg7[%dma_wait3A_555, %dma_wait3A_556] : memref<80x64xi32, #tpu.memory_space<vmem>> -> memref<1x64xi32, #tpu.memory_space<vmem>>
    %dma_wait3A_558 = tpu.memref_squeeze %dma_wait3A_557 : memref<1x64xi32, #tpu.memory_space<vmem>> -> memref<64xi32, #tpu.memory_space<vmem>>
    %dma_wait3A_559 = arith.constant 0 : i32
    %dma_wait3A_560 = arith.constant 0 : i32
    %dma_wait3A_561 = tpu.memref_slice %arg2[%dma_wait3A_559, %dma_wait3A_560] : memref<10000x128xf32, #tpu.memory_space<hbm>> -> memref<10000x128xf32, #tpu.memory_space<hbm>>
    tpu.wait_indirect_dma semaphore(%arg13 : memref<!tpu.dma_semaphore, #tpu.memory_space<semaphore_mem>>) src(%dma_wait3A_561 : memref<10000x128xf32, #tpu.memory_space<hbm>>) dst(%arg9 : memref<64x128xf32, #tpu.memory_space<vmem>>)
    %run_scoped3A_562 = arith.constant 78 : i32
    "tpu.region"() ({
      %run_scoped3A_732 = tpu.sem_alloc : memref<!tpu.dma_semaphore, #tpu.memory_space<semaphore_mem>>
      %dma_start3A_733 = arith.constant 0 : i32
      %dma_start3A_734 = tpu.memref_slice %arg8[%run_scoped3A_562, %dma_start3A_733] : memref<80x64xi32, #tpu.memory_space<vmem>> -> memref<1x64xi32, #tpu.memory_space<vmem>>
      %dma_start3A_735 = tpu.memref_squeeze %dma_start3A_734 : memref<1x64xi32, #tpu.memory_space<vmem>> -> memref<64xi32, #tpu.memory_space<vmem>>
      %dma_start3A_736 = arith.constant 0 : i32
      %dma_start3A_737 = arith.constant 0 : i32
      %dma_start3A_738 = tpu.memref_slice %arg12[%dma_start3A_736, %dma_start3A_737] : memref<10240x128xf32, #tpu.memory_space<vmem_shared>> -> memref<10240x128xf32, #tpu.memory_space<vmem_shared>>
      tpu.enqueue_indirect_dma source(%arg9 : memref<64x128xf32, #tpu.memory_space<vmem>>) target(%dma_start3A_738 : memref<10240x128xf32, #tpu.memory_space<vmem_shared>>) offsets(%dma_start3A_735 : memref<64xi32, #tpu.memory_space<vmem>>) semaphore(%run_scoped3A_732 : memref<!tpu.dma_semaphore, #tpu.memory_space<semaphore_mem>>) {add = true}
      %dma_wait3A_739 = arith.constant 0 : i32
      %dma_wait3A_740 = tpu.memref_slice %arg8[%run_scoped3A_562, %dma_wait3A_739] : memref<80x64xi32, #tpu.memory_space<vmem>> -> memref<1x64xi32, #tpu.memory_space<vmem>>
      %dma_wait3A_741 = tpu.memref_squeeze %dma_wait3A_740 : memref<1x64xi32, #tpu.memory_space<vmem>> -> memref<64xi32, #tpu.memory_space<vmem>>
      %dma_wait3A_742 = arith.constant 0 : i32
      %dma_wait3A_743 = arith.constant 0 : i32
      %dma_wait3A_744 = tpu.memref_slice %arg12[%dma_wait3A_742, %dma_wait3A_743] : memref<10240x128xf32, #tpu.memory_space<vmem_shared>> -> memref<10240x128xf32, #tpu.memory_space<vmem_shared>>
      tpu.wait_indirect_dma semaphore(%run_scoped3A_732 : memref<!tpu.dma_semaphore, #tpu.memory_space<semaphore_mem>>) src(%arg9 : memref<64x128xf32, #tpu.memory_space<vmem>>) dst(%dma_wait3A_744 : memref<10240x128xf32, #tpu.memory_space<vmem_shared>>)
      tpu.yield
    }) : () -> ()
    %dma_wait3A_563 = arith.constant 0 : i32
    %dma_wait3A_564 = arith.constant 0 : i32
    %dma_wait3A_565 = tpu.memref_slice %arg7[%dma_wait3A_563, %dma_wait3A_564] : memref<80x64xi32, #tpu.memory_space<vmem>> -> memref<1x64xi32, #tpu.memory_space<vmem>>
    %dma_wait3A_566 = tpu.memref_squeeze %dma_wait3A_565 : memref<1x64xi32, #tpu.memory_space<vmem>> -> memref<64xi32, #tpu.memory_space<vmem>>
    %dma_wait3A_567 = arith.constant 0 : i32
    %dma_wait3A_568 = arith.constant 0 : i32
    %dma_wait3A_569 = tpu.memref_slice %arg2[%dma_wait3A_567, %dma_wait3A_568] : memref<10000x128xf32, #tpu.memory_space<hbm>> -> memref<10000x128xf32, #tpu.memory_space<hbm>>
    tpu.wait_indirect_dma semaphore(%arg14 : memref<!tpu.dma_semaphore, #tpu.memory_space<semaphore_mem>>) src(%dma_wait3A_569 : memref<10000x128xf32, #tpu.memory_space<hbm>>) dst(%arg10 : memref<64x128xf32, #tpu.memory_space<vmem>>)
    %run_scoped3A_570 = arith.constant 79 : i32
    "tpu.region"() ({
      %run_scoped3A_732 = tpu.sem_alloc : memref<!tpu.dma_semaphore, #tpu.memory_space<semaphore_mem>>
      %dma_start3A_733 = arith.constant 0 : i32
      %dma_start3A_734 = tpu.memref_slice %arg8[%run_scoped3A_570, %dma_start3A_733] : memref<80x64xi32, #tpu.memory_space<vmem>> -> memref<1x64xi32, #tpu.memory_space<vmem>>
      %dma_start3A_735 = tpu.memref_squeeze %dma_start3A_734 : memref<1x64xi32, #tpu.memory_space<vmem>> -> memref<64xi32, #tpu.memory_space<vmem>>
      %dma_start3A_736 = arith.constant 0 : i32
      %dma_start3A_737 = arith.constant 0 : i32
      %dma_start3A_738 = tpu.memref_slice %arg12[%dma_start3A_736, %dma_start3A_737] : memref<10240x128xf32, #tpu.memory_space<vmem_shared>> -> memref<10240x128xf32, #tpu.memory_space<vmem_shared>>
      tpu.enqueue_indirect_dma source(%arg10 : memref<64x128xf32, #tpu.memory_space<vmem>>) target(%dma_start3A_738 : memref<10240x128xf32, #tpu.memory_space<vmem_shared>>) offsets(%dma_start3A_735 : memref<64xi32, #tpu.memory_space<vmem>>) semaphore(%run_scoped3A_732 : memref<!tpu.dma_semaphore, #tpu.memory_space<semaphore_mem>>) {add = true}
      %dma_wait3A_739 = arith.constant 0 : i32
      %dma_wait3A_740 = tpu.memref_slice %arg8[%run_scoped3A_570, %dma_wait3A_739] : memref<80x64xi32, #tpu.memory_space<vmem>> -> memref<1x64xi32, #tpu.memory_space<vmem>>
      %dma_wait3A_741 = tpu.memref_squeeze %dma_wait3A_740 : memref<1x64xi32, #tpu.memory_space<vmem>> -> memref<64xi32, #tpu.memory_space<vmem>>
      %dma_wait3A_742 = arith.constant 0 : i32
      %dma_wait3A_743 = arith.constant 0 : i32
      %dma_wait3A_744 = tpu.memref_slice %arg12[%dma_wait3A_742, %dma_wait3A_743] : memref<10240x128xf32, #tpu.memory_space<vmem_shared>> -> memref<10240x128xf32, #tpu.memory_space<vmem_shared>>
      tpu.wait_indirect_dma semaphore(%run_scoped3A_732 : memref<!tpu.dma_semaphore, #tpu.memory_space<semaphore_mem>>) src(%arg10 : memref<64x128xf32, #tpu.memory_space<vmem>>) dst(%dma_wait3A_744 : memref<10240x128xf32, #tpu.memory_space<vmem_shared>>)
      tpu.yield
    }) : () -> ()
    %barrier3A_571 = arith.constant 0 : index
    tpu.barrier barrier_id(%barrier3A_571)
    %add3A_572 = arith.constant 0 : i32
    %add3A_573 = arith.addi %mul3A_2, %add3A_572 : i32
    "tpu.region"() ({
      %run_scoped3A_732 = tpu.sem_alloc : memref<!tpu.dma_semaphore, #tpu.memory_space<semaphore_mem>>
      %dma_start3A_733 = arith.constant 0 : i32
      %dma_start3A_734 = tpu.memref_slice %arg12[%add3A_573, %dma_start3A_733] : memref<10240x128xf32, #tpu.memory_space<vmem_shared>> -> memref<64x128xf32, #tpu.memory_space<vmem_shared>>
      %dma_start3A_735 = arith.constant 0 : i32
      %dma_start3A_736 = tpu.memref_slice %arg12[%add3A_573, %dma_start3A_735] : memref<10240x128xf32, #tpu.memory_space<vmem_shared>> -> memref<64x128xf32, #tpu.memory_space<vmem_shared>>
      tpu.enqueue_dma source(%dma_start3A_736 : memref<64x128xf32, #tpu.memory_space<vmem_shared>>) target(%arg9 : memref<64x128xf32, #tpu.memory_space<vmem>>) target_semaphore(%run_scoped3A_732 : memref<!tpu.dma_semaphore, #tpu.memory_space<semaphore_mem>>)
      %dma_wait3A_737 = arith.constant 0 : i32
      %dma_wait3A_738 = tpu.memref_slice %arg12[%add3A_573, %dma_wait3A_737] : memref<10240x128xf32, #tpu.memory_space<vmem_shared>> -> memref<64x128xf32, #tpu.memory_space<vmem_shared>>
      %dma_wait3A_739 = arith.constant 0 : i32
      %dma_wait3A_740 = tpu.memref_slice %arg12[%add3A_573, %dma_wait3A_739] : memref<10240x128xf32, #tpu.memory_space<vmem_shared>> -> memref<64x128xf32, #tpu.memory_space<vmem_shared>>
      tpu.wait_dma2 semaphore(%run_scoped3A_732 : memref<!tpu.dma_semaphore, #tpu.memory_space<semaphore_mem>>) src(%dma_wait3A_740 : memref<64x128xf32, #tpu.memory_space<vmem_shared>>) dst(%arg9 : memref<64x128xf32, #tpu.memory_space<vmem>>)
      tpu.yield
    }) : () -> ()
    %dma_start3A_574 = arith.constant 0 : i32
    %dma_start3A_575 = tpu.memref_slice %arg5[%arg0, %add3A_573, %dma_start3A_574] : memref<2x10240x128xf32, #tpu.memory_space<hbm>> -> memref<1x64x128xf32, #tpu.memory_space<hbm>>
    %dma_start3A_576 = tpu.memref_squeeze %dma_start3A_575 : memref<1x64x128xf32, #tpu.memory_space<hbm>> -> memref<64x128xf32, #tpu.memory_space<hbm>>
    %dma_start3A_577 = arith.constant 0 : i32
    %dma_start3A_578 = tpu.memref_slice %arg5[%arg0, %add3A_573, %dma_start3A_577] : memref<2x10240x128xf32, #tpu.memory_space<hbm>> -> memref<1x64x128xf32, #tpu.memory_space<hbm>>
    %dma_start3A_579 = tpu.memref_squeeze %dma_start3A_578 : memref<1x64x128xf32, #tpu.memory_space<hbm>> -> memref<64x128xf32, #tpu.memory_space<hbm>>
    tpu.enqueue_dma source(%arg9 : memref<64x128xf32, #tpu.memory_space<vmem>>) target(%dma_start3A_579 : memref<64x128xf32, #tpu.memory_space<hbm>>) target_semaphore(%arg13 : memref<!tpu.dma_semaphore, #tpu.memory_space<semaphore_mem>>)
    %add3A_580 = arith.constant 64 : i32
    %add3A_581 = arith.addi %mul3A_2, %add3A_580 : i32
    "tpu.region"() ({
      %run_scoped3A_732 = tpu.sem_alloc : memref<!tpu.dma_semaphore, #tpu.memory_space<semaphore_mem>>
      %dma_start3A_733 = arith.constant 0 : i32
      %dma_start3A_734 = tpu.memref_slice %arg12[%add3A_581, %dma_start3A_733] : memref<10240x128xf32, #tpu.memory_space<vmem_shared>> -> memref<64x128xf32, #tpu.memory_space<vmem_shared>>
      %dma_start3A_735 = arith.constant 0 : i32
      %dma_start3A_736 = tpu.memref_slice %arg12[%add3A_581, %dma_start3A_735] : memref<10240x128xf32, #tpu.memory_space<vmem_shared>> -> memref<64x128xf32, #tpu.memory_space<vmem_shared>>
      tpu.enqueue_dma source(%dma_start3A_736 : memref<64x128xf32, #tpu.memory_space<vmem_shared>>) target(%arg10 : memref<64x128xf32, #tpu.memory_space<vmem>>) target_semaphore(%run_scoped3A_732 : memref<!tpu.dma_semaphore, #tpu.memory_space<semaphore_mem>>)
      %dma_wait3A_737 = arith.constant 0 : i32
      %dma_wait3A_738 = tpu.memref_slice %arg12[%add3A_581, %dma_wait3A_737] : memref<10240x128xf32, #tpu.memory_space<vmem_shared>> -> memref<64x128xf32, #tpu.memory_space<vmem_shared>>
      %dma_wait3A_739 = arith.constant 0 : i32
      %dma_wait3A_740 = tpu.memref_slice %arg12[%add3A_581, %dma_wait3A_739] : memref<10240x128xf32, #tpu.memory_space<vmem_shared>> -> memref<64x128xf32, #tpu.memory_space<vmem_shared>>
      tpu.wait_dma2 semaphore(%run_scoped3A_732 : memref<!tpu.dma_semaphore, #tpu.memory_space<semaphore_mem>>) src(%dma_wait3A_740 : memref<64x128xf32, #tpu.memory_space<vmem_shared>>) dst(%arg10 : memref<64x128xf32, #tpu.memory_space<vmem>>)
      tpu.yield
    }) : () -> ()
    %dma_start3A_582 = arith.constant 0 : i32
    %dma_start3A_583 = tpu.memref_slice %arg5[%arg0, %add3A_581, %dma_start3A_582] : memref<2x10240x128xf32, #tpu.memory_space<hbm>> -> memref<1x64x128xf32, #tpu.memory_space<hbm>>
    %dma_start3A_584 = tpu.memref_squeeze %dma_start3A_583 : memref<1x64x128xf32, #tpu.memory_space<hbm>> -> memref<64x128xf32, #tpu.memory_space<hbm>>
    %dma_start3A_585 = arith.constant 0 : i32
    %dma_start3A_586 = tpu.memref_slice %arg5[%arg0, %add3A_581, %dma_start3A_585] : memref<2x10240x128xf32, #tpu.memory_space<hbm>> -> memref<1x64x128xf32, #tpu.memory_space<hbm>>
    %dma_start3A_587 = tpu.memref_squeeze %dma_start3A_586 : memref<1x64x128xf32, #tpu.memory_space<hbm>> -> memref<64x128xf32, #tpu.memory_space<hbm>>
    tpu.enqueue_dma source(%arg10 : memref<64x128xf32, #tpu.memory_space<vmem>>) target(%dma_start3A_587 : memref<64x128xf32, #tpu.memory_space<hbm>>) target_semaphore(%arg14 : memref<!tpu.dma_semaphore, #tpu.memory_space<semaphore_mem>>)
    %add3A_588 = arith.constant 128 : i32
    %add3A_589 = arith.addi %mul3A_2, %add3A_588 : i32
    %dma_wait3A_590 = arith.constant 0 : i32
    %dma_wait3A_591 = arith.constant 0 : i32
    %dma_wait3A_592 = tpu.memref_slice %arg5[%arg0, %dma_wait3A_590, %dma_wait3A_591] : memref<2x10240x128xf32, #tpu.memory_space<hbm>> -> memref<1x64x128xf32, #tpu.memory_space<hbm>>
    %dma_wait3A_593 = tpu.memref_squeeze %dma_wait3A_592 : memref<1x64x128xf32, #tpu.memory_space<hbm>> -> memref<64x128xf32, #tpu.memory_space<hbm>>
    %dma_wait3A_594 = arith.constant 0 : i32
    %dma_wait3A_595 = arith.constant 0 : i32
    %dma_wait3A_596 = tpu.memref_slice %arg5[%arg0, %dma_wait3A_594, %dma_wait3A_595] : memref<2x10240x128xf32, #tpu.memory_space<hbm>> -> memref<1x64x128xf32, #tpu.memory_space<hbm>>
    %dma_wait3A_597 = tpu.memref_squeeze %dma_wait3A_596 : memref<1x64x128xf32, #tpu.memory_space<hbm>> -> memref<64x128xf32, #tpu.memory_space<hbm>>
    tpu.wait_dma2 semaphore(%arg13 : memref<!tpu.dma_semaphore, #tpu.memory_space<semaphore_mem>>) src(%arg9 : memref<64x128xf32, #tpu.memory_space<vmem>>) dst(%dma_wait3A_597 : memref<64x128xf32, #tpu.memory_space<hbm>>)
    "tpu.region"() ({
      %run_scoped3A_732 = tpu.sem_alloc : memref<!tpu.dma_semaphore, #tpu.memory_space<semaphore_mem>>
      %dma_start3A_733 = arith.constant 0 : i32
      %dma_start3A_734 = tpu.memref_slice %arg12[%add3A_589, %dma_start3A_733] : memref<10240x128xf32, #tpu.memory_space<vmem_shared>> -> memref<64x128xf32, #tpu.memory_space<vmem_shared>>
      %dma_start3A_735 = arith.constant 0 : i32
      %dma_start3A_736 = tpu.memref_slice %arg12[%add3A_589, %dma_start3A_735] : memref<10240x128xf32, #tpu.memory_space<vmem_shared>> -> memref<64x128xf32, #tpu.memory_space<vmem_shared>>
      tpu.enqueue_dma source(%dma_start3A_736 : memref<64x128xf32, #tpu.memory_space<vmem_shared>>) target(%arg9 : memref<64x128xf32, #tpu.memory_space<vmem>>) target_semaphore(%run_scoped3A_732 : memref<!tpu.dma_semaphore, #tpu.memory_space<semaphore_mem>>)
      %dma_wait3A_737 = arith.constant 0 : i32
      %dma_wait3A_738 = tpu.memref_slice %arg12[%add3A_589, %dma_wait3A_737] : memref<10240x128xf32, #tpu.memory_space<vmem_shared>> -> memref<64x128xf32, #tpu.memory_space<vmem_shared>>
      %dma_wait3A_739 = arith.constant 0 : i32
      %dma_wait3A_740 = tpu.memref_slice %arg12[%add3A_589, %dma_wait3A_739] : memref<10240x128xf32, #tpu.memory_space<vmem_shared>> -> memref<64x128xf32, #tpu.memory_space<vmem_shared>>
      tpu.wait_dma2 semaphore(%run_scoped3A_732 : memref<!tpu.dma_semaphore, #tpu.memory_space<semaphore_mem>>) src(%dma_wait3A_740 : memref<64x128xf32, #tpu.memory_space<vmem_shared>>) dst(%arg9 : memref<64x128xf32, #tpu.memory_space<vmem>>)
      tpu.yield
    }) : () -> ()
    %dma_start3A_598 = arith.constant 0 : i32
    %dma_start3A_599 = tpu.memref_slice %arg5[%arg0, %add3A_589, %dma_start3A_598] : memref<2x10240x128xf32, #tpu.memory_space<hbm>> -> memref<1x64x128xf32, #tpu.memory_space<hbm>>
    %dma_start3A_600 = tpu.memref_squeeze %dma_start3A_599 : memref<1x64x128xf32, #tpu.memory_space<hbm>> -> memref<64x128xf32, #tpu.memory_space<hbm>>
    %dma_start3A_601 = arith.constant 0 : i32
    %dma_start3A_602 = tpu.memref_slice %arg5[%arg0, %add3A_589, %dma_start3A_601] : memref<2x10240x128xf32, #tpu.memory_space<hbm>> -> memref<1x64x128xf32, #tpu.memory_space<hbm>>
    %dma_start3A_603 = tpu.memref_squeeze %dma_start3A_602 : memref<1x64x128xf32, #tpu.memory_space<hbm>> -> memref<64x128xf32, #tpu.memory_space<hbm>>
    tpu.enqueue_dma source(%arg9 : memref<64x128xf32, #tpu.memory_space<vmem>>) target(%dma_start3A_603 : memref<64x128xf32, #tpu.memory_space<hbm>>) target_semaphore(%arg13 : memref<!tpu.dma_semaphore, #tpu.memory_space<semaphore_mem>>)
    %add3A_604 = arith.constant 192 : i32
    %add3A_605 = arith.addi %mul3A_2, %add3A_604 : i32
    %dma_wait3A_606 = arith.constant 0 : i32
    %dma_wait3A_607 = arith.constant 0 : i32
    %dma_wait3A_608 = tpu.memref_slice %arg5[%arg0, %dma_wait3A_606, %dma_wait3A_607] : memref<2x10240x128xf32, #tpu.memory_space<hbm>> -> memref<1x64x128xf32, #tpu.memory_space<hbm>>
    %dma_wait3A_609 = tpu.memref_squeeze %dma_wait3A_608 : memref<1x64x128xf32, #tpu.memory_space<hbm>> -> memref<64x128xf32, #tpu.memory_space<hbm>>
    %dma_wait3A_610 = arith.constant 0 : i32
    %dma_wait3A_611 = arith.constant 0 : i32
    %dma_wait3A_612 = tpu.memref_slice %arg5[%arg0, %dma_wait3A_610, %dma_wait3A_611] : memref<2x10240x128xf32, #tpu.memory_space<hbm>> -> memref<1x64x128xf32, #tpu.memory_space<hbm>>
    %dma_wait3A_613 = tpu.memref_squeeze %dma_wait3A_612 : memref<1x64x128xf32, #tpu.memory_space<hbm>> -> memref<64x128xf32, #tpu.memory_space<hbm>>
    tpu.wait_dma2 semaphore(%arg14 : memref<!tpu.dma_semaphore, #tpu.memory_space<semaphore_mem>>) src(%arg10 : memref<64x128xf32, #tpu.memory_space<vmem>>) dst(%dma_wait3A_613 : memref<64x128xf32, #tpu.memory_space<hbm>>)
    "tpu.region"() ({
      %run_scoped3A_732 = tpu.sem_alloc : memref<!tpu.dma_semaphore, #tpu.memory_space<semaphore_mem>>
      %dma_start3A_733 = arith.constant 0 : i32
      %dma_start3A_734 = tpu.memref_slice %arg12[%add3A_605, %dma_start3A_733] : memref<10240x128xf32, #tpu.memory_space<vmem_shared>> -> memref<64x128xf32, #tpu.memory_space<vmem_shared>>
      %dma_start3A_735 = arith.constant 0 : i32
      %dma_start3A_736 = tpu.memref_slice %arg12[%add3A_605, %dma_start3A_735] : memref<10240x128xf32, #tpu.memory_space<vmem_shared>> -> memref<64x128xf32, #tpu.memory_space<vmem_shared>>
      tpu.enqueue_dma source(%dma_start3A_736 : memref<64x128xf32, #tpu.memory_space<vmem_shared>>) target(%arg10 : memref<64x128xf32, #tpu.memory_space<vmem>>) target_semaphore(%run_scoped3A_732 : memref<!tpu.dma_semaphore, #tpu.memory_space<semaphore_mem>>)
      %dma_wait3A_737 = arith.constant 0 : i32
      %dma_wait3A_738 = tpu.memref_slice %arg12[%add3A_605, %dma_wait3A_737] : memref<10240x128xf32, #tpu.memory_space<vmem_shared>> -> memref<64x128xf32, #tpu.memory_space<vmem_shared>>
      %dma_wait3A_739 = arith.constant 0 : i32
      %dma_wait3A_740 = tpu.memref_slice %arg12[%add3A_605, %dma_wait3A_739] : memref<10240x128xf32, #tpu.memory_space<vmem_shared>> -> memref<64x128xf32, #tpu.memory_space<vmem_shared>>
      tpu.wait_dma2 semaphore(%run_scoped3A_732 : memref<!tpu.dma_semaphore, #tpu.memory_space<semaphore_mem>>) src(%dma_wait3A_740 : memref<64x128xf32, #tpu.memory_space<vmem_shared>>) dst(%arg10 : memref<64x128xf32, #tpu.memory_space<vmem>>)
      tpu.yield
    }) : () -> ()
    %dma_start3A_614 = arith.constant 0 : i32
    %dma_start3A_615 = tpu.memref_slice %arg5[%arg0, %add3A_605, %dma_start3A_614] : memref<2x10240x128xf32, #tpu.memory_space<hbm>> -> memref<1x64x128xf32, #tpu.memory_space<hbm>>
    %dma_start3A_616 = tpu.memref_squeeze %dma_start3A_615 : memref<1x64x128xf32, #tpu.memory_space<hbm>> -> memref<64x128xf32, #tpu.memory_space<hbm>>
    %dma_start3A_617 = arith.constant 0 : i32
    %dma_start3A_618 = tpu.memref_slice %arg5[%arg0, %add3A_605, %dma_start3A_617] : memref<2x10240x128xf32, #tpu.memory_space<hbm>> -> memref<1x64x128xf32, #tpu.memory_space<hbm>>
    %dma_start3A_619 = tpu.memref_squeeze %dma_start3A_618 : memref<1x64x128xf32, #tpu.memory_space<hbm>> -> memref<64x128xf32, #tpu.memory_space<hbm>>
    tpu.enqueue_dma source(%arg10 : memref<64x128xf32, #tpu.memory_space<vmem>>) target(%dma_start3A_619 : memref<64x128xf32, #tpu.memory_space<hbm>>) target_semaphore(%arg14 : memref<!tpu.dma_semaphore, #tpu.memory_space<semaphore_mem>>)
    %add3A_620 = arith.constant 256 : i32
    %add3A_621 = arith.addi %mul3A_2, %add3A_620 : i32
    %dma_wait3A_622 = arith.constant 0 : i32
    %dma_wait3A_623 = arith.constant 0 : i32
    %dma_wait3A_624 = tpu.memref_slice %arg5[%arg0, %dma_wait3A_622, %dma_wait3A_623] : memref<2x10240x128xf32, #tpu.memory_space<hbm>> -> memref<1x64x128xf32, #tpu.memory_space<hbm>>
    %dma_wait3A_625 = tpu.memref_squeeze %dma_wait3A_624 : memref<1x64x128xf32, #tpu.memory_space<hbm>> -> memref<64x128xf32, #tpu.memory_space<hbm>>
    %dma_wait3A_626 = arith.constant 0 : i32
    %dma_wait3A_627 = arith.constant 0 : i32
    %dma_wait3A_628 = tpu.memref_slice %arg5[%arg0, %dma_wait3A_626, %dma_wait3A_627] : memref<2x10240x128xf32, #tpu.memory_space<hbm>> -> memref<1x64x128xf32, #tpu.memory_space<hbm>>
    %dma_wait3A_629 = tpu.memref_squeeze %dma_wait3A_628 : memref<1x64x128xf32, #tpu.memory_space<hbm>> -> memref<64x128xf32, #tpu.memory_space<hbm>>
    tpu.wait_dma2 semaphore(%arg13 : memref<!tpu.dma_semaphore, #tpu.memory_space<semaphore_mem>>) src(%arg9 : memref<64x128xf32, #tpu.memory_space<vmem>>) dst(%dma_wait3A_629 : memref<64x128xf32, #tpu.memory_space<hbm>>)
    "tpu.region"() ({
      %run_scoped3A_732 = tpu.sem_alloc : memref<!tpu.dma_semaphore, #tpu.memory_space<semaphore_mem>>
      %dma_start3A_733 = arith.constant 0 : i32
      %dma_start3A_734 = tpu.memref_slice %arg12[%add3A_621, %dma_start3A_733] : memref<10240x128xf32, #tpu.memory_space<vmem_shared>> -> memref<64x128xf32, #tpu.memory_space<vmem_shared>>
      %dma_start3A_735 = arith.constant 0 : i32
      %dma_start3A_736 = tpu.memref_slice %arg12[%add3A_621, %dma_start3A_735] : memref<10240x128xf32, #tpu.memory_space<vmem_shared>> -> memref<64x128xf32, #tpu.memory_space<vmem_shared>>
      tpu.enqueue_dma source(%dma_start3A_736 : memref<64x128xf32, #tpu.memory_space<vmem_shared>>) target(%arg9 : memref<64x128xf32, #tpu.memory_space<vmem>>) target_semaphore(%run_scoped3A_732 : memref<!tpu.dma_semaphore, #tpu.memory_space<semaphore_mem>>)
      %dma_wait3A_737 = arith.constant 0 : i32
      %dma_wait3A_738 = tpu.memref_slice %arg12[%add3A_621, %dma_wait3A_737] : memref<10240x128xf32, #tpu.memory_space<vmem_shared>> -> memref<64x128xf32, #tpu.memory_space<vmem_shared>>
      %dma_wait3A_739 = arith.constant 0 : i32
      %dma_wait3A_740 = tpu.memref_slice %arg12[%add3A_621, %dma_wait3A_739] : memref<10240x128xf32, #tpu.memory_space<vmem_shared>> -> memref<64x128xf32, #tpu.memory_space<vmem_shared>>
      tpu.wait_dma2 semaphore(%run_scoped3A_732 : memref<!tpu.dma_semaphore, #tpu.memory_space<semaphore_mem>>) src(%dma_wait3A_740 : memref<64x128xf32, #tpu.memory_space<vmem_shared>>) dst(%arg9 : memref<64x128xf32, #tpu.memory_space<vmem>>)
      tpu.yield
    }) : () -> ()
    %dma_start3A_630 = arith.constant 0 : i32
    %dma_start3A_631 = tpu.memref_slice %arg5[%arg0, %add3A_621, %dma_start3A_630] : memref<2x10240x128xf32, #tpu.memory_space<hbm>> -> memref<1x64x128xf32, #tpu.memory_space<hbm>>
    %dma_start3A_632 = tpu.memref_squeeze %dma_start3A_631 : memref<1x64x128xf32, #tpu.memory_space<hbm>> -> memref<64x128xf32, #tpu.memory_space<hbm>>
    %dma_start3A_633 = arith.constant 0 : i32
    %dma_start3A_634 = tpu.memref_slice %arg5[%arg0, %add3A_621, %dma_start3A_633] : memref<2x10240x128xf32, #tpu.memory_space<hbm>> -> memref<1x64x128xf32, #tpu.memory_space<hbm>>
    %dma_start3A_635 = tpu.memref_squeeze %dma_start3A_634 : memref<1x64x128xf32, #tpu.memory_space<hbm>> -> memref<64x128xf32, #tpu.memory_space<hbm>>
    tpu.enqueue_dma source(%arg9 : memref<64x128xf32, #tpu.memory_space<vmem>>) target(%dma_start3A_635 : memref<64x128xf32, #tpu.memory_space<hbm>>) target_semaphore(%arg13 : memref<!tpu.dma_semaphore, #tpu.memory_space<semaphore_mem>>)
    %add3A_636 = arith.constant 320 : i32
    %add3A_637 = arith.addi %mul3A_2, %add3A_636 : i32
    %dma_wait3A_638 = arith.constant 0 : i32
    %dma_wait3A_639 = arith.constant 0 : i32
    %dma_wait3A_640 = tpu.memref_slice %arg5[%arg0, %dma_wait3A_638, %dma_wait3A_639] : memref<2x10240x128xf32, #tpu.memory_space<hbm>> -> memref<1x64x128xf32, #tpu.memory_space<hbm>>
    %dma_wait3A_641 = tpu.memref_squeeze %dma_wait3A_640 : memref<1x64x128xf32, #tpu.memory_space<hbm>> -> memref<64x128xf32, #tpu.memory_space<hbm>>
    %dma_wait3A_642 = arith.constant 0 : i32
    %dma_wait3A_643 = arith.constant 0 : i32
    %dma_wait3A_644 = tpu.memref_slice %arg5[%arg0, %dma_wait3A_642, %dma_wait3A_643] : memref<2x10240x128xf32, #tpu.memory_space<hbm>> -> memref<1x64x128xf32, #tpu.memory_space<hbm>>
    %dma_wait3A_645 = tpu.memref_squeeze %dma_wait3A_644 : memref<1x64x128xf32, #tpu.memory_space<hbm>> -> memref<64x128xf32, #tpu.memory_space<hbm>>
    tpu.wait_dma2 semaphore(%arg14 : memref<!tpu.dma_semaphore, #tpu.memory_space<semaphore_mem>>) src(%arg10 : memref<64x128xf32, #tpu.memory_space<vmem>>) dst(%dma_wait3A_645 : memref<64x128xf32, #tpu.memory_space<hbm>>)
    "tpu.region"() ({
      %run_scoped3A_732 = tpu.sem_alloc : memref<!tpu.dma_semaphore, #tpu.memory_space<semaphore_mem>>
      %dma_start3A_733 = arith.constant 0 : i32
      %dma_start3A_734 = tpu.memref_slice %arg12[%add3A_637, %dma_start3A_733] : memref<10240x128xf32, #tpu.memory_space<vmem_shared>> -> memref<64x128xf32, #tpu.memory_space<vmem_shared>>
      %dma_start3A_735 = arith.constant 0 : i32
      %dma_start3A_736 = tpu.memref_slice %arg12[%add3A_637, %dma_start3A_735] : memref<10240x128xf32, #tpu.memory_space<vmem_shared>> -> memref<64x128xf32, #tpu.memory_space<vmem_shared>>
      tpu.enqueue_dma source(%dma_start3A_736 : memref<64x128xf32, #tpu.memory_space<vmem_shared>>) target(%arg10 : memref<64x128xf32, #tpu.memory_space<vmem>>) target_semaphore(%run_scoped3A_732 : memref<!tpu.dma_semaphore, #tpu.memory_space<semaphore_mem>>)
      %dma_wait3A_737 = arith.constant 0 : i32
      %dma_wait3A_738 = tpu.memref_slice %arg12[%add3A_637, %dma_wait3A_737] : memref<10240x128xf32, #tpu.memory_space<vmem_shared>> -> memref<64x128xf32, #tpu.memory_space<vmem_shared>>
      %dma_wait3A_739 = arith.constant 0 : i32
      %dma_wait3A_740 = tpu.memref_slice %arg12[%add3A_637, %dma_wait3A_739] : memref<10240x128xf32, #tpu.memory_space<vmem_shared>> -> memref<64x128xf32, #tpu.memory_space<vmem_shared>>
      tpu.wait_dma2 semaphore(%run_scoped3A_732 : memref<!tpu.dma_semaphore, #tpu.memory_space<semaphore_mem>>) src(%dma_wait3A_740 : memref<64x128xf32, #tpu.memory_space<vmem_shared>>) dst(%arg10 : memref<64x128xf32, #tpu.memory_space<vmem>>)
      tpu.yield
    }) : () -> ()
    %dma_start3A_646 = arith.constant 0 : i32
    %dma_start3A_647 = tpu.memref_slice %arg5[%arg0, %add3A_637, %dma_start3A_646] : memref<2x10240x128xf32, #tpu.memory_space<hbm>> -> memref<1x64x128xf32, #tpu.memory_space<hbm>>
    %dma_start3A_648 = tpu.memref_squeeze %dma_start3A_647 : memref<1x64x128xf32, #tpu.memory_space<hbm>> -> memref<64x128xf32, #tpu.memory_space<hbm>>
    %dma_start3A_649 = arith.constant 0 : i32
    %dma_start3A_650 = tpu.memref_slice %arg5[%arg0, %add3A_637, %dma_start3A_649] : memref<2x10240x128xf32, #tpu.memory_space<hbm>> -> memref<1x64x128xf32, #tpu.memory_space<hbm>>
    %dma_start3A_651 = tpu.memref_squeeze %dma_start3A_650 : memref<1x64x128xf32, #tpu.memory_space<hbm>> -> memref<64x128xf32, #tpu.memory_space<hbm>>
    tpu.enqueue_dma source(%arg10 : memref<64x128xf32, #tpu.memory_space<vmem>>) target(%dma_start3A_651 : memref<64x128xf32, #tpu.memory_space<hbm>>) target_semaphore(%arg14 : memref<!tpu.dma_semaphore, #tpu.memory_space<semaphore_mem>>)
    %add3A_652 = arith.constant 384 : i32
    %add3A_653 = arith.addi %mul3A_2, %add3A_652 : i32
    %dma_wait3A_654 = arith.constant 0 : i32
    %dma_wait3A_655 = arith.constant 0 : i32
    %dma_wait3A_656 = tpu.memref_slice %arg5[%arg0, %dma_wait3A_654, %dma_wait3A_655] : memref<2x10240x128xf32, #tpu.memory_space<hbm>> -> memref<1x64x128xf32, #tpu.memory_space<hbm>>
    %dma_wait3A_657 = tpu.memref_squeeze %dma_wait3A_656 : memref<1x64x128xf32, #tpu.memory_space<hbm>> -> memref<64x128xf32, #tpu.memory_space<hbm>>
    %dma_wait3A_658 = arith.constant 0 : i32
    %dma_wait3A_659 = arith.constant 0 : i32
    %dma_wait3A_660 = tpu.memref_slice %arg5[%arg0, %dma_wait3A_658, %dma_wait3A_659] : memref<2x10240x128xf32, #tpu.memory_space<hbm>> -> memref<1x64x128xf32, #tpu.memory_space<hbm>>
    %dma_wait3A_661 = tpu.memref_squeeze %dma_wait3A_660 : memref<1x64x128xf32, #tpu.memory_space<hbm>> -> memref<64x128xf32, #tpu.memory_space<hbm>>
    tpu.wait_dma2 semaphore(%arg13 : memref<!tpu.dma_semaphore, #tpu.memory_space<semaphore_mem>>) src(%arg9 : memref<64x128xf32, #tpu.memory_space<vmem>>) dst(%dma_wait3A_661 : memref<64x128xf32, #tpu.memory_space<hbm>>)
    "tpu.region"() ({
      %run_scoped3A_732 = tpu.sem_alloc : memref<!tpu.dma_semaphore, #tpu.memory_space<semaphore_mem>>
      %dma_start3A_733 = arith.constant 0 : i32
      %dma_start3A_734 = tpu.memref_slice %arg12[%add3A_653, %dma_start3A_733] : memref<10240x128xf32, #tpu.memory_space<vmem_shared>> -> memref<64x128xf32, #tpu.memory_space<vmem_shared>>
      %dma_start3A_735 = arith.constant 0 : i32
      %dma_start3A_736 = tpu.memref_slice %arg12[%add3A_653, %dma_start3A_735] : memref<10240x128xf32, #tpu.memory_space<vmem_shared>> -> memref<64x128xf32, #tpu.memory_space<vmem_shared>>
      tpu.enqueue_dma source(%dma_start3A_736 : memref<64x128xf32, #tpu.memory_space<vmem_shared>>) target(%arg9 : memref<64x128xf32, #tpu.memory_space<vmem>>) target_semaphore(%run_scoped3A_732 : memref<!tpu.dma_semaphore, #tpu.memory_space<semaphore_mem>>)
      %dma_wait3A_737 = arith.constant 0 : i32
      %dma_wait3A_738 = tpu.memref_slice %arg12[%add3A_653, %dma_wait3A_737] : memref<10240x128xf32, #tpu.memory_space<vmem_shared>> -> memref<64x128xf32, #tpu.memory_space<vmem_shared>>
      %dma_wait3A_739 = arith.constant 0 : i32
      %dma_wait3A_740 = tpu.memref_slice %arg12[%add3A_653, %dma_wait3A_739] : memref<10240x128xf32, #tpu.memory_space<vmem_shared>> -> memref<64x128xf32, #tpu.memory_space<vmem_shared>>
      tpu.wait_dma2 semaphore(%run_scoped3A_732 : memref<!tpu.dma_semaphore, #tpu.memory_space<semaphore_mem>>) src(%dma_wait3A_740 : memref<64x128xf32, #tpu.memory_space<vmem_shared>>) dst(%arg9 : memref<64x128xf32, #tpu.memory_space<vmem>>)
      tpu.yield
    }) : () -> ()
    %dma_start3A_662 = arith.constant 0 : i32
    %dma_start3A_663 = tpu.memref_slice %arg5[%arg0, %add3A_653, %dma_start3A_662] : memref<2x10240x128xf32, #tpu.memory_space<hbm>> -> memref<1x64x128xf32, #tpu.memory_space<hbm>>
    %dma_start3A_664 = tpu.memref_squeeze %dma_start3A_663 : memref<1x64x128xf32, #tpu.memory_space<hbm>> -> memref<64x128xf32, #tpu.memory_space<hbm>>
    %dma_start3A_665 = arith.constant 0 : i32
    %dma_start3A_666 = tpu.memref_slice %arg5[%arg0, %add3A_653, %dma_start3A_665] : memref<2x10240x128xf32, #tpu.memory_space<hbm>> -> memref<1x64x128xf32, #tpu.memory_space<hbm>>
    %dma_start3A_667 = tpu.memref_squeeze %dma_start3A_666 : memref<1x64x128xf32, #tpu.memory_space<hbm>> -> memref<64x128xf32, #tpu.memory_space<hbm>>
    tpu.enqueue_dma source(%arg9 : memref<64x128xf32, #tpu.memory_space<vmem>>) target(%dma_start3A_667 : memref<64x128xf32, #tpu.memory_space<hbm>>) target_semaphore(%arg13 : memref<!tpu.dma_semaphore, #tpu.memory_space<semaphore_mem>>)
    %add3A_668 = arith.constant 448 : i32
    %add3A_669 = arith.addi %mul3A_2, %add3A_668 : i32
    %dma_wait3A_670 = arith.constant 0 : i32
    %dma_wait3A_671 = arith.constant 0 : i32
    %dma_wait3A_672 = tpu.memref_slice %arg5[%arg0, %dma_wait3A_670, %dma_wait3A_671] : memref<2x10240x128xf32, #tpu.memory_space<hbm>> -> memref<1x64x128xf32, #tpu.memory_space<hbm>>
    %dma_wait3A_673 = tpu.memref_squeeze %dma_wait3A_672 : memref<1x64x128xf32, #tpu.memory_space<hbm>> -> memref<64x128xf32, #tpu.memory_space<hbm>>
    %dma_wait3A_674 = arith.constant 0 : i32
    %dma_wait3A_675 = arith.constant 0 : i32
    %dma_wait3A_676 = tpu.memref_slice %arg5[%arg0, %dma_wait3A_674, %dma_wait3A_675] : memref<2x10240x128xf32, #tpu.memory_space<hbm>> -> memref<1x64x128xf32, #tpu.memory_space<hbm>>
    %dma_wait3A_677 = tpu.memref_squeeze %dma_wait3A_676 : memref<1x64x128xf32, #tpu.memory_space<hbm>> -> memref<64x128xf32, #tpu.memory_space<hbm>>
    tpu.wait_dma2 semaphore(%arg14 : memref<!tpu.dma_semaphore, #tpu.memory_space<semaphore_mem>>) src(%arg10 : memref<64x128xf32, #tpu.memory_space<vmem>>) dst(%dma_wait3A_677 : memref<64x128xf32, #tpu.memory_space<hbm>>)
    "tpu.region"() ({
      %run_scoped3A_732 = tpu.sem_alloc : memref<!tpu.dma_semaphore, #tpu.memory_space<semaphore_mem>>
      %dma_start3A_733 = arith.constant 0 : i32
      %dma_start3A_734 = tpu.memref_slice %arg12[%add3A_669, %dma_start3A_733] : memref<10240x128xf32, #tpu.memory_space<vmem_shared>> -> memref<64x128xf32, #tpu.memory_space<vmem_shared>>
      %dma_start3A_735 = arith.constant 0 : i32
      %dma_start3A_736 = tpu.memref_slice %arg12[%add3A_669, %dma_start3A_735] : memref<10240x128xf32, #tpu.memory_space<vmem_shared>> -> memref<64x128xf32, #tpu.memory_space<vmem_shared>>
      tpu.enqueue_dma source(%dma_start3A_736 : memref<64x128xf32, #tpu.memory_space<vmem_shared>>) target(%arg10 : memref<64x128xf32, #tpu.memory_space<vmem>>) target_semaphore(%run_scoped3A_732 : memref<!tpu.dma_semaphore, #tpu.memory_space<semaphore_mem>>)
      %dma_wait3A_737 = arith.constant 0 : i32
      %dma_wait3A_738 = tpu.memref_slice %arg12[%add3A_669, %dma_wait3A_737] : memref<10240x128xf32, #tpu.memory_space<vmem_shared>> -> memref<64x128xf32, #tpu.memory_space<vmem_shared>>
      %dma_wait3A_739 = arith.constant 0 : i32
      %dma_wait3A_740 = tpu.memref_slice %arg12[%add3A_669, %dma_wait3A_739] : memref<10240x128xf32, #tpu.memory_space<vmem_shared>> -> memref<64x128xf32, #tpu.memory_space<vmem_shared>>
      tpu.wait_dma2 semaphore(%run_scoped3A_732 : memref<!tpu.dma_semaphore, #tpu.memory_space<semaphore_mem>>) src(%dma_wait3A_740 : memref<64x128xf32, #tpu.memory_space<vmem_shared>>) dst(%arg10 : memref<64x128xf32, #tpu.memory_space<vmem>>)
      tpu.yield
    }) : () -> ()
    %dma_start3A_678 = arith.constant 0 : i32
    %dma_start3A_679 = tpu.memref_slice %arg5[%arg0, %add3A_669, %dma_start3A_678] : memref<2x10240x128xf32, #tpu.memory_space<hbm>> -> memref<1x64x128xf32, #tpu.memory_space<hbm>>
    %dma_start3A_680 = tpu.memref_squeeze %dma_start3A_679 : memref<1x64x128xf32, #tpu.memory_space<hbm>> -> memref<64x128xf32, #tpu.memory_space<hbm>>
    %dma_start3A_681 = arith.constant 0 : i32
    %dma_start3A_682 = tpu.memref_slice %arg5[%arg0, %add3A_669, %dma_start3A_681] : memref<2x10240x128xf32, #tpu.memory_space<hbm>> -> memref<1x64x128xf32, #tpu.memory_space<hbm>>
    %dma_start3A_683 = tpu.memref_squeeze %dma_start3A_682 : memref<1x64x128xf32, #tpu.memory_space<hbm>> -> memref<64x128xf32, #tpu.memory_space<hbm>>
    tpu.enqueue_dma source(%arg10 : memref<64x128xf32, #tpu.memory_space<vmem>>) target(%dma_start3A_683 : memref<64x128xf32, #tpu.memory_space<hbm>>) target_semaphore(%arg14 : memref<!tpu.dma_semaphore, #tpu.memory_space<semaphore_mem>>)
    %add3A_684 = arith.constant 512 : i32
    %add3A_685 = arith.addi %mul3A_2, %add3A_684 : i32
    %dma_wait3A_686 = arith.constant 0 : i32
    %dma_wait3A_687 = arith.constant 0 : i32
    %dma_wait3A_688 = tpu.memref_slice %arg5[%arg0, %dma_wait3A_686, %dma_wait3A_687] : memref<2x10240x128xf32, #tpu.memory_space<hbm>> -> memref<1x64x128xf32, #tpu.memory_space<hbm>>
    %dma_wait3A_689 = tpu.memref_squeeze %dma_wait3A_688 : memref<1x64x128xf32, #tpu.memory_space<hbm>> -> memref<64x128xf32, #tpu.memory_space<hbm>>
    %dma_wait3A_690 = arith.constant 0 : i32
    %dma_wait3A_691 = arith.constant 0 : i32
    %dma_wait3A_692 = tpu.memref_slice %arg5[%arg0, %dma_wait3A_690, %dma_wait3A_691] : memref<2x10240x128xf32, #tpu.memory_space<hbm>> -> memref<1x64x128xf32, #tpu.memory_space<hbm>>
    %dma_wait3A_693 = tpu.memref_squeeze %dma_wait3A_692 : memref<1x64x128xf32, #tpu.memory_space<hbm>> -> memref<64x128xf32, #tpu.memory_space<hbm>>
    tpu.wait_dma2 semaphore(%arg13 : memref<!tpu.dma_semaphore, #tpu.memory_space<semaphore_mem>>) src(%arg9 : memref<64x128xf32, #tpu.memory_space<vmem>>) dst(%dma_wait3A_693 : memref<64x128xf32, #tpu.memory_space<hbm>>)
    "tpu.region"() ({
      %run_scoped3A_732 = tpu.sem_alloc : memref<!tpu.dma_semaphore, #tpu.memory_space<semaphore_mem>>
      %dma_start3A_733 = arith.constant 0 : i32
      %dma_start3A_734 = tpu.memref_slice %arg12[%add3A_685, %dma_start3A_733] : memref<10240x128xf32, #tpu.memory_space<vmem_shared>> -> memref<64x128xf32, #tpu.memory_space<vmem_shared>>
      %dma_start3A_735 = arith.constant 0 : i32
      %dma_start3A_736 = tpu.memref_slice %arg12[%add3A_685, %dma_start3A_735] : memref<10240x128xf32, #tpu.memory_space<vmem_shared>> -> memref<64x128xf32, #tpu.memory_space<vmem_shared>>
      tpu.enqueue_dma source(%dma_start3A_736 : memref<64x128xf32, #tpu.memory_space<vmem_shared>>) target(%arg9 : memref<64x128xf32, #tpu.memory_space<vmem>>) target_semaphore(%run_scoped3A_732 : memref<!tpu.dma_semaphore, #tpu.memory_space<semaphore_mem>>)
      %dma_wait3A_737 = arith.constant 0 : i32
      %dma_wait3A_738 = tpu.memref_slice %arg12[%add3A_685, %dma_wait3A_737] : memref<10240x128xf32, #tpu.memory_space<vmem_shared>> -> memref<64x128xf32, #tpu.memory_space<vmem_shared>>
      %dma_wait3A_739 = arith.constant 0 : i32
      %dma_wait3A_740 = tpu.memref_slice %arg12[%add3A_685, %dma_wait3A_739] : memref<10240x128xf32, #tpu.memory_space<vmem_shared>> -> memref<64x128xf32, #tpu.memory_space<vmem_shared>>
      tpu.wait_dma2 semaphore(%run_scoped3A_732 : memref<!tpu.dma_semaphore, #tpu.memory_space<semaphore_mem>>) src(%dma_wait3A_740 : memref<64x128xf32, #tpu.memory_space<vmem_shared>>) dst(%arg9 : memref<64x128xf32, #tpu.memory_space<vmem>>)
      tpu.yield
    }) : () -> ()
    %dma_start3A_694 = arith.constant 0 : i32
    %dma_start3A_695 = tpu.memref_slice %arg5[%arg0, %add3A_685, %dma_start3A_694] : memref<2x10240x128xf32, #tpu.memory_space<hbm>> -> memref<1x64x128xf32, #tpu.memory_space<hbm>>
    %dma_start3A_696 = tpu.memref_squeeze %dma_start3A_695 : memref<1x64x128xf32, #tpu.memory_space<hbm>> -> memref<64x128xf32, #tpu.memory_space<hbm>>
    %dma_start3A_697 = arith.constant 0 : i32
    %dma_start3A_698 = tpu.memref_slice %arg5[%arg0, %add3A_685, %dma_start3A_697] : memref<2x10240x128xf32, #tpu.memory_space<hbm>> -> memref<1x64x128xf32, #tpu.memory_space<hbm>>
    %dma_start3A_699 = tpu.memref_squeeze %dma_start3A_698 : memref<1x64x128xf32, #tpu.memory_space<hbm>> -> memref<64x128xf32, #tpu.memory_space<hbm>>
    tpu.enqueue_dma source(%arg9 : memref<64x128xf32, #tpu.memory_space<vmem>>) target(%dma_start3A_699 : memref<64x128xf32, #tpu.memory_space<hbm>>) target_semaphore(%arg13 : memref<!tpu.dma_semaphore, #tpu.memory_space<semaphore_mem>>)
    %add3A_700 = arith.constant 576 : i32
    %add3A_701 = arith.addi %mul3A_2, %add3A_700 : i32
    %dma_wait3A_702 = arith.constant 0 : i32
    %dma_wait3A_703 = arith.constant 0 : i32
    %dma_wait3A_704 = tpu.memref_slice %arg5[%arg0, %dma_wait3A_702, %dma_wait3A_703] : memref<2x10240x128xf32, #tpu.memory_space<hbm>> -> memref<1x64x128xf32, #tpu.memory_space<hbm>>
    %dma_wait3A_705 = tpu.memref_squeeze %dma_wait3A_704 : memref<1x64x128xf32, #tpu.memory_space<hbm>> -> memref<64x128xf32, #tpu.memory_space<hbm>>
    %dma_wait3A_706 = arith.constant 0 : i32
    %dma_wait3A_707 = arith.constant 0 : i32
    %dma_wait3A_708 = tpu.memref_slice %arg5[%arg0, %dma_wait3A_706, %dma_wait3A_707] : memref<2x10240x128xf32, #tpu.memory_space<hbm>> -> memref<1x64x128xf32, #tpu.memory_space<hbm>>
    %dma_wait3A_709 = tpu.memref_squeeze %dma_wait3A_708 : memref<1x64x128xf32, #tpu.memory_space<hbm>> -> memref<64x128xf32, #tpu.memory_space<hbm>>
    tpu.wait_dma2 semaphore(%arg14 : memref<!tpu.dma_semaphore, #tpu.memory_space<semaphore_mem>>) src(%arg10 : memref<64x128xf32, #tpu.memory_space<vmem>>) dst(%dma_wait3A_709 : memref<64x128xf32, #tpu.memory_space<hbm>>)
    "tpu.region"() ({
      %run_scoped3A_732 = tpu.sem_alloc : memref<!tpu.dma_semaphore, #tpu.memory_space<semaphore_mem>>
      %dma_start3A_733 = arith.constant 0 : i32
      %dma_start3A_734 = tpu.memref_slice %arg12[%add3A_701, %dma_start3A_733] : memref<10240x128xf32, #tpu.memory_space<vmem_shared>> -> memref<64x128xf32, #tpu.memory_space<vmem_shared>>
      %dma_start3A_735 = arith.constant 0 : i32
      %dma_start3A_736 = tpu.memref_slice %arg12[%add3A_701, %dma_start3A_735] : memref<10240x128xf32, #tpu.memory_space<vmem_shared>> -> memref<64x128xf32, #tpu.memory_space<vmem_shared>>
      tpu.enqueue_dma source(%dma_start3A_736 : memref<64x128xf32, #tpu.memory_space<vmem_shared>>) target(%arg10 : memref<64x128xf32, #tpu.memory_space<vmem>>) target_semaphore(%run_scoped3A_732 : memref<!tpu.dma_semaphore, #tpu.memory_space<semaphore_mem>>)
      %dma_wait3A_737 = arith.constant 0 : i32
      %dma_wait3A_738 = tpu.memref_slice %arg12[%add3A_701, %dma_wait3A_737] : memref<10240x128xf32, #tpu.memory_space<vmem_shared>> -> memref<64x128xf32, #tpu.memory_space<vmem_shared>>
      %dma_wait3A_739 = arith.constant 0 : i32
      %dma_wait3A_740 = tpu.memref_slice %arg12[%add3A_701, %dma_wait3A_739] : memref<10240x128xf32, #tpu.memory_space<vmem_shared>> -> memref<64x128xf32, #tpu.memory_space<vmem_shared>>
      tpu.wait_dma2 semaphore(%run_scoped3A_732 : memref<!tpu.dma_semaphore, #tpu.memory_space<semaphore_mem>>) src(%dma_wait3A_740 : memref<64x128xf32, #tpu.memory_space<vmem_shared>>) dst(%arg10 : memref<64x128xf32, #tpu.memory_space<vmem>>)
      tpu.yield
    }) : () -> ()
    %dma_start3A_710 = arith.constant 0 : i32
    %dma_start3A_711 = tpu.memref_slice %arg5[%arg0, %add3A_701, %dma_start3A_710] : memref<2x10240x128xf32, #tpu.memory_space<hbm>> -> memref<1x64x128xf32, #tpu.memory_space<hbm>>
    %dma_start3A_712 = tpu.memref_squeeze %dma_start3A_711 : memref<1x64x128xf32, #tpu.memory_space<hbm>> -> memref<64x128xf32, #tpu.memory_space<hbm>>
    %dma_start3A_713 = arith.constant 0 : i32
    %dma_start3A_714 = tpu.memref_slice %arg5[%arg0, %add3A_701, %dma_start3A_713] : memref<2x10240x128xf32, #tpu.memory_space<hbm>> -> memref<1x64x128xf32, #tpu.memory_space<hbm>>
    %dma_start3A_715 = tpu.memref_squeeze %dma_start3A_714 : memref<1x64x128xf32, #tpu.memory_space<hbm>> -> memref<64x128xf32, #tpu.memory_space<hbm>>
    tpu.enqueue_dma source(%arg10 : memref<64x128xf32, #tpu.memory_space<vmem>>) target(%dma_start3A_715 : memref<64x128xf32, #tpu.memory_space<hbm>>) target_semaphore(%arg14 : memref<!tpu.dma_semaphore, #tpu.memory_space<semaphore_mem>>)
    %dma_wait3A_716 = arith.constant 0 : i32
    %dma_wait3A_717 = arith.constant 0 : i32
    %dma_wait3A_718 = tpu.memref_slice %arg5[%arg0, %dma_wait3A_716, %dma_wait3A_717] : memref<2x10240x128xf32, #tpu.memory_space<hbm>> -> memref<1x64x128xf32, #tpu.memory_space<hbm>>
    %dma_wait3A_719 = tpu.memref_squeeze %dma_wait3A_718 : memref<1x64x128xf32, #tpu.memory_space<hbm>> -> memref<64x128xf32, #tpu.memory_space<hbm>>
    %dma_wait3A_720 = arith.constant 0 : i32
    %dma_wait3A_721 = arith.constant 0 : i32
    %dma_wait3A_722 = tpu.memref_slice %arg5[%arg0, %dma_wait3A_720, %dma_wait3A_721] : memref<2x10240x128xf32, #tpu.memory_space<hbm>> -> memref<1x64x128xf32, #tpu.memory_space<hbm>>
    %dma_wait3A_723 = tpu.memref_squeeze %dma_wait3A_722 : memref<1x64x128xf32, #tpu.memory_space<hbm>> -> memref<64x128xf32, #tpu.memory_space<hbm>>
    tpu.wait_dma2 semaphore(%arg13 : memref<!tpu.dma_semaphore, #tpu.memory_space<semaphore_mem>>) src(%arg9 : memref<64x128xf32, #tpu.memory_space<vmem>>) dst(%dma_wait3A_723 : memref<64x128xf32, #tpu.memory_space<hbm>>)
    %dma_wait3A_724 = arith.constant 0 : i32
    %dma_wait3A_725 = arith.constant 0 : i32
    %dma_wait3A_726 = tpu.memref_slice %arg5[%arg0, %dma_wait3A_724, %dma_wait3A_725] : memref<2x10240x128xf32, #tpu.memory_space<hbm>> -> memref<1x64x128xf32, #tpu.memory_space<hbm>>
    %dma_wait3A_727 = tpu.memref_squeeze %dma_wait3A_726 : memref<1x64x128xf32, #tpu.memory_space<hbm>> -> memref<64x128xf32, #tpu.memory_space<hbm>>
    %dma_wait3A_728 = arith.constant 0 : i32
    %dma_wait3A_729 = arith.constant 0 : i32
    %dma_wait3A_730 = tpu.memref_slice %arg5[%arg0, %dma_wait3A_728, %dma_wait3A_729] : memref<2x10240x128xf32, #tpu.memory_space<hbm>> -> memref<1x64x128xf32, #tpu.memory_space<hbm>>
    %dma_wait3A_731 = tpu.memref_squeeze %dma_wait3A_730 : memref<1x64x128xf32, #tpu.memory_space<hbm>> -> memref<64x128xf32, #tpu.memory_space<hbm>>
    tpu.wait_dma2 semaphore(%arg14 : memref<!tpu.dma_semaphore, #tpu.memory_space<semaphore_mem>>) src(%arg10 : memref<64x128xf32, #tpu.memory_space<vmem>>) dst(%dma_wait3A_731 : memref<64x128xf32, #tpu.memory_space<hbm>>)
    return
  }
}

#map = affine_map<(d0, d1) -> (0, 0)>
#map1 = affine_map<(d0, d1) -> (0, 0, 0)>
module attributes {stable_mosaic.version = 14 : i64} {
  func.func @sc_segment_sum(%arg0: i32, %arg1: i32, %arg2: memref<10000x128xf32, #tpu.memory_space<hbm>>, %arg3: memref<32x160x64xi32, #tpu.memory_space<hbm>>, %arg4: memref<32x160x64xi32, #tpu.memory_space<hbm>>, %arg5: memref<2x10240x128xf32, #tpu.memory_space<hbm>>, %arg6: memref<80x64xi32, #tpu.memory_space<vmem>>, %arg7: memref<80x64xi32, #tpu.memory_space<vmem>>, %arg8: memref<64x128xf32, #tpu.memory_space<vmem>>, %arg9: memref<64x128xf32, #tpu.memory_space<vmem>>, %arg10: memref<64x128xf32, #tpu.memory_space<vmem>>, %arg11: memref<10240x128xf32, #tpu.memory_space<vmem_shared>>, %arg12: memref<!tpu.dma_semaphore, #tpu.memory_space<semaphore_mem>>, %arg13: memref<!tpu.dma_semaphore, #tpu.memory_space<semaphore_mem>>, %arg14: memref<!tpu.dma_semaphore, #tpu.memory_space<semaphore_mem>>) attributes {dimension_semantics = [#tpu.dimension_semantics<core_parallel>, #tpu.dimension_semantics<subcore_parallel>], iteration_bounds = array<i64: 2, 16>, scalar_prefetch = 0 : i64, scratch_operands = 9 : i64, tpu.core_type = #tpu.core_type<sc_vector_subcore>, window_params = [{transform_indices = #map}, {transform_indices = #map1}, {transform_indices = #map1}, {transform_indices = #map1}]} {
    %mul3A = arith.constant 2 : i32
    %mul3A_0 = arith.muli %arg1, %mul3A : i32
    %add3A = arith.addi %mul3A_0, %arg0 : i32
    %mul3A_1 = arith.constant 640 : i32
    %mul3A_2 = arith.muli %arg1, %mul3A_1 : i32
    %broadcast_in_dim3A = arith.constant 0.000000e+00 : f32
    %broadcast_in_dim3A_3 = vector.broadcast %broadcast_in_dim3A : f32 to vector<16xf32>
    %scan3A = arith.constant 0 : i32
    %scan3A_4 = arith.constant 0 : i32
    %scan3A_5 = arith.constant 64 : i32
    %scan3A_6 = arith.addi %scan3A_4, %scan3A_5 : i32
    %scan3A_7 = arith.constant 1 : i32
    scf.for %scan3A_429 = %scan3A_4 to %scan3A_6 step %scan3A_7  : i32 {
      %swap3A = arith.index_cast %scan3A_429 : i32 to index
      %swap3A_430 = arith.constant 0 : index
      %swap3A_431 = tpu.vector_load %arg8[%swap3A, %swap3A_430] {strides = array<i32>} : memref<64x128xf32, #tpu.memory_space<vmem>>, vector<1x16xf32>,
      %swap3A_432 = vector.shape_cast %swap3A_431 : vector<1x16xf32> to vector<16xf32>
      %swap3A_433 = vector.shape_cast %broadcast_in_dim3A_3 : vector<16xf32> to vector<1x16xf32>
      tpu.vector_store %arg8[%swap3A, %swap3A_430], %swap3A_433 {strides = array<i32>} : memref<64x128xf32, #tpu.memory_space<vmem>>, vector<1x16xf32>,
      %swap3A_434 = arith.index_cast %scan3A_429 : i32 to index
      %swap3A_435 = arith.constant 16 : index
      %swap3A_436 = tpu.vector_load %arg8[%swap3A_434, %swap3A_435] {strides = array<i32>} : memref<64x128xf32, #tpu.memory_space<vmem>>, vector<1x16xf32>,
      %swap3A_437 = vector.shape_cast %swap3A_436 : vector<1x16xf32> to vector<16xf32>
      %swap3A_438 = vector.shape_cast %broadcast_in_dim3A_3 : vector<16xf32> to vector<1x16xf32>
      tpu.vector_store %arg8[%swap3A_434, %swap3A_435], %swap3A_438 {strides = array<i32>} : memref<64x128xf32, #tpu.memory_space<vmem>>, vector<1x16xf32>,
      %swap3A_439 = arith.index_cast %scan3A_429 : i32 to index
      %swap3A_440 = arith.constant 32 : index
      %swap3A_441 = tpu.vector_load %arg8[%swap3A_439, %swap3A_440] {strides = array<i32>} : memref<64x128xf32, #tpu.memory_space<vmem>>, vector<1x16xf32>,
      %swap3A_442 = vector.shape_cast %swap3A_441 : vector<1x16xf32> to vector<16xf32>
      %swap3A_443 = vector.shape_cast %broadcast_in_dim3A_3 : vector<16xf32> to vector<1x16xf32>
      tpu.vector_store %arg8[%swap3A_439, %swap3A_440], %swap3A_443 {strides = array<i32>} : memref<64x128xf32, #tpu.memory_space<vmem>>, vector<1x16xf32>,
      %swap3A_444 = arith.index_cast %scan3A_429 : i32 to index
      %swap3A_445 = arith.constant 48 : index
      %swap3A_446 = tpu.vector_load %arg8[%swap3A_444, %swap3A_445] {strides = array<i32>} : memref<64x128xf32, #tpu.memory_space<vmem>>, vector<1x16xf32>,
      %swap3A_447 = vector.shape_cast %swap3A_446 : vector<1x16xf32> to vector<16xf32>
      %swap3A_448 = vector.shape_cast %broadcast_in_dim3A_3 : vector<16xf32> to vector<1x16xf32>
      tpu.vector_store %arg8[%swap3A_444, %swap3A_445], %swap3A_448 {strides = array<i32>} : memref<64x128xf32, #tpu.memory_space<vmem>>, vector<1x16xf32>,
      %swap3A_449 = arith.index_cast %scan3A_429 : i32 to index
      %swap3A_450 = arith.constant 64 : index
      %swap3A_451 = tpu.vector_load %arg8[%swap3A_449, %swap3A_450] {strides = array<i32>} : memref<64x128xf32, #tpu.memory_space<vmem>>, vector<1x16xf32>,
      %swap3A_452 = vector.shape_cast %swap3A_451 : vector<1x16xf32> to vector<16xf32>
      %swap3A_453 = vector.shape_cast %broadcast_in_dim3A_3 : vector<16xf32> to vector<1x16xf32>
      tpu.vector_store %arg8[%swap3A_449, %swap3A_450], %swap3A_453 {strides = array<i32>} : memref<64x128xf32, #tpu.memory_space<vmem>>, vector<1x16xf32>,
      %swap3A_454 = arith.index_cast %scan3A_429 : i32 to index
      %swap3A_455 = arith.constant 80 : index
      %swap3A_456 = tpu.vector_load %arg8[%swap3A_454, %swap3A_455] {strides = array<i32>} : memref<64x128xf32, #tpu.memory_space<vmem>>, vector<1x16xf32>,
      %swap3A_457 = vector.shape_cast %swap3A_456 : vector<1x16xf32> to vector<16xf32>
      %swap3A_458 = vector.shape_cast %broadcast_in_dim3A_3 : vector<16xf32> to vector<1x16xf32>
      tpu.vector_store %arg8[%swap3A_454, %swap3A_455], %swap3A_458 {strides = array<i32>} : memref<64x128xf32, #tpu.memory_space<vmem>>, vector<1x16xf32>,
      %swap3A_459 = arith.index_cast %scan3A_429 : i32 to index
      %swap3A_460 = arith.constant 96 : index
      %swap3A_461 = tpu.vector_load %arg8[%swap3A_459, %swap3A_460] {strides = array<i32>} : memref<64x128xf32, #tpu.memory_space<vmem>>, vector<1x16xf32>,
      %swap3A_462 = vector.shape_cast %swap3A_461 : vector<1x16xf32> to vector<16xf32>
      %swap3A_463 = vector.shape_cast %broadcast_in_dim3A_3 : vector<16xf32> to vector<1x16xf32>
      tpu.vector_store %arg8[%swap3A_459, %swap3A_460], %swap3A_463 {strides = array<i32>} : memref<64x128xf32, #tpu.memory_space<vmem>>, vector<1x16xf32>,
      %swap3A_464 = arith.index_cast %scan3A_429 : i32 to index
      %swap3A_465 = arith.constant 112 : index
      %swap3A_466 = tpu.vector_load %arg8[%swap3A_464, %swap3A_465] {strides = array<i32>} : memref<64x128xf32, #tpu.memory_space<vmem>>, vector<1x16xf32>,
      %swap3A_467 = vector.shape_cast %swap3A_466 : vector<1x16xf32> to vector<16xf32>
      %swap3A_468 = vector.shape_cast %broadcast_in_dim3A_3 : vector<16xf32> to vector<1x16xf32>
      tpu.vector_store %arg8[%swap3A_464, %swap3A_465], %swap3A_468 {strides = array<i32>} : memref<64x128xf32, #tpu.memory_space<vmem>>, vector<1x16xf32>,
    }
    %scan3A_8 = arith.constant 64 : i32
    %add3A_9 = arith.constant 0 : i32
    %add3A_10 = arith.addi %mul3A_2, %add3A_9 : i32
    %dma_start3A = arith.constant 0 : i32
    %dma_start3A_11 = tpu.memref_slice %arg11[%add3A_10, %dma_start3A] : memref<10240x128xf32, #tpu.memory_space<vmem_shared>> -> memref<64x128xf32, #tpu.memory_space<vmem_shared>>
    %dma_start3A_12 = arith.constant 0 : i32
    %dma_start3A_13 = tpu.memref_slice %arg11[%add3A_10, %dma_start3A_12] : memref<10240x128xf32, #tpu.memory_space<vmem_shared>> -> memref<64x128xf32, #tpu.memory_space<vmem_shared>>
    tpu.enqueue_dma source(%arg8 : memref<64x128xf32, #tpu.memory_space<vmem>>) target(%dma_start3A_13 : memref<64x128xf32, #tpu.memory_space<vmem_shared>>) target_semaphore(%arg12 : memref<!tpu.dma_semaphore, #tpu.memory_space<semaphore_mem>>)
    %add3A_14 = arith.constant 64 : i32
    %add3A_15 = arith.addi %mul3A_2, %add3A_14 : i32
    %dma_start3A_16 = arith.constant 0 : i32
    %dma_start3A_17 = tpu.memref_slice %arg11[%add3A_15, %dma_start3A_16] : memref<10240x128xf32, #tpu.memory_space<vmem_shared>> -> memref<64x128xf32, #tpu.memory_space<vmem_shared>>
    %dma_start3A_18 = arith.constant 0 : i32
    %dma_start3A_19 = tpu.memref_slice %arg11[%add3A_15, %dma_start3A_18] : memref<10240x128xf32, #tpu.memory_space<vmem_shared>> -> memref<64x128xf32, #tpu.memory_space<vmem_shared>>
    tpu.enqueue_dma source(%arg8 : memref<64x128xf32, #tpu.memory_space<vmem>>) target(%dma_start3A_19 : memref<64x128xf32, #tpu.memory_space<vmem_shared>>) target_semaphore(%arg12 : memref<!tpu.dma_semaphore, #tpu.memory_space<semaphore_mem>>)
    %add3A_20 = arith.constant 128 : i32
    %add3A_21 = arith.addi %mul3A_2, %add3A_20 : i32
    %dma_start3A_22 = arith.constant 0 : i32
    %dma_start3A_23 = tpu.memref_slice %arg11[%add3A_21, %dma_start3A_22] : memref<10240x128xf32, #tpu.memory_space<vmem_shared>> -> memref<64x128xf32, #tpu.memory_space<vmem_shared>>
    %dma_start3A_24 = arith.constant 0 : i32
    %dma_start3A_25 = tpu.memref_slice %arg11[%add3A_21, %dma_start3A_24] : memref<10240x128xf32, #tpu.memory_space<vmem_shared>> -> memref<64x128xf32, #tpu.memory_space<vmem_shared>>
    tpu.enqueue_dma source(%arg8 : memref<64x128xf32, #tpu.memory_space<vmem>>) target(%dma_start3A_25 : memref<64x128xf32, #tpu.memory_space<vmem_shared>>) target_semaphore(%arg12 : memref<!tpu.dma_semaphore, #tpu.memory_space<semaphore_mem>>)
    %add3A_26 = arith.constant 192 : i32
    %add3A_27 = arith.addi %mul3A_2, %add3A_26 : i32
    %dma_start3A_28 = arith.constant 0 : i32
    %dma_start3A_29 = tpu.memref_slice %arg11[%add3A_27, %dma_start3A_28] : memref<10240x128xf32, #tpu.memory_space<vmem_shared>> -> memref<64x128xf32, #tpu.memory_space<vmem_shared>>
    %dma_start3A_30 = arith.constant 0 : i32
    %dma_start3A_31 = tpu.memref_slice %arg11[%add3A_27, %dma_start3A_30] : memref<10240x128xf32, #tpu.memory_space<vmem_shared>> -> memref<64x128xf32, #tpu.memory_space<vmem_shared>>
    tpu.enqueue_dma source(%arg8 : memref<64x128xf32, #tpu.memory_space<vmem>>) target(%dma_start3A_31 : memref<64x128xf32, #tpu.memory_space<vmem_shared>>) target_semaphore(%arg12 : memref<!tpu.dma_semaphore, #tpu.memory_space<semaphore_mem>>)
    %add3A_32 = arith.constant 256 : i32
    %add3A_33 = arith.addi %mul3A_2, %add3A_32 : i32
    %dma_start3A_34 = arith.constant 0 : i32
    %dma_start3A_35 = tpu.memref_slice %arg11[%add3A_33, %dma_start3A_34] : memref<10240x128xf32, #tpu.memory_space<vmem_shared>> -> memref<64x128xf32, #tpu.memory_space<vmem_shared>>
    %dma_start3A_36 = arith.constant 0 : i32
    %dma_start3A_37 = tpu.memref_slice %arg11[%add3A_33, %dma_start3A_36] : memref<10240x128xf32, #tpu.memory_space<vmem_shared>> -> memref<64x128xf32, #tpu.memory_space<vmem_shared>>
    tpu.enqueue_dma source(%arg8 : memref<64x128xf32, #tpu.memory_space<vmem>>) target(%dma_start3A_37 : memref<64x128xf32, #tpu.memory_space<vmem_shared>>) target_semaphore(%arg12 : memref<!tpu.dma_semaphore, #tpu.memory_space<semaphore_mem>>)
    %add3A_38 = arith.constant 320 : i32
    %add3A_39 = arith.addi %mul3A_2, %add3A_38 : i32
    %dma_start3A_40 = arith.constant 0 : i32
    %dma_start3A_41 = tpu.memref_slice %arg11[%add3A_39, %dma_start3A_40] : memref<10240x128xf32, #tpu.memory_space<vmem_shared>> -> memref<64x128xf32, #tpu.memory_space<vmem_shared>>
    %dma_start3A_42 = arith.constant 0 : i32
    %dma_start3A_43 = tpu.memref_slice %arg11[%add3A_39, %dma_start3A_42] : memref<10240x128xf32, #tpu.memory_space<vmem_shared>> -> memref<64x128xf32, #tpu.memory_space<vmem_shared>>
    tpu.enqueue_dma source(%arg8 : memref<64x128xf32, #tpu.memory_space<vmem>>) target(%dma_start3A_43 : memref<64x128xf32, #tpu.memory_space<vmem_shared>>) target_semaphore(%arg12 : memref<!tpu.dma_semaphore, #tpu.memory_space<semaphore_mem>>)
    %add3A_44 = arith.constant 384 : i32
    %add3A_45 = arith.addi %mul3A_2, %add3A_44 : i32
    %dma_start3A_46 = arith.constant 0 : i32
    %dma_start3A_47 = tpu.memref_slice %arg11[%add3A_45, %dma_start3A_46] : memref<10240x128xf32, #tpu.memory_space<vmem_shared>> -> memref<64x128xf32, #tpu.memory_space<vmem_shared>>
    %dma_start3A_48 = arith.constant 0 : i32
    %dma_start3A_49 = tpu.memref_slice %arg11[%add3A_45, %dma_start3A_48] : memref<10240x128xf32, #tpu.memory_space<vmem_shared>> -> memref<64x128xf32, #tpu.memory_space<vmem_shared>>
    tpu.enqueue_dma source(%arg8 : memref<64x128xf32, #tpu.memory_space<vmem>>) target(%dma_start3A_49 : memref<64x128xf32, #tpu.memory_space<vmem_shared>>) target_semaphore(%arg12 : memref<!tpu.dma_semaphore, #tpu.memory_space<semaphore_mem>>)
    %add3A_50 = arith.constant 448 : i32
    %add3A_51 = arith.addi %mul3A_2, %add3A_50 : i32
    %dma_start3A_52 = arith.constant 0 : i32
    %dma_start3A_53 = tpu.memref_slice %arg11[%add3A_51, %dma_start3A_52] : memref<10240x128xf32, #tpu.memory_space<vmem_shared>> -> memref<64x128xf32, #tpu.memory_space<vmem_shared>>
    %dma_start3A_54 = arith.constant 0 : i32
    %dma_start3A_55 = tpu.memref_slice %arg11[%add3A_51, %dma_start3A_54] : memref<10240x128xf32, #tpu.memory_space<vmem_shared>> -> memref<64x128xf32, #tpu.memory_space<vmem_shared>>
    tpu.enqueue_dma source(%arg8 : memref<64x128xf32, #tpu.memory_space<vmem>>) target(%dma_start3A_55 : memref<64x128xf32, #tpu.memory_space<vmem_shared>>) target_semaphore(%arg12 : memref<!tpu.dma_semaphore, #tpu.memory_space<semaphore_mem>>)
    %add3A_56 = arith.constant 512 : i32
    %add3A_57 = arith.addi %mul3A_2, %add3A_56 : i32
    %dma_start3A_58 = arith.constant 0 : i32
    %dma_start3A_59 = tpu.memref_slice %arg11[%add3A_57, %dma_start3A_58] : memref<10240x128xf32, #tpu.memory_space<vmem_shared>> -> memref<64x128xf32, #tpu.memory_space<vmem_shared>>
    %dma_start3A_60 = arith.constant 0 : i32
    %dma_start3A_61 = tpu.memref_slice %arg11[%add3A_57, %dma_start3A_60] : memref<10240x128xf32, #tpu.memory_space<vmem_shared>> -> memref<64x128xf32, #tpu.memory_space<vmem_shared>>
    tpu.enqueue_dma source(%arg8 : memref<64x128xf32, #tpu.memory_space<vmem>>) target(%dma_start3A_61 : memref<64x128xf32, #tpu.memory_space<vmem_shared>>) target_semaphore(%arg12 : memref<!tpu.dma_semaphore, #tpu.memory_space<semaphore_mem>>)
    %add3A_62 = arith.constant 576 : i32
    %add3A_63 = arith.addi %mul3A_2, %add3A_62 : i32
    %dma_start3A_64 = arith.constant 0 : i32
    %dma_start3A_65 = tpu.memref_slice %arg11[%add3A_63, %dma_start3A_64] : memref<10240x128xf32, #tpu.memory_space<vmem_shared>> -> memref<64x128xf32, #tpu.memory_space<vmem_shared>>
    %dma_start3A_66 = arith.constant 0 : i32
    %dma_start3A_67 = tpu.memref_slice %arg11[%add3A_63, %dma_start3A_66] : memref<10240x128xf32, #tpu.memory_space<vmem_shared>> -> memref<64x128xf32, #tpu.memory_space<vmem_shared>>
    tpu.enqueue_dma source(%arg8 : memref<64x128xf32, #tpu.memory_space<vmem>>) target(%dma_start3A_67 : memref<64x128xf32, #tpu.memory_space<vmem_shared>>) target_semaphore(%arg12 : memref<!tpu.dma_semaphore, #tpu.memory_space<semaphore_mem>>)
    %dma_wait3A = arith.constant 0 : i32
    %dma_wait3A_68 = tpu.memref_slice %arg11[%mul3A_2, %dma_wait3A] : memref<10240x128xf32, #tpu.memory_space<vmem_shared>> -> memref<64x128xf32, #tpu.memory_space<vmem_shared>>
    %dma_wait3A_69 = arith.constant 0 : i32
    %dma_wait3A_70 = tpu.memref_slice %arg11[%mul3A_2, %dma_wait3A_69] : memref<10240x128xf32, #tpu.memory_space<vmem_shared>> -> memref<64x128xf32, #tpu.memory_space<vmem_shared>>
    tpu.wait_dma2 semaphore(%arg12 : memref<!tpu.dma_semaphore, #tpu.memory_space<semaphore_mem>>) src(%arg8 : memref<64x128xf32, #tpu.memory_space<vmem>>) dst(%dma_wait3A_70 : memref<64x128xf32, #tpu.memory_space<vmem_shared>>)
    %dma_wait3A_71 = arith.constant 0 : i32
    %dma_wait3A_72 = tpu.memref_slice %arg11[%mul3A_2, %dma_wait3A_71] : memref<10240x128xf32, #tpu.memory_space<vmem_shared>> -> memref<64x128xf32, #tpu.memory_space<vmem_shared>>
    %dma_wait3A_73 = arith.constant 0 : i32
    %dma_wait3A_74 = tpu.memref_slice %arg11[%mul3A_2, %dma_wait3A_73] : memref<10240x128xf32, #tpu.memory_space<vmem_shared>> -> memref<64x128xf32, #tpu.memory_space<vmem_shared>>
    tpu.wait_dma2 semaphore(%arg12 : memref<!tpu.dma_semaphore, #tpu.memory_space<semaphore_mem>>) src(%arg8 : memref<64x128xf32, #tpu.memory_space<vmem>>) dst(%dma_wait3A_74 : memref<64x128xf32, #tpu.memory_space<vmem_shared>>)
    %dma_wait3A_75 = arith.constant 0 : i32
    %dma_wait3A_76 = tpu.memref_slice %arg11[%mul3A_2, %dma_wait3A_75] : memref<10240x128xf32, #tpu.memory_space<vmem_shared>> -> memref<64x128xf32, #tpu.memory_space<vmem_shared>>
    %dma_wait3A_77 = arith.constant 0 : i32
    %dma_wait3A_78 = tpu.memref_slice %arg11[%mul3A_2, %dma_wait3A_77] : memref<10240x128xf32, #tpu.memory_space<vmem_shared>> -> memref<64x128xf32, #tpu.memory_space<vmem_shared>>
    tpu.wait_dma2 semaphore(%arg12 : memref<!tpu.dma_semaphore, #tpu.memory_space<semaphore_mem>>) src(%arg8 : memref<64x128xf32, #tpu.memory_space<vmem>>) dst(%dma_wait3A_78 : memref<64x128xf32, #tpu.memory_space<vmem_shared>>)
    %dma_wait3A_79 = arith.constant 0 : i32
    %dma_wait3A_80 = tpu.memref_slice %arg11[%mul3A_2, %dma_wait3A_79] : memref<10240x128xf32, #tpu.memory_space<vmem_shared>> -> memref<64x128xf32, #tpu.memory_space<vmem_shared>>
    %dma_wait3A_81 = arith.constant 0 : i32
    %dma_wait3A_82 = tpu.memref_slice %arg11[%mul3A_2, %dma_wait3A_81] : memref<10240x128xf32, #tpu.memory_space<vmem_shared>> -> memref<64x128xf32, #tpu.memory_space<vmem_shared>>
    tpu.wait_dma2 semaphore(%arg12 : memref<!tpu.dma_semaphore, #tpu.memory_space<semaphore_mem>>) src(%arg8 : memref<64x128xf32, #tpu.memory_space<vmem>>) dst(%dma_wait3A_82 : memref<64x128xf32, #tpu.memory_space<vmem_shared>>)
    %dma_wait3A_83 = arith.constant 0 : i32
    %dma_wait3A_84 = tpu.memref_slice %arg11[%mul3A_2, %dma_wait3A_83] : memref<10240x128xf32, #tpu.memory_space<vmem_shared>> -> memref<64x128xf32, #tpu.memory_space<vmem_shared>>
    %dma_wait3A_85 = arith.constant 0 : i32
    %dma_wait3A_86 = tpu.memref_slice %arg11[%mul3A_2, %dma_wait3A_85] : memref<10240x128xf32, #tpu.memory_space<vmem_shared>> -> memref<64x128xf32, #tpu.memory_space<vmem_shared>>
    tpu.wait_dma2 semaphore(%arg12 : memref<!tpu.dma_semaphore, #tpu.memory_space<semaphore_mem>>) src(%arg8 : memref<64x128xf32, #tpu.memory_space<vmem>>) dst(%dma_wait3A_86 : memref<64x128xf32, #tpu.memory_space<vmem_shared>>)
    %dma_wait3A_87 = arith.constant 0 : i32
    %dma_wait3A_88 = tpu.memref_slice %arg11[%mul3A_2, %dma_wait3A_87] : memref<10240x128xf32, #tpu.memory_space<vmem_shared>> -> memref<64x128xf32, #tpu.memory_space<vmem_shared>>
    %dma_wait3A_89 = arith.constant 0 : i32
    %dma_wait3A_90 = tpu.memref_slice %arg11[%mul3A_2, %dma_wait3A_89] : memref<10240x128xf32, #tpu.memory_space<vmem_shared>> -> memref<64x128xf32, #tpu.memory_space<vmem_shared>>
    tpu.wait_dma2 semaphore(%arg12 : memref<!tpu.dma_semaphore, #tpu.memory_space<semaphore_mem>>) src(%arg8 : memref<64x128xf32, #tpu.memory_space<vmem>>) dst(%dma_wait3A_90 : memref<64x128xf32, #tpu.memory_space<vmem_shared>>)
    %dma_wait3A_91 = arith.constant 0 : i32
    %dma_wait3A_92 = tpu.memref_slice %arg11[%mul3A_2, %dma_wait3A_91] : memref<10240x128xf32, #tpu.memory_space<vmem_shared>> -> memref<64x128xf32, #tpu.memory_space<vmem_shared>>
    %dma_wait3A_93 = arith.constant 0 : i32
    %dma_wait3A_94 = tpu.memref_slice %arg11[%mul3A_2, %dma_wait3A_93] : memref<10240x128xf32, #tpu.memory_space<vmem_shared>> -> memref<64x128xf32, #tpu.memory_space<vmem_shared>>
    tpu.wait_dma2 semaphore(%arg12 : memref<!tpu.dma_semaphore, #tpu.memory_space<semaphore_mem>>) src(%arg8 : memref<64x128xf32, #tpu.memory_space<vmem>>) dst(%dma_wait3A_94 : memref<64x128xf32, #tpu.memory_space<vmem_shared>>)
    %dma_wait3A_95 = arith.constant 0 : i32
    %dma_wait3A_96 = tpu.memref_slice %arg11[%mul3A_2, %dma_wait3A_95] : memref<10240x128xf32, #tpu.memory_space<vmem_shared>> -> memref<64x128xf32, #tpu.memory_space<vmem_shared>>
    %dma_wait3A_97 = arith.constant 0 : i32
    %dma_wait3A_98 = tpu.memref_slice %arg11[%mul3A_2, %dma_wait3A_97] : memref<10240x128xf32, #tpu.memory_space<vmem_shared>> -> memref<64x128xf32, #tpu.memory_space<vmem_shared>>
    tpu.wait_dma2 semaphore(%arg12 : memref<!tpu.dma_semaphore, #tpu.memory_space<semaphore_mem>>) src(%arg8 : memref<64x128xf32, #tpu.memory_space<vmem>>) dst(%dma_wait3A_98 : memref<64x128xf32, #tpu.memory_space<vmem_shared>>)
    %dma_wait3A_99 = arith.constant 0 : i32
    %dma_wait3A_100 = tpu.memref_slice %arg11[%mul3A_2, %dma_wait3A_99] : memref<10240x128xf32, #tpu.memory_space<vmem_shared>> -> memref<64x128xf32, #tpu.memory_space<vmem_shared>>
    %dma_wait3A_101 = arith.constant 0 : i32
    %dma_wait3A_102 = tpu.memref_slice %arg11[%mul3A_2, %dma_wait3A_101] : memref<10240x128xf32, #tpu.memory_space<vmem_shared>> -> memref<64x128xf32, #tpu.memory_space<vmem_shared>>
    tpu.wait_dma2 semaphore(%arg12 : memref<!tpu.dma_semaphore, #tpu.memory_space<semaphore_mem>>) src(%arg8 : memref<64x128xf32, #tpu.memory_space<vmem>>) dst(%dma_wait3A_102 : memref<64x128xf32, #tpu.memory_space<vmem_shared>>)
    %dma_wait3A_103 = arith.constant 0 : i32
    %dma_wait3A_104 = tpu.memref_slice %arg11[%mul3A_2, %dma_wait3A_103] : memref<10240x128xf32, #tpu.memory_space<vmem_shared>> -> memref<64x128xf32, #tpu.memory_space<vmem_shared>>
    %dma_wait3A_105 = arith.constant 0 : i32
    %dma_wait3A_106 = tpu.memref_slice %arg11[%mul3A_2, %dma_wait3A_105] : memref<10240x128xf32, #tpu.memory_space<vmem_shared>> -> memref<64x128xf32, #tpu.memory_space<vmem_shared>>
    tpu.wait_dma2 semaphore(%arg12 : memref<!tpu.dma_semaphore, #tpu.memory_space<semaphore_mem>>) src(%arg8 : memref<64x128xf32, #tpu.memory_space<vmem>>) dst(%dma_wait3A_106 : memref<64x128xf32, #tpu.memory_space<vmem_shared>>)
    %barrier3A = arith.constant 0 : index
    tpu.barrier barrier_id(%barrier3A)
    "tpu.region"() ({
      %run_scoped3A_429 = tpu.sem_alloc : memref<!tpu.dma_semaphore, #tpu.memory_space<semaphore_mem>>
      %dma_start3A_430 = arith.constant 0 : i32
      %dma_start3A_431 = arith.constant 0 : i32
      %dma_start3A_432 = tpu.memref_slice %arg3[%add3A, %dma_start3A_430, %dma_start3A_431] : memref<32x160x64xi32, #tpu.memory_space<hbm>> -> memref<1x80x64xi32, #tpu.memory_space<hbm>>
      %dma_start3A_433 = tpu.memref_squeeze %dma_start3A_432 : memref<1x80x64xi32, #tpu.memory_space<hbm>> -> memref<80x64xi32, #tpu.memory_space<hbm>>
      %dma_start3A_434 = arith.constant 0 : i32
      %dma_start3A_435 = arith.constant 0 : i32
      %dma_start3A_436 = tpu.memref_slice %arg3[%add3A, %dma_start3A_434, %dma_start3A_435] : memref<32x160x64xi32, #tpu.memory_space<hbm>> -> memref<1x80x64xi32, #tpu.memory_space<hbm>>
      %dma_start3A_437 = tpu.memref_squeeze %dma_start3A_436 : memref<1x80x64xi32, #tpu.memory_space<hbm>> -> memref<80x64xi32, #tpu.memory_space<hbm>>
      tpu.enqueue_dma source(%dma_start3A_437 : memref<80x64xi32, #tpu.memory_space<hbm>>) target(%arg6 : memref<80x64xi32, #tpu.memory_space<vmem>>) target_semaphore(%run_scoped3A_429 : memref<!tpu.dma_semaphore, #tpu.memory_space<semaphore_mem>>)
      %dma_wait3A_438 = arith.constant 0 : i32
      %dma_wait3A_439 = arith.constant 0 : i32
      %dma_wait3A_440 = tpu.memref_slice %arg3[%add3A, %dma_wait3A_438, %dma_wait3A_439] : memref<32x160x64xi32, #tpu.memory_space<hbm>> -> memref<1x80x64xi32, #tpu.memory_space<hbm>>
      %dma_wait3A_441 = tpu.memref_squeeze %dma_wait3A_440 : memref<1x80x64xi32, #tpu.memory_space<hbm>> -> memref<80x64xi32, #tpu.memory_space<hbm>>
      %dma_wait3A_442 = arith.constant 0 : i32
      %dma_wait3A_443 = arith.constant 0 : i32
      %dma_wait3A_444 = tpu.memref_slice %arg3[%add3A, %dma_wait3A_442, %dma_wait3A_443] : memref<32x160x64xi32, #tpu.memory_space<hbm>> -> memref<1x80x64xi32, #tpu.memory_space<hbm>>
      %dma_wait3A_445 = tpu.memref_squeeze %dma_wait3A_444 : memref<1x80x64xi32, #tpu.memory_space<hbm>> -> memref<80x64xi32, #tpu.memory_space<hbm>>
      tpu.wait_dma2 semaphore(%run_scoped3A_429 : memref<!tpu.dma_semaphore, #tpu.memory_space<semaphore_mem>>) src(%dma_wait3A_445 : memref<80x64xi32, #tpu.memory_space<hbm>>) dst(%arg6 : memref<80x64xi32, #tpu.memory_space<vmem>>)
      tpu.yield
    }) : () -> ()
    "tpu.region"() ({
      %run_scoped3A_429 = tpu.sem_alloc : memref<!tpu.dma_semaphore, #tpu.memory_space<semaphore_mem>>
      %dma_start3A_430 = arith.constant 0 : i32
      %dma_start3A_431 = arith.constant 0 : i32
      %dma_start3A_432 = tpu.memref_slice %arg4[%add3A, %dma_start3A_430, %dma_start3A_431] : memref<32x160x64xi32, #tpu.memory_space<hbm>> -> memref<1x80x64xi32, #tpu.memory_space<hbm>>
      %dma_start3A_433 = tpu.memref_squeeze %dma_start3A_432 : memref<1x80x64xi32, #tpu.memory_space<hbm>> -> memref<80x64xi32, #tpu.memory_space<hbm>>
      %dma_start3A_434 = arith.constant 0 : i32
      %dma_start3A_435 = arith.constant 0 : i32
      %dma_start3A_436 = tpu.memref_slice %arg4[%add3A, %dma_start3A_434, %dma_start3A_435] : memref<32x160x64xi32, #tpu.memory_space<hbm>> -> memref<1x80x64xi32, #tpu.memory_space<hbm>>
      %dma_start3A_437 = tpu.memref_squeeze %dma_start3A_436 : memref<1x80x64xi32, #tpu.memory_space<hbm>> -> memref<80x64xi32, #tpu.memory_space<hbm>>
      tpu.enqueue_dma source(%dma_start3A_437 : memref<80x64xi32, #tpu.memory_space<hbm>>) target(%arg7 : memref<80x64xi32, #tpu.memory_space<vmem>>) target_semaphore(%run_scoped3A_429 : memref<!tpu.dma_semaphore, #tpu.memory_space<semaphore_mem>>)
      %dma_wait3A_438 = arith.constant 0 : i32
      %dma_wait3A_439 = arith.constant 0 : i32
      %dma_wait3A_440 = tpu.memref_slice %arg4[%add3A, %dma_wait3A_438, %dma_wait3A_439] : memref<32x160x64xi32, #tpu.memory_space<hbm>> -> memref<1x80x64xi32, #tpu.memory_space<hbm>>
      %dma_wait3A_441 = tpu.memref_squeeze %dma_wait3A_440 : memref<1x80x64xi32, #tpu.memory_space<hbm>> -> memref<80x64xi32, #tpu.memory_space<hbm>>
      %dma_wait3A_442 = arith.constant 0 : i32
      %dma_wait3A_443 = arith.constant 0 : i32
      %dma_wait3A_444 = tpu.memref_slice %arg4[%add3A, %dma_wait3A_442, %dma_wait3A_443] : memref<32x160x64xi32, #tpu.memory_space<hbm>> -> memref<1x80x64xi32, #tpu.memory_space<hbm>>
      %dma_wait3A_445 = tpu.memref_squeeze %dma_wait3A_444 : memref<1x80x64xi32, #tpu.memory_space<hbm>> -> memref<80x64xi32, #tpu.memory_space<hbm>>
      tpu.wait_dma2 semaphore(%run_scoped3A_429 : memref<!tpu.dma_semaphore, #tpu.memory_space<semaphore_mem>>) src(%dma_wait3A_445 : memref<80x64xi32, #tpu.memory_space<hbm>>) dst(%arg7 : memref<80x64xi32, #tpu.memory_space<vmem>>)
      tpu.yield
    }) : () -> ()
    %dma_start3A_107 = arith.constant 0 : i32
    %dma_start3A_108 = arith.constant 0 : i32
    %dma_start3A_109 = tpu.memref_slice %arg6[%dma_start3A_107, %dma_start3A_108] : memref<80x64xi32, #tpu.memory_space<vmem>> -> memref<1x64xi32, #tpu.memory_space<vmem>>
    %dma_start3A_110 = tpu.memref_squeeze %dma_start3A_109 : memref<1x64xi32, #tpu.memory_space<vmem>> -> memref<64xi32, #tpu.memory_space<vmem>>
    %dma_start3A_111 = arith.constant 0 : i32
    %dma_start3A_112 = arith.constant 0 : i32
    %dma_start3A_113 = tpu.memref_slice %arg2[%dma_start3A_111, %dma_start3A_112] : memref<10000x128xf32, #tpu.memory_space<hbm>> -> memref<10000x128xf32, #tpu.memory_space<hbm>>
    tpu.enqueue_indirect_dma source(%dma_start3A_113 : memref<10000x128xf32, #tpu.memory_space<hbm>>) target(%arg8 : memref<64x128xf32, #tpu.memory_space<vmem>>) offsets(%dma_start3A_110 : memref<64xi32, #tpu.memory_space<vmem>>) semaphore(%arg12 : memref<!tpu.dma_semaphore, #tpu.memory_space<semaphore_mem>>)
    %dma_start3A_114 = arith.constant 1 : i32
    %dma_start3A_115 = arith.constant 0 : i32
    %dma_start3A_116 = tpu.memref_slice %arg6[%dma_start3A_114, %dma_start3A_115] : memref<80x64xi32, #tpu.memory_space<vmem>> -> memref<1x64xi32, #tpu.memory_space<vmem>>
    %dma_start3A_117 = tpu.memref_squeeze %dma_start3A_116 : memref<1x64xi32, #tpu.memory_space<vmem>> -> memref<64xi32, #tpu.memory_space<vmem>>
    %dma_start3A_118 = arith.constant 0 : i32
    %dma_start3A_119 = arith.constant 0 : i32
    %dma_start3A_120 = tpu.memref_slice %arg2[%dma_start3A_118, %dma_start3A_119] : memref<10000x128xf32, #tpu.memory_space<hbm>> -> memref<10000x128xf32, #tpu.memory_space<hbm>>
    tpu.enqueue_indirect_dma source(%dma_start3A_120 : memref<10000x128xf32, #tpu.memory_space<hbm>>) target(%arg9 : memref<64x128xf32, #tpu.memory_space<vmem>>) offsets(%dma_start3A_117 : memref<64xi32, #tpu.memory_space<vmem>>) semaphore(%arg13 : memref<!tpu.dma_semaphore, #tpu.memory_space<semaphore_mem>>)
    %dma_start3A_121 = arith.constant 2 : i32
    %dma_start3A_122 = arith.constant 0 : i32
    %dma_start3A_123 = tpu.memref_slice %arg6[%dma_start3A_121, %dma_start3A_122] : memref<80x64xi32, #tpu.memory_space<vmem>> -> memref<1x64xi32, #tpu.memory_space<vmem>>
    %dma_start3A_124 = tpu.memref_squeeze %dma_start3A_123 : memref<1x64xi32, #tpu.memory_space<vmem>> -> memref<64xi32, #tpu.memory_space<vmem>>
    %dma_start3A_125 = arith.constant 0 : i32
    %dma_start3A_126 = arith.constant 0 : i32
    %dma_start3A_127 = tpu.memref_slice %arg2[%dma_start3A_125, %dma_start3A_126] : memref<10000x128xf32, #tpu.memory_space<hbm>> -> memref<10000x128xf32, #tpu.memory_space<hbm>>
    tpu.enqueue_indirect_dma source(%dma_start3A_127 : memref<10000x128xf32, #tpu.memory_space<hbm>>) target(%arg10 : memref<64x128xf32, #tpu.memory_space<vmem>>) offsets(%dma_start3A_124 : memref<64xi32, #tpu.memory_space<vmem>>) semaphore(%arg14 : memref<!tpu.dma_semaphore, #tpu.memory_space<semaphore_mem>>)
    %scan3A_128 = arith.constant 0 : i32
    %scan3A_129 = arith.constant 0 : i32
    %scan3A_130 = arith.constant 25 : i32
    %scan3A_131 = arith.addi %scan3A_129, %scan3A_130 : i32
    %scan3A_132 = arith.constant 1 : i32
    scf.for %scan3A_429 = %scan3A_129 to %scan3A_131 step %scan3A_132  : i32 {
      %mul3A_430 = arith.constant 3 : i32
      %mul3A_431 = arith.muli %mul3A_430, %scan3A_429 : i32
      %add3A_432 = arith.constant 0 : i32
      %add3A_433 = arith.addi %mul3A_431, %add3A_432 : i32
      %dma_wait3A_434 = arith.constant 0 : i32
      %dma_wait3A_435 = arith.constant 0 : i32
      %dma_wait3A_436 = tpu.memref_slice %arg6[%dma_wait3A_434, %dma_wait3A_435] : memref<80x64xi32, #tpu.memory_space<vmem>> -> memref<1x64xi32, #tpu.memory_space<vmem>>
      %dma_wait3A_437 = tpu.memref_squeeze %dma_wait3A_436 : memref<1x64xi32, #tpu.memory_space<vmem>> -> memref<64xi32, #tpu.memory_space<vmem>>
      %dma_wait3A_438 = arith.constant 0 : i32
      %dma_wait3A_439 = arith.constant 0 : i32
      %dma_wait3A_440 = tpu.memref_slice %arg2[%dma_wait3A_438, %dma_wait3A_439] : memref<10000x128xf32, #tpu.memory_space<hbm>> -> memref<10000x128xf32, #tpu.memory_space<hbm>>
      tpu.wait_indirect_dma semaphore(%arg12 : memref<!tpu.dma_semaphore, #tpu.memory_space<semaphore_mem>>) src(%dma_wait3A_440 : memref<10000x128xf32, #tpu.memory_space<hbm>>) dst(%arg8 : memref<64x128xf32, #tpu.memory_space<vmem>>)
      "tpu.region"() ({
        %run_scoped3A_487 = tpu.sem_alloc : memref<!tpu.dma_semaphore, #tpu.memory_space<semaphore_mem>>
        %dma_start3A_488 = arith.constant 0 : i32
        %dma_start3A_489 = tpu.memref_slice %arg7[%add3A_433, %dma_start3A_488] : memref<80x64xi32, #tpu.memory_space<vmem>> -> memref<1x64xi32, #tpu.memory_space<vmem>>
        %dma_start3A_490 = tpu.memref_squeeze %dma_start3A_489 : memref<1x64xi32, #tpu.memory_space<vmem>> -> memref<64xi32, #tpu.memory_space<vmem>>
        %dma_start3A_491 = arith.constant 0 : i32
        %dma_start3A_492 = arith.constant 0 : i32
        %dma_start3A_493 = tpu.memref_slice %arg11[%dma_start3A_491, %dma_start3A_492] : memref<10240x128xf32, #tpu.memory_space<vmem_shared>> -> memref<10240x128xf32, #tpu.memory_space<vmem_shared>>
        tpu.enqueue_indirect_dma source(%arg8 : memref<64x128xf32, #tpu.memory_space<vmem>>) target(%dma_start3A_493 : memref<10240x128xf32, #tpu.memory_space<vmem_shared>>) offsets(%dma_start3A_490 : memref<64xi32, #tpu.memory_space<vmem>>) semaphore(%run_scoped3A_487 : memref<!tpu.dma_semaphore, #tpu.memory_space<semaphore_mem>>) {add = true}
        %dma_wait3A_494 = arith.constant 0 : i32
        %dma_wait3A_495 = tpu.memref_slice %arg7[%add3A_433, %dma_wait3A_494] : memref<80x64xi32, #tpu.memory_space<vmem>> -> memref<1x64xi32, #tpu.memory_space<vmem>>
        %dma_wait3A_496 = tpu.memref_squeeze %dma_wait3A_495 : memref<1x64xi32, #tpu.memory_space<vmem>> -> memref<64xi32, #tpu.memory_space<vmem>>
        %dma_wait3A_497 = arith.constant 0 : i32
        %dma_wait3A_498 = arith.constant 0 : i32
        %dma_wait3A_499 = tpu.memref_slice %arg11[%dma_wait3A_497, %dma_wait3A_498] : memref<10240x128xf32, #tpu.memory_space<vmem_shared>> -> memref<10240x128xf32, #tpu.memory_space<vmem_shared>>
        tpu.wait_indirect_dma semaphore(%run_scoped3A_487 : memref<!tpu.dma_semaphore, #tpu.memory_space<semaphore_mem>>) src(%arg8 : memref<64x128xf32, #tpu.memory_space<vmem>>) dst(%dma_wait3A_499 : memref<10240x128xf32, #tpu.memory_space<vmem_shared>>)
        tpu.yield
      }) : () -> ()
      %add3A_441 = arith.constant 3 : i32
      %add3A_442 = arith.addi %add3A_433, %add3A_441 : i32
      %dma_start3A_443 = arith.constant 0 : i32
      %dma_start3A_444 = tpu.memref_slice %arg6[%add3A_442, %dma_start3A_443] : memref<80x64xi32, #tpu.memory_space<vmem>> -> memref<1x64xi32, #tpu.memory_space<vmem>>
      %dma_start3A_445 = tpu.memref_squeeze %dma_start3A_444 : memref<1x64xi32, #tpu.memory_space<vmem>> -> memref<64xi32, #tpu.memory_space<vmem>>
      %dma_start3A_446 = arith.constant 0 : i32
      %dma_start3A_447 = arith.constant 0 : i32
      %dma_start3A_448 = tpu.memref_slice %arg2[%dma_start3A_446, %dma_start3A_447] : memref<10000x128xf32, #tpu.memory_space<hbm>> -> memref<10000x128xf32, #tpu.memory_space<hbm>>
      tpu.enqueue_indirect_dma source(%dma_start3A_448 : memref<10000x128xf32, #tpu.memory_space<hbm>>) target(%arg8 : memref<64x128xf32, #tpu.memory_space<vmem>>) offsets(%dma_start3A_445 : memref<64xi32, #tpu.memory_space<vmem>>) semaphore(%arg12 : memref<!tpu.dma_semaphore, #tpu.memory_space<semaphore_mem>>)
      %mul3A_449 = arith.constant 3 : i32
      %mul3A_450 = arith.muli %mul3A_449, %scan3A_429 : i32
      %add3A_451 = arith.constant 1 : i32
      %add3A_452 = arith.addi %mul3A_450, %add3A_451 : i32
      %dma_wait3A_453 = arith.constant 0 : i32
      %dma_wait3A_454 = arith.constant 0 : i32
      %dma_wait3A_455 = tpu.memref_slice %arg6[%dma_wait3A_453, %dma_wait3A_454] : memref<80x64xi32, #tpu.memory_space<vmem>> -> memref<1x64xi32, #tpu.memory_space<vmem>>
      %dma_wait3A_456 = tpu.memref_squeeze %dma_wait3A_455 : memref<1x64xi32, #tpu.memory_space<vmem>> -> memref<64xi32, #tpu.memory_space<vmem>>
      %dma_wait3A_457 = arith.constant 0 : i32
      %dma_wait3A_458 = arith.constant 0 : i32
      %dma_wait3A_459 = tpu.memref_slice %arg2[%dma_wait3A_457, %dma_wait3A_458] : memref<10000x128xf32, #tpu.memory_space<hbm>> -> memref<10000x128xf32, #tpu.memory_space<hbm>>
      tpu.wait_indirect_dma semaphore(%arg13 : memref<!tpu.dma_semaphore, #tpu.memory_space<semaphore_mem>>) src(%dma_wait3A_459 : memref<10000x128xf32, #tpu.memory_space<hbm>>) dst(%arg9 : memref<64x128xf32, #tpu.memory_space<vmem>>)
      "tpu.region"() ({
        %run_scoped3A_487 = tpu.sem_alloc : memref<!tpu.dma_semaphore, #tpu.memory_space<semaphore_mem>>
        %dma_start3A_488 = arith.constant 0 : i32
        %dma_start3A_489 = tpu.memref_slice %arg7[%add3A_452, %dma_start3A_488] : memref<80x64xi32, #tpu.memory_space<vmem>> -> memref<1x64xi32, #tpu.memory_space<vmem>>
        %dma_start3A_490 = tpu.memref_squeeze %dma_start3A_489 : memref<1x64xi32, #tpu.memory_space<vmem>> -> memref<64xi32, #tpu.memory_space<vmem>>
        %dma_start3A_491 = arith.constant 0 : i32
        %dma_start3A_492 = arith.constant 0 : i32
        %dma_start3A_493 = tpu.memref_slice %arg11[%dma_start3A_491, %dma_start3A_492] : memref<10240x128xf32, #tpu.memory_space<vmem_shared>> -> memref<10240x128xf32, #tpu.memory_space<vmem_shared>>
        tpu.enqueue_indirect_dma source(%arg9 : memref<64x128xf32, #tpu.memory_space<vmem>>) target(%dma_start3A_493 : memref<10240x128xf32, #tpu.memory_space<vmem_shared>>) offsets(%dma_start3A_490 : memref<64xi32, #tpu.memory_space<vmem>>) semaphore(%run_scoped3A_487 : memref<!tpu.dma_semaphore, #tpu.memory_space<semaphore_mem>>) {add = true}
        %dma_wait3A_494 = arith.constant 0 : i32
        %dma_wait3A_495 = tpu.memref_slice %arg7[%add3A_452, %dma_wait3A_494] : memref<80x64xi32, #tpu.memory_space<vmem>> -> memref<1x64xi32, #tpu.memory_space<vmem>>
        %dma_wait3A_496 = tpu.memref_squeeze %dma_wait3A_495 : memref<1x64xi32, #tpu.memory_space<vmem>> -> memref<64xi32, #tpu.memory_space<vmem>>
        %dma_wait3A_497 = arith.constant 0 : i32
        %dma_wait3A_498 = arith.constant 0 : i32
        %dma_wait3A_499 = tpu.memref_slice %arg11[%dma_wait3A_497, %dma_wait3A_498] : memref<10240x128xf32, #tpu.memory_space<vmem_shared>> -> memref<10240x128xf32, #tpu.memory_space<vmem_shared>>
        tpu.wait_indirect_dma semaphore(%run_scoped3A_487 : memref<!tpu.dma_semaphore, #tpu.memory_space<semaphore_mem>>) src(%arg9 : memref<64x128xf32, #tpu.memory_space<vmem>>) dst(%dma_wait3A_499 : memref<10240x128xf32, #tpu.memory_space<vmem_shared>>)
        tpu.yield
      }) : () -> ()
      %add3A_460 = arith.constant 3 : i32
      %add3A_461 = arith.addi %add3A_452, %add3A_460 : i32
      %dma_start3A_462 = arith.constant 0 : i32
      %dma_start3A_463 = tpu.memref_slice %arg6[%add3A_461, %dma_start3A_462] : memref<80x64xi32, #tpu.memory_space<vmem>> -> memref<1x64xi32, #tpu.memory_space<vmem>>
      %dma_start3A_464 = tpu.memref_squeeze %dma_start3A_463 : memref<1x64xi32, #tpu.memory_space<vmem>> -> memref<64xi32, #tpu.memory_space<vmem>>
      %dma_start3A_465 = arith.constant 0 : i32
      %dma_start3A_466 = arith.constant 0 : i32
      %dma_start3A_467 = tpu.memref_slice %arg2[%dma_start3A_465, %dma_start3A_466] : memref<10000x128xf32, #tpu.memory_space<hbm>> -> memref<10000x128xf32, #tpu.memory_space<hbm>>
      tpu.enqueue_indirect_dma source(%dma_start3A_467 : memref<10000x128xf32, #tpu.memory_space<hbm>>) target(%arg9 : memref<64x128xf32, #tpu.memory_space<vmem>>) offsets(%dma_start3A_464 : memref<64xi32, #tpu.memory_space<vmem>>) semaphore(%arg13 : memref<!tpu.dma_semaphore, #tpu.memory_space<semaphore_mem>>)
      %mul3A_468 = arith.constant 3 : i32
      %mul3A_469 = arith.muli %mul3A_468, %scan3A_429 : i32
      %add3A_470 = arith.constant 2 : i32
      %add3A_471 = arith.addi %mul3A_469, %add3A_470 : i32
      %dma_wait3A_472 = arith.constant 0 : i32
      %dma_wait3A_473 = arith.constant 0 : i32
      %dma_wait3A_474 = tpu.memref_slice %arg6[%dma_wait3A_472, %dma_wait3A_473] : memref<80x64xi32, #tpu.memory_space<vmem>> -> memref<1x64xi32, #tpu.memory_space<vmem>>
      %dma_wait3A_475 = tpu.memref_squeeze %dma_wait3A_474 : memref<1x64xi32, #tpu.memory_space<vmem>> -> memref<64xi32, #tpu.memory_space<vmem>>
      %dma_wait3A_476 = arith.constant 0 : i32
      %dma_wait3A_477 = arith.constant 0 : i32
      %dma_wait3A_478 = tpu.memref_slice %arg2[%dma_wait3A_476, %dma_wait3A_477] : memref<10000x128xf32, #tpu.memory_space<hbm>> -> memref<10000x128xf32, #tpu.memory_space<hbm>>
      tpu.wait_indirect_dma semaphore(%arg14 : memref<!tpu.dma_semaphore, #tpu.memory_space<semaphore_mem>>) src(%dma_wait3A_478 : memref<10000x128xf32, #tpu.memory_space<hbm>>) dst(%arg10 : memref<64x128xf32, #tpu.memory_space<vmem>>)
      "tpu.region"() ({
        %run_scoped3A_487 = tpu.sem_alloc : memref<!tpu.dma_semaphore, #tpu.memory_space<semaphore_mem>>
        %dma_start3A_488 = arith.constant 0 : i32
        %dma_start3A_489 = tpu.memref_slice %arg7[%add3A_471, %dma_start3A_488] : memref<80x64xi32, #tpu.memory_space<vmem>> -> memref<1x64xi32, #tpu.memory_space<vmem>>
        %dma_start3A_490 = tpu.memref_squeeze %dma_start3A_489 : memref<1x64xi32, #tpu.memory_space<vmem>> -> memref<64xi32, #tpu.memory_space<vmem>>
        %dma_start3A_491 = arith.constant 0 : i32
        %dma_start3A_492 = arith.constant 0 : i32
        %dma_start3A_493 = tpu.memref_slice %arg11[%dma_start3A_491, %dma_start3A_492] : memref<10240x128xf32, #tpu.memory_space<vmem_shared>> -> memref<10240x128xf32, #tpu.memory_space<vmem_shared>>
        tpu.enqueue_indirect_dma source(%arg10 : memref<64x128xf32, #tpu.memory_space<vmem>>) target(%dma_start3A_493 : memref<10240x128xf32, #tpu.memory_space<vmem_shared>>) offsets(%dma_start3A_490 : memref<64xi32, #tpu.memory_space<vmem>>) semaphore(%run_scoped3A_487 : memref<!tpu.dma_semaphore, #tpu.memory_space<semaphore_mem>>) {add = true}
        %dma_wait3A_494 = arith.constant 0 : i32
        %dma_wait3A_495 = tpu.memref_slice %arg7[%add3A_471, %dma_wait3A_494] : memref<80x64xi32, #tpu.memory_space<vmem>> -> memref<1x64xi32, #tpu.memory_space<vmem>>
        %dma_wait3A_496 = tpu.memref_squeeze %dma_wait3A_495 : memref<1x64xi32, #tpu.memory_space<vmem>> -> memref<64xi32, #tpu.memory_space<vmem>>
        %dma_wait3A_497 = arith.constant 0 : i32
        %dma_wait3A_498 = arith.constant 0 : i32
        %dma_wait3A_499 = tpu.memref_slice %arg11[%dma_wait3A_497, %dma_wait3A_498] : memref<10240x128xf32, #tpu.memory_space<vmem_shared>> -> memref<10240x128xf32, #tpu.memory_space<vmem_shared>>
        tpu.wait_indirect_dma semaphore(%run_scoped3A_487 : memref<!tpu.dma_semaphore, #tpu.memory_space<semaphore_mem>>) src(%arg10 : memref<64x128xf32, #tpu.memory_space<vmem>>) dst(%dma_wait3A_499 : memref<10240x128xf32, #tpu.memory_space<vmem_shared>>)
        tpu.yield
      }) : () -> ()
      %add3A_479 = arith.constant 3 : i32
      %add3A_480 = arith.addi %add3A_471, %add3A_479 : i32
      %dma_start3A_481 = arith.constant 0 : i32
      %dma_start3A_482 = tpu.memref_slice %arg6[%add3A_480, %dma_start3A_481] : memref<80x64xi32, #tpu.memory_space<vmem>> -> memref<1x64xi32, #tpu.memory_space<vmem>>
      %dma_start3A_483 = tpu.memref_squeeze %dma_start3A_482 : memref<1x64xi32, #tpu.memory_space<vmem>> -> memref<64xi32, #tpu.memory_space<vmem>>
      %dma_start3A_484 = arith.constant 0 : i32
      %dma_start3A_485 = arith.constant 0 : i32
      %dma_start3A_486 = tpu.memref_slice %arg2[%dma_start3A_484, %dma_start3A_485] : memref<10000x128xf32, #tpu.memory_space<hbm>> -> memref<10000x128xf32, #tpu.memory_space<hbm>>
      tpu.enqueue_indirect_dma source(%dma_start3A_486 : memref<10000x128xf32, #tpu.memory_space<hbm>>) target(%arg10 : memref<64x128xf32, #tpu.memory_space<vmem>>) offsets(%dma_start3A_483 : memref<64xi32, #tpu.memory_space<vmem>>) semaphore(%arg14 : memref<!tpu.dma_semaphore, #tpu.memory_space<semaphore_mem>>)
    }
    %scan3A_133 = arith.constant 25 : i32
    %dma_wait3A_134 = arith.constant 0 : i32
    %dma_wait3A_135 = arith.constant 0 : i32
    %dma_wait3A_136 = tpu.memref_slice %arg6[%dma_wait3A_134, %dma_wait3A_135] : memref<80x64xi32, #tpu.memory_space<vmem>> -> memref<1x64xi32, #tpu.memory_space<vmem>>
    %dma_wait3A_137 = tpu.memref_squeeze %dma_wait3A_136 : memref<1x64xi32, #tpu.memory_space<vmem>> -> memref<64xi32, #tpu.memory_space<vmem>>
    %dma_wait3A_138 = arith.constant 0 : i32
    %dma_wait3A_139 = arith.constant 0 : i32
    %dma_wait3A_140 = tpu.memref_slice %arg2[%dma_wait3A_138, %dma_wait3A_139] : memref<10000x128xf32, #tpu.memory_space<hbm>> -> memref<10000x128xf32, #tpu.memory_space<hbm>>
    tpu.wait_indirect_dma semaphore(%arg12 : memref<!tpu.dma_semaphore, #tpu.memory_space<semaphore_mem>>) src(%dma_wait3A_140 : memref<10000x128xf32, #tpu.memory_space<hbm>>) dst(%arg8 : memref<64x128xf32, #tpu.memory_space<vmem>>)
    %run_scoped3A = arith.constant 75 : i32
    "tpu.region"() ({
      %run_scoped3A_429 = tpu.sem_alloc : memref<!tpu.dma_semaphore, #tpu.memory_space<semaphore_mem>>
      %dma_start3A_430 = arith.constant 0 : i32
      %dma_start3A_431 = tpu.memref_slice %arg7[%run_scoped3A, %dma_start3A_430] : memref<80x64xi32, #tpu.memory_space<vmem>> -> memref<1x64xi32, #tpu.memory_space<vmem>>
      %dma_start3A_432 = tpu.memref_squeeze %dma_start3A_431 : memref<1x64xi32, #tpu.memory_space<vmem>> -> memref<64xi32, #tpu.memory_space<vmem>>
      %dma_start3A_433 = arith.constant 0 : i32
      %dma_start3A_434 = arith.constant 0 : i32
      %dma_start3A_435 = tpu.memref_slice %arg11[%dma_start3A_433, %dma_start3A_434] : memref<10240x128xf32, #tpu.memory_space<vmem_shared>> -> memref<10240x128xf32, #tpu.memory_space<vmem_shared>>
      tpu.enqueue_indirect_dma source(%arg8 : memref<64x128xf32, #tpu.memory_space<vmem>>) target(%dma_start3A_435 : memref<10240x128xf32, #tpu.memory_space<vmem_shared>>) offsets(%dma_start3A_432 : memref<64xi32, #tpu.memory_space<vmem>>) semaphore(%run_scoped3A_429 : memref<!tpu.dma_semaphore, #tpu.memory_space<semaphore_mem>>) {add = true}
      %dma_wait3A_436 = arith.constant 0 : i32
      %dma_wait3A_437 = tpu.memref_slice %arg7[%run_scoped3A, %dma_wait3A_436] : memref<80x64xi32, #tpu.memory_space<vmem>> -> memref<1x64xi32, #tpu.memory_space<vmem>>
      %dma_wait3A_438 = tpu.memref_squeeze %dma_wait3A_437 : memref<1x64xi32, #tpu.memory_space<vmem>> -> memref<64xi32, #tpu.memory_space<vmem>>
      %dma_wait3A_439 = arith.constant 0 : i32
      %dma_wait3A_440 = arith.constant 0 : i32
      %dma_wait3A_441 = tpu.memref_slice %arg11[%dma_wait3A_439, %dma_wait3A_440] : memref<10240x128xf32, #tpu.memory_space<vmem_shared>> -> memref<10240x128xf32, #tpu.memory_space<vmem_shared>>
      tpu.wait_indirect_dma semaphore(%run_scoped3A_429 : memref<!tpu.dma_semaphore, #tpu.memory_space<semaphore_mem>>) src(%arg8 : memref<64x128xf32, #tpu.memory_space<vmem>>) dst(%dma_wait3A_441 : memref<10240x128xf32, #tpu.memory_space<vmem_shared>>)
      tpu.yield
    }) : () -> ()
    %dma_start3A_141 = arith.constant 78 : i32
    %dma_start3A_142 = arith.constant 0 : i32
    %dma_start3A_143 = tpu.memref_slice %arg6[%dma_start3A_141, %dma_start3A_142] : memref<80x64xi32, #tpu.memory_space<vmem>> -> memref<1x64xi32, #tpu.memory_space<vmem>>
    %dma_start3A_144 = tpu.memref_squeeze %dma_start3A_143 : memref<1x64xi32, #tpu.memory_space<vmem>> -> memref<64xi32, #tpu.memory_space<vmem>>
    %dma_start3A_145 = arith.constant 0 : i32
    %dma_start3A_146 = arith.constant 0 : i32
    %dma_start3A_147 = tpu.memref_slice %arg2[%dma_start3A_145, %dma_start3A_146] : memref<10000x128xf32, #tpu.memory_space<hbm>> -> memref<10000x128xf32, #tpu.memory_space<hbm>>
    tpu.enqueue_indirect_dma source(%dma_start3A_147 : memref<10000x128xf32, #tpu.memory_space<hbm>>) target(%arg8 : memref<64x128xf32, #tpu.memory_space<vmem>>) offsets(%dma_start3A_144 : memref<64xi32, #tpu.memory_space<vmem>>) semaphore(%arg12 : memref<!tpu.dma_semaphore, #tpu.memory_space<semaphore_mem>>)
    %dma_wait3A_148 = arith.constant 0 : i32
    %dma_wait3A_149 = arith.constant 0 : i32
    %dma_wait3A_150 = tpu.memref_slice %arg6[%dma_wait3A_148, %dma_wait3A_149] : memref<80x64xi32, #tpu.memory_space<vmem>> -> memref<1x64xi32, #tpu.memory_space<vmem>>
    %dma_wait3A_151 = tpu.memref_squeeze %dma_wait3A_150 : memref<1x64xi32, #tpu.memory_space<vmem>> -> memref<64xi32, #tpu.memory_space<vmem>>
    %dma_wait3A_152 = arith.constant 0 : i32
    %dma_wait3A_153 = arith.constant 0 : i32
    %dma_wait3A_154 = tpu.memref_slice %arg2[%dma_wait3A_152, %dma_wait3A_153] : memref<10000x128xf32, #tpu.memory_space<hbm>> -> memref<10000x128xf32, #tpu.memory_space<hbm>>
    tpu.wait_indirect_dma semaphore(%arg13 : memref<!tpu.dma_semaphore, #tpu.memory_space<semaphore_mem>>) src(%dma_wait3A_154 : memref<10000x128xf32, #tpu.memory_space<hbm>>) dst(%arg9 : memref<64x128xf32, #tpu.memory_space<vmem>>)
    %run_scoped3A_155 = arith.constant 76 : i32
    "tpu.region"() ({
      %run_scoped3A_429 = tpu.sem_alloc : memref<!tpu.dma_semaphore, #tpu.memory_space<semaphore_mem>>
      %dma_start3A_430 = arith.constant 0 : i32
      %dma_start3A_431 = tpu.memref_slice %arg7[%run_scoped3A_155, %dma_start3A_430] : memref<80x64xi32, #tpu.memory_space<vmem>> -> memref<1x64xi32, #tpu.memory_space<vmem>>
      %dma_start3A_432 = tpu.memref_squeeze %dma_start3A_431 : memref<1x64xi32, #tpu.memory_space<vmem>> -> memref<64xi32, #tpu.memory_space<vmem>>
      %dma_start3A_433 = arith.constant 0 : i32
      %dma_start3A_434 = arith.constant 0 : i32
      %dma_start3A_435 = tpu.memref_slice %arg11[%dma_start3A_433, %dma_start3A_434] : memref<10240x128xf32, #tpu.memory_space<vmem_shared>> -> memref<10240x128xf32, #tpu.memory_space<vmem_shared>>
      tpu.enqueue_indirect_dma source(%arg9 : memref<64x128xf32, #tpu.memory_space<vmem>>) target(%dma_start3A_435 : memref<10240x128xf32, #tpu.memory_space<vmem_shared>>) offsets(%dma_start3A_432 : memref<64xi32, #tpu.memory_space<vmem>>) semaphore(%run_scoped3A_429 : memref<!tpu.dma_semaphore, #tpu.memory_space<semaphore_mem>>) {add = true}
      %dma_wait3A_436 = arith.constant 0 : i32
      %dma_wait3A_437 = tpu.memref_slice %arg7[%run_scoped3A_155, %dma_wait3A_436] : memref<80x64xi32, #tpu.memory_space<vmem>> -> memref<1x64xi32, #tpu.memory_space<vmem>>
      %dma_wait3A_438 = tpu.memref_squeeze %dma_wait3A_437 : memref<1x64xi32, #tpu.memory_space<vmem>> -> memref<64xi32, #tpu.memory_space<vmem>>
      %dma_wait3A_439 = arith.constant 0 : i32
      %dma_wait3A_440 = arith.constant 0 : i32
      %dma_wait3A_441 = tpu.memref_slice %arg11[%dma_wait3A_439, %dma_wait3A_440] : memref<10240x128xf32, #tpu.memory_space<vmem_shared>> -> memref<10240x128xf32, #tpu.memory_space<vmem_shared>>
      tpu.wait_indirect_dma semaphore(%run_scoped3A_429 : memref<!tpu.dma_semaphore, #tpu.memory_space<semaphore_mem>>) src(%arg9 : memref<64x128xf32, #tpu.memory_space<vmem>>) dst(%dma_wait3A_441 : memref<10240x128xf32, #tpu.memory_space<vmem_shared>>)
      tpu.yield
    }) : () -> ()
    %dma_start3A_156 = arith.constant 79 : i32
    %dma_start3A_157 = arith.constant 0 : i32
    %dma_start3A_158 = tpu.memref_slice %arg6[%dma_start3A_156, %dma_start3A_157] : memref<80x64xi32, #tpu.memory_space<vmem>> -> memref<1x64xi32, #tpu.memory_space<vmem>>
    %dma_start3A_159 = tpu.memref_squeeze %dma_start3A_158 : memref<1x64xi32, #tpu.memory_space<vmem>> -> memref<64xi32, #tpu.memory_space<vmem>>
    %dma_start3A_160 = arith.constant 0 : i32
    %dma_start3A_161 = arith.constant 0 : i32
    %dma_start3A_162 = tpu.memref_slice %arg2[%dma_start3A_160, %dma_start3A_161] : memref<10000x128xf32, #tpu.memory_space<hbm>> -> memref<10000x128xf32, #tpu.memory_space<hbm>>
    tpu.enqueue_indirect_dma source(%dma_start3A_162 : memref<10000x128xf32, #tpu.memory_space<hbm>>) target(%arg9 : memref<64x128xf32, #tpu.memory_space<vmem>>) offsets(%dma_start3A_159 : memref<64xi32, #tpu.memory_space<vmem>>) semaphore(%arg13 : memref<!tpu.dma_semaphore, #tpu.memory_space<semaphore_mem>>)
    %dma_wait3A_163 = arith.constant 0 : i32
    %dma_wait3A_164 = arith.constant 0 : i32
    %dma_wait3A_165 = tpu.memref_slice %arg6[%dma_wait3A_163, %dma_wait3A_164] : memref<80x64xi32, #tpu.memory_space<vmem>> -> memref<1x64xi32, #tpu.memory_space<vmem>>
    %dma_wait3A_166 = tpu.memref_squeeze %dma_wait3A_165 : memref<1x64xi32, #tpu.memory_space<vmem>> -> memref<64xi32, #tpu.memory_space<vmem>>
    %dma_wait3A_167 = arith.constant 0 : i32
    %dma_wait3A_168 = arith.constant 0 : i32
    %dma_wait3A_169 = tpu.memref_slice %arg2[%dma_wait3A_167, %dma_wait3A_168] : memref<10000x128xf32, #tpu.memory_space<hbm>> -> memref<10000x128xf32, #tpu.memory_space<hbm>>
    tpu.wait_indirect_dma semaphore(%arg14 : memref<!tpu.dma_semaphore, #tpu.memory_space<semaphore_mem>>) src(%dma_wait3A_169 : memref<10000x128xf32, #tpu.memory_space<hbm>>) dst(%arg10 : memref<64x128xf32, #tpu.memory_space<vmem>>)
    %run_scoped3A_170 = arith.constant 77 : i32
    "tpu.region"() ({
      %run_scoped3A_429 = tpu.sem_alloc : memref<!tpu.dma_semaphore, #tpu.memory_space<semaphore_mem>>
      %dma_start3A_430 = arith.constant 0 : i32
      %dma_start3A_431 = tpu.memref_slice %arg7[%run_scoped3A_170, %dma_start3A_430] : memref<80x64xi32, #tpu.memory_space<vmem>> -> memref<1x64xi32, #tpu.memory_space<vmem>>
      %dma_start3A_432 = tpu.memref_squeeze %dma_start3A_431 : memref<1x64xi32, #tpu.memory_space<vmem>> -> memref<64xi32, #tpu.memory_space<vmem>>
      %dma_start3A_433 = arith.constant 0 : i32
      %dma_start3A_434 = arith.constant 0 : i32
      %dma_start3A_435 = tpu.memref_slice %arg11[%dma_start3A_433, %dma_start3A_434] : memref<10240x128xf32, #tpu.memory_space<vmem_shared>> -> memref<10240x128xf32, #tpu.memory_space<vmem_shared>>
      tpu.enqueue_indirect_dma source(%arg10 : memref<64x128xf32, #tpu.memory_space<vmem>>) target(%dma_start3A_435 : memref<10240x128xf32, #tpu.memory_space<vmem_shared>>) offsets(%dma_start3A_432 : memref<64xi32, #tpu.memory_space<vmem>>) semaphore(%run_scoped3A_429 : memref<!tpu.dma_semaphore, #tpu.memory_space<semaphore_mem>>) {add = true}
      %dma_wait3A_436 = arith.constant 0 : i32
      %dma_wait3A_437 = tpu.memref_slice %arg7[%run_scoped3A_170, %dma_wait3A_436] : memref<80x64xi32, #tpu.memory_space<vmem>> -> memref<1x64xi32, #tpu.memory_space<vmem>>
      %dma_wait3A_438 = tpu.memref_squeeze %dma_wait3A_437 : memref<1x64xi32, #tpu.memory_space<vmem>> -> memref<64xi32, #tpu.memory_space<vmem>>
      %dma_wait3A_439 = arith.constant 0 : i32
      %dma_wait3A_440 = arith.constant 0 : i32
      %dma_wait3A_441 = tpu.memref_slice %arg11[%dma_wait3A_439, %dma_wait3A_440] : memref<10240x128xf32, #tpu.memory_space<vmem_shared>> -> memref<10240x128xf32, #tpu.memory_space<vmem_shared>>
      tpu.wait_indirect_dma semaphore(%run_scoped3A_429 : memref<!tpu.dma_semaphore, #tpu.memory_space<semaphore_mem>>) src(%arg10 : memref<64x128xf32, #tpu.memory_space<vmem>>) dst(%dma_wait3A_441 : memref<10240x128xf32, #tpu.memory_space<vmem_shared>>)
      tpu.yield
    }) : () -> ()
    %dma_wait3A_171 = arith.constant 0 : i32
    %dma_wait3A_172 = arith.constant 0 : i32
    %dma_wait3A_173 = tpu.memref_slice %arg6[%dma_wait3A_171, %dma_wait3A_172] : memref<80x64xi32, #tpu.memory_space<vmem>> -> memref<1x64xi32, #tpu.memory_space<vmem>>
    %dma_wait3A_174 = tpu.memref_squeeze %dma_wait3A_173 : memref<1x64xi32, #tpu.memory_space<vmem>> -> memref<64xi32, #tpu.memory_space<vmem>>
    %dma_wait3A_175 = arith.constant 0 : i32
    %dma_wait3A_176 = arith.constant 0 : i32
    %dma_wait3A_177 = tpu.memref_slice %arg2[%dma_wait3A_175, %dma_wait3A_176] : memref<10000x128xf32, #tpu.memory_space<hbm>> -> memref<10000x128xf32, #tpu.memory_space<hbm>>
    tpu.wait_indirect_dma semaphore(%arg12 : memref<!tpu.dma_semaphore, #tpu.memory_space<semaphore_mem>>) src(%dma_wait3A_177 : memref<10000x128xf32, #tpu.memory_space<hbm>>) dst(%arg8 : memref<64x128xf32, #tpu.memory_space<vmem>>)
    %run_scoped3A_178 = arith.constant 78 : i32
    "tpu.region"() ({
      %run_scoped3A_429 = tpu.sem_alloc : memref<!tpu.dma_semaphore, #tpu.memory_space<semaphore_mem>>
      %dma_start3A_430 = arith.constant 0 : i32
      %dma_start3A_431 = tpu.memref_slice %arg7[%run_scoped3A_178, %dma_start3A_430] : memref<80x64xi32, #tpu.memory_space<vmem>> -> memref<1x64xi32, #tpu.memory_space<vmem>>
      %dma_start3A_432 = tpu.memref_squeeze %dma_start3A_431 : memref<1x64xi32, #tpu.memory_space<vmem>> -> memref<64xi32, #tpu.memory_space<vmem>>
      %dma_start3A_433 = arith.constant 0 : i32
      %dma_start3A_434 = arith.constant 0 : i32
      %dma_start3A_435 = tpu.memref_slice %arg11[%dma_start3A_433, %dma_start3A_434] : memref<10240x128xf32, #tpu.memory_space<vmem_shared>> -> memref<10240x128xf32, #tpu.memory_space<vmem_shared>>
      tpu.enqueue_indirect_dma source(%arg8 : memref<64x128xf32, #tpu.memory_space<vmem>>) target(%dma_start3A_435 : memref<10240x128xf32, #tpu.memory_space<vmem_shared>>) offsets(%dma_start3A_432 : memref<64xi32, #tpu.memory_space<vmem>>) semaphore(%run_scoped3A_429 : memref<!tpu.dma_semaphore, #tpu.memory_space<semaphore_mem>>) {add = true}
      %dma_wait3A_436 = arith.constant 0 : i32
      %dma_wait3A_437 = tpu.memref_slice %arg7[%run_scoped3A_178, %dma_wait3A_436] : memref<80x64xi32, #tpu.memory_space<vmem>> -> memref<1x64xi32, #tpu.memory_space<vmem>>
      %dma_wait3A_438 = tpu.memref_squeeze %dma_wait3A_437 : memref<1x64xi32, #tpu.memory_space<vmem>> -> memref<64xi32, #tpu.memory_space<vmem>>
      %dma_wait3A_439 = arith.constant 0 : i32
      %dma_wait3A_440 = arith.constant 0 : i32
      %dma_wait3A_441 = tpu.memref_slice %arg11[%dma_wait3A_439, %dma_wait3A_440] : memref<10240x128xf32, #tpu.memory_space<vmem_shared>> -> memref<10240x128xf32, #tpu.memory_space<vmem_shared>>
      tpu.wait_indirect_dma semaphore(%run_scoped3A_429 : memref<!tpu.dma_semaphore, #tpu.memory_space<semaphore_mem>>) src(%arg8 : memref<64x128xf32, #tpu.memory_space<vmem>>) dst(%dma_wait3A_441 : memref<10240x128xf32, #tpu.memory_space<vmem_shared>>)
      tpu.yield
    }) : () -> ()
    %dma_wait3A_179 = arith.constant 0 : i32
    %dma_wait3A_180 = arith.constant 0 : i32
    %dma_wait3A_181 = tpu.memref_slice %arg6[%dma_wait3A_179, %dma_wait3A_180] : memref<80x64xi32, #tpu.memory_space<vmem>> -> memref<1x64xi32, #tpu.memory_space<vmem>>
    %dma_wait3A_182 = tpu.memref_squeeze %dma_wait3A_181 : memref<1x64xi32, #tpu.memory_space<vmem>> -> memref<64xi32, #tpu.memory_space<vmem>>
    %dma_wait3A_183 = arith.constant 0 : i32
    %dma_wait3A_184 = arith.constant 0 : i32
    %dma_wait3A_185 = tpu.memref_slice %arg2[%dma_wait3A_183, %dma_wait3A_184] : memref<10000x128xf32, #tpu.memory_space<hbm>> -> memref<10000x128xf32, #tpu.memory_space<hbm>>
    tpu.wait_indirect_dma semaphore(%arg13 : memref<!tpu.dma_semaphore, #tpu.memory_space<semaphore_mem>>) src(%dma_wait3A_185 : memref<10000x128xf32, #tpu.memory_space<hbm>>) dst(%arg9 : memref<64x128xf32, #tpu.memory_space<vmem>>)
    %run_scoped3A_186 = arith.constant 79 : i32
    "tpu.region"() ({
      %run_scoped3A_429 = tpu.sem_alloc : memref<!tpu.dma_semaphore, #tpu.memory_space<semaphore_mem>>
      %dma_start3A_430 = arith.constant 0 : i32
      %dma_start3A_431 = tpu.memref_slice %arg7[%run_scoped3A_186, %dma_start3A_430] : memref<80x64xi32, #tpu.memory_space<vmem>> -> memref<1x64xi32, #tpu.memory_space<vmem>>
      %dma_start3A_432 = tpu.memref_squeeze %dma_start3A_431 : memref<1x64xi32, #tpu.memory_space<vmem>> -> memref<64xi32, #tpu.memory_space<vmem>>
      %dma_start3A_433 = arith.constant 0 : i32
      %dma_start3A_434 = arith.constant 0 : i32
      %dma_start3A_435 = tpu.memref_slice %arg11[%dma_start3A_433, %dma_start3A_434] : memref<10240x128xf32, #tpu.memory_space<vmem_shared>> -> memref<10240x128xf32, #tpu.memory_space<vmem_shared>>
      tpu.enqueue_indirect_dma source(%arg9 : memref<64x128xf32, #tpu.memory_space<vmem>>) target(%dma_start3A_435 : memref<10240x128xf32, #tpu.memory_space<vmem_shared>>) offsets(%dma_start3A_432 : memref<64xi32, #tpu.memory_space<vmem>>) semaphore(%run_scoped3A_429 : memref<!tpu.dma_semaphore, #tpu.memory_space<semaphore_mem>>) {add = true}
      %dma_wait3A_436 = arith.constant 0 : i32
      %dma_wait3A_437 = tpu.memref_slice %arg7[%run_scoped3A_186, %dma_wait3A_436] : memref<80x64xi32, #tpu.memory_space<vmem>> -> memref<1x64xi32, #tpu.memory_space<vmem>>
      %dma_wait3A_438 = tpu.memref_squeeze %dma_wait3A_437 : memref<1x64xi32, #tpu.memory_space<vmem>> -> memref<64xi32, #tpu.memory_space<vmem>>
      %dma_wait3A_439 = arith.constant 0 : i32
      %dma_wait3A_440 = arith.constant 0 : i32
      %dma_wait3A_441 = tpu.memref_slice %arg11[%dma_wait3A_439, %dma_wait3A_440] : memref<10240x128xf32, #tpu.memory_space<vmem_shared>> -> memref<10240x128xf32, #tpu.memory_space<vmem_shared>>
      tpu.wait_indirect_dma semaphore(%run_scoped3A_429 : memref<!tpu.dma_semaphore, #tpu.memory_space<semaphore_mem>>) src(%arg9 : memref<64x128xf32, #tpu.memory_space<vmem>>) dst(%dma_wait3A_441 : memref<10240x128xf32, #tpu.memory_space<vmem_shared>>)
      tpu.yield
    }) : () -> ()
    "tpu.region"() ({
      %run_scoped3A_429 = tpu.sem_alloc : memref<!tpu.dma_semaphore, #tpu.memory_space<semaphore_mem>>
      %dma_start3A_430 = arith.constant 80 : i32
      %dma_start3A_431 = arith.constant 0 : i32
      %dma_start3A_432 = tpu.memref_slice %arg3[%add3A, %dma_start3A_430, %dma_start3A_431] : memref<32x160x64xi32, #tpu.memory_space<hbm>> -> memref<1x80x64xi32, #tpu.memory_space<hbm>>
      %dma_start3A_433 = tpu.memref_squeeze %dma_start3A_432 : memref<1x80x64xi32, #tpu.memory_space<hbm>> -> memref<80x64xi32, #tpu.memory_space<hbm>>
      %dma_start3A_434 = arith.constant 80 : i32
      %dma_start3A_435 = arith.constant 0 : i32
      %dma_start3A_436 = tpu.memref_slice %arg3[%add3A, %dma_start3A_434, %dma_start3A_435] : memref<32x160x64xi32, #tpu.memory_space<hbm>> -> memref<1x80x64xi32, #tpu.memory_space<hbm>>
      %dma_start3A_437 = tpu.memref_squeeze %dma_start3A_436 : memref<1x80x64xi32, #tpu.memory_space<hbm>> -> memref<80x64xi32, #tpu.memory_space<hbm>>
      tpu.enqueue_dma source(%dma_start3A_437 : memref<80x64xi32, #tpu.memory_space<hbm>>) target(%arg6 : memref<80x64xi32, #tpu.memory_space<vmem>>) target_semaphore(%run_scoped3A_429 : memref<!tpu.dma_semaphore, #tpu.memory_space<semaphore_mem>>)
      %dma_wait3A_438 = arith.constant 80 : i32
      %dma_wait3A_439 = arith.constant 0 : i32
      %dma_wait3A_440 = tpu.memref_slice %arg3[%add3A, %dma_wait3A_438, %dma_wait3A_439] : memref<32x160x64xi32, #tpu.memory_space<hbm>> -> memref<1x80x64xi32, #tpu.memory_space<hbm>>
      %dma_wait3A_441 = tpu.memref_squeeze %dma_wait3A_440 : memref<1x80x64xi32, #tpu.memory_space<hbm>> -> memref<80x64xi32, #tpu.memory_space<hbm>>
      %dma_wait3A_442 = arith.constant 80 : i32
      %dma_wait3A_443 = arith.constant 0 : i32
      %dma_wait3A_444 = tpu.memref_slice %arg3[%add3A, %dma_wait3A_442, %dma_wait3A_443] : memref<32x160x64xi32, #tpu.memory_space<hbm>> -> memref<1x80x64xi32, #tpu.memory_space<hbm>>
      %dma_wait3A_445 = tpu.memref_squeeze %dma_wait3A_444 : memref<1x80x64xi32, #tpu.memory_space<hbm>> -> memref<80x64xi32, #tpu.memory_space<hbm>>
      tpu.wait_dma2 semaphore(%run_scoped3A_429 : memref<!tpu.dma_semaphore, #tpu.memory_space<semaphore_mem>>) src(%dma_wait3A_445 : memref<80x64xi32, #tpu.memory_space<hbm>>) dst(%arg6 : memref<80x64xi32, #tpu.memory_space<vmem>>)
      tpu.yield
    }) : () -> ()
    "tpu.region"() ({
      %run_scoped3A_429 = tpu.sem_alloc : memref<!tpu.dma_semaphore, #tpu.memory_space<semaphore_mem>>
      %dma_start3A_430 = arith.constant 80 : i32
      %dma_start3A_431 = arith.constant 0 : i32
      %dma_start3A_432 = tpu.memref_slice %arg4[%add3A, %dma_start3A_430, %dma_start3A_431] : memref<32x160x64xi32, #tpu.memory_space<hbm>> -> memref<1x80x64xi32, #tpu.memory_space<hbm>>
      %dma_start3A_433 = tpu.memref_squeeze %dma_start3A_432 : memref<1x80x64xi32, #tpu.memory_space<hbm>> -> memref<80x64xi32, #tpu.memory_space<hbm>>
      %dma_start3A_434 = arith.constant 80 : i32
      %dma_start3A_435 = arith.constant 0 : i32
      %dma_start3A_436 = tpu.memref_slice %arg4[%add3A, %dma_start3A_434, %dma_start3A_435] : memref<32x160x64xi32, #tpu.memory_space<hbm>> -> memref<1x80x64xi32, #tpu.memory_space<hbm>>
      %dma_start3A_437 = tpu.memref_squeeze %dma_start3A_436 : memref<1x80x64xi32, #tpu.memory_space<hbm>> -> memref<80x64xi32, #tpu.memory_space<hbm>>
      tpu.enqueue_dma source(%dma_start3A_437 : memref<80x64xi32, #tpu.memory_space<hbm>>) target(%arg7 : memref<80x64xi32, #tpu.memory_space<vmem>>) target_semaphore(%run_scoped3A_429 : memref<!tpu.dma_semaphore, #tpu.memory_space<semaphore_mem>>)
      %dma_wait3A_438 = arith.constant 80 : i32
      %dma_wait3A_439 = arith.constant 0 : i32
      %dma_wait3A_440 = tpu.memref_slice %arg4[%add3A, %dma_wait3A_438, %dma_wait3A_439] : memref<32x160x64xi32, #tpu.memory_space<hbm>> -> memref<1x80x64xi32, #tpu.memory_space<hbm>>
      %dma_wait3A_441 = tpu.memref_squeeze %dma_wait3A_440 : memref<1x80x64xi32, #tpu.memory_space<hbm>> -> memref<80x64xi32, #tpu.memory_space<hbm>>
      %dma_wait3A_442 = arith.constant 80 : i32
      %dma_wait3A_443 = arith.constant 0 : i32
      %dma_wait3A_444 = tpu.memref_slice %arg4[%add3A, %dma_wait3A_442, %dma_wait3A_443] : memref<32x160x64xi32, #tpu.memory_space<hbm>> -> memref<1x80x64xi32, #tpu.memory_space<hbm>>
      %dma_wait3A_445 = tpu.memref_squeeze %dma_wait3A_444 : memref<1x80x64xi32, #tpu.memory_space<hbm>> -> memref<80x64xi32, #tpu.memory_space<hbm>>
      tpu.wait_dma2 semaphore(%run_scoped3A_429 : memref<!tpu.dma_semaphore, #tpu.memory_space<semaphore_mem>>) src(%dma_wait3A_445 : memref<80x64xi32, #tpu.memory_space<hbm>>) dst(%arg7 : memref<80x64xi32, #tpu.memory_space<vmem>>)
      tpu.yield
    }) : () -> ()
    %dma_start3A_187 = arith.constant 0 : i32
    %dma_start3A_188 = arith.constant 0 : i32
    %dma_start3A_189 = tpu.memref_slice %arg6[%dma_start3A_187, %dma_start3A_188] : memref<80x64xi32, #tpu.memory_space<vmem>> -> memref<1x64xi32, #tpu.memory_space<vmem>>
    %dma_start3A_190 = tpu.memref_squeeze %dma_start3A_189 : memref<1x64xi32, #tpu.memory_space<vmem>> -> memref<64xi32, #tpu.memory_space<vmem>>
    %dma_start3A_191 = arith.constant 0 : i32
    %dma_start3A_192 = arith.constant 0 : i32
    %dma_start3A_193 = tpu.memref_slice %arg2[%dma_start3A_191, %dma_start3A_192] : memref<10000x128xf32, #tpu.memory_space<hbm>> -> memref<10000x128xf32, #tpu.memory_space<hbm>>
    tpu.enqueue_indirect_dma source(%dma_start3A_193 : memref<10000x128xf32, #tpu.memory_space<hbm>>) target(%arg8 : memref<64x128xf32, #tpu.memory_space<vmem>>) offsets(%dma_start3A_190 : memref<64xi32, #tpu.memory_space<vmem>>) semaphore(%arg12 : memref<!tpu.dma_semaphore, #tpu.memory_space<semaphore_mem>>)
    %dma_start3A_194 = arith.constant 1 : i32
    %dma_start3A_195 = arith.constant 0 : i32
    %dma_start3A_196 = tpu.memref_slice %arg6[%dma_start3A_194, %dma_start3A_195] : memref<80x64xi32, #tpu.memory_space<vmem>> -> memref<1x64xi32, #tpu.memory_space<vmem>>
    %dma_start3A_197 = tpu.memref_squeeze %dma_start3A_196 : memref<1x64xi32, #tpu.memory_space<vmem>> -> memref<64xi32, #tpu.memory_space<vmem>>
    %dma_start3A_198 = arith.constant 0 : i32
    %dma_start3A_199 = arith.constant 0 : i32
    %dma_start3A_200 = tpu.memref_slice %arg2[%dma_start3A_198, %dma_start3A_199] : memref<10000x128xf32, #tpu.memory_space<hbm>> -> memref<10000x128xf32, #tpu.memory_space<hbm>>
    tpu.enqueue_indirect_dma source(%dma_start3A_200 : memref<10000x128xf32, #tpu.memory_space<hbm>>) target(%arg9 : memref<64x128xf32, #tpu.memory_space<vmem>>) offsets(%dma_start3A_197 : memref<64xi32, #tpu.memory_space<vmem>>) semaphore(%arg13 : memref<!tpu.dma_semaphore, #tpu.memory_space<semaphore_mem>>)
    %dma_start3A_201 = arith.constant 2 : i32
    %dma_start3A_202 = arith.constant 0 : i32
    %dma_start3A_203 = tpu.memref_slice %arg6[%dma_start3A_201, %dma_start3A_202] : memref<80x64xi32, #tpu.memory_space<vmem>> -> memref<1x64xi32, #tpu.memory_space<vmem>>
    %dma_start3A_204 = tpu.memref_squeeze %dma_start3A_203 : memref<1x64xi32, #tpu.memory_space<vmem>> -> memref<64xi32, #tpu.memory_space<vmem>>
    %dma_start3A_205 = arith.constant 0 : i32
    %dma_start3A_206 = arith.constant 0 : i32
    %dma_start3A_207 = tpu.memref_slice %arg2[%dma_start3A_205, %dma_start3A_206] : memref<10000x128xf32, #tpu.memory_space<hbm>> -> memref<10000x128xf32, #tpu.memory_space<hbm>>
    tpu.enqueue_indirect_dma source(%dma_start3A_207 : memref<10000x128xf32, #tpu.memory_space<hbm>>) target(%arg10 : memref<64x128xf32, #tpu.memory_space<vmem>>) offsets(%dma_start3A_204 : memref<64xi32, #tpu.memory_space<vmem>>) semaphore(%arg14 : memref<!tpu.dma_semaphore, #tpu.memory_space<semaphore_mem>>)
    %scan3A_208 = arith.constant 0 : i32
    %scan3A_209 = arith.constant 0 : i32
    %scan3A_210 = arith.constant 25 : i32
    %scan3A_211 = arith.addi %scan3A_209, %scan3A_210 : i32
    %scan3A_212 = arith.constant 1 : i32
    scf.for %scan3A_429 = %scan3A_209 to %scan3A_211 step %scan3A_212  : i32 {
      %mul3A_430 = arith.constant 3 : i32
      %mul3A_431 = arith.muli %mul3A_430, %scan3A_429 : i32
      %add3A_432 = arith.constant 0 : i32
      %add3A_433 = arith.addi %mul3A_431, %add3A_432 : i32
      %dma_wait3A_434 = arith.constant 0 : i32
      %dma_wait3A_435 = arith.constant 0 : i32
      %dma_wait3A_436 = tpu.memref_slice %arg6[%dma_wait3A_434, %dma_wait3A_435] : memref<80x64xi32, #tpu.memory_space<vmem>> -> memref<1x64xi32, #tpu.memory_space<vmem>>
      %dma_wait3A_437 = tpu.memref_squeeze %dma_wait3A_436 : memref<1x64xi32, #tpu.memory_space<vmem>> -> memref<64xi32, #tpu.memory_space<vmem>>
      %dma_wait3A_438 = arith.constant 0 : i32
      %dma_wait3A_439 = arith.constant 0 : i32
      %dma_wait3A_440 = tpu.memref_slice %arg2[%dma_wait3A_438, %dma_wait3A_439] : memref<10000x128xf32, #tpu.memory_space<hbm>> -> memref<10000x128xf32, #tpu.memory_space<hbm>>
      tpu.wait_indirect_dma semaphore(%arg12 : memref<!tpu.dma_semaphore, #tpu.memory_space<semaphore_mem>>) src(%dma_wait3A_440 : memref<10000x128xf32, #tpu.memory_space<hbm>>) dst(%arg8 : memref<64x128xf32, #tpu.memory_space<vmem>>)
      "tpu.region"() ({
        %run_scoped3A_487 = tpu.sem_alloc : memref<!tpu.dma_semaphore, #tpu.memory_space<semaphore_mem>>
        %dma_start3A_488 = arith.constant 0 : i32
        %dma_start3A_489 = tpu.memref_slice %arg7[%add3A_433, %dma_start3A_488] : memref<80x64xi32, #tpu.memory_space<vmem>> -> memref<1x64xi32, #tpu.memory_space<vmem>>
        %dma_start3A_490 = tpu.memref_squeeze %dma_start3A_489 : memref<1x64xi32, #tpu.memory_space<vmem>> -> memref<64xi32, #tpu.memory_space<vmem>>
        %dma_start3A_491 = arith.constant 0 : i32
        %dma_start3A_492 = arith.constant 0 : i32
        %dma_start3A_493 = tpu.memref_slice %arg11[%dma_start3A_491, %dma_start3A_492] : memref<10240x128xf32, #tpu.memory_space<vmem_shared>> -> memref<10240x128xf32, #tpu.memory_space<vmem_shared>>
        tpu.enqueue_indirect_dma source(%arg8 : memref<64x128xf32, #tpu.memory_space<vmem>>) target(%dma_start3A_493 : memref<10240x128xf32, #tpu.memory_space<vmem_shared>>) offsets(%dma_start3A_490 : memref<64xi32, #tpu.memory_space<vmem>>) semaphore(%run_scoped3A_487 : memref<!tpu.dma_semaphore, #tpu.memory_space<semaphore_mem>>) {add = true}
        %dma_wait3A_494 = arith.constant 0 : i32
        %dma_wait3A_495 = tpu.memref_slice %arg7[%add3A_433, %dma_wait3A_494] : memref<80x64xi32, #tpu.memory_space<vmem>> -> memref<1x64xi32, #tpu.memory_space<vmem>>
        %dma_wait3A_496 = tpu.memref_squeeze %dma_wait3A_495 : memref<1x64xi32, #tpu.memory_space<vmem>> -> memref<64xi32, #tpu.memory_space<vmem>>
        %dma_wait3A_497 = arith.constant 0 : i32
        %dma_wait3A_498 = arith.constant 0 : i32
        %dma_wait3A_499 = tpu.memref_slice %arg11[%dma_wait3A_497, %dma_wait3A_498] : memref<10240x128xf32, #tpu.memory_space<vmem_shared>> -> memref<10240x128xf32, #tpu.memory_space<vmem_shared>>
        tpu.wait_indirect_dma semaphore(%run_scoped3A_487 : memref<!tpu.dma_semaphore, #tpu.memory_space<semaphore_mem>>) src(%arg8 : memref<64x128xf32, #tpu.memory_space<vmem>>) dst(%dma_wait3A_499 : memref<10240x128xf32, #tpu.memory_space<vmem_shared>>)
        tpu.yield
      }) : () -> ()
      %add3A_441 = arith.constant 3 : i32
      %add3A_442 = arith.addi %add3A_433, %add3A_441 : i32
      %dma_start3A_443 = arith.constant 0 : i32
      %dma_start3A_444 = tpu.memref_slice %arg6[%add3A_442, %dma_start3A_443] : memref<80x64xi32, #tpu.memory_space<vmem>> -> memref<1x64xi32, #tpu.memory_space<vmem>>
      %dma_start3A_445 = tpu.memref_squeeze %dma_start3A_444 : memref<1x64xi32, #tpu.memory_space<vmem>> -> memref<64xi32, #tpu.memory_space<vmem>>
      %dma_start3A_446 = arith.constant 0 : i32
      %dma_start3A_447 = arith.constant 0 : i32
      %dma_start3A_448 = tpu.memref_slice %arg2[%dma_start3A_446, %dma_start3A_447] : memref<10000x128xf32, #tpu.memory_space<hbm>> -> memref<10000x128xf32, #tpu.memory_space<hbm>>
      tpu.enqueue_indirect_dma source(%dma_start3A_448 : memref<10000x128xf32, #tpu.memory_space<hbm>>) target(%arg8 : memref<64x128xf32, #tpu.memory_space<vmem>>) offsets(%dma_start3A_445 : memref<64xi32, #tpu.memory_space<vmem>>) semaphore(%arg12 : memref<!tpu.dma_semaphore, #tpu.memory_space<semaphore_mem>>)
      %mul3A_449 = arith.constant 3 : i32
      %mul3A_450 = arith.muli %mul3A_449, %scan3A_429 : i32
      %add3A_451 = arith.constant 1 : i32
      %add3A_452 = arith.addi %mul3A_450, %add3A_451 : i32
      %dma_wait3A_453 = arith.constant 0 : i32
      %dma_wait3A_454 = arith.constant 0 : i32
      %dma_wait3A_455 = tpu.memref_slice %arg6[%dma_wait3A_453, %dma_wait3A_454] : memref<80x64xi32, #tpu.memory_space<vmem>> -> memref<1x64xi32, #tpu.memory_space<vmem>>
      %dma_wait3A_456 = tpu.memref_squeeze %dma_wait3A_455 : memref<1x64xi32, #tpu.memory_space<vmem>> -> memref<64xi32, #tpu.memory_space<vmem>>
      %dma_wait3A_457 = arith.constant 0 : i32
      %dma_wait3A_458 = arith.constant 0 : i32
      %dma_wait3A_459 = tpu.memref_slice %arg2[%dma_wait3A_457, %dma_wait3A_458] : memref<10000x128xf32, #tpu.memory_space<hbm>> -> memref<10000x128xf32, #tpu.memory_space<hbm>>
      tpu.wait_indirect_dma semaphore(%arg13 : memref<!tpu.dma_semaphore, #tpu.memory_space<semaphore_mem>>) src(%dma_wait3A_459 : memref<10000x128xf32, #tpu.memory_space<hbm>>) dst(%arg9 : memref<64x128xf32, #tpu.memory_space<vmem>>)
      "tpu.region"() ({
        %run_scoped3A_487 = tpu.sem_alloc : memref<!tpu.dma_semaphore, #tpu.memory_space<semaphore_mem>>
        %dma_start3A_488 = arith.constant 0 : i32
        %dma_start3A_489 = tpu.memref_slice %arg7[%add3A_452, %dma_start3A_488] : memref<80x64xi32, #tpu.memory_space<vmem>> -> memref<1x64xi32, #tpu.memory_space<vmem>>
        %dma_start3A_490 = tpu.memref_squeeze %dma_start3A_489 : memref<1x64xi32, #tpu.memory_space<vmem>> -> memref<64xi32, #tpu.memory_space<vmem>>
        %dma_start3A_491 = arith.constant 0 : i32
        %dma_start3A_492 = arith.constant 0 : i32
        %dma_start3A_493 = tpu.memref_slice %arg11[%dma_start3A_491, %dma_start3A_492] : memref<10240x128xf32, #tpu.memory_space<vmem_shared>> -> memref<10240x128xf32, #tpu.memory_space<vmem_shared>>
        tpu.enqueue_indirect_dma source(%arg9 : memref<64x128xf32, #tpu.memory_space<vmem>>) target(%dma_start3A_493 : memref<10240x128xf32, #tpu.memory_space<vmem_shared>>) offsets(%dma_start3A_490 : memref<64xi32, #tpu.memory_space<vmem>>) semaphore(%run_scoped3A_487 : memref<!tpu.dma_semaphore, #tpu.memory_space<semaphore_mem>>) {add = true}
        %dma_wait3A_494 = arith.constant 0 : i32
        %dma_wait3A_495 = tpu.memref_slice %arg7[%add3A_452, %dma_wait3A_494] : memref<80x64xi32, #tpu.memory_space<vmem>> -> memref<1x64xi32, #tpu.memory_space<vmem>>
        %dma_wait3A_496 = tpu.memref_squeeze %dma_wait3A_495 : memref<1x64xi32, #tpu.memory_space<vmem>> -> memref<64xi32, #tpu.memory_space<vmem>>
        %dma_wait3A_497 = arith.constant 0 : i32
        %dma_wait3A_498 = arith.constant 0 : i32
        %dma_wait3A_499 = tpu.memref_slice %arg11[%dma_wait3A_497, %dma_wait3A_498] : memref<10240x128xf32, #tpu.memory_space<vmem_shared>> -> memref<10240x128xf32, #tpu.memory_space<vmem_shared>>
        tpu.wait_indirect_dma semaphore(%run_scoped3A_487 : memref<!tpu.dma_semaphore, #tpu.memory_space<semaphore_mem>>) src(%arg9 : memref<64x128xf32, #tpu.memory_space<vmem>>) dst(%dma_wait3A_499 : memref<10240x128xf32, #tpu.memory_space<vmem_shared>>)
        tpu.yield
      }) : () -> ()
      %add3A_460 = arith.constant 3 : i32
      %add3A_461 = arith.addi %add3A_452, %add3A_460 : i32
      %dma_start3A_462 = arith.constant 0 : i32
      %dma_start3A_463 = tpu.memref_slice %arg6[%add3A_461, %dma_start3A_462] : memref<80x64xi32, #tpu.memory_space<vmem>> -> memref<1x64xi32, #tpu.memory_space<vmem>>
      %dma_start3A_464 = tpu.memref_squeeze %dma_start3A_463 : memref<1x64xi32, #tpu.memory_space<vmem>> -> memref<64xi32, #tpu.memory_space<vmem>>
      %dma_start3A_465 = arith.constant 0 : i32
      %dma_start3A_466 = arith.constant 0 : i32
      %dma_start3A_467 = tpu.memref_slice %arg2[%dma_start3A_465, %dma_start3A_466] : memref<10000x128xf32, #tpu.memory_space<hbm>> -> memref<10000x128xf32, #tpu.memory_space<hbm>>
      tpu.enqueue_indirect_dma source(%dma_start3A_467 : memref<10000x128xf32, #tpu.memory_space<hbm>>) target(%arg9 : memref<64x128xf32, #tpu.memory_space<vmem>>) offsets(%dma_start3A_464 : memref<64xi32, #tpu.memory_space<vmem>>) semaphore(%arg13 : memref<!tpu.dma_semaphore, #tpu.memory_space<semaphore_mem>>)
      %mul3A_468 = arith.constant 3 : i32
      %mul3A_469 = arith.muli %mul3A_468, %scan3A_429 : i32
      %add3A_470 = arith.constant 2 : i32
      %add3A_471 = arith.addi %mul3A_469, %add3A_470 : i32
      %dma_wait3A_472 = arith.constant 0 : i32
      %dma_wait3A_473 = arith.constant 0 : i32
      %dma_wait3A_474 = tpu.memref_slice %arg6[%dma_wait3A_472, %dma_wait3A_473] : memref<80x64xi32, #tpu.memory_space<vmem>> -> memref<1x64xi32, #tpu.memory_space<vmem>>
      %dma_wait3A_475 = tpu.memref_squeeze %dma_wait3A_474 : memref<1x64xi32, #tpu.memory_space<vmem>> -> memref<64xi32, #tpu.memory_space<vmem>>
      %dma_wait3A_476 = arith.constant 0 : i32
      %dma_wait3A_477 = arith.constant 0 : i32
      %dma_wait3A_478 = tpu.memref_slice %arg2[%dma_wait3A_476, %dma_wait3A_477] : memref<10000x128xf32, #tpu.memory_space<hbm>> -> memref<10000x128xf32, #tpu.memory_space<hbm>>
      tpu.wait_indirect_dma semaphore(%arg14 : memref<!tpu.dma_semaphore, #tpu.memory_space<semaphore_mem>>) src(%dma_wait3A_478 : memref<10000x128xf32, #tpu.memory_space<hbm>>) dst(%arg10 : memref<64x128xf32, #tpu.memory_space<vmem>>)
      "tpu.region"() ({
        %run_scoped3A_487 = tpu.sem_alloc : memref<!tpu.dma_semaphore, #tpu.memory_space<semaphore_mem>>
        %dma_start3A_488 = arith.constant 0 : i32
        %dma_start3A_489 = tpu.memref_slice %arg7[%add3A_471, %dma_start3A_488] : memref<80x64xi32, #tpu.memory_space<vmem>> -> memref<1x64xi32, #tpu.memory_space<vmem>>
        %dma_start3A_490 = tpu.memref_squeeze %dma_start3A_489 : memref<1x64xi32, #tpu.memory_space<vmem>> -> memref<64xi32, #tpu.memory_space<vmem>>
        %dma_start3A_491 = arith.constant 0 : i32
        %dma_start3A_492 = arith.constant 0 : i32
        %dma_start3A_493 = tpu.memref_slice %arg11[%dma_start3A_491, %dma_start3A_492] : memref<10240x128xf32, #tpu.memory_space<vmem_shared>> -> memref<10240x128xf32, #tpu.memory_space<vmem_shared>>
        tpu.enqueue_indirect_dma source(%arg10 : memref<64x128xf32, #tpu.memory_space<vmem>>) target(%dma_start3A_493 : memref<10240x128xf32, #tpu.memory_space<vmem_shared>>) offsets(%dma_start3A_490 : memref<64xi32, #tpu.memory_space<vmem>>) semaphore(%run_scoped3A_487 : memref<!tpu.dma_semaphore, #tpu.memory_space<semaphore_mem>>) {add = true}
        %dma_wait3A_494 = arith.constant 0 : i32
        %dma_wait3A_495 = tpu.memref_slice %arg7[%add3A_471, %dma_wait3A_494] : memref<80x64xi32, #tpu.memory_space<vmem>> -> memref<1x64xi32, #tpu.memory_space<vmem>>
        %dma_wait3A_496 = tpu.memref_squeeze %dma_wait3A_495 : memref<1x64xi32, #tpu.memory_space<vmem>> -> memref<64xi32, #tpu.memory_space<vmem>>
        %dma_wait3A_497 = arith.constant 0 : i32
        %dma_wait3A_498 = arith.constant 0 : i32
        %dma_wait3A_499 = tpu.memref_slice %arg11[%dma_wait3A_497, %dma_wait3A_498] : memref<10240x128xf32, #tpu.memory_space<vmem_shared>> -> memref<10240x128xf32, #tpu.memory_space<vmem_shared>>
        tpu.wait_indirect_dma semaphore(%run_scoped3A_487 : memref<!tpu.dma_semaphore, #tpu.memory_space<semaphore_mem>>) src(%arg10 : memref<64x128xf32, #tpu.memory_space<vmem>>) dst(%dma_wait3A_499 : memref<10240x128xf32, #tpu.memory_space<vmem_shared>>)
        tpu.yield
      }) : () -> ()
      %add3A_479 = arith.constant 3 : i32
      %add3A_480 = arith.addi %add3A_471, %add3A_479 : i32
      %dma_start3A_481 = arith.constant 0 : i32
      %dma_start3A_482 = tpu.memref_slice %arg6[%add3A_480, %dma_start3A_481] : memref<80x64xi32, #tpu.memory_space<vmem>> -> memref<1x64xi32, #tpu.memory_space<vmem>>
      %dma_start3A_483 = tpu.memref_squeeze %dma_start3A_482 : memref<1x64xi32, #tpu.memory_space<vmem>> -> memref<64xi32, #tpu.memory_space<vmem>>
      %dma_start3A_484 = arith.constant 0 : i32
      %dma_start3A_485 = arith.constant 0 : i32
      %dma_start3A_486 = tpu.memref_slice %arg2[%dma_start3A_484, %dma_start3A_485] : memref<10000x128xf32, #tpu.memory_space<hbm>> -> memref<10000x128xf32, #tpu.memory_space<hbm>>
      tpu.enqueue_indirect_dma source(%dma_start3A_486 : memref<10000x128xf32, #tpu.memory_space<hbm>>) target(%arg10 : memref<64x128xf32, #tpu.memory_space<vmem>>) offsets(%dma_start3A_483 : memref<64xi32, #tpu.memory_space<vmem>>) semaphore(%arg14 : memref<!tpu.dma_semaphore, #tpu.memory_space<semaphore_mem>>)
    }
    %scan3A_213 = arith.constant 25 : i32
    %dma_wait3A_214 = arith.constant 0 : i32
    %dma_wait3A_215 = arith.constant 0 : i32
    %dma_wait3A_216 = tpu.memref_slice %arg6[%dma_wait3A_214, %dma_wait3A_215] : memref<80x64xi32, #tpu.memory_space<vmem>> -> memref<1x64xi32, #tpu.memory_space<vmem>>
    %dma_wait3A_217 = tpu.memref_squeeze %dma_wait3A_216 : memref<1x64xi32, #tpu.memory_space<vmem>> -> memref<64xi32, #tpu.memory_space<vmem>>
    %dma_wait3A_218 = arith.constant 0 : i32
    %dma_wait3A_219 = arith.constant 0 : i32
    %dma_wait3A_220 = tpu.memref_slice %arg2[%dma_wait3A_218, %dma_wait3A_219] : memref<10000x128xf32, #tpu.memory_space<hbm>> -> memref<10000x128xf32, #tpu.memory_space<hbm>>
    tpu.wait_indirect_dma semaphore(%arg12 : memref<!tpu.dma_semaphore, #tpu.memory_space<semaphore_mem>>) src(%dma_wait3A_220 : memref<10000x128xf32, #tpu.memory_space<hbm>>) dst(%arg8 : memref<64x128xf32, #tpu.memory_space<vmem>>)
    %run_scoped3A_221 = arith.constant 75 : i32
    "tpu.region"() ({
      %run_scoped3A_429 = tpu.sem_alloc : memref<!tpu.dma_semaphore, #tpu.memory_space<semaphore_mem>>
      %dma_start3A_430 = arith.constant 0 : i32
      %dma_start3A_431 = tpu.memref_slice %arg7[%run_scoped3A_221, %dma_start3A_430] : memref<80x64xi32, #tpu.memory_space<vmem>> -> memref<1x64xi32, #tpu.memory_space<vmem>>
      %dma_start3A_432 = tpu.memref_squeeze %dma_start3A_431 : memref<1x64xi32, #tpu.memory_space<vmem>> -> memref<64xi32, #tpu.memory_space<vmem>>
      %dma_start3A_433 = arith.constant 0 : i32
      %dma_start3A_434 = arith.constant 0 : i32
      %dma_start3A_435 = tpu.memref_slice %arg11[%dma_start3A_433, %dma_start3A_434] : memref<10240x128xf32, #tpu.memory_space<vmem_shared>> -> memref<10240x128xf32, #tpu.memory_space<vmem_shared>>
      tpu.enqueue_indirect_dma source(%arg8 : memref<64x128xf32, #tpu.memory_space<vmem>>) target(%dma_start3A_435 : memref<10240x128xf32, #tpu.memory_space<vmem_shared>>) offsets(%dma_start3A_432 : memref<64xi32, #tpu.memory_space<vmem>>) semaphore(%run_scoped3A_429 : memref<!tpu.dma_semaphore, #tpu.memory_space<semaphore_mem>>) {add = true}
      %dma_wait3A_436 = arith.constant 0 : i32
      %dma_wait3A_437 = tpu.memref_slice %arg7[%run_scoped3A_221, %dma_wait3A_436] : memref<80x64xi32, #tpu.memory_space<vmem>> -> memref<1x64xi32, #tpu.memory_space<vmem>>
      %dma_wait3A_438 = tpu.memref_squeeze %dma_wait3A_437 : memref<1x64xi32, #tpu.memory_space<vmem>> -> memref<64xi32, #tpu.memory_space<vmem>>
      %dma_wait3A_439 = arith.constant 0 : i32
      %dma_wait3A_440 = arith.constant 0 : i32
      %dma_wait3A_441 = tpu.memref_slice %arg11[%dma_wait3A_439, %dma_wait3A_440] : memref<10240x128xf32, #tpu.memory_space<vmem_shared>> -> memref<10240x128xf32, #tpu.memory_space<vmem_shared>>
      tpu.wait_indirect_dma semaphore(%run_scoped3A_429 : memref<!tpu.dma_semaphore, #tpu.memory_space<semaphore_mem>>) src(%arg8 : memref<64x128xf32, #tpu.memory_space<vmem>>) dst(%dma_wait3A_441 : memref<10240x128xf32, #tpu.memory_space<vmem_shared>>)
      tpu.yield
    }) : () -> ()
    %dma_start3A_222 = arith.constant 78 : i32
    %dma_start3A_223 = arith.constant 0 : i32
    %dma_start3A_224 = tpu.memref_slice %arg6[%dma_start3A_222, %dma_start3A_223] : memref<80x64xi32, #tpu.memory_space<vmem>> -> memref<1x64xi32, #tpu.memory_space<vmem>>
    %dma_start3A_225 = tpu.memref_squeeze %dma_start3A_224 : memref<1x64xi32, #tpu.memory_space<vmem>> -> memref<64xi32, #tpu.memory_space<vmem>>
    %dma_start3A_226 = arith.constant 0 : i32
    %dma_start3A_227 = arith.constant 0 : i32
    %dma_start3A_228 = tpu.memref_slice %arg2[%dma_start3A_226, %dma_start3A_227] : memref<10000x128xf32, #tpu.memory_space<hbm>> -> memref<10000x128xf32, #tpu.memory_space<hbm>>
    tpu.enqueue_indirect_dma source(%dma_start3A_228 : memref<10000x128xf32, #tpu.memory_space<hbm>>) target(%arg8 : memref<64x128xf32, #tpu.memory_space<vmem>>) offsets(%dma_start3A_225 : memref<64xi32, #tpu.memory_space<vmem>>) semaphore(%arg12 : memref<!tpu.dma_semaphore, #tpu.memory_space<semaphore_mem>>)
    %dma_wait3A_229 = arith.constant 0 : i32
    %dma_wait3A_230 = arith.constant 0 : i32
    %dma_wait3A_231 = tpu.memref_slice %arg6[%dma_wait3A_229, %dma_wait3A_230] : memref<80x64xi32, #tpu.memory_space<vmem>> -> memref<1x64xi32, #tpu.memory_space<vmem>>
    %dma_wait3A_232 = tpu.memref_squeeze %dma_wait3A_231 : memref<1x64xi32, #tpu.memory_space<vmem>> -> memref<64xi32, #tpu.memory_space<vmem>>
    %dma_wait3A_233 = arith.constant 0 : i32
    %dma_wait3A_234 = arith.constant 0 : i32
    %dma_wait3A_235 = tpu.memref_slice %arg2[%dma_wait3A_233, %dma_wait3A_234] : memref<10000x128xf32, #tpu.memory_space<hbm>> -> memref<10000x128xf32, #tpu.memory_space<hbm>>
    tpu.wait_indirect_dma semaphore(%arg13 : memref<!tpu.dma_semaphore, #tpu.memory_space<semaphore_mem>>) src(%dma_wait3A_235 : memref<10000x128xf32, #tpu.memory_space<hbm>>) dst(%arg9 : memref<64x128xf32, #tpu.memory_space<vmem>>)
    %run_scoped3A_236 = arith.constant 76 : i32
    "tpu.region"() ({
      %run_scoped3A_429 = tpu.sem_alloc : memref<!tpu.dma_semaphore, #tpu.memory_space<semaphore_mem>>
      %dma_start3A_430 = arith.constant 0 : i32
      %dma_start3A_431 = tpu.memref_slice %arg7[%run_scoped3A_236, %dma_start3A_430] : memref<80x64xi32, #tpu.memory_space<vmem>> -> memref<1x64xi32, #tpu.memory_space<vmem>>
      %dma_start3A_432 = tpu.memref_squeeze %dma_start3A_431 : memref<1x64xi32, #tpu.memory_space<vmem>> -> memref<64xi32, #tpu.memory_space<vmem>>
      %dma_start3A_433 = arith.constant 0 : i32
      %dma_start3A_434 = arith.constant 0 : i32
      %dma_start3A_435 = tpu.memref_slice %arg11[%dma_start3A_433, %dma_start3A_434] : memref<10240x128xf32, #tpu.memory_space<vmem_shared>> -> memref<10240x128xf32, #tpu.memory_space<vmem_shared>>
      tpu.enqueue_indirect_dma source(%arg9 : memref<64x128xf32, #tpu.memory_space<vmem>>) target(%dma_start3A_435 : memref<10240x128xf32, #tpu.memory_space<vmem_shared>>) offsets(%dma_start3A_432 : memref<64xi32, #tpu.memory_space<vmem>>) semaphore(%run_scoped3A_429 : memref<!tpu.dma_semaphore, #tpu.memory_space<semaphore_mem>>) {add = true}
      %dma_wait3A_436 = arith.constant 0 : i32
      %dma_wait3A_437 = tpu.memref_slice %arg7[%run_scoped3A_236, %dma_wait3A_436] : memref<80x64xi32, #tpu.memory_space<vmem>> -> memref<1x64xi32, #tpu.memory_space<vmem>>
      %dma_wait3A_438 = tpu.memref_squeeze %dma_wait3A_437 : memref<1x64xi32, #tpu.memory_space<vmem>> -> memref<64xi32, #tpu.memory_space<vmem>>
      %dma_wait3A_439 = arith.constant 0 : i32
      %dma_wait3A_440 = arith.constant 0 : i32
      %dma_wait3A_441 = tpu.memref_slice %arg11[%dma_wait3A_439, %dma_wait3A_440] : memref<10240x128xf32, #tpu.memory_space<vmem_shared>> -> memref<10240x128xf32, #tpu.memory_space<vmem_shared>>
      tpu.wait_indirect_dma semaphore(%run_scoped3A_429 : memref<!tpu.dma_semaphore, #tpu.memory_space<semaphore_mem>>) src(%arg9 : memref<64x128xf32, #tpu.memory_space<vmem>>) dst(%dma_wait3A_441 : memref<10240x128xf32, #tpu.memory_space<vmem_shared>>)
      tpu.yield
    }) : () -> ()
    %dma_start3A_237 = arith.constant 79 : i32
    %dma_start3A_238 = arith.constant 0 : i32
    %dma_start3A_239 = tpu.memref_slice %arg6[%dma_start3A_237, %dma_start3A_238] : memref<80x64xi32, #tpu.memory_space<vmem>> -> memref<1x64xi32, #tpu.memory_space<vmem>>
    %dma_start3A_240 = tpu.memref_squeeze %dma_start3A_239 : memref<1x64xi32, #tpu.memory_space<vmem>> -> memref<64xi32, #tpu.memory_space<vmem>>
    %dma_start3A_241 = arith.constant 0 : i32
    %dma_start3A_242 = arith.constant 0 : i32
    %dma_start3A_243 = tpu.memref_slice %arg2[%dma_start3A_241, %dma_start3A_242] : memref<10000x128xf32, #tpu.memory_space<hbm>> -> memref<10000x128xf32, #tpu.memory_space<hbm>>
    tpu.enqueue_indirect_dma source(%dma_start3A_243 : memref<10000x128xf32, #tpu.memory_space<hbm>>) target(%arg9 : memref<64x128xf32, #tpu.memory_space<vmem>>) offsets(%dma_start3A_240 : memref<64xi32, #tpu.memory_space<vmem>>) semaphore(%arg13 : memref<!tpu.dma_semaphore, #tpu.memory_space<semaphore_mem>>)
    %dma_wait3A_244 = arith.constant 0 : i32
    %dma_wait3A_245 = arith.constant 0 : i32
    %dma_wait3A_246 = tpu.memref_slice %arg6[%dma_wait3A_244, %dma_wait3A_245] : memref<80x64xi32, #tpu.memory_space<vmem>> -> memref<1x64xi32, #tpu.memory_space<vmem>>
    %dma_wait3A_247 = tpu.memref_squeeze %dma_wait3A_246 : memref<1x64xi32, #tpu.memory_space<vmem>> -> memref<64xi32, #tpu.memory_space<vmem>>
    %dma_wait3A_248 = arith.constant 0 : i32
    %dma_wait3A_249 = arith.constant 0 : i32
    %dma_wait3A_250 = tpu.memref_slice %arg2[%dma_wait3A_248, %dma_wait3A_249] : memref<10000x128xf32, #tpu.memory_space<hbm>> -> memref<10000x128xf32, #tpu.memory_space<hbm>>
    tpu.wait_indirect_dma semaphore(%arg14 : memref<!tpu.dma_semaphore, #tpu.memory_space<semaphore_mem>>) src(%dma_wait3A_250 : memref<10000x128xf32, #tpu.memory_space<hbm>>) dst(%arg10 : memref<64x128xf32, #tpu.memory_space<vmem>>)
    %run_scoped3A_251 = arith.constant 77 : i32
    "tpu.region"() ({
      %run_scoped3A_429 = tpu.sem_alloc : memref<!tpu.dma_semaphore, #tpu.memory_space<semaphore_mem>>
      %dma_start3A_430 = arith.constant 0 : i32
      %dma_start3A_431 = tpu.memref_slice %arg7[%run_scoped3A_251, %dma_start3A_430] : memref<80x64xi32, #tpu.memory_space<vmem>> -> memref<1x64xi32, #tpu.memory_space<vmem>>
      %dma_start3A_432 = tpu.memref_squeeze %dma_start3A_431 : memref<1x64xi32, #tpu.memory_space<vmem>> -> memref<64xi32, #tpu.memory_space<vmem>>
      %dma_start3A_433 = arith.constant 0 : i32
      %dma_start3A_434 = arith.constant 0 : i32
      %dma_start3A_435 = tpu.memref_slice %arg11[%dma_start3A_433, %dma_start3A_434] : memref<10240x128xf32, #tpu.memory_space<vmem_shared>> -> memref<10240x128xf32, #tpu.memory_space<vmem_shared>>
      tpu.enqueue_indirect_dma source(%arg10 : memref<64x128xf32, #tpu.memory_space<vmem>>) target(%dma_start3A_435 : memref<10240x128xf32, #tpu.memory_space<vmem_shared>>) offsets(%dma_start3A_432 : memref<64xi32, #tpu.memory_space<vmem>>) semaphore(%run_scoped3A_429 : memref<!tpu.dma_semaphore, #tpu.memory_space<semaphore_mem>>) {add = true}
      %dma_wait3A_436 = arith.constant 0 : i32
      %dma_wait3A_437 = tpu.memref_slice %arg7[%run_scoped3A_251, %dma_wait3A_436] : memref<80x64xi32, #tpu.memory_space<vmem>> -> memref<1x64xi32, #tpu.memory_space<vmem>>
      %dma_wait3A_438 = tpu.memref_squeeze %dma_wait3A_437 : memref<1x64xi32, #tpu.memory_space<vmem>> -> memref<64xi32, #tpu.memory_space<vmem>>
      %dma_wait3A_439 = arith.constant 0 : i32
      %dma_wait3A_440 = arith.constant 0 : i32
      %dma_wait3A_441 = tpu.memref_slice %arg11[%dma_wait3A_439, %dma_wait3A_440] : memref<10240x128xf32, #tpu.memory_space<vmem_shared>> -> memref<10240x128xf32, #tpu.memory_space<vmem_shared>>
      tpu.wait_indirect_dma semaphore(%run_scoped3A_429 : memref<!tpu.dma_semaphore, #tpu.memory_space<semaphore_mem>>) src(%arg10 : memref<64x128xf32, #tpu.memory_space<vmem>>) dst(%dma_wait3A_441 : memref<10240x128xf32, #tpu.memory_space<vmem_shared>>)
      tpu.yield
    }) : () -> ()
    %dma_wait3A_252 = arith.constant 0 : i32
    %dma_wait3A_253 = arith.constant 0 : i32
    %dma_wait3A_254 = tpu.memref_slice %arg6[%dma_wait3A_252, %dma_wait3A_253] : memref<80x64xi32, #tpu.memory_space<vmem>> -> memref<1x64xi32, #tpu.memory_space<vmem>>
    %dma_wait3A_255 = tpu.memref_squeeze %dma_wait3A_254 : memref<1x64xi32, #tpu.memory_space<vmem>> -> memref<64xi32, #tpu.memory_space<vmem>>
    %dma_wait3A_256 = arith.constant 0 : i32
    %dma_wait3A_257 = arith.constant 0 : i32
    %dma_wait3A_258 = tpu.memref_slice %arg2[%dma_wait3A_256, %dma_wait3A_257] : memref<10000x128xf32, #tpu.memory_space<hbm>> -> memref<10000x128xf32, #tpu.memory_space<hbm>>
    tpu.wait_indirect_dma semaphore(%arg12 : memref<!tpu.dma_semaphore, #tpu.memory_space<semaphore_mem>>) src(%dma_wait3A_258 : memref<10000x128xf32, #tpu.memory_space<hbm>>) dst(%arg8 : memref<64x128xf32, #tpu.memory_space<vmem>>)
    %run_scoped3A_259 = arith.constant 78 : i32
    "tpu.region"() ({
      %run_scoped3A_429 = tpu.sem_alloc : memref<!tpu.dma_semaphore, #tpu.memory_space<semaphore_mem>>
      %dma_start3A_430 = arith.constant 0 : i32
      %dma_start3A_431 = tpu.memref_slice %arg7[%run_scoped3A_259, %dma_start3A_430] : memref<80x64xi32, #tpu.memory_space<vmem>> -> memref<1x64xi32, #tpu.memory_space<vmem>>
      %dma_start3A_432 = tpu.memref_squeeze %dma_start3A_431 : memref<1x64xi32, #tpu.memory_space<vmem>> -> memref<64xi32, #tpu.memory_space<vmem>>
      %dma_start3A_433 = arith.constant 0 : i32
      %dma_start3A_434 = arith.constant 0 : i32
      %dma_start3A_435 = tpu.memref_slice %arg11[%dma_start3A_433, %dma_start3A_434] : memref<10240x128xf32, #tpu.memory_space<vmem_shared>> -> memref<10240x128xf32, #tpu.memory_space<vmem_shared>>
      tpu.enqueue_indirect_dma source(%arg8 : memref<64x128xf32, #tpu.memory_space<vmem>>) target(%dma_start3A_435 : memref<10240x128xf32, #tpu.memory_space<vmem_shared>>) offsets(%dma_start3A_432 : memref<64xi32, #tpu.memory_space<vmem>>) semaphore(%run_scoped3A_429 : memref<!tpu.dma_semaphore, #tpu.memory_space<semaphore_mem>>) {add = true}
      %dma_wait3A_436 = arith.constant 0 : i32
      %dma_wait3A_437 = tpu.memref_slice %arg7[%run_scoped3A_259, %dma_wait3A_436] : memref<80x64xi32, #tpu.memory_space<vmem>> -> memref<1x64xi32, #tpu.memory_space<vmem>>
      %dma_wait3A_438 = tpu.memref_squeeze %dma_wait3A_437 : memref<1x64xi32, #tpu.memory_space<vmem>> -> memref<64xi32, #tpu.memory_space<vmem>>
      %dma_wait3A_439 = arith.constant 0 : i32
      %dma_wait3A_440 = arith.constant 0 : i32
      %dma_wait3A_441 = tpu.memref_slice %arg11[%dma_wait3A_439, %dma_wait3A_440] : memref<10240x128xf32, #tpu.memory_space<vmem_shared>> -> memref<10240x128xf32, #tpu.memory_space<vmem_shared>>
      tpu.wait_indirect_dma semaphore(%run_scoped3A_429 : memref<!tpu.dma_semaphore, #tpu.memory_space<semaphore_mem>>) src(%arg8 : memref<64x128xf32, #tpu.memory_space<vmem>>) dst(%dma_wait3A_441 : memref<10240x128xf32, #tpu.memory_space<vmem_shared>>)
      tpu.yield
    }) : () -> ()
    %dma_wait3A_260 = arith.constant 0 : i32
    %dma_wait3A_261 = arith.constant 0 : i32
    %dma_wait3A_262 = tpu.memref_slice %arg6[%dma_wait3A_260, %dma_wait3A_261] : memref<80x64xi32, #tpu.memory_space<vmem>> -> memref<1x64xi32, #tpu.memory_space<vmem>>
    %dma_wait3A_263 = tpu.memref_squeeze %dma_wait3A_262 : memref<1x64xi32, #tpu.memory_space<vmem>> -> memref<64xi32, #tpu.memory_space<vmem>>
    %dma_wait3A_264 = arith.constant 0 : i32
    %dma_wait3A_265 = arith.constant 0 : i32
    %dma_wait3A_266 = tpu.memref_slice %arg2[%dma_wait3A_264, %dma_wait3A_265] : memref<10000x128xf32, #tpu.memory_space<hbm>> -> memref<10000x128xf32, #tpu.memory_space<hbm>>
    tpu.wait_indirect_dma semaphore(%arg13 : memref<!tpu.dma_semaphore, #tpu.memory_space<semaphore_mem>>) src(%dma_wait3A_266 : memref<10000x128xf32, #tpu.memory_space<hbm>>) dst(%arg9 : memref<64x128xf32, #tpu.memory_space<vmem>>)
    %run_scoped3A_267 = arith.constant 79 : i32
    "tpu.region"() ({
      %run_scoped3A_429 = tpu.sem_alloc : memref<!tpu.dma_semaphore, #tpu.memory_space<semaphore_mem>>
      %dma_start3A_430 = arith.constant 0 : i32
      %dma_start3A_431 = tpu.memref_slice %arg7[%run_scoped3A_267, %dma_start3A_430] : memref<80x64xi32, #tpu.memory_space<vmem>> -> memref<1x64xi32, #tpu.memory_space<vmem>>
      %dma_start3A_432 = tpu.memref_squeeze %dma_start3A_431 : memref<1x64xi32, #tpu.memory_space<vmem>> -> memref<64xi32, #tpu.memory_space<vmem>>
      %dma_start3A_433 = arith.constant 0 : i32
      %dma_start3A_434 = arith.constant 0 : i32
      %dma_start3A_435 = tpu.memref_slice %arg11[%dma_start3A_433, %dma_start3A_434] : memref<10240x128xf32, #tpu.memory_space<vmem_shared>> -> memref<10240x128xf32, #tpu.memory_space<vmem_shared>>
      tpu.enqueue_indirect_dma source(%arg9 : memref<64x128xf32, #tpu.memory_space<vmem>>) target(%dma_start3A_435 : memref<10240x128xf32, #tpu.memory_space<vmem_shared>>) offsets(%dma_start3A_432 : memref<64xi32, #tpu.memory_space<vmem>>) semaphore(%run_scoped3A_429 : memref<!tpu.dma_semaphore, #tpu.memory_space<semaphore_mem>>) {add = true}
      %dma_wait3A_436 = arith.constant 0 : i32
      %dma_wait3A_437 = tpu.memref_slice %arg7[%run_scoped3A_267, %dma_wait3A_436] : memref<80x64xi32, #tpu.memory_space<vmem>> -> memref<1x64xi32, #tpu.memory_space<vmem>>
      %dma_wait3A_438 = tpu.memref_squeeze %dma_wait3A_437 : memref<1x64xi32, #tpu.memory_space<vmem>> -> memref<64xi32, #tpu.memory_space<vmem>>
      %dma_wait3A_439 = arith.constant 0 : i32
      %dma_wait3A_440 = arith.constant 0 : i32
      %dma_wait3A_441 = tpu.memref_slice %arg11[%dma_wait3A_439, %dma_wait3A_440] : memref<10240x128xf32, #tpu.memory_space<vmem_shared>> -> memref<10240x128xf32, #tpu.memory_space<vmem_shared>>
      tpu.wait_indirect_dma semaphore(%run_scoped3A_429 : memref<!tpu.dma_semaphore, #tpu.memory_space<semaphore_mem>>) src(%arg9 : memref<64x128xf32, #tpu.memory_space<vmem>>) dst(%dma_wait3A_441 : memref<10240x128xf32, #tpu.memory_space<vmem_shared>>)
      tpu.yield
    }) : () -> ()
    %barrier3A_268 = arith.constant 0 : index
    tpu.barrier barrier_id(%barrier3A_268)
    %add3A_269 = arith.constant 0 : i32
    %add3A_270 = arith.addi %mul3A_2, %add3A_269 : i32
    "tpu.region"() ({
      %run_scoped3A_429 = tpu.sem_alloc : memref<!tpu.dma_semaphore, #tpu.memory_space<semaphore_mem>>
      %dma_start3A_430 = arith.constant 0 : i32
      %dma_start3A_431 = tpu.memref_slice %arg11[%add3A_270, %dma_start3A_430] : memref<10240x128xf32, #tpu.memory_space<vmem_shared>> -> memref<64x128xf32, #tpu.memory_space<vmem_shared>>
      %dma_start3A_432 = arith.constant 0 : i32
      %dma_start3A_433 = tpu.memref_slice %arg11[%add3A_270, %dma_start3A_432] : memref<10240x128xf32, #tpu.memory_space<vmem_shared>> -> memref<64x128xf32, #tpu.memory_space<vmem_shared>>
      tpu.enqueue_dma source(%dma_start3A_433 : memref<64x128xf32, #tpu.memory_space<vmem_shared>>) target(%arg8 : memref<64x128xf32, #tpu.memory_space<vmem>>) target_semaphore(%run_scoped3A_429 : memref<!tpu.dma_semaphore, #tpu.memory_space<semaphore_mem>>)
      %dma_wait3A_434 = arith.constant 0 : i32
      %dma_wait3A_435 = tpu.memref_slice %arg11[%add3A_270, %dma_wait3A_434] : memref<10240x128xf32, #tpu.memory_space<vmem_shared>> -> memref<64x128xf32, #tpu.memory_space<vmem_shared>>
      %dma_wait3A_436 = arith.constant 0 : i32
      %dma_wait3A_437 = tpu.memref_slice %arg11[%add3A_270, %dma_wait3A_436] : memref<10240x128xf32, #tpu.memory_space<vmem_shared>> -> memref<64x128xf32, #tpu.memory_space<vmem_shared>>
      tpu.wait_dma2 semaphore(%run_scoped3A_429 : memref<!tpu.dma_semaphore, #tpu.memory_space<semaphore_mem>>) src(%dma_wait3A_437 : memref<64x128xf32, #tpu.memory_space<vmem_shared>>) dst(%arg8 : memref<64x128xf32, #tpu.memory_space<vmem>>)
      tpu.yield
    }) : () -> ()
    %dma_start3A_271 = arith.constant 0 : i32
    %dma_start3A_272 = tpu.memref_slice %arg5[%arg0, %add3A_270, %dma_start3A_271] : memref<2x10240x128xf32, #tpu.memory_space<hbm>> -> memref<1x64x128xf32, #tpu.memory_space<hbm>>
    %dma_start3A_273 = tpu.memref_squeeze %dma_start3A_272 : memref<1x64x128xf32, #tpu.memory_space<hbm>> -> memref<64x128xf32, #tpu.memory_space<hbm>>
    %dma_start3A_274 = arith.constant 0 : i32
    %dma_start3A_275 = tpu.memref_slice %arg5[%arg0, %add3A_270, %dma_start3A_274] : memref<2x10240x128xf32, #tpu.memory_space<hbm>> -> memref<1x64x128xf32, #tpu.memory_space<hbm>>
    %dma_start3A_276 = tpu.memref_squeeze %dma_start3A_275 : memref<1x64x128xf32, #tpu.memory_space<hbm>> -> memref<64x128xf32, #tpu.memory_space<hbm>>
    tpu.enqueue_dma source(%arg8 : memref<64x128xf32, #tpu.memory_space<vmem>>) target(%dma_start3A_276 : memref<64x128xf32, #tpu.memory_space<hbm>>) target_semaphore(%arg12 : memref<!tpu.dma_semaphore, #tpu.memory_space<semaphore_mem>>)
    %add3A_277 = arith.constant 64 : i32
    %add3A_278 = arith.addi %mul3A_2, %add3A_277 : i32
    "tpu.region"() ({
      %run_scoped3A_429 = tpu.sem_alloc : memref<!tpu.dma_semaphore, #tpu.memory_space<semaphore_mem>>
      %dma_start3A_430 = arith.constant 0 : i32
      %dma_start3A_431 = tpu.memref_slice %arg11[%add3A_278, %dma_start3A_430] : memref<10240x128xf32, #tpu.memory_space<vmem_shared>> -> memref<64x128xf32, #tpu.memory_space<vmem_shared>>
      %dma_start3A_432 = arith.constant 0 : i32
      %dma_start3A_433 = tpu.memref_slice %arg11[%add3A_278, %dma_start3A_432] : memref<10240x128xf32, #tpu.memory_space<vmem_shared>> -> memref<64x128xf32, #tpu.memory_space<vmem_shared>>
      tpu.enqueue_dma source(%dma_start3A_433 : memref<64x128xf32, #tpu.memory_space<vmem_shared>>) target(%arg9 : memref<64x128xf32, #tpu.memory_space<vmem>>) target_semaphore(%run_scoped3A_429 : memref<!tpu.dma_semaphore, #tpu.memory_space<semaphore_mem>>)
      %dma_wait3A_434 = arith.constant 0 : i32
      %dma_wait3A_435 = tpu.memref_slice %arg11[%add3A_278, %dma_wait3A_434] : memref<10240x128xf32, #tpu.memory_space<vmem_shared>> -> memref<64x128xf32, #tpu.memory_space<vmem_shared>>
      %dma_wait3A_436 = arith.constant 0 : i32
      %dma_wait3A_437 = tpu.memref_slice %arg11[%add3A_278, %dma_wait3A_436] : memref<10240x128xf32, #tpu.memory_space<vmem_shared>> -> memref<64x128xf32, #tpu.memory_space<vmem_shared>>
      tpu.wait_dma2 semaphore(%run_scoped3A_429 : memref<!tpu.dma_semaphore, #tpu.memory_space<semaphore_mem>>) src(%dma_wait3A_437 : memref<64x128xf32, #tpu.memory_space<vmem_shared>>) dst(%arg9 : memref<64x128xf32, #tpu.memory_space<vmem>>)
      tpu.yield
    }) : () -> ()
    %dma_start3A_279 = arith.constant 0 : i32
    %dma_start3A_280 = tpu.memref_slice %arg5[%arg0, %add3A_278, %dma_start3A_279] : memref<2x10240x128xf32, #tpu.memory_space<hbm>> -> memref<1x64x128xf32, #tpu.memory_space<hbm>>
    %dma_start3A_281 = tpu.memref_squeeze %dma_start3A_280 : memref<1x64x128xf32, #tpu.memory_space<hbm>> -> memref<64x128xf32, #tpu.memory_space<hbm>>
    %dma_start3A_282 = arith.constant 0 : i32
    %dma_start3A_283 = tpu.memref_slice %arg5[%arg0, %add3A_278, %dma_start3A_282] : memref<2x10240x128xf32, #tpu.memory_space<hbm>> -> memref<1x64x128xf32, #tpu.memory_space<hbm>>
    %dma_start3A_284 = tpu.memref_squeeze %dma_start3A_283 : memref<1x64x128xf32, #tpu.memory_space<hbm>> -> memref<64x128xf32, #tpu.memory_space<hbm>>
    tpu.enqueue_dma source(%arg9 : memref<64x128xf32, #tpu.memory_space<vmem>>) target(%dma_start3A_284 : memref<64x128xf32, #tpu.memory_space<hbm>>) target_semaphore(%arg13 : memref<!tpu.dma_semaphore, #tpu.memory_space<semaphore_mem>>)
    %add3A_285 = arith.constant 128 : i32
    %add3A_286 = arith.addi %mul3A_2, %add3A_285 : i32
    %dma_wait3A_287 = arith.constant 0 : i32
    %dma_wait3A_288 = arith.constant 0 : i32
    %dma_wait3A_289 = tpu.memref_slice %arg5[%arg0, %dma_wait3A_287, %dma_wait3A_288] : memref<2x10240x128xf32, #tpu.memory_space<hbm>> -> memref<1x64x128xf32, #tpu.memory_space<hbm>>
    %dma_wait3A_290 = tpu.memref_squeeze %dma_wait3A_289 : memref<1x64x128xf32, #tpu.memory_space<hbm>> -> memref<64x128xf32, #tpu.memory_space<hbm>>
    %dma_wait3A_291 = arith.constant 0 : i32
    %dma_wait3A_292 = arith.constant 0 : i32
    %dma_wait3A_293 = tpu.memref_slice %arg5[%arg0, %dma_wait3A_291, %dma_wait3A_292] : memref<2x10240x128xf32, #tpu.memory_space<hbm>> -> memref<1x64x128xf32, #tpu.memory_space<hbm>>
    %dma_wait3A_294 = tpu.memref_squeeze %dma_wait3A_293 : memref<1x64x128xf32, #tpu.memory_space<hbm>> -> memref<64x128xf32, #tpu.memory_space<hbm>>
    tpu.wait_dma2 semaphore(%arg12 : memref<!tpu.dma_semaphore, #tpu.memory_space<semaphore_mem>>) src(%arg8 : memref<64x128xf32, #tpu.memory_space<vmem>>) dst(%dma_wait3A_294 : memref<64x128xf32, #tpu.memory_space<hbm>>)
    "tpu.region"() ({
      %run_scoped3A_429 = tpu.sem_alloc : memref<!tpu.dma_semaphore, #tpu.memory_space<semaphore_mem>>
      %dma_start3A_430 = arith.constant 0 : i32
      %dma_start3A_431 = tpu.memref_slice %arg11[%add3A_286, %dma_start3A_430] : memref<10240x128xf32, #tpu.memory_space<vmem_shared>> -> memref<64x128xf32, #tpu.memory_space<vmem_shared>>
      %dma_start3A_432 = arith.constant 0 : i32
      %dma_start3A_433 = tpu.memref_slice %arg11[%add3A_286, %dma_start3A_432] : memref<10240x128xf32, #tpu.memory_space<vmem_shared>> -> memref<64x128xf32, #tpu.memory_space<vmem_shared>>
      tpu.enqueue_dma source(%dma_start3A_433 : memref<64x128xf32, #tpu.memory_space<vmem_shared>>) target(%arg8 : memref<64x128xf32, #tpu.memory_space<vmem>>) target_semaphore(%run_scoped3A_429 : memref<!tpu.dma_semaphore, #tpu.memory_space<semaphore_mem>>)
      %dma_wait3A_434 = arith.constant 0 : i32
      %dma_wait3A_435 = tpu.memref_slice %arg11[%add3A_286, %dma_wait3A_434] : memref<10240x128xf32, #tpu.memory_space<vmem_shared>> -> memref<64x128xf32, #tpu.memory_space<vmem_shared>>
      %dma_wait3A_436 = arith.constant 0 : i32
      %dma_wait3A_437 = tpu.memref_slice %arg11[%add3A_286, %dma_wait3A_436] : memref<10240x128xf32, #tpu.memory_space<vmem_shared>> -> memref<64x128xf32, #tpu.memory_space<vmem_shared>>
      tpu.wait_dma2 semaphore(%run_scoped3A_429 : memref<!tpu.dma_semaphore, #tpu.memory_space<semaphore_mem>>) src(%dma_wait3A_437 : memref<64x128xf32, #tpu.memory_space<vmem_shared>>) dst(%arg8 : memref<64x128xf32, #tpu.memory_space<vmem>>)
      tpu.yield
    }) : () -> ()
    %dma_start3A_295 = arith.constant 0 : i32
    %dma_start3A_296 = tpu.memref_slice %arg5[%arg0, %add3A_286, %dma_start3A_295] : memref<2x10240x128xf32, #tpu.memory_space<hbm>> -> memref<1x64x128xf32, #tpu.memory_space<hbm>>
    %dma_start3A_297 = tpu.memref_squeeze %dma_start3A_296 : memref<1x64x128xf32, #tpu.memory_space<hbm>> -> memref<64x128xf32, #tpu.memory_space<hbm>>
    %dma_start3A_298 = arith.constant 0 : i32
    %dma_start3A_299 = tpu.memref_slice %arg5[%arg0, %add3A_286, %dma_start3A_298] : memref<2x10240x128xf32, #tpu.memory_space<hbm>> -> memref<1x64x128xf32, #tpu.memory_space<hbm>>
    %dma_start3A_300 = tpu.memref_squeeze %dma_start3A_299 : memref<1x64x128xf32, #tpu.memory_space<hbm>> -> memref<64x128xf32, #tpu.memory_space<hbm>>
    tpu.enqueue_dma source(%arg8 : memref<64x128xf32, #tpu.memory_space<vmem>>) target(%dma_start3A_300 : memref<64x128xf32, #tpu.memory_space<hbm>>) target_semaphore(%arg12 : memref<!tpu.dma_semaphore, #tpu.memory_space<semaphore_mem>>)
    %add3A_301 = arith.constant 192 : i32
    %add3A_302 = arith.addi %mul3A_2, %add3A_301 : i32
    %dma_wait3A_303 = arith.constant 0 : i32
    %dma_wait3A_304 = arith.constant 0 : i32
    %dma_wait3A_305 = tpu.memref_slice %arg5[%arg0, %dma_wait3A_303, %dma_wait3A_304] : memref<2x10240x128xf32, #tpu.memory_space<hbm>> -> memref<1x64x128xf32, #tpu.memory_space<hbm>>
    %dma_wait3A_306 = tpu.memref_squeeze %dma_wait3A_305 : memref<1x64x128xf32, #tpu.memory_space<hbm>> -> memref<64x128xf32, #tpu.memory_space<hbm>>
    %dma_wait3A_307 = arith.constant 0 : i32
    %dma_wait3A_308 = arith.constant 0 : i32
    %dma_wait3A_309 = tpu.memref_slice %arg5[%arg0, %dma_wait3A_307, %dma_wait3A_308] : memref<2x10240x128xf32, #tpu.memory_space<hbm>> -> memref<1x64x128xf32, #tpu.memory_space<hbm>>
    %dma_wait3A_310 = tpu.memref_squeeze %dma_wait3A_309 : memref<1x64x128xf32, #tpu.memory_space<hbm>> -> memref<64x128xf32, #tpu.memory_space<hbm>>
    tpu.wait_dma2 semaphore(%arg13 : memref<!tpu.dma_semaphore, #tpu.memory_space<semaphore_mem>>) src(%arg9 : memref<64x128xf32, #tpu.memory_space<vmem>>) dst(%dma_wait3A_310 : memref<64x128xf32, #tpu.memory_space<hbm>>)
    "tpu.region"() ({
      %run_scoped3A_429 = tpu.sem_alloc : memref<!tpu.dma_semaphore, #tpu.memory_space<semaphore_mem>>
      %dma_start3A_430 = arith.constant 0 : i32
      %dma_start3A_431 = tpu.memref_slice %arg11[%add3A_302, %dma_start3A_430] : memref<10240x128xf32, #tpu.memory_space<vmem_shared>> -> memref<64x128xf32, #tpu.memory_space<vmem_shared>>
      %dma_start3A_432 = arith.constant 0 : i32
      %dma_start3A_433 = tpu.memref_slice %arg11[%add3A_302, %dma_start3A_432] : memref<10240x128xf32, #tpu.memory_space<vmem_shared>> -> memref<64x128xf32, #tpu.memory_space<vmem_shared>>
      tpu.enqueue_dma source(%dma_start3A_433 : memref<64x128xf32, #tpu.memory_space<vmem_shared>>) target(%arg9 : memref<64x128xf32, #tpu.memory_space<vmem>>) target_semaphore(%run_scoped3A_429 : memref<!tpu.dma_semaphore, #tpu.memory_space<semaphore_mem>>)
      %dma_wait3A_434 = arith.constant 0 : i32
      %dma_wait3A_435 = tpu.memref_slice %arg11[%add3A_302, %dma_wait3A_434] : memref<10240x128xf32, #tpu.memory_space<vmem_shared>> -> memref<64x128xf32, #tpu.memory_space<vmem_shared>>
      %dma_wait3A_436 = arith.constant 0 : i32
      %dma_wait3A_437 = tpu.memref_slice %arg11[%add3A_302, %dma_wait3A_436] : memref<10240x128xf32, #tpu.memory_space<vmem_shared>> -> memref<64x128xf32, #tpu.memory_space<vmem_shared>>
      tpu.wait_dma2 semaphore(%run_scoped3A_429 : memref<!tpu.dma_semaphore, #tpu.memory_space<semaphore_mem>>) src(%dma_wait3A_437 : memref<64x128xf32, #tpu.memory_space<vmem_shared>>) dst(%arg9 : memref<64x128xf32, #tpu.memory_space<vmem>>)
      tpu.yield
    }) : () -> ()
    %dma_start3A_311 = arith.constant 0 : i32
    %dma_start3A_312 = tpu.memref_slice %arg5[%arg0, %add3A_302, %dma_start3A_311] : memref<2x10240x128xf32, #tpu.memory_space<hbm>> -> memref<1x64x128xf32, #tpu.memory_space<hbm>>
    %dma_start3A_313 = tpu.memref_squeeze %dma_start3A_312 : memref<1x64x128xf32, #tpu.memory_space<hbm>> -> memref<64x128xf32, #tpu.memory_space<hbm>>
    %dma_start3A_314 = arith.constant 0 : i32
    %dma_start3A_315 = tpu.memref_slice %arg5[%arg0, %add3A_302, %dma_start3A_314] : memref<2x10240x128xf32, #tpu.memory_space<hbm>> -> memref<1x64x128xf32, #tpu.memory_space<hbm>>
    %dma_start3A_316 = tpu.memref_squeeze %dma_start3A_315 : memref<1x64x128xf32, #tpu.memory_space<hbm>> -> memref<64x128xf32, #tpu.memory_space<hbm>>
    tpu.enqueue_dma source(%arg9 : memref<64x128xf32, #tpu.memory_space<vmem>>) target(%dma_start3A_316 : memref<64x128xf32, #tpu.memory_space<hbm>>) target_semaphore(%arg13 : memref<!tpu.dma_semaphore, #tpu.memory_space<semaphore_mem>>)
    %add3A_317 = arith.constant 256 : i32
    %add3A_318 = arith.addi %mul3A_2, %add3A_317 : i32
    %dma_wait3A_319 = arith.constant 0 : i32
    %dma_wait3A_320 = arith.constant 0 : i32
    %dma_wait3A_321 = tpu.memref_slice %arg5[%arg0, %dma_wait3A_319, %dma_wait3A_320] : memref<2x10240x128xf32, #tpu.memory_space<hbm>> -> memref<1x64x128xf32, #tpu.memory_space<hbm>>
    %dma_wait3A_322 = tpu.memref_squeeze %dma_wait3A_321 : memref<1x64x128xf32, #tpu.memory_space<hbm>> -> memref<64x128xf32, #tpu.memory_space<hbm>>
    %dma_wait3A_323 = arith.constant 0 : i32
    %dma_wait3A_324 = arith.constant 0 : i32
    %dma_wait3A_325 = tpu.memref_slice %arg5[%arg0, %dma_wait3A_323, %dma_wait3A_324] : memref<2x10240x128xf32, #tpu.memory_space<hbm>> -> memref<1x64x128xf32, #tpu.memory_space<hbm>>
    %dma_wait3A_326 = tpu.memref_squeeze %dma_wait3A_325 : memref<1x64x128xf32, #tpu.memory_space<hbm>> -> memref<64x128xf32, #tpu.memory_space<hbm>>
    tpu.wait_dma2 semaphore(%arg12 : memref<!tpu.dma_semaphore, #tpu.memory_space<semaphore_mem>>) src(%arg8 : memref<64x128xf32, #tpu.memory_space<vmem>>) dst(%dma_wait3A_326 : memref<64x128xf32, #tpu.memory_space<hbm>>)
    "tpu.region"() ({
      %run_scoped3A_429 = tpu.sem_alloc : memref<!tpu.dma_semaphore, #tpu.memory_space<semaphore_mem>>
      %dma_start3A_430 = arith.constant 0 : i32
      %dma_start3A_431 = tpu.memref_slice %arg11[%add3A_318, %dma_start3A_430] : memref<10240x128xf32, #tpu.memory_space<vmem_shared>> -> memref<64x128xf32, #tpu.memory_space<vmem_shared>>
      %dma_start3A_432 = arith.constant 0 : i32
      %dma_start3A_433 = tpu.memref_slice %arg11[%add3A_318, %dma_start3A_432] : memref<10240x128xf32, #tpu.memory_space<vmem_shared>> -> memref<64x128xf32, #tpu.memory_space<vmem_shared>>
      tpu.enqueue_dma source(%dma_start3A_433 : memref<64x128xf32, #tpu.memory_space<vmem_shared>>) target(%arg8 : memref<64x128xf32, #tpu.memory_space<vmem>>) target_semaphore(%run_scoped3A_429 : memref<!tpu.dma_semaphore, #tpu.memory_space<semaphore_mem>>)
      %dma_wait3A_434 = arith.constant 0 : i32
      %dma_wait3A_435 = tpu.memref_slice %arg11[%add3A_318, %dma_wait3A_434] : memref<10240x128xf32, #tpu.memory_space<vmem_shared>> -> memref<64x128xf32, #tpu.memory_space<vmem_shared>>
      %dma_wait3A_436 = arith.constant 0 : i32
      %dma_wait3A_437 = tpu.memref_slice %arg11[%add3A_318, %dma_wait3A_436] : memref<10240x128xf32, #tpu.memory_space<vmem_shared>> -> memref<64x128xf32, #tpu.memory_space<vmem_shared>>
      tpu.wait_dma2 semaphore(%run_scoped3A_429 : memref<!tpu.dma_semaphore, #tpu.memory_space<semaphore_mem>>) src(%dma_wait3A_437 : memref<64x128xf32, #tpu.memory_space<vmem_shared>>) dst(%arg8 : memref<64x128xf32, #tpu.memory_space<vmem>>)
      tpu.yield
    }) : () -> ()
    %dma_start3A_327 = arith.constant 0 : i32
    %dma_start3A_328 = tpu.memref_slice %arg5[%arg0, %add3A_318, %dma_start3A_327] : memref<2x10240x128xf32, #tpu.memory_space<hbm>> -> memref<1x64x128xf32, #tpu.memory_space<hbm>>
    %dma_start3A_329 = tpu.memref_squeeze %dma_start3A_328 : memref<1x64x128xf32, #tpu.memory_space<hbm>> -> memref<64x128xf32, #tpu.memory_space<hbm>>
    %dma_start3A_330 = arith.constant 0 : i32
    %dma_start3A_331 = tpu.memref_slice %arg5[%arg0, %add3A_318, %dma_start3A_330] : memref<2x10240x128xf32, #tpu.memory_space<hbm>> -> memref<1x64x128xf32, #tpu.memory_space<hbm>>
    %dma_start3A_332 = tpu.memref_squeeze %dma_start3A_331 : memref<1x64x128xf32, #tpu.memory_space<hbm>> -> memref<64x128xf32, #tpu.memory_space<hbm>>
    tpu.enqueue_dma source(%arg8 : memref<64x128xf32, #tpu.memory_space<vmem>>) target(%dma_start3A_332 : memref<64x128xf32, #tpu.memory_space<hbm>>) target_semaphore(%arg12 : memref<!tpu.dma_semaphore, #tpu.memory_space<semaphore_mem>>)
    %add3A_333 = arith.constant 320 : i32
    %add3A_334 = arith.addi %mul3A_2, %add3A_333 : i32
    %dma_wait3A_335 = arith.constant 0 : i32
    %dma_wait3A_336 = arith.constant 0 : i32
    %dma_wait3A_337 = tpu.memref_slice %arg5[%arg0, %dma_wait3A_335, %dma_wait3A_336] : memref<2x10240x128xf32, #tpu.memory_space<hbm>> -> memref<1x64x128xf32, #tpu.memory_space<hbm>>
    %dma_wait3A_338 = tpu.memref_squeeze %dma_wait3A_337 : memref<1x64x128xf32, #tpu.memory_space<hbm>> -> memref<64x128xf32, #tpu.memory_space<hbm>>
    %dma_wait3A_339 = arith.constant 0 : i32
    %dma_wait3A_340 = arith.constant 0 : i32
    %dma_wait3A_341 = tpu.memref_slice %arg5[%arg0, %dma_wait3A_339, %dma_wait3A_340] : memref<2x10240x128xf32, #tpu.memory_space<hbm>> -> memref<1x64x128xf32, #tpu.memory_space<hbm>>
    %dma_wait3A_342 = tpu.memref_squeeze %dma_wait3A_341 : memref<1x64x128xf32, #tpu.memory_space<hbm>> -> memref<64x128xf32, #tpu.memory_space<hbm>>
    tpu.wait_dma2 semaphore(%arg13 : memref<!tpu.dma_semaphore, #tpu.memory_space<semaphore_mem>>) src(%arg9 : memref<64x128xf32, #tpu.memory_space<vmem>>) dst(%dma_wait3A_342 : memref<64x128xf32, #tpu.memory_space<hbm>>)
    "tpu.region"() ({
      %run_scoped3A_429 = tpu.sem_alloc : memref<!tpu.dma_semaphore, #tpu.memory_space<semaphore_mem>>
      %dma_start3A_430 = arith.constant 0 : i32
      %dma_start3A_431 = tpu.memref_slice %arg11[%add3A_334, %dma_start3A_430] : memref<10240x128xf32, #tpu.memory_space<vmem_shared>> -> memref<64x128xf32, #tpu.memory_space<vmem_shared>>
      %dma_start3A_432 = arith.constant 0 : i32
      %dma_start3A_433 = tpu.memref_slice %arg11[%add3A_334, %dma_start3A_432] : memref<10240x128xf32, #tpu.memory_space<vmem_shared>> -> memref<64x128xf32, #tpu.memory_space<vmem_shared>>
      tpu.enqueue_dma source(%dma_start3A_433 : memref<64x128xf32, #tpu.memory_space<vmem_shared>>) target(%arg9 : memref<64x128xf32, #tpu.memory_space<vmem>>) target_semaphore(%run_scoped3A_429 : memref<!tpu.dma_semaphore, #tpu.memory_space<semaphore_mem>>)
      %dma_wait3A_434 = arith.constant 0 : i32
      %dma_wait3A_435 = tpu.memref_slice %arg11[%add3A_334, %dma_wait3A_434] : memref<10240x128xf32, #tpu.memory_space<vmem_shared>> -> memref<64x128xf32, #tpu.memory_space<vmem_shared>>
      %dma_wait3A_436 = arith.constant 0 : i32
      %dma_wait3A_437 = tpu.memref_slice %arg11[%add3A_334, %dma_wait3A_436] : memref<10240x128xf32, #tpu.memory_space<vmem_shared>> -> memref<64x128xf32, #tpu.memory_space<vmem_shared>>
      tpu.wait_dma2 semaphore(%run_scoped3A_429 : memref<!tpu.dma_semaphore, #tpu.memory_space<semaphore_mem>>) src(%dma_wait3A_437 : memref<64x128xf32, #tpu.memory_space<vmem_shared>>) dst(%arg9 : memref<64x128xf32, #tpu.memory_space<vmem>>)
      tpu.yield
    }) : () -> ()
    %dma_start3A_343 = arith.constant 0 : i32
    %dma_start3A_344 = tpu.memref_slice %arg5[%arg0, %add3A_334, %dma_start3A_343] : memref<2x10240x128xf32, #tpu.memory_space<hbm>> -> memref<1x64x128xf32, #tpu.memory_space<hbm>>
    %dma_start3A_345 = tpu.memref_squeeze %dma_start3A_344 : memref<1x64x128xf32, #tpu.memory_space<hbm>> -> memref<64x128xf32, #tpu.memory_space<hbm>>
    %dma_start3A_346 = arith.constant 0 : i32
    %dma_start3A_347 = tpu.memref_slice %arg5[%arg0, %add3A_334, %dma_start3A_346] : memref<2x10240x128xf32, #tpu.memory_space<hbm>> -> memref<1x64x128xf32, #tpu.memory_space<hbm>>
    %dma_start3A_348 = tpu.memref_squeeze %dma_start3A_347 : memref<1x64x128xf32, #tpu.memory_space<hbm>> -> memref<64x128xf32, #tpu.memory_space<hbm>>
    tpu.enqueue_dma source(%arg9 : memref<64x128xf32, #tpu.memory_space<vmem>>) target(%dma_start3A_348 : memref<64x128xf32, #tpu.memory_space<hbm>>) target_semaphore(%arg13 : memref<!tpu.dma_semaphore, #tpu.memory_space<semaphore_mem>>)
    %add3A_349 = arith.constant 384 : i32
    %add3A_350 = arith.addi %mul3A_2, %add3A_349 : i32
    %dma_wait3A_351 = arith.constant 0 : i32
    %dma_wait3A_352 = arith.constant 0 : i32
    %dma_wait3A_353 = tpu.memref_slice %arg5[%arg0, %dma_wait3A_351, %dma_wait3A_352] : memref<2x10240x128xf32, #tpu.memory_space<hbm>> -> memref<1x64x128xf32, #tpu.memory_space<hbm>>
    %dma_wait3A_354 = tpu.memref_squeeze %dma_wait3A_353 : memref<1x64x128xf32, #tpu.memory_space<hbm>> -> memref<64x128xf32, #tpu.memory_space<hbm>>
    %dma_wait3A_355 = arith.constant 0 : i32
    %dma_wait3A_356 = arith.constant 0 : i32
    %dma_wait3A_357 = tpu.memref_slice %arg5[%arg0, %dma_wait3A_355, %dma_wait3A_356] : memref<2x10240x128xf32, #tpu.memory_space<hbm>> -> memref<1x64x128xf32, #tpu.memory_space<hbm>>
    %dma_wait3A_358 = tpu.memref_squeeze %dma_wait3A_357 : memref<1x64x128xf32, #tpu.memory_space<hbm>> -> memref<64x128xf32, #tpu.memory_space<hbm>>
    tpu.wait_dma2 semaphore(%arg12 : memref<!tpu.dma_semaphore, #tpu.memory_space<semaphore_mem>>) src(%arg8 : memref<64x128xf32, #tpu.memory_space<vmem>>) dst(%dma_wait3A_358 : memref<64x128xf32, #tpu.memory_space<hbm>>)
    "tpu.region"() ({
      %run_scoped3A_429 = tpu.sem_alloc : memref<!tpu.dma_semaphore, #tpu.memory_space<semaphore_mem>>
      %dma_start3A_430 = arith.constant 0 : i32
      %dma_start3A_431 = tpu.memref_slice %arg11[%add3A_350, %dma_start3A_430] : memref<10240x128xf32, #tpu.memory_space<vmem_shared>> -> memref<64x128xf32, #tpu.memory_space<vmem_shared>>
      %dma_start3A_432 = arith.constant 0 : i32
      %dma_start3A_433 = tpu.memref_slice %arg11[%add3A_350, %dma_start3A_432] : memref<10240x128xf32, #tpu.memory_space<vmem_shared>> -> memref<64x128xf32, #tpu.memory_space<vmem_shared>>
      tpu.enqueue_dma source(%dma_start3A_433 : memref<64x128xf32, #tpu.memory_space<vmem_shared>>) target(%arg8 : memref<64x128xf32, #tpu.memory_space<vmem>>) target_semaphore(%run_scoped3A_429 : memref<!tpu.dma_semaphore, #tpu.memory_space<semaphore_mem>>)
      %dma_wait3A_434 = arith.constant 0 : i32
      %dma_wait3A_435 = tpu.memref_slice %arg11[%add3A_350, %dma_wait3A_434] : memref<10240x128xf32, #tpu.memory_space<vmem_shared>> -> memref<64x128xf32, #tpu.memory_space<vmem_shared>>
      %dma_wait3A_436 = arith.constant 0 : i32
      %dma_wait3A_437 = tpu.memref_slice %arg11[%add3A_350, %dma_wait3A_436] : memref<10240x128xf32, #tpu.memory_space<vmem_shared>> -> memref<64x128xf32, #tpu.memory_space<vmem_shared>>
      tpu.wait_dma2 semaphore(%run_scoped3A_429 : memref<!tpu.dma_semaphore, #tpu.memory_space<semaphore_mem>>) src(%dma_wait3A_437 : memref<64x128xf32, #tpu.memory_space<vmem_shared>>) dst(%arg8 : memref<64x128xf32, #tpu.memory_space<vmem>>)
      tpu.yield
    }) : () -> ()
    %dma_start3A_359 = arith.constant 0 : i32
    %dma_start3A_360 = tpu.memref_slice %arg5[%arg0, %add3A_350, %dma_start3A_359] : memref<2x10240x128xf32, #tpu.memory_space<hbm>> -> memref<1x64x128xf32, #tpu.memory_space<hbm>>
    %dma_start3A_361 = tpu.memref_squeeze %dma_start3A_360 : memref<1x64x128xf32, #tpu.memory_space<hbm>> -> memref<64x128xf32, #tpu.memory_space<hbm>>
    %dma_start3A_362 = arith.constant 0 : i32
    %dma_start3A_363 = tpu.memref_slice %arg5[%arg0, %add3A_350, %dma_start3A_362] : memref<2x10240x128xf32, #tpu.memory_space<hbm>> -> memref<1x64x128xf32, #tpu.memory_space<hbm>>
    %dma_start3A_364 = tpu.memref_squeeze %dma_start3A_363 : memref<1x64x128xf32, #tpu.memory_space<hbm>> -> memref<64x128xf32, #tpu.memory_space<hbm>>
    tpu.enqueue_dma source(%arg8 : memref<64x128xf32, #tpu.memory_space<vmem>>) target(%dma_start3A_364 : memref<64x128xf32, #tpu.memory_space<hbm>>) target_semaphore(%arg12 : memref<!tpu.dma_semaphore, #tpu.memory_space<semaphore_mem>>)
    %add3A_365 = arith.constant 448 : i32
    %add3A_366 = arith.addi %mul3A_2, %add3A_365 : i32
    %dma_wait3A_367 = arith.constant 0 : i32
    %dma_wait3A_368 = arith.constant 0 : i32
    %dma_wait3A_369 = tpu.memref_slice %arg5[%arg0, %dma_wait3A_367, %dma_wait3A_368] : memref<2x10240x128xf32, #tpu.memory_space<hbm>> -> memref<1x64x128xf32, #tpu.memory_space<hbm>>
    %dma_wait3A_370 = tpu.memref_squeeze %dma_wait3A_369 : memref<1x64x128xf32, #tpu.memory_space<hbm>> -> memref<64x128xf32, #tpu.memory_space<hbm>>
    %dma_wait3A_371 = arith.constant 0 : i32
    %dma_wait3A_372 = arith.constant 0 : i32
    %dma_wait3A_373 = tpu.memref_slice %arg5[%arg0, %dma_wait3A_371, %dma_wait3A_372] : memref<2x10240x128xf32, #tpu.memory_space<hbm>> -> memref<1x64x128xf32, #tpu.memory_space<hbm>>
    %dma_wait3A_374 = tpu.memref_squeeze %dma_wait3A_373 : memref<1x64x128xf32, #tpu.memory_space<hbm>> -> memref<64x128xf32, #tpu.memory_space<hbm>>
    tpu.wait_dma2 semaphore(%arg13 : memref<!tpu.dma_semaphore, #tpu.memory_space<semaphore_mem>>) src(%arg9 : memref<64x128xf32, #tpu.memory_space<vmem>>) dst(%dma_wait3A_374 : memref<64x128xf32, #tpu.memory_space<hbm>>)
    "tpu.region"() ({
      %run_scoped3A_429 = tpu.sem_alloc : memref<!tpu.dma_semaphore, #tpu.memory_space<semaphore_mem>>
      %dma_start3A_430 = arith.constant 0 : i32
      %dma_start3A_431 = tpu.memref_slice %arg11[%add3A_366, %dma_start3A_430] : memref<10240x128xf32, #tpu.memory_space<vmem_shared>> -> memref<64x128xf32, #tpu.memory_space<vmem_shared>>
      %dma_start3A_432 = arith.constant 0 : i32
      %dma_start3A_433 = tpu.memref_slice %arg11[%add3A_366, %dma_start3A_432] : memref<10240x128xf32, #tpu.memory_space<vmem_shared>> -> memref<64x128xf32, #tpu.memory_space<vmem_shared>>
      tpu.enqueue_dma source(%dma_start3A_433 : memref<64x128xf32, #tpu.memory_space<vmem_shared>>) target(%arg9 : memref<64x128xf32, #tpu.memory_space<vmem>>) target_semaphore(%run_scoped3A_429 : memref<!tpu.dma_semaphore, #tpu.memory_space<semaphore_mem>>)
      %dma_wait3A_434 = arith.constant 0 : i32
      %dma_wait3A_435 = tpu.memref_slice %arg11[%add3A_366, %dma_wait3A_434] : memref<10240x128xf32, #tpu.memory_space<vmem_shared>> -> memref<64x128xf32, #tpu.memory_space<vmem_shared>>
      %dma_wait3A_436 = arith.constant 0 : i32
      %dma_wait3A_437 = tpu.memref_slice %arg11[%add3A_366, %dma_wait3A_436] : memref<10240x128xf32, #tpu.memory_space<vmem_shared>> -> memref<64x128xf32, #tpu.memory_space<vmem_shared>>
      tpu.wait_dma2 semaphore(%run_scoped3A_429 : memref<!tpu.dma_semaphore, #tpu.memory_space<semaphore_mem>>) src(%dma_wait3A_437 : memref<64x128xf32, #tpu.memory_space<vmem_shared>>) dst(%arg9 : memref<64x128xf32, #tpu.memory_space<vmem>>)
      tpu.yield
    }) : () -> ()
    %dma_start3A_375 = arith.constant 0 : i32
    %dma_start3A_376 = tpu.memref_slice %arg5[%arg0, %add3A_366, %dma_start3A_375] : memref<2x10240x128xf32, #tpu.memory_space<hbm>> -> memref<1x64x128xf32, #tpu.memory_space<hbm>>
    %dma_start3A_377 = tpu.memref_squeeze %dma_start3A_376 : memref<1x64x128xf32, #tpu.memory_space<hbm>> -> memref<64x128xf32, #tpu.memory_space<hbm>>
    %dma_start3A_378 = arith.constant 0 : i32
    %dma_start3A_379 = tpu.memref_slice %arg5[%arg0, %add3A_366, %dma_start3A_378] : memref<2x10240x128xf32, #tpu.memory_space<hbm>> -> memref<1x64x128xf32, #tpu.memory_space<hbm>>
    %dma_start3A_380 = tpu.memref_squeeze %dma_start3A_379 : memref<1x64x128xf32, #tpu.memory_space<hbm>> -> memref<64x128xf32, #tpu.memory_space<hbm>>
    tpu.enqueue_dma source(%arg9 : memref<64x128xf32, #tpu.memory_space<vmem>>) target(%dma_start3A_380 : memref<64x128xf32, #tpu.memory_space<hbm>>) target_semaphore(%arg13 : memref<!tpu.dma_semaphore, #tpu.memory_space<semaphore_mem>>)
    %add3A_381 = arith.constant 512 : i32
    %add3A_382 = arith.addi %mul3A_2, %add3A_381 : i32
    %dma_wait3A_383 = arith.constant 0 : i32
    %dma_wait3A_384 = arith.constant 0 : i32
    %dma_wait3A_385 = tpu.memref_slice %arg5[%arg0, %dma_wait3A_383, %dma_wait3A_384] : memref<2x10240x128xf32, #tpu.memory_space<hbm>> -> memref<1x64x128xf32, #tpu.memory_space<hbm>>
    %dma_wait3A_386 = tpu.memref_squeeze %dma_wait3A_385 : memref<1x64x128xf32, #tpu.memory_space<hbm>> -> memref<64x128xf32, #tpu.memory_space<hbm>>
    %dma_wait3A_387 = arith.constant 0 : i32
    %dma_wait3A_388 = arith.constant 0 : i32
    %dma_wait3A_389 = tpu.memref_slice %arg5[%arg0, %dma_wait3A_387, %dma_wait3A_388] : memref<2x10240x128xf32, #tpu.memory_space<hbm>> -> memref<1x64x128xf32, #tpu.memory_space<hbm>>
    %dma_wait3A_390 = tpu.memref_squeeze %dma_wait3A_389 : memref<1x64x128xf32, #tpu.memory_space<hbm>> -> memref<64x128xf32, #tpu.memory_space<hbm>>
    tpu.wait_dma2 semaphore(%arg12 : memref<!tpu.dma_semaphore, #tpu.memory_space<semaphore_mem>>) src(%arg8 : memref<64x128xf32, #tpu.memory_space<vmem>>) dst(%dma_wait3A_390 : memref<64x128xf32, #tpu.memory_space<hbm>>)
    "tpu.region"() ({
      %run_scoped3A_429 = tpu.sem_alloc : memref<!tpu.dma_semaphore, #tpu.memory_space<semaphore_mem>>
      %dma_start3A_430 = arith.constant 0 : i32
      %dma_start3A_431 = tpu.memref_slice %arg11[%add3A_382, %dma_start3A_430] : memref<10240x128xf32, #tpu.memory_space<vmem_shared>> -> memref<64x128xf32, #tpu.memory_space<vmem_shared>>
      %dma_start3A_432 = arith.constant 0 : i32
      %dma_start3A_433 = tpu.memref_slice %arg11[%add3A_382, %dma_start3A_432] : memref<10240x128xf32, #tpu.memory_space<vmem_shared>> -> memref<64x128xf32, #tpu.memory_space<vmem_shared>>
      tpu.enqueue_dma source(%dma_start3A_433 : memref<64x128xf32, #tpu.memory_space<vmem_shared>>) target(%arg8 : memref<64x128xf32, #tpu.memory_space<vmem>>) target_semaphore(%run_scoped3A_429 : memref<!tpu.dma_semaphore, #tpu.memory_space<semaphore_mem>>)
      %dma_wait3A_434 = arith.constant 0 : i32
      %dma_wait3A_435 = tpu.memref_slice %arg11[%add3A_382, %dma_wait3A_434] : memref<10240x128xf32, #tpu.memory_space<vmem_shared>> -> memref<64x128xf32, #tpu.memory_space<vmem_shared>>
      %dma_wait3A_436 = arith.constant 0 : i32
      %dma_wait3A_437 = tpu.memref_slice %arg11[%add3A_382, %dma_wait3A_436] : memref<10240x128xf32, #tpu.memory_space<vmem_shared>> -> memref<64x128xf32, #tpu.memory_space<vmem_shared>>
      tpu.wait_dma2 semaphore(%run_scoped3A_429 : memref<!tpu.dma_semaphore, #tpu.memory_space<semaphore_mem>>) src(%dma_wait3A_437 : memref<64x128xf32, #tpu.memory_space<vmem_shared>>) dst(%arg8 : memref<64x128xf32, #tpu.memory_space<vmem>>)
      tpu.yield
    }) : () -> ()
    %dma_start3A_391 = arith.constant 0 : i32
    %dma_start3A_392 = tpu.memref_slice %arg5[%arg0, %add3A_382, %dma_start3A_391] : memref<2x10240x128xf32, #tpu.memory_space<hbm>> -> memref<1x64x128xf32, #tpu.memory_space<hbm>>
    %dma_start3A_393 = tpu.memref_squeeze %dma_start3A_392 : memref<1x64x128xf32, #tpu.memory_space<hbm>> -> memref<64x128xf32, #tpu.memory_space<hbm>>
    %dma_start3A_394 = arith.constant 0 : i32
    %dma_start3A_395 = tpu.memref_slice %arg5[%arg0, %add3A_382, %dma_start3A_394] : memref<2x10240x128xf32, #tpu.memory_space<hbm>> -> memref<1x64x128xf32, #tpu.memory_space<hbm>>
    %dma_start3A_396 = tpu.memref_squeeze %dma_start3A_395 : memref<1x64x128xf32, #tpu.memory_space<hbm>> -> memref<64x128xf32, #tpu.memory_space<hbm>>
    tpu.enqueue_dma source(%arg8 : memref<64x128xf32, #tpu.memory_space<vmem>>) target(%dma_start3A_396 : memref<64x128xf32, #tpu.memory_space<hbm>>) target_semaphore(%arg12 : memref<!tpu.dma_semaphore, #tpu.memory_space<semaphore_mem>>)
    %add3A_397 = arith.constant 576 : i32
    %add3A_398 = arith.addi %mul3A_2, %add3A_397 : i32
    %dma_wait3A_399 = arith.constant 0 : i32
    %dma_wait3A_400 = arith.constant 0 : i32
    %dma_wait3A_401 = tpu.memref_slice %arg5[%arg0, %dma_wait3A_399, %dma_wait3A_400] : memref<2x10240x128xf32, #tpu.memory_space<hbm>> -> memref<1x64x128xf32, #tpu.memory_space<hbm>>
    %dma_wait3A_402 = tpu.memref_squeeze %dma_wait3A_401 : memref<1x64x128xf32, #tpu.memory_space<hbm>> -> memref<64x128xf32, #tpu.memory_space<hbm>>
    %dma_wait3A_403 = arith.constant 0 : i32
    %dma_wait3A_404 = arith.constant 0 : i32
    %dma_wait3A_405 = tpu.memref_slice %arg5[%arg0, %dma_wait3A_403, %dma_wait3A_404] : memref<2x10240x128xf32, #tpu.memory_space<hbm>> -> memref<1x64x128xf32, #tpu.memory_space<hbm>>
    %dma_wait3A_406 = tpu.memref_squeeze %dma_wait3A_405 : memref<1x64x128xf32, #tpu.memory_space<hbm>> -> memref<64x128xf32, #tpu.memory_space<hbm>>
    tpu.wait_dma2 semaphore(%arg13 : memref<!tpu.dma_semaphore, #tpu.memory_space<semaphore_mem>>) src(%arg9 : memref<64x128xf32, #tpu.memory_space<vmem>>) dst(%dma_wait3A_406 : memref<64x128xf32, #tpu.memory_space<hbm>>)
    "tpu.region"() ({
      %run_scoped3A_429 = tpu.sem_alloc : memref<!tpu.dma_semaphore, #tpu.memory_space<semaphore_mem>>
      %dma_start3A_430 = arith.constant 0 : i32
      %dma_start3A_431 = tpu.memref_slice %arg11[%add3A_398, %dma_start3A_430] : memref<10240x128xf32, #tpu.memory_space<vmem_shared>> -> memref<64x128xf32, #tpu.memory_space<vmem_shared>>
      %dma_start3A_432 = arith.constant 0 : i32
      %dma_start3A_433 = tpu.memref_slice %arg11[%add3A_398, %dma_start3A_432] : memref<10240x128xf32, #tpu.memory_space<vmem_shared>> -> memref<64x128xf32, #tpu.memory_space<vmem_shared>>
      tpu.enqueue_dma source(%dma_start3A_433 : memref<64x128xf32, #tpu.memory_space<vmem_shared>>) target(%arg9 : memref<64x128xf32, #tpu.memory_space<vmem>>) target_semaphore(%run_scoped3A_429 : memref<!tpu.dma_semaphore, #tpu.memory_space<semaphore_mem>>)
      %dma_wait3A_434 = arith.constant 0 : i32
      %dma_wait3A_435 = tpu.memref_slice %arg11[%add3A_398, %dma_wait3A_434] : memref<10240x128xf32, #tpu.memory_space<vmem_shared>> -> memref<64x128xf32, #tpu.memory_space<vmem_shared>>
      %dma_wait3A_436 = arith.constant 0 : i32
      %dma_wait3A_437 = tpu.memref_slice %arg11[%add3A_398, %dma_wait3A_436] : memref<10240x128xf32, #tpu.memory_space<vmem_shared>> -> memref<64x128xf32, #tpu.memory_space<vmem_shared>>
      tpu.wait_dma2 semaphore(%run_scoped3A_429 : memref<!tpu.dma_semaphore, #tpu.memory_space<semaphore_mem>>) src(%dma_wait3A_437 : memref<64x128xf32, #tpu.memory_space<vmem_shared>>) dst(%arg9 : memref<64x128xf32, #tpu.memory_space<vmem>>)
      tpu.yield
    }) : () -> ()
    %dma_start3A_407 = arith.constant 0 : i32
    %dma_start3A_408 = tpu.memref_slice %arg5[%arg0, %add3A_398, %dma_start3A_407] : memref<2x10240x128xf32, #tpu.memory_space<hbm>> -> memref<1x64x128xf32, #tpu.memory_space<hbm>>
    %dma_start3A_409 = tpu.memref_squeeze %dma_start3A_408 : memref<1x64x128xf32, #tpu.memory_space<hbm>> -> memref<64x128xf32, #tpu.memory_space<hbm>>
    %dma_start3A_410 = arith.constant 0 : i32
    %dma_start3A_411 = tpu.memref_slice %arg5[%arg0, %add3A_398, %dma_start3A_410] : memref<2x10240x128xf32, #tpu.memory_space<hbm>> -> memref<1x64x128xf32, #tpu.memory_space<hbm>>
    %dma_start3A_412 = tpu.memref_squeeze %dma_start3A_411 : memref<1x64x128xf32, #tpu.memory_space<hbm>> -> memref<64x128xf32, #tpu.memory_space<hbm>>
    tpu.enqueue_dma source(%arg9 : memref<64x128xf32, #tpu.memory_space<vmem>>) target(%dma_start3A_412 : memref<64x128xf32, #tpu.memory_space<hbm>>) target_semaphore(%arg13 : memref<!tpu.dma_semaphore, #tpu.memory_space<semaphore_mem>>)
    %dma_wait3A_413 = arith.constant 0 : i32
    %dma_wait3A_414 = arith.constant 0 : i32
    %dma_wait3A_415 = tpu.memref_slice %arg5[%arg0, %dma_wait3A_413, %dma_wait3A_414] : memref<2x10240x128xf32, #tpu.memory_space<hbm>> -> memref<1x64x128xf32, #tpu.memory_space<hbm>>
    %dma_wait3A_416 = tpu.memref_squeeze %dma_wait3A_415 : memref<1x64x128xf32, #tpu.memory_space<hbm>> -> memref<64x128xf32, #tpu.memory_space<hbm>>
    %dma_wait3A_417 = arith.constant 0 : i32
    %dma_wait3A_418 = arith.constant 0 : i32
    %dma_wait3A_419 = tpu.memref_slice %arg5[%arg0, %dma_wait3A_417, %dma_wait3A_418] : memref<2x10240x128xf32, #tpu.memory_space<hbm>> -> memref<1x64x128xf32, #tpu.memory_space<hbm>>
    %dma_wait3A_420 = tpu.memref_squeeze %dma_wait3A_419 : memref<1x64x128xf32, #tpu.memory_space<hbm>> -> memref<64x128xf32, #tpu.memory_space<hbm>>
    tpu.wait_dma2 semaphore(%arg12 : memref<!tpu.dma_semaphore, #tpu.memory_space<semaphore_mem>>) src(%arg8 : memref<64x128xf32, #tpu.memory_space<vmem>>) dst(%dma_wait3A_420 : memref<64x128xf32, #tpu.memory_space<hbm>>)
    %dma_wait3A_421 = arith.constant 0 : i32
    %dma_wait3A_422 = arith.constant 0 : i32
    %dma_wait3A_423 = tpu.memref_slice %arg5[%arg0, %dma_wait3A_421, %dma_wait3A_422] : memref<2x10240x128xf32, #tpu.memory_space<hbm>> -> memref<1x64x128xf32, #tpu.memory_space<hbm>>
    %dma_wait3A_424 = tpu.memref_squeeze %dma_wait3A_423 : memref<1x64x128xf32, #tpu.memory_space<hbm>> -> memref<64x128xf32, #tpu.memory_space<hbm>>
    %dma_wait3A_425 = arith.constant 0 : i32
    %dma_wait3A_426 = arith.constant 0 : i32
    %dma_wait3A_427 = tpu.memref_slice %arg5[%arg0, %dma_wait3A_425, %dma_wait3A_426] : memref<2x10240x128xf32, #tpu.memory_space<hbm>> -> memref<1x64x128xf32, #tpu.memory_space<hbm>>
    %dma_wait3A_428 = tpu.memref_squeeze %dma_wait3A_427 : memref<1x64x128xf32, #tpu.memory_space<hbm>> -> memref<64x128xf32, #tpu.memory_space<hbm>>
    tpu.wait_dma2 semaphore(%arg13 : memref<!tpu.dma_semaphore, #tpu.memory_space<semaphore_mem>>) src(%arg9 : memref<64x128xf32, #tpu.memory_space<vmem>>) dst(%dma_wait3A_428 : memref<64x128xf32, #tpu.memory_space<hbm>>)
    return
  }
}

module attributes {stable_mosaic.version = 14 : i64} {
  func.func @_tc_in_body(%arg0: i32, %arg1: memref<1000x128xf32, #tpu.memory_space<vmem>>, %arg2: memref<128x128xf32, #tpu.memory_space<vmem>>, %arg3: memref<1x128xf32, #tpu.memory_space<vmem>>, %arg4: memref<1000x128xf32, #tpu.memory_space<vmem>>) attributes {dimension_semantics = [#tpu.dimension_semantics<arbitrary>], iteration_bounds = array<i64: 10>, scalar_prefetch = 0 : i64, scratch_operands = 0 : i64, tpu.core_type = #tpu.core_type<tc>, window_params = [{transform_indices = @transform_0, window_bounds = array<i64: 1000, 128>}, {pipeline_mode = #tpu.pipeline_mode<synchronous>, transform_indices = @transform_1, window_bounds = array<i64: 128, 128>}, {pipeline_mode = #tpu.pipeline_mode<synchronous>, transform_indices = @transform_2, window_bounds = array<i64: 1, 128>}, {transform_indices = @transform_3, window_bounds = array<i64: 1000, 128>}]} {
    %get3A = arith.constant 0 : index
    %get3A_0 = arith.constant 0 : index
    %get3A_1 = vector.load %arg1[%get3A, %get3A_0] : memref<1000x128xf32, #tpu.memory_space<vmem>>, vector<1000x128xf32>
    %get3A_2 = arith.constant 0 : index
    %get3A_3 = arith.constant 0 : index
    %get3A_4 = vector.load %arg2[%get3A_2, %get3A_3] : memref<128x128xf32, #tpu.memory_space<vmem>>, vector<128x128xf32>
    %dot_general3A = arith.constant dense<0.000000e+00> : vector<1000x128xf32>
    %dot_general3A_5 = tpu.matmul %get3A_1, %get3A_4, %dot_general3A {dimension_numbers = #tpu.dot_dimension_numbers<[1], [0], [0], [1], [0, 0, 1, 1], [], []>, transpose_lhs_hint = false} : vector<1000x128xf32>, vector<128x128xf32>, vector<1000x128xf32> -> vector<1000x128xf32>
    %get3A_6 = arith.constant 0 : index
    %get3A_7 = arith.constant 0 : index
    %get3A_8 = vector.load %arg3[%get3A_6, %get3A_7] : memref<1x128xf32, #tpu.memory_space<vmem>>, vector<1x128xf32>
    %add3A = vector.broadcast %get3A_8 : vector<1x128xf32> to vector<1000x128xf32>
    %add3A_9 = arith.addf %dot_general3A_5, %add3A : vector<1000x128xf32>
    %max3A = arith.constant 0.000000e+00 : f32
    %max3A_10 = vector.broadcast %max3A : f32 to vector<1000x128xf32>
    %max3A_11 = arith.maximumf %add3A_9, %max3A_10 : vector<1000x128xf32>
    %swap3A = arith.constant 0 : index
    %swap3A_12 = arith.constant 0 : index
    %swap3A_13 = vector.load %arg4[%swap3A, %swap3A_12] : memref<1000x128xf32, #tpu.memory_space<vmem>>, vector<1000x128xf32>
    tpu.vector_store %arg4[%swap3A, %swap3A_12], %max3A_11 {strides = array<i32>} : memref<1000x128xf32, #tpu.memory_space<vmem>>, vector<1000x128xf32>,
    return
  }
  func.func @transform_0(%arg0: i32) -> (i32, i32) {
    %c0_i32 = arith.constant 0 : i32
    %c0_i32_0 = arith.constant 0 : i32
    return %arg0, %c0_i32 : i32, i32
  }
  func.func @transform_1(%arg0: i32) -> (i32, i32) {
    %c0_i32 = arith.constant 0 : i32
    %c0_i32_0 = arith.constant 0 : i32
    %c0_i32_1 = arith.constant 0 : i32
    return %c0_i32, %c0_i32_0 : i32, i32
  }
  func.func @transform_2(%arg0: i32) -> (i32, i32) {
    %c0_i32 = arith.constant 0 : i32
    %c0_i32_0 = arith.constant 0 : i32
    %c0_i32_1 = arith.constant 0 : i32
    return %c0_i32, %c0_i32_0 : i32, i32
  }
  func.func @transform_3(%arg0: i32) -> (i32, i32) {
    %c0_i32 = arith.constant 0 : i32
    %c0_i32_0 = arith.constant 0 : i32
    return %arg0, %c0_i32 : i32, i32
  }
}

module attributes {stable_mosaic.version = 14 : i64} {
  func.func @_tc_layer_body(%arg0: i32, %arg1: memref<2x1000x128xf32, #tpu.memory_space<vmem>>, %arg2: memref<2x1000x128xf32, #tpu.memory_space<vmem>>, %arg3: memref<1000x128xf32, #tpu.memory_space<vmem>>, %arg4: memref<128x128xf32, #tpu.memory_space<vmem>>, %arg5: memref<128x128xf32, #tpu.memory_space<vmem>>, %arg6: memref<1x128xf32, #tpu.memory_space<vmem>>, %arg7: memref<1x128xf32, #tpu.memory_space<vmem>>, %arg8: memref<1000x128xf32, #tpu.memory_space<vmem>>, %arg9: memref<1000x1xf32, #tpu.memory_space<vmem>>) attributes {dimension_semantics = [#tpu.dimension_semantics<arbitrary>], iteration_bounds = array<i64: 10>, scalar_prefetch = 0 : i64, scratch_operands = 0 : i64, tpu.core_type = #tpu.core_type<tc>, window_params = [{transform_indices = @transform_0, window_bounds = array<i64: 2, 1000, 128>}, {transform_indices = @transform_1, window_bounds = array<i64: 2, 1000, 128>}, {transform_indices = @transform_2, window_bounds = array<i64: 1000, 128>}, {pipeline_mode = #tpu.pipeline_mode<synchronous>, transform_indices = @transform_3, window_bounds = array<i64: 128, 128>}, {pipeline_mode = #tpu.pipeline_mode<synchronous>, transform_indices = @transform_4, window_bounds = array<i64: 128, 128>}, {pipeline_mode = #tpu.pipeline_mode<synchronous>, transform_indices = @transform_5, window_bounds = array<i64: 1, 128>}, {pipeline_mode = #tpu.pipeline_mode<synchronous>, transform_indices = @transform_6, window_bounds = array<i64: 1, 128>}, {transform_indices = @transform_7, window_bounds = array<i64: 1000, 128>}, {transform_indices = @transform_8, window_bounds = array<i64: 1000, 1>}]} {
    %get3A = arith.constant 0 : index
    %get3A_0 = arith.constant 0 : index
    %get3A_1 = arith.constant 0 : index
    %get3A_2 = vector.load %arg2[%get3A, %get3A_0, %get3A_1] : memref<2x1000x128xf32, #tpu.memory_space<vmem>>, vector<1x1000x1xf32>
    %get3A_3 = vector.shape_cast %get3A_2 : vector<1x1000x1xf32> to vector<1000x1xf32>
    %get3A_4 = arith.constant 1 : index
    %get3A_5 = arith.constant 0 : index
    %get3A_6 = arith.constant 0 : index
    %get3A_7 = vector.load %arg2[%get3A_4, %get3A_5, %get3A_6] : memref<2x1000x128xf32, #tpu.memory_space<vmem>>, vector<1x1000x1xf32>
    %get3A_8 = vector.shape_cast %get3A_7 : vector<1x1000x1xf32> to vector<1000x1xf32>
    %add3A = arith.addf %get3A_3, %get3A_8 : vector<1000x1xf32>
    %max3A = arith.constant 1.000000e+00 : f32
    %max3A_9 = vector.broadcast %max3A : f32 to vector<1000x1xf32>
    %max3A_10 = arith.maximumf %add3A, %max3A_9 : vector<1000x1xf32>
    %div3A = arith.constant 1.000000e+00 : f32
    %div3A_11 = vector.broadcast %div3A : f32 to vector<1000x1xf32>
    %div3A_12 = arith.divf %div3A_11, %max3A_10 : vector<1000x1xf32>
    %get3A_13 = arith.constant 0 : index
    %get3A_14 = arith.constant 0 : index
    %get3A_15 = arith.constant 0 : index
    %get3A_16 = vector.load %arg1[%get3A_13, %get3A_14, %get3A_15] : memref<2x1000x128xf32, #tpu.memory_space<vmem>>, vector<1x1000x128xf32>
    %get3A_17 = vector.shape_cast %get3A_16 : vector<1x1000x128xf32> to vector<1000x128xf32>
    %get3A_18 = arith.constant 1 : index
    %get3A_19 = arith.constant 0 : index
    %get3A_20 = arith.constant 0 : index
    %get3A_21 = vector.load %arg1[%get3A_18, %get3A_19, %get3A_20] : memref<2x1000x128xf32, #tpu.memory_space<vmem>>, vector<1x1000x128xf32>
    %get3A_22 = vector.shape_cast %get3A_21 : vector<1x1000x128xf32> to vector<1000x128xf32>
    %add3A_23 = arith.addf %get3A_17, %get3A_22 : vector<1000x128xf32>
    %mul3A = vector.broadcast %div3A_12 : vector<1000x1xf32> to vector<1000x128xf32>
    %mul3A_24 = arith.mulf %add3A_23, %mul3A : vector<1000x128xf32>
    %get3A_25 = arith.constant 0 : index
    %get3A_26 = arith.constant 0 : index
    %get3A_27 = vector.load %arg3[%get3A_25, %get3A_26] : memref<1000x128xf32, #tpu.memory_space<vmem>>, vector<1000x128xf32>
    %get3A_28 = arith.constant 0 : index
    %get3A_29 = arith.constant 0 : index
    %get3A_30 = vector.load %arg4[%get3A_28, %get3A_29] : memref<128x128xf32, #tpu.memory_space<vmem>>, vector<128x128xf32>
    %dot_general3A = arith.constant dense<0.000000e+00> : vector<1000x128xf32>
    %dot_general3A_31 = tpu.matmul %mul3A_24, %get3A_30, %dot_general3A {dimension_numbers = #tpu.dot_dimension_numbers<[1], [0], [0], [1], [0, 0, 1, 1], [], []>, transpose_lhs_hint = false} : vector<1000x128xf32>, vector<128x128xf32>, vector<1000x128xf32> -> vector<1000x128xf32>
    %get3A_32 = arith.constant 0 : index
    %get3A_33 = arith.constant 0 : index
    %get3A_34 = vector.load %arg5[%get3A_32, %get3A_33] : memref<128x128xf32, #tpu.memory_space<vmem>>, vector<128x128xf32>
    %dot_general3A_35 = arith.constant dense<0.000000e+00> : vector<1000x128xf32>
    %dot_general3A_36 = tpu.matmul %get3A_27, %get3A_34, %dot_general3A_35 {dimension_numbers = #tpu.dot_dimension_numbers<[1], [0], [0], [1], [0, 0, 1, 1], [], []>, transpose_lhs_hint = false} : vector<1000x128xf32>, vector<128x128xf32>, vector<1000x128xf32> -> vector<1000x128xf32>
    %add3A_37 = arith.addf %dot_general3A_31, %dot_general3A_36 : vector<1000x128xf32>
    %get3A_38 = arith.constant 0 : index
    %get3A_39 = arith.constant 0 : index
    %get3A_40 = vector.load %arg6[%get3A_38, %get3A_39] : memref<1x128xf32, #tpu.memory_space<vmem>>, vector<1x128xf32>
    %mul3A_41 = vector.broadcast %get3A_40 : vector<1x128xf32> to vector<1000x128xf32>
    %mul3A_42 = arith.mulf %add3A_37, %mul3A_41 : vector<1000x128xf32>
    %get3A_43 = arith.constant 0 : index
    %get3A_44 = arith.constant 0 : index
    %get3A_45 = vector.load %arg7[%get3A_43, %get3A_44] : memref<1x128xf32, #tpu.memory_space<vmem>>, vector<1x128xf32>
    %add3A_46 = vector.broadcast %get3A_45 : vector<1x128xf32> to vector<1000x128xf32>
    %add3A_47 = arith.addf %mul3A_42, %add3A_46 : vector<1000x128xf32>
    %max3A_48 = arith.constant 0.000000e+00 : f32
    %max3A_49 = vector.broadcast %max3A_48 : f32 to vector<1000x128xf32>
    %max3A_50 = arith.maximumf %add3A_47, %max3A_49 : vector<1000x128xf32>
    %add3A_51 = arith.addf %get3A_27, %max3A_50 : vector<1000x128xf32>
    %swap3A = arith.constant 0 : index
    %swap3A_52 = arith.constant 0 : index
    %swap3A_53 = vector.load %arg8[%swap3A, %swap3A_52] : memref<1000x128xf32, #tpu.memory_space<vmem>>, vector<1000x128xf32>
    tpu.vector_store %arg8[%swap3A, %swap3A_52], %add3A_51 {strides = array<i32>} : memref<1000x128xf32, #tpu.memory_space<vmem>>, vector<1000x128xf32>,
    %swap3A_54 = arith.constant 0 : index
    %swap3A_55 = arith.constant 0 : index
    %swap3A_56 = vector.load %arg9[%swap3A_54, %swap3A_55] : memref<1000x1xf32, #tpu.memory_space<vmem>>, vector<1000x1xf32>
    tpu.vector_store %arg9[%swap3A_54, %swap3A_55], %div3A_12 {strides = array<i32>} : memref<1000x1xf32, #tpu.memory_space<vmem>>, vector<1000x1xf32>,
    return
  }
  func.func @transform_0(%arg0: i32) -> (i32, i32, i32) {
    %c0_i32 = arith.constant 0 : i32
    %c0_i32_0 = arith.constant 0 : i32
    %c0_i32_1 = arith.constant 0 : i32
    return %c0_i32, %arg0, %c0_i32_0 : i32, i32, i32
  }
  func.func @transform_1(%arg0: i32) -> (i32, i32, i32) {
    %c0_i32 = arith.constant 0 : i32
    %c0_i32_0 = arith.constant 0 : i32
    %c0_i32_1 = arith.constant 0 : i32
    return %c0_i32, %arg0, %c0_i32_0 : i32, i32, i32
  }
  func.func @transform_2(%arg0: i32) -> (i32, i32) {
    %c0_i32 = arith.constant 0 : i32
    %c0_i32_0 = arith.constant 0 : i32
    return %arg0, %c0_i32 : i32, i32
  }
  func.func @transform_3(%arg0: i32) -> (i32, i32) {
    %c0_i32 = arith.constant 0 : i32
    %c0_i32_0 = arith.constant 0 : i32
    %c0_i32_1 = arith.constant 0 : i32
    return %c0_i32, %c0_i32_0 : i32, i32
  }
  func.func @transform_4(%arg0: i32) -> (i32, i32) {
    %c0_i32 = arith.constant 0 : i32
    %c0_i32_0 = arith.constant 0 : i32
    %c0_i32_1 = arith.constant 0 : i32
    return %c0_i32, %c0_i32_0 : i32, i32
  }
  func.func @transform_5(%arg0: i32) -> (i32, i32) {
    %c0_i32 = arith.constant 0 : i32
    %c0_i32_0 = arith.constant 0 : i32
    %c0_i32_1 = arith.constant 0 : i32
    return %c0_i32, %c0_i32_0 : i32, i32
  }
  func.func @transform_6(%arg0: i32) -> (i32, i32) {
    %c0_i32 = arith.constant 0 : i32
    %c0_i32_0 = arith.constant 0 : i32
    %c0_i32_1 = arith.constant 0 : i32
    return %c0_i32, %c0_i32_0 : i32, i32
  }
  func.func @transform_7(%arg0: i32) -> (i32, i32) {
    %c0_i32 = arith.constant 0 : i32
    %c0_i32_0 = arith.constant 0 : i32
    return %arg0, %c0_i32 : i32, i32
  }
  func.func @transform_8(%arg0: i32) -> (i32, i32) {
    %c0_i32 = arith.constant 0 : i32
    %c0_i32_0 = arith.constant 0 : i32
    return %arg0, %c0_i32 : i32, i32
  }
}

module attributes {stable_mosaic.version = 14 : i64} {
  func.func @_tc_head_body(%arg0: i32, %arg1: memref<2x1000x128xf32, #tpu.memory_space<vmem>>, %arg2: memref<1000x1xf32, #tpu.memory_space<vmem>>, %arg3: memref<1000x128xf32, #tpu.memory_space<vmem>>, %arg4: memref<128x128xf32, #tpu.memory_space<vmem>>, %arg5: memref<128x128xf32, #tpu.memory_space<vmem>>, %arg6: memref<1x128xf32, #tpu.memory_space<vmem>>, %arg7: memref<1x128xf32, #tpu.memory_space<vmem>>, %arg8: memref<128x64xf32, #tpu.memory_space<vmem>>, %arg9: memref<1x64xf32, #tpu.memory_space<vmem>>, %arg10: memref<64x1xf32, #tpu.memory_space<vmem>>, %arg11: memref<1x1xf32, #tpu.memory_space<vmem>>, %arg12: memref<1000x1xf32, #tpu.memory_space<vmem>>) attributes {dimension_semantics = [#tpu.dimension_semantics<arbitrary>], iteration_bounds = array<i64: 10>, scalar_prefetch = 0 : i64, scratch_operands = 0 : i64, tpu.core_type = #tpu.core_type<tc>, window_params = [{transform_indices = @transform_0, window_bounds = array<i64: 2, 1000, 128>}, {transform_indices = @transform_1, window_bounds = array<i64: 1000, 1>}, {transform_indices = @transform_2, window_bounds = array<i64: 1000, 128>}, {pipeline_mode = #tpu.pipeline_mode<synchronous>, transform_indices = @transform_3, window_bounds = array<i64: 128, 128>}, {pipeline_mode = #tpu.pipeline_mode<synchronous>, transform_indices = @transform_4, window_bounds = array<i64: 128, 128>}, {pipeline_mode = #tpu.pipeline_mode<synchronous>, transform_indices = @transform_5, window_bounds = array<i64: 1, 128>}, {pipeline_mode = #tpu.pipeline_mode<synchronous>, transform_indices = @transform_6, window_bounds = array<i64: 1, 128>}, {pipeline_mode = #tpu.pipeline_mode<synchronous>, transform_indices = @transform_7, window_bounds = array<i64: 128, 64>}, {pipeline_mode = #tpu.pipeline_mode<synchronous>, transform_indices = @transform_8, window_bounds = array<i64: 1, 64>}, {pipeline_mode = #tpu.pipeline_mode<synchronous>, transform_indices = @transform_9, window_bounds = array<i64: 64, 1>}, {pipeline_mode = #tpu.pipeline_mode<synchronous>, transform_indices = @transform_10, window_bounds = array<i64: 1, 1>}, {transform_indices = @transform_11, window_bounds = array<i64: 1000, 1>}]} {
    %get3A = arith.constant 0 : index
    %get3A_0 = arith.constant 0 : index
    %get3A_1 = arith.constant 0 : index
    %get3A_2 = vector.load %arg1[%get3A, %get3A_0, %get3A_1] : memref<2x1000x128xf32, #tpu.memory_space<vmem>>, vector<1x1000x128xf32>
    %get3A_3 = vector.shape_cast %get3A_2 : vector<1x1000x128xf32> to vector<1000x128xf32>
    %get3A_4 = arith.constant 1 : index
    %get3A_5 = arith.constant 0 : index
    %get3A_6 = arith.constant 0 : index
    %get3A_7 = vector.load %arg1[%get3A_4, %get3A_5, %get3A_6] : memref<2x1000x128xf32, #tpu.memory_space<vmem>>, vector<1x1000x128xf32>
    %get3A_8 = vector.shape_cast %get3A_7 : vector<1x1000x128xf32> to vector<1000x128xf32>
    %add3A = arith.addf %get3A_3, %get3A_8 : vector<1000x128xf32>
    %get3A_9 = arith.constant 0 : index
    %get3A_10 = arith.constant 0 : index
    %get3A_11 = vector.load %arg2[%get3A_9, %get3A_10] : memref<1000x1xf32, #tpu.memory_space<vmem>>, vector<1000x1xf32>
    %mul3A = vector.broadcast %get3A_11 : vector<1000x1xf32> to vector<1000x128xf32>
    %mul3A_12 = arith.mulf %add3A, %mul3A : vector<1000x128xf32>
    %get3A_13 = arith.constant 0 : index
    %get3A_14 = arith.constant 0 : index
    %get3A_15 = vector.load %arg3[%get3A_13, %get3A_14] : memref<1000x128xf32, #tpu.memory_space<vmem>>, vector<1000x128xf32>
    %get3A_16 = arith.constant 0 : index
    %get3A_17 = arith.constant 0 : index
    %get3A_18 = vector.load %arg4[%get3A_16, %get3A_17] : memref<128x128xf32, #tpu.memory_space<vmem>>, vector<128x128xf32>
    %dot_general3A = arith.constant dense<0.000000e+00> : vector<1000x128xf32>
    %dot_general3A_19 = tpu.matmul %mul3A_12, %get3A_18, %dot_general3A {dimension_numbers = #tpu.dot_dimension_numbers<[1], [0], [0], [1], [0, 0, 1, 1], [], []>, transpose_lhs_hint = false} : vector<1000x128xf32>, vector<128x128xf32>, vector<1000x128xf32> -> vector<1000x128xf32>
    %get3A_20 = arith.constant 0 : index
    %get3A_21 = arith.constant 0 : index
    %get3A_22 = vector.load %arg5[%get3A_20, %get3A_21] : memref<128x128xf32, #tpu.memory_space<vmem>>, vector<128x128xf32>
    %dot_general3A_23 = arith.constant dense<0.000000e+00> : vector<1000x128xf32>
    %dot_general3A_24 = tpu.matmul %get3A_15, %get3A_22, %dot_general3A_23 {dimension_numbers = #tpu.dot_dimension_numbers<[1], [0], [0], [1], [0, 0, 1, 1], [], []>, transpose_lhs_hint = false} : vector<1000x128xf32>, vector<128x128xf32>, vector<1000x128xf32> -> vector<1000x128xf32>
    %add3A_25 = arith.addf %dot_general3A_19, %dot_general3A_24 : vector<1000x128xf32>
    %get3A_26 = arith.constant 0 : index
    %get3A_27 = arith.constant 0 : index
    %get3A_28 = vector.load %arg6[%get3A_26, %get3A_27] : memref<1x128xf32, #tpu.memory_space<vmem>>, vector<1x128xf32>
    %mul3A_29 = vector.broadcast %get3A_28 : vector<1x128xf32> to vector<1000x128xf32>
    %mul3A_30 = arith.mulf %add3A_25, %mul3A_29 : vector<1000x128xf32>
    %get3A_31 = arith.constant 0 : index
    %get3A_32 = arith.constant 0 : index
    %get3A_33 = vector.load %arg7[%get3A_31, %get3A_32] : memref<1x128xf32, #tpu.memory_space<vmem>>, vector<1x128xf32>
    %add3A_34 = vector.broadcast %get3A_33 : vector<1x128xf32> to vector<1000x128xf32>
    %add3A_35 = arith.addf %mul3A_30, %add3A_34 : vector<1000x128xf32>
    %max3A = arith.constant 0.000000e+00 : f32
    %max3A_36 = vector.broadcast %max3A : f32 to vector<1000x128xf32>
    %max3A_37 = arith.maximumf %add3A_35, %max3A_36 : vector<1000x128xf32>
    %add3A_38 = arith.addf %get3A_15, %max3A_37 : vector<1000x128xf32>
    %get3A_39 = arith.constant 0 : index
    %get3A_40 = arith.constant 0 : index
    %get3A_41 = vector.load %arg8[%get3A_39, %get3A_40] : memref<128x64xf32, #tpu.memory_space<vmem>>, vector<128x64xf32>
    %dot_general3A_42 = arith.constant dense<0.000000e+00> : vector<1000x64xf32>
    %dot_general3A_43 = tpu.matmul %add3A_38, %get3A_41, %dot_general3A_42 {dimension_numbers = #tpu.dot_dimension_numbers<[1], [0], [0], [1], [0, 0, 1, 1], [], []>, transpose_lhs_hint = false} : vector<1000x128xf32>, vector<128x64xf32>, vector<1000x64xf32> -> vector<1000x64xf32>
    %get3A_44 = arith.constant 0 : index
    %get3A_45 = arith.constant 0 : index
    %get3A_46 = vector.load %arg9[%get3A_44, %get3A_45] : memref<1x64xf32, #tpu.memory_space<vmem>>, vector<1x64xf32>
    %add3A_47 = vector.broadcast %get3A_46 : vector<1x64xf32> to vector<1000x64xf32>
    %add3A_48 = arith.addf %dot_general3A_43, %add3A_47 : vector<1000x64xf32>
    %max3A_49 = arith.constant 0.000000e+00 : f32
    %max3A_50 = vector.broadcast %max3A_49 : f32 to vector<1000x64xf32>
    %max3A_51 = arith.maximumf %add3A_48, %max3A_50 : vector<1000x64xf32>
    %get3A_52 = arith.constant 0 : index
    %get3A_53 = arith.constant 0 : index
    %get3A_54 = vector.load %arg10[%get3A_52, %get3A_53] : memref<64x1xf32, #tpu.memory_space<vmem>>, vector<64x1xf32>
    %dot_general3A_55 = arith.constant dense<0.000000e+00> : vector<1000x1xf32>
    %dot_general3A_56 = tpu.matmul %max3A_51, %get3A_54, %dot_general3A_55 {dimension_numbers = #tpu.dot_dimension_numbers<[1], [0], [0], [1], [0, 0, 1, 1], [], []>, transpose_lhs_hint = false} : vector<1000x64xf32>, vector<64x1xf32>, vector<1000x1xf32> -> vector<1000x1xf32>
    %get3A_57 = arith.constant 0 : index
    %get3A_58 = arith.constant 0 : index
    %get3A_59 = vector.load %arg11[%get3A_57, %get3A_58] : memref<1x1xf32, #tpu.memory_space<vmem>>, vector<1x1xf32>
    %add3A_60 = vector.broadcast %get3A_59 : vector<1x1xf32> to vector<1000x1xf32>
    %add3A_61 = arith.addf %dot_general3A_56, %add3A_60 : vector<1000x1xf32>
    %swap3A = arith.constant 0 : index
    %swap3A_62 = arith.constant 0 : index
    %swap3A_63 = vector.load %arg12[%swap3A, %swap3A_62] : memref<1000x1xf32, #tpu.memory_space<vmem>>, vector<1000x1xf32>
    tpu.vector_store %arg12[%swap3A, %swap3A_62], %add3A_61 {strides = array<i32>} : memref<1000x1xf32, #tpu.memory_space<vmem>>, vector<1000x1xf32>,
    return
  }
  func.func @transform_0(%arg0: i32) -> (i32, i32, i32) {
    %c0_i32 = arith.constant 0 : i32
    %c0_i32_0 = arith.constant 0 : i32
    %c0_i32_1 = arith.constant 0 : i32
    return %c0_i32, %arg0, %c0_i32_0 : i32, i32, i32
  }
  func.func @transform_1(%arg0: i32) -> (i32, i32) {
    %c0_i32 = arith.constant 0 : i32
    %c0_i32_0 = arith.constant 0 : i32
    return %arg0, %c0_i32 : i32, i32
  }
  func.func @transform_2(%arg0: i32) -> (i32, i32) {
    %c0_i32 = arith.constant 0 : i32
    %c0_i32_0 = arith.constant 0 : i32
    return %arg0, %c0_i32 : i32, i32
  }
  func.func @transform_3(%arg0: i32) -> (i32, i32) {
    %c0_i32 = arith.constant 0 : i32
    %c0_i32_0 = arith.constant 0 : i32
    %c0_i32_1 = arith.constant 0 : i32
    return %c0_i32, %c0_i32_0 : i32, i32
  }
  func.func @transform_4(%arg0: i32) -> (i32, i32) {
    %c0_i32 = arith.constant 0 : i32
    %c0_i32_0 = arith.constant 0 : i32
    %c0_i32_1 = arith.constant 0 : i32
    return %c0_i32, %c0_i32_0 : i32, i32
  }
  func.func @transform_5(%arg0: i32) -> (i32, i32) {
    %c0_i32 = arith.constant 0 : i32
    %c0_i32_0 = arith.constant 0 : i32
    %c0_i32_1 = arith.constant 0 : i32
    return %c0_i32, %c0_i32_0 : i32, i32
  }
  func.func @transform_6(%arg0: i32) -> (i32, i32) {
    %c0_i32 = arith.constant 0 : i32
    %c0_i32_0 = arith.constant 0 : i32
    %c0_i32_1 = arith.constant 0 : i32
    return %c0_i32, %c0_i32_0 : i32, i32
  }
  func.func @transform_7(%arg0: i32) -> (i32, i32) {
    %c0_i32 = arith.constant 0 : i32
    %c0_i32_0 = arith.constant 0 : i32
    %c0_i32_1 = arith.constant 0 : i32
    return %c0_i32, %c0_i32_0 : i32, i32
  }
  func.func @transform_8(%arg0: i32) -> (i32, i32) {
    %c0_i32 = arith.constant 0 : i32
    %c0_i32_0 = arith.constant 0 : i32
    %c0_i32_1 = arith.constant 0 : i32
    return %c0_i32, %c0_i32_0 : i32, i32
  }
  func.func @transform_9(%arg0: i32) -> (i32, i32) {
    %c0_i32 = arith.constant 0 : i32
    %c0_i32_0 = arith.constant 0 : i32
    %c0_i32_1 = arith.constant 0 : i32
    return %c0_i32, %c0_i32_0 : i32, i32
  }
  func.func @transform_10(%arg0: i32) -> (i32, i32) {
    %c0_i32 = arith.constant 0 : i32
    %c0_i32_0 = arith.constant 0 : i32
    %c0_i32_1 = arith.constant 0 : i32
    return %c0_i32, %c0_i32_0 : i32, i32
  }
  func.func @transform_11(%arg0: i32) -> (i32, i32) {
    %c0_i32 = arith.constant 0 : i32
    %c0_i32_0 = arith.constant 0 : i32
    return %arg0, %c0_i32 : i32, i32
  }
}

</mosaic_0001>

<sc_bundles>
// kernel: sc_segment_sum.3.cloned.1.call-start
scs
__scs_entry_jumppad:
0x0: {  	(pc) =	sbr.rel $0x88, $3  }
0x1: {  	(tag) =	ssettag $0x0;
	lr =	simm.s32 $0x1  }
0x2: {  	[smem:$0x3F8B] =	sst lr;
	_ =	strace $0xD0000000  }
0x3: {  	_ = 	snop  }
0x4: {  	_ = 	snop  }
0x5: {  	_ = 	snop  }
0x6: {  	_ = 	snop  }
0x7: {  	_ = 	snop  }
__scs_overlays_trampoline_lowered:
0x8: {  	[smem:$0x3F9A] =	sst s0  }
0x9: {  	[smem:$0x3F9B] =	sst s1  }
0xa: {  	[smem:$0x3F9C] =	sst s2  }
0xb: {  	[smem:$0x3F9D] =	sst s3  }
0xc: {  	[smem:$0x3F9E] =	sst s4  }
0xd: {  	[smem:$0x3F9F] =	sst s5  }
0xe: {  	[smem:$0x3FA0] =	sst s6  }
0xf: {  	[smem:$0x3FA1] =	sst s7  }
0x10: {  	[smem:$0x3FA2] =	sst s8  }
0x11: {  	[smem:$0x3FA3] =	sst s9;
	s0 =	simm.s32 @!p0 $0x0  }
0x12: {  	s1 =	sld [smem:$0x3F89];
	s0 =	simm.s32 @p0 $0x1  }
0x13: {  	[smem:$0x3FA4] =	sst s0;
	s0 =	simm.s32 @!p1 $0x0  }
0x14: {  	s2 =	sld [smem:$0x3F88];
	s0 =	simm.s32 @p1 $0x1  }
0x15: {  	[smem:$0x3FA5] =	sst s0;
	s0 =	simm.s32 @!p2 $0x0  }
0x16: {  	s3 =	sld [smem:$0x3FDB];
	s0 =	simm.s32 @p2 $0x1  }
0x17: {  	s4 =	simm.s32 $0x1BF5;
	[smem:$0x3FA7] =	sst s0  }
0x18: {  	s0 =	sld [smem:$0x3F8A];
	_ =	swait.ge [sflag:s4], $0x0  }
0x19: {  	s7 =	sld [smem:$0x3F8B]  }
0x1a: {  	s8 =	sadd.s32 $0xFFFFE003, lr  }
0x1b: {  	s9 =	sadd.s32 $0xFFFFFEF7, lr;
	s5 =	simm.s32 $0xFFFFFFFF;
	p2 =	slt.u32 s8, $0xFFFFF086  }
0x1c: {  	p1 =	slt.u32 s9, $0xF7A;
	s5 =	simm.s32 @!p2 $0x0  }
0x1d: {  	s5 =	simm.s32 @p1 $0x1;
	p0 =	seq.s32 s7, s2  }
0x1e: {  	s7 =	smul.u32 @!p0 $0xF7A, s2;
	p2 =	seq.s32 @!p0 s5, $0x0  }
0x1f: {  	s9 =	smul.u32 $0xF7A, s1;
	s8 =	simm.s32 @!p0 $0x1BF5;
	p2 =	por !p2, p0  }
0x20: {  	[sflag:s8] =	ssyncset.s32 @!p0 $0xFFFFF086;
	s6 =	sadd.s32 @!p0 s3, s7;
	s7 =	simm.s32 @!p0 $0x108  }
0x21: {  	s3 =	sadd.s32 s3, s9;
	s6 =	sadd.s32 @!p0 $0x88, s6;
	s7 =	simm.s32 @p2 $0x1082  }
0x22: {  	[simem:s7], [sflag:s8] =	dma.local @!p0 [hbm:s6], $0xF7A  }
0x23: {  	s9 =	sor.u32 $0xD0000000, s2;
	s6 =	simm.s32 $0x108;
	_ =	swait.ge @!p0 [sflag:s8], $0x0  }
0x24: {  	s3 =	sadd.s32 $0x88, s3;
	s6 =	simm.s32 @!p1 $0x1082;
	[sflag:s4] =	ssyncset.s32 $0xFFFFF086  }
0x25: {  	[simem:s6], [sflag:s4] =	dma.local [hbm:s3], $0xF7A  }
0x26: {  	[smem:$0x3F8B] =	sst s1;
	(tag) =	ssettag s2;
	_ =	strace s9  }
0x27: {  	s1 =	sld [smem:$0x3F9B]  }
0x28: {  	s2 =	sld [smem:$0x3F9C]  }
0x29: {  	s4 =	sld [smem:$0x3F9E]  }
0x2a: {  	p0 =	seq.s32 s5, $0x0;
	s5 =	sld [smem:$0x3F9F]  }
0x2b: {  	s6 =	sld [smem:$0x3FA0]  }
0x2c: {  	s7 =	sld [smem:$0x3FA1]  }
0x2d: {  	s3 =	simm.s32 $0x108;
	s8 =	sld [smem:$0x3FA2]  }
0x2e: {  	s3 =	simm.s32 @!p0 $0x1082;
	s9 =	sld [smem:$0x3FA3]  }
0x2f: {  	lr =	sadd.s32 s0, s3;
	s0 =	sld [smem:$0x3F9A]  }
0x30: {  	s3 =	sld [smem:$0x3F9D]  }
0x31: {  	[smem:$0x3FA6] =	sst s10  }
0x32: {  	s10 =	sld [smem:$0x3FA4];
	_ =	sdelay $0x3  }
0x33: {  	p0 =	seq.s32 s10, $0x1;
	s10 =	sld [smem:$0x3FA6];
	_ =	sdelay $0x3  }
0x34: {  	[smem:$0x3FA6] =	sst s10  }
0x35: {  	s10 =	sld [smem:$0x3FA5];
	_ =	sdelay $0x3  }
0x36: {  	p1 =	seq.s32 s10, $0x1;
	s10 =	sld [smem:$0x3FA6];
	_ =	sdelay $0x3  }
0x37: {  	[smem:$0x3FA6] =	sst s10  }
0x38: {  	s10 =	sld [smem:$0x3FA7]  }
0x39: {  	_ = 	snop;
	(pc) =	sbr.ind lr, $3  }
0x3a: {  	_ = 	snop  }
0x3b: {  	_ = 	snop  }
0x3c: {  	p2 =	seq.s32 s10, $0x1;
	s10 =	sld [smem:$0x3FA6]  }
0x3d: {  	_ =	shalt  }
0x3e: {  	_ =	shalt  }
0x3f: {  	_ =	shalt  }
0x40: {  	_ =	shalt  }
0x41: {  	_ =	shalt  }
0x42: {  	_ =	shalt  }
0x43: {  	_ =	shalt  }
0x44: {  	_ =	shalt  }
0x45: {  	_ =	shalt  }
0x46: {  	_ =	shalt  }
0x47: {  	_ =	shalt  }
0x48: {  	_ =	shalt  }
0x49: {  	_ =	shalt  }
0x4a: {  	_ =	shalt  }
0x4b: {  	_ =	shalt  }
0x4c: {  	_ =	shalt  }
0x4d: {  	_ =	shalt  }
0x4e: {  	_ =	shalt  }
0x4f: {  	_ =	shalt  }
0x50: {  	_ =	shalt  }
0x51: {  	_ =	shalt  }
0x52: {  	_ =	shalt  }
0x53: {  	_ =	shalt  }
0x54: {  	_ =	shalt  }
0x55: {  	_ =	shalt  }
0x56: {  	_ =	shalt  }
0x57: {  	_ =	shalt  }
0x58: {  	_ =	shalt  }
0x59: {  	_ =	shalt  }
0x5a: {  	_ =	shalt  }
0x5b: {  	_ =	shalt  }
0x5c: {  	_ =	shalt  }
0x5d: {  	_ =	shalt  }
0x5e: {  	_ =	shalt  }
0x5f: {  	_ =	shalt  }
0x60: {  	_ =	shalt  }
0x61: {  	_ =	shalt  }
0x62: {  	_ =	shalt  }
0x63: {  	_ =	shalt  }
0x64: {  	_ =	shalt  }
0x65: {  	_ =	shalt  }
0x66: {  	_ =	shalt  }
0x67: {  	_ =	shalt  }
0x68: {  	_ =	shalt  }
0x69: {  	_ =	shalt  }
0x6a: {  	_ =	shalt  }
0x6b: {  	_ =	shalt  }
0x6c: {  	_ =	shalt  }
0x6d: {  	_ =	shalt  }
0x6e: {  	_ =	shalt  }
0x6f: {  	_ =	shalt  }
0x70: {  	_ =	shalt  }
0x71: {  	_ =	shalt  }
0x72: {  	_ =	shalt  }
0x73: {  	_ =	shalt  }
0x74: {  	_ =	shalt  }
0x75: {  	_ =	shalt  }
0x76: {  	_ =	shalt  }
0x77: {  	_ =	shalt  }
0x78: {  	_ =	shalt  }
0x79: {  	_ =	shalt  }
0x7a: {  	_ =	shalt  }
0x7b: {  	_ =	shalt  }
0x7c: {  	_ =	shalt  }
0x7d: {  	_ =	shalt  }
0x7e: {  	_ =	shalt  }
0x7f: {  	_ =	shalt  }
0x80: {  	_ =	shalt  }
0x81: {  	_ =	shalt  }
0x82: {  	_ =	shalt  }
0x83: {  	_ =	shalt  }
0x84: {  	_ =	shalt  }
0x85: {  	_ =	shalt  }
0x86: {  	_ =	shalt  }
0x87: {  	_ =	shalt  }
.Lfunc_end0:
.L_simem_size_0:
called_computation.1_lowered:
.L_overlay_start_0:
0x88: {  	s2 =	sld [smem:$0x3FD9]  }
0x89: {  	s3 =	sld [smem:$0x3FFE];
	_ =	sdelay $0x1  }
0x8a: {  	s1 =	srdreg.scid  }
0x8b: {  	s0 =	sand.u32 $0x1, s1  }
0x8c: {  	s16 =	sshll.u32 s0, $0xA;
	s2 =	sadd.s32 s3, s2  }
0x8d: {  	s2 =	sadd.s32 s2, s16  }
0x8e: {  	[smem:$0x3FB2] =	sst s2  }
0x8f: {  	_ = 	snop  }
0x90: {  	(tm) =	ssettm $0x1  }
0x91: {  	s17 =	sld [smem:$0x3FFB];
	_ =	sdelay $0x3  }
0x92: {  	_ =	strace s17  }
0x93: {  	s2 =	sld [smem:$0x3FFC];
	_ =	sdelay $0x3  }
0x94: {  	_ =	strace s2  }
0x95: {  	s2 =	sld [smem:$0x3FFD];
	_ =	sdelay $0x3  }
0x96: {  	_ =	strace s2  }
0x97: {  	_ =	strace $0x8FFFFFFF  }
0x98: {  	s18 =	sld [smem:$0x3FDB];
	_ =	sdelay $0x1  }
0x99: {  	s19 =	simm.s32 $_scs_section_size  }
0x9a: {  	s4 =	simm.s32 $_size__tile_overlayer_lowered;
	s5 =	simm.s32 $_tile_overlayer_lowered  }
0x9b: {  	s22 =	simm.s32 $0x1BFF;
	s21 =	sshll.u32 s5, $0x1;
	s2 =	sadd.s32 s19, s18  }
0x9c: {  	s6 =	simm.s32 $0x0;
	s20 =	sshll.u32 s4, $0x1;
	s4 =	sadd.s32 s21, s2  }
0x9d: {  	[timem:s6], [sflag:s22] =	dma.local [hbm:s4], s20  }
0x9e: {  	_ =	swait.ge [sflag:s22], s20  }
0x9f: {  	s3 =	ssub.s32 $0x0, s20;
	[sflag:s22] =	ssyncset.done $0x0  }
0xa0: {  	[sflag:s22] =	ssyncadd.s32 s3;
	_ =	sdelay $0x1  }
0xa1: {  	s23 =	simm.s32 $0x1B8B  }
0xa2: {  	_ =	swait.ge [sflag:s23], $0x1  }
0xa3: {  	[sflag:s23] =	ssyncset.done $0x0  }
0xa4: {  	s25 =	simm.s32 $0x1B8E;
	s24 =	sld [smem:$0x3FFE];
	[sflag:s23] =	ssyncadd.s32 $0xFFFFFFFF  }
0xa5: {  	s26 =	simm.s32 $execute0_lowered;
	[smem:$0x3FD2] =	sst s25  }
0xa6: {  	s4 =	sshll.u32 s26, $0x1;
	_ =	strace $0x80000049;
	[dreg:$0x1] =	wrdreg $0xFFFFFFFF  }
0xa7: {  	s28 =	simm.s32 $_size_execute0_lowered;
	s2 =	sadd.s32 s2, s4;
	[dreg:$0x0] =	wrdreg $0x0  }
0xa8: {  	s4 =	sshll.u32 s28, $0x1;
	[dreg:$0x2] =	wrdreg s2  }
0xa9: {  	[dreg:$0x3] =	wrdreg s4  }
0xaa: {  	[dreg:$0x4] =	wrdreg $0xC0  }
0xab: {  	_ =	task [dreg:s6], $0x5FFFF  }
0xac: {  	[dreg:$0x1] =	wrdreg $0xFFFFFFFF  }
0xad: {  	[dreg:$0x0] =	wrdreg $0x60  }
0xae: {  	[dreg:$0x2] =	wrdreg s24  }
0xaf: {  	[dreg:$0x3] =	wrdreg $0xB0000  }
0xb0: {  	[dreg:$0x4] =	wrdreg $0x9  }
0xb1: {  	_ =	task.clear_ibuf [dreg:s6], $0x5FFFF;
	_ =	strace $0x90000049  }
0xb2: {  	s29 =	simm.s32 $0x9;
	_ =	strace $0x8000004B  }
0xb3: {  	_ =	swait.ge [sflag:s29], $0x1  }
0xb4: {  	[sflag:s29] =	ssyncadd.s32 $0xFFFFFFFF  }
0xb5: {  	_ =	strace $0x9000004B  }
0xb6: {  	_ =	sfence  }
0xb7: {  	s30 =	sld [smem:$0x0];
	_ =	sdelay $0x2  }
0xb8: {  	s31 =	sshll.u32 s1, $0xD;
	s1 =	sshrl.u32 s1, $0x2  }
0xb9: {  	s3 =	sand.u32 $0x4000, s31;
	s1 =	sadd.s32 s1, s30  }
0xba: {  	s0 =	sor.u32 s3, s0;
	s1 =	sshll.u32 s1, $0x11  }
0xbb: {  	s0 =	sor.u32 s1, s0  }
0xbc: {  	s0 =	sadd.s32 $0x8F2B, s0  }
0xbd: {  	[sflag:s0] =	ssyncadd.remote.s32 $0x1  }
0xbe: {  	_ =	sfence.sel $0xFFFF  }
0xbf: {  	[dreg:$0x0] =	wrdreg $0xFFFFFFFF;
	(pc) =	sbr.abs _section_cstart, $3  }
0xc0: {  	[dreg:$0x1] =	wrdreg $0xFFFFFFFF  }
0xc1: {  	_ =	task.clear_ibuf [dreg:s6], $0x2FFFF;
	_ =	strace $0x9FFFFFFF  }
0xc2: {  	(tm) =	ssettm $0x7FFFFFFF  }
0xc3: {  	_ =	shalt  }
tec
execute0_lowered:
.L_overlay_start_1:
0x0: {  	(tag) =	ssettag $0x1  }
0x1: {  	s1 =	rddreg [dreg:$0x0];
	s0 =	simm.s32 $0x0;
	s2 =	srdreg.scid  }
0x2: {  	s18 =	stileid.u32;
	s31 =	simm.s32 $0x5000;
	[smem:$0x7FF] =	sst s0  }
0x3: {  	s3 =	sand.u32 $0x1, s2;
	s4 =	sadd.s32 $0x18800, s1;
	s7 =	smul.u32 $0x14000, s18  }
0x4: {  	s5 =	sadd.s32 $0x4800, s1;
	s8 =	sadd.s32 $0x53A00, s1;
	s2 =	ssub.s32 $0x2, s3  }
0x5: {  	s17 =	sshll.u32 s18, $0x1;
	s6 =	sshrl.u32 s2, $0x1;
	s9 =	sor.u32 $0x2000, s7  }
0x6: {  	s10 =	sadd.s32 $0x4000, s7;
	s11 =	sadd.s32 $0x6000, s7;
	s12 =	sadd.s32 $0x8000, s7  }
0x7: {  	s13 =	sadd.s32 $0xA000, s7;
	s14 =	sadd.s32 $0xC000, s7;
	s16 =	sadd.s32 $0xE000, s7  }
0x8: {  	s2 =	ssub.s32 s2, s6;
	s6 =	sor.u32 s3, s17;
	s3 =	smul.u32 $0x140000, s3  }
0x9: {  	s29 =	sadd.s32 $0x12000, s7;
	s17 =	sadd.s32 $0x10000, s7;
	s6 =	smul.u32 $0x5000, s6  }
0xa: {  	s20 =	sadd.s32 s7, s3;
	s21 =	sadd.s32 s3, s9;
	s23 =	sadd.s32 s3, s10  }
0xb: {  	s25 =	sadd.s32 s3, s11;
	s30 =	sadd.s32 s3, s12;
	s7 =	sadd.s32 s3, s13  }
0xc: {  	s6 =	sshrl.u32 s6, $0x3;
	s22 =	sshrl.u32 s21, $0x3;
	s24 =	sshrl.u32 s23, $0x3  }
0xd: {  	s26 =	sshrl.u32 s25, $0x3;
	s21 =	sadd.s32 s3, s16;
	s23 =	sadd.s32 s3, s17  }
0xe: {  	s25 =	smul.u32 $0x50000, s18;
	s18 =	sadd.s32 $0x2C800, s1;
	s15 =	sadd.s32 s4, s6  }
0xf: {  	s19 =	sadd.s32 $0x500, s6;
	s6 =	sadd.s32 s5, s6;
	[dreg:$0x3] =	wrdreg s15  }
0x10: {  	s1 =	simm.s32 $0x4;
	[dreg:$0x4] =	wrdreg s6;
	s4 =	sadd.s32 s4, s19  }
0x11: {  	s5 =	sadd.s32 s5, s19;
	s6 =	sshrl.u32 s30, $0x3;
	s19 =	sadd.s32 s3, s14  }
0x12: {  	s3 =	sadd.s32 s3, s29;
	[dreg:$0x5] =	wrdreg s4;
	s4 =	sshrl.u32 s20, $0x3  }
0x13: {  	[dreg:$0x6] =	wrdreg s5;
	s3 =	sshrl.u32 s3, $0x3;
	s4 =	sadd.s32 s8, s4  }
0x14: {  	s15 =	sshrl.u32 s7, $0x3;
	s3 =	sadd.s32 s8, s3;
	[dreg:$0x7] =	wrdreg s4  }
0x15: {  	s30 =	smax.u32 s2, $0x1;
	s4 =	sadd.s32 s8, s22;
	[dreg:$0x10] =	wrdreg s3  }
0x16: {  	s7 =	simm.s32 $0x9000;
	[dreg:$0x8] =	wrdreg s4;
	s4 =	sadd.s32 s8, s24  }
0x17: {  	s2 =	simm.s32 $0x4F80;
	[dreg:$0x9] =	wrdreg s4;
	s4 =	sadd.s32 s8, s26  }
0x18: {  	s20 =	sshrl.u32 s19, $0x3;
	[dreg:$0xa] =	wrdreg s4;
	s4 =	sadd.s32 s8, s6  }
0x19: {  	s5 =	simm.s32 $0x7000;
	s22 =	sshrl.u32 s21, $0x3;
	[dreg:$0xb] =	wrdreg s4  }
0x1a: {  	s3 =	simm.s32 $0x40;
	s4 =	sadd.s32 s8, s15;
	s15 =	rddreg [dreg:$0x1]  }
0x1b: {  	s24 =	sshrl.u32 s23, $0x3;
	s26 =	sshrl.u32 s25, $0x2;
	[dreg:$0xc] =	wrdreg s4  }
0x1c: {  	s4 =	sadd.s32 s8, s20;
	s19 =	sadd.s32 s26, s15;
	s20 =	sadd.s32 s9, s15  }
0x1d: {  	s21 =	sadd.s32 s10, s15;
	s23 =	sadd.s32 s12, s15;
	s25 =	sadd.s32 s14, s15  }
0x1e: {  	s26 =	sadd.s32 s16, s15;
	s28 =	sadd.s32 s17, s15;
	s29 =	sadd.s32 s29, s15  }
0x1f: {  	s14 =	simm.s32 $0x1;
	s9 =	simm.s32 $0x3;
	s12 =	simm.s32 $0x4E00  }
0x20: {  	s16 =	simm.s32 $0x4E80;
	s17 =	simm.s32 $0x4F00;
	[dreg:$0xd] =	wrdreg s4  }
0x21: {  	s4 =	sadd.s32 s8, s22;
	s22 =	sadd.s32 s11, s15;
	s11 =	simm.s32 $0x2700  }
0x22: {  	[dreg:$0xe] =	wrdreg s4;
	s4 =	sadd.s32 s8, s24;
	s24 =	sadd.s32 s13, s15  }
0x23: {  	s8 =	simm.s32 $0x2;
	s13 =	simm.s32 $0x2780;
	[dreg:$0xf] =	wrdreg s4  }
0x24: {  	v0 =	vimm.f32 $0.0e+00;
	s4 =	simm.s32 $0x0;
	_ =	strace $0x8000004A;
	[dreg:$0x11] =	wrdreg s30  }
.LBB2_1:
0x25: {  	s30 =	simm.s32 $0x0;
	s6 =	simm.s32 $0x200  }
.LBB2_2:
0x26: {  	p0 =	sne.s32 s6, $0x7E00;
	[tilespmem:s30+$0x5070] =	vst v0  }
0x27: {  	[tilespmem:s30+$0x5000] =	vst v0  }
0x28: {  	[tilespmem:s30+$0x5010] =	vst v0  }
.Ltmp0:
0x29: {  	[tilespmem:s30+$0x5020] =	vst v0;
	(pc) =	sbr.rel @p0 .LBB2_2-.Ltmp0, $4  }
0x2a: {  	[tilespmem:s30+$0x5030] =	vst v0  }
0x2b: {  	[tilespmem:s30+$0x5040] =	vst v0  }
0x2c: {  	[tilespmem:s30+$0x5050] =	vst v0  }
0x2d: {  	[tilespmem:s30+$0x5060] =	vst v0;
	s30 =	sshra.s32 s6, $0x2;
	s6 =	sadd.s32 $0x200, s6  }
0x2e: {  	[tilespmem:s30+$0x5070] =	vst v0  }
0x2f: {  	[tilespmem:s30+$0x5000] =	vst v0  }
0x30: {  	[tilespmem:s30+$0x5010] =	vst v0  }
0x31: {  	[tilespmem:s30+$0x5020] =	vst v0  }
0x32: {  	[tilespmem:s30+$0x5030] =	vst v0  }
0x33: {  	[tilespmem:s30+$0x5040] =	vst v0  }
0x34: {  	[tilespmem:s30+$0x5050] =	vst v0  }
0x35: {  	[tilespmem:s30+$0x5060] =	vst v0  }
0x36: {  	[spmem:s19] =	stream.linear.scatter [tilespmem:s31], [sflag:$0x1], $0x2000, $0x38;
	[tilespmem:$0x1F000] =	vst v63  }
0x37: {  	_ = 	snop  }
0x38: {  	[spmem:s20] =	stream.linear.scatter [tilespmem:s31], [sflag:$0x1], $0x2000, $0x38;
	[tilespmem:$0x1F000] =	vst v63  }
0x39: {  	_ = 	snop  }
0x3a: {  	[spmem:s21] =	stream.linear.scatter [tilespmem:s31], [sflag:$0x1], $0x2000, $0x38;
	[tilespmem:$0x1F000] =	vst v63  }
0x3b: {  	_ = 	snop  }
0x3c: {  	[spmem:s22] =	stream.linear.scatter [tilespmem:s31], [sflag:$0x1], $0x2000, $0x38;
	[tilespmem:$0x1F000] =	vst v63  }
0x3d: {  	_ = 	snop  }
0x3e: {  	[spmem:s23] =	stream.linear.scatter [tilespmem:s31], [sflag:$0x1], $0x2000, $0x38;
	[tilespmem:$0x1F000] =	vst v63  }
0x3f: {  	_ = 	snop  }
0x40: {  	[spmem:s24] =	stream.linear.scatter [tilespmem:s31], [sflag:$0x1], $0x2000, $0x38;
	[tilespmem:$0x1F000] =	vst v63  }
0x41: {  	_ = 	snop  }
0x42: {  	[spmem:s25] =	stream.linear.scatter [tilespmem:s31], [sflag:$0x1], $0x2000, $0x38;
	[tilespmem:$0x1F000] =	vst v63  }
0x43: {  	_ = 	snop  }
0x44: {  	[spmem:s26] =	stream.linear.scatter [tilespmem:s31], [sflag:$0x1], $0x2000, $0x38;
	[tilespmem:$0x1F000] =	vst v63  }
0x45: {  	_ = 	snop  }
0x46: {  	[spmem:s28] =	stream.linear.scatter [tilespmem:s31], [sflag:$0x1], $0x2000, $0x38;
	[tilespmem:$0x1F000] =	vst v63  }
0x47: {  	_ = 	snop  }
0x48: {  	[spmem:s29] =	stream.linear.scatter [tilespmem:s31], [sflag:$0x1], $0x2000, $0x38;
	[tilespmem:$0x1F000] =	vst v63  }
0x49: {  	_ =	swait.ge [sflag:s14], $0x2000  }
0x4a: {  	[sflag:s14] =	ssyncset.done $0x0  }
0x4b: {  	[sflag:s14] =	ssyncadd.s32 $0xFFFFE000  }
0x4c: {  	_ =	swait.ge [sflag:s14], $0x2000  }
0x4d: {  	[sflag:s14] =	ssyncset.done $0x0  }
0x4e: {  	[sflag:s14] =	ssyncadd.s32 $0xFFFFE000  }
0x4f: {  	_ =	swait.ge [sflag:s14], $0x2000  }
0x50: {  	[sflag:s14] =	ssyncset.done $0x0  }
0x51: {  	[sflag:s14] =	ssyncadd.s32 $0xFFFFE000  }
0x52: {  	_ =	swait.ge [sflag:s14], $0x2000  }
0x53: {  	[sflag:s14] =	ssyncset.done $0x0  }
0x54: {  	[sflag:s14] =	ssyncadd.s32 $0xFFFFE000  }
0x55: {  	_ =	swait.ge [sflag:s14], $0x2000  }
0x56: {  	[sflag:s14] =	ssyncset.done $0x0  }
0x57: {  	[sflag:s14] =	ssyncadd.s32 $0xFFFFE000  }
0x58: {  	_ =	swait.ge [sflag:s14], $0x2000  }
0x59: {  	[sflag:s14] =	ssyncset.done $0x0  }
0x5a: {  	[sflag:s14] =	ssyncadd.s32 $0xFFFFE000  }
0x5b: {  	_ =	swait.ge [sflag:s14], $0x2000  }
0x5c: {  	[sflag:s14] =	ssyncset.done $0x0  }
0x5d: {  	[sflag:s14] =	ssyncadd.s32 $0xFFFFE000  }
0x5e: {  	_ =	swait.ge [sflag:s14], $0x2000  }
0x5f: {  	[sflag:s14] =	ssyncset.done $0x0  }
0x60: {  	[sflag:s14] =	ssyncadd.s32 $0xFFFFE000  }
0x61: {  	_ =	swait.ge [sflag:s14], $0x2000  }
0x62: {  	[sflag:s14] =	ssyncset.done $0x0  }
0x63: {  	[sflag:s14] =	ssyncadd.s32 $0xFFFFE000  }
0x64: {  	_ =	swait.ge [sflag:s14], $0x2000  }
0x65: {  	[sflag:s14] =	ssyncset.done $0x0  }
0x66: {  	[sflag:s14] =	ssyncadd.s32 $0xFFFFE000  }
0x67: {  	[bflag:$0x0] =	sbarrier.arrive $0xFFFF  }
0x68: {  	s6 =	simm.s32 $0x0;
	s10 =	rddreg [dreg:$0x3]  }
0x69: {  	[tilespmem:s6], [sflag:$0x4] =	stream.linear.gather [hbm4b:s10+s6], $0x2800, $0x38;
	[tilespmem:$0x1F000] =	vst v63  }
0x6a: {  	_ =	swait.ge [sflag:s1], $0x2800  }
0x6b: {  	[sflag:s1] =	ssyncset.done $0x0  }
0x6c: {  	s30 =	simm.s32 $0x2800;
	s10 =	rddreg [dreg:$0x4];
	[sflag:s1] =	ssyncadd.s32 $0xFFFFD800  }
0x6d: {  	[tilespmem:s30], [sflag:$0x4] =	stream.linear.gather [hbm4b:s10+s6], $0x2800, $0x38;
	[tilespmem:$0x1F000] =	vst v63  }
0x6e: {  	_ =	swait.ge [sflag:s1], $0x2800  }
0x6f: {  	[sflag:s1] =	ssyncset.done $0x0  }
0x70: {  	[sflag:s1] =	ssyncadd.s32 $0xFFFFD800  }
0x71: {  	[tilespmem:s31], [sflag:$0x1] =	stream.indirect.gather [hbm4b:s18+s3], $0x80, s6, s3, $0xb8;
	[tilespmem:$0x1F000] =	vst v63  }
0x72: {  	s10 =	simm.s32 $0x80  }
0x73: {  	[tilespmem:s5], [sflag:$0x2] =	stream.indirect.gather [hbm4b:s18+s3], $0x80, s10, s3, $0xb8;
	[tilespmem:$0x1F000] =	vst v63  }
0x74: {  	s10 =	simm.s32 $0x100  }
0x75: {  	[tilespmem:s7], [sflag:$0x3] =	stream.indirect.gather [hbm4b:s18+s3], $0x80, s10, s3, $0xb8;
	[tilespmem:$0x1F000] =	vst v63  }
0x76: {  	_ =	swait.ge [sflag:s14], $0x2000  }
0x77: {  	[sflag:s14] =	ssyncset.done $0x0  }
0x78: {  	s10 =	simm.s32 $0x2800;
	[sflag:s14] =	ssyncadd.s32 $0xFFFFE000  }
0x79: {  	[spmem:s15] =	stream.indirect.scatter.add.f32 [tilespmem:s31], [sflag:$0x4], $0x80, s10, s3, $0xb8;
	[tilespmem:$0x1F000] =	vst v63  }
0x7a: {  	_ =	swait.ge [sflag:s1], $0x2000  }
0x7b: {  	[sflag:s1] =	ssyncset.done $0x0  }
0x7c: {  	s10 =	simm.s32 $0x180;
	[sflag:s1] =	ssyncadd.s32 $0xFFFFE000  }
0x7d: {  	[tilespmem:s31], [sflag:$0x1] =	stream.indirect.gather [hbm4b:s18+s3], $0x80, s10, s3, $0xb8;
	[tilespmem:$0x1F000] =	vst v63  }
0x7e: {  	_ =	swait.ge [sflag:s8], $0x2000  }
0x7f: {  	[sflag:s8] =	ssyncset.done $0x0  }
0x80: {  	s10 =	simm.s32 $0x2880;
	[sflag:s8] =	ssyncadd.s32 $0xFFFFE000  }
0x81: {  	[spmem:s15] =	stream.indirect.scatter.add.f32 [tilespmem:s5], [sflag:$0x4], $0x80, s10, s3, $0xb8;
	[tilespmem:$0x1F000] =	vst v63  }
0x82: {  	_ =	swait.ge [sflag:s1], $0x2000  }
0x83: {  	[sflag:s1] =	ssyncset.done $0x0  }
0x84: {  	s10 =	simm.s32 $0x200;
	[sflag:s1] =	ssyncadd.s32 $0xFFFFE000  }
0x85: {  	[tilespmem:s5], [sflag:$0x2] =	stream.indirect.gather [hbm4b:s18+s3], $0x80, s10, s3, $0xb8;
	[tilespmem:$0x1F000] =	vst v63  }
0x86: {  	_ =	swait.ge [sflag:s9], $0x2000  }
0x87: {  	[sflag:s9] =	ssyncset.done $0x0  }
0x88: {  	s10 =	simm.s32 $0x2900;
	[sflag:s9] =	ssyncadd.s32 $0xFFFFE000  }
0x89: {  	[spmem:s15] =	stream.indirect.scatter.add.f32 [tilespmem:s7], [sflag:$0x4], $0x80, s10, s3, $0xb8;
	[tilespmem:$0x1F000] =	vst v63  }
0x8a: {  	_ =	swait.ge [sflag:s1], $0x2000  }
0x8b: {  	[sflag:s1] =	ssyncset.done $0x0  }
0x8c: {  	s30 =	simm.s32 $0x600;
	s6 =	simm.s32 $0x280;
	[sflag:s1] =	ssyncadd.s32 $0xFFFFE000  }
.LBB2_4:
0x8d: {  	[tilespmem:s7], [sflag:$0x3] =	stream.indirect.gather [hbm4b:s18+s3], $0x80, s6, s3, $0xb8;
	[tilespmem:$0x1F000] =	vst v63  }
0x8e: {  	s6 =	smov.u32 s30  }
0x8f: {  	p0 =	sne.s32 s30, $0x9000;
	s30 =	sadd.s32 $0x600, s30;
	_ =	swait.ge [sflag:s14], $0x2000  }
0x90: {  	s6 =	sshra.s32 s6, $0x2;
	[sflag:s14] =	ssyncset.done $0x0  }
0x91: {  	s10 =	sadd.s32 $0x2800, s6;
	[sflag:s14] =	ssyncadd.s32 $0xFFFFE000  }
0x92: {  	[spmem:s15] =	stream.indirect.scatter.add.f32 [tilespmem:s31], [sflag:$0x4], $0x80, s10, s3, $0xb8;
	[tilespmem:$0x1F000] =	vst v63  }
0x93: {  	_ =	swait.ge [sflag:s1], $0x2000  }
0x94: {  	[sflag:s1] =	ssyncset.done $0x0  }
0x95: {  	s10 =	sadd.s32 $0x180, s6;
	[sflag:s1] =	ssyncadd.s32 $0xFFFFE000  }
0x96: {  	[tilespmem:s31], [sflag:$0x1] =	stream.indirect.gather [hbm4b:s18+s3], $0x80, s10, s3, $0xb8;
	[tilespmem:$0x1F000] =	vst v63  }
0x97: {  	_ =	swait.ge [sflag:s8], $0x2000  }
0x98: {  	[sflag:s8] =	ssyncset.done $0x0  }
0x99: {  	s10 =	sadd.s32 $0x2880, s6;
	[sflag:s8] =	ssyncadd.s32 $0xFFFFE000  }
0x9a: {  	[spmem:s15] =	stream.indirect.scatter.add.f32 [tilespmem:s5], [sflag:$0x4], $0x80, s10, s3, $0xb8;
	[tilespmem:$0x1F000] =	vst v63  }
0x9b: {  	_ =	swait.ge [sflag:s1], $0x2000  }
0x9c: {  	[sflag:s1] =	ssyncset.done $0x0  }
0x9d: {  	s10 =	sadd.s32 $0x200, s6;
	[sflag:s1] =	ssyncadd.s32 $0xFFFFE000  }
0x9e: {  	[tilespmem:s5], [sflag:$0x2] =	stream.indirect.gather [hbm4b:s18+s3], $0x80, s10, s3, $0xb8;
	[tilespmem:$0x1F000] =	vst v63  }
0x9f: {  	_ =	swait.ge [sflag:s9], $0x2000  }
0xa0: {  	[sflag:s9] =	ssyncset.done $0x0  }
.Ltmp1:
0xa1: {  	s10 =	sadd.s32 $0x2900, s6;
	[sflag:s9] =	ssyncadd.s32 $0xFFFFE000;
	(pc) =	sbr.rel @p0 .LBB2_4-.Ltmp1, $4  }
0xa2: {  	[spmem:s15] =	stream.indirect.scatter.add.f32 [tilespmem:s7], [sflag:$0x4], $0x80, s10, s3, $0xb8;
	[tilespmem:$0x1F000] =	vst v63  }
0xa3: {  	_ =	swait.ge [sflag:s1], $0x2000  }
0xa4: {  	[sflag:s1] =	ssyncset.done $0x0  }
0xa5: {  	s6 =	sadd.s32 $0x280, s6;
	[sflag:s1] =	ssyncadd.s32 $0xFFFFE000  }
0xa6: {  	[tilespmem:s7], [sflag:$0x3] =	stream.indirect.gather [hbm4b:s18+s3], $0x80, s6, s3, $0xb8;
	[tilespmem:$0x1F000] =	vst v63  }
0xa7: {  	_ =	swait.ge [sflag:s14], $0x2000  }
0xa8: {  	[sflag:s14] =	ssyncset.done $0x0  }
0xa9: {  	s10 =	simm.s32 $0x4D80;
	[sflag:s14] =	ssyncadd.s32 $0xFFFFE000  }
0xaa: {  	[spmem:s15] =	stream.indirect.scatter.add.f32 [tilespmem:s31], [sflag:$0x4], $0x80, s10, s3, $0xb8;
	[tilespmem:$0x1F000] =	vst v63  }
0xab: {  	_ =	swait.ge [sflag:s1], $0x2000  }
0xac: {  	[sflag:s1] =	ssyncset.done $0x0  }
0xad: {  	[sflag:s1] =	ssyncadd.s32 $0xFFFFE000  }
0xae: {  	[tilespmem:s31], [sflag:$0x1] =	stream.indirect.gather [hbm4b:s18+s3], $0x80, s11, s3, $0xb8;
	[tilespmem:$0x1F000] =	vst v63  }
0xaf: {  	_ =	swait.ge [sflag:s8], $0x2000  }
0xb0: {  	[sflag:s8] =	ssyncset.done $0x0  }
0xb1: {  	[sflag:s8] =	ssyncadd.s32 $0xFFFFE000  }
0xb2: {  	[spmem:s15] =	stream.indirect.scatter.add.f32 [tilespmem:s5], [sflag:$0x4], $0x80, s12, s3, $0xb8;
	[tilespmem:$0x1F000] =	vst v63  }
0xb3: {  	_ =	swait.ge [sflag:s1], $0x2000  }
0xb4: {  	[sflag:s1] =	ssyncset.done $0x0  }
0xb5: {  	[sflag:s1] =	ssyncadd.s32 $0xFFFFE000  }
0xb6: {  	[tilespmem:s5], [sflag:$0x2] =	stream.indirect.gather [hbm4b:s18+s3], $0x80, s13, s3, $0xb8;
	[tilespmem:$0x1F000] =	vst v63  }
0xb7: {  	_ =	swait.ge [sflag:s9], $0x2000  }
0xb8: {  	[sflag:s9] =	ssyncset.done $0x0  }
0xb9: {  	[sflag:s9] =	ssyncadd.s32 $0xFFFFE000  }
0xba: {  	[spmem:s15] =	stream.indirect.scatter.add.f32 [tilespmem:s7], [sflag:$0x4], $0x80, s16, s3, $0xb8;
	[tilespmem:$0x1F000] =	vst v63  }
0xbb: {  	_ =	swait.ge [sflag:s1], $0x2000  }
0xbc: {  	[sflag:s1] =	ssyncset.done $0x0  }
0xbd: {  	[sflag:s1] =	ssyncadd.s32 $0xFFFFE000  }
0xbe: {  	_ =	swait.ge [sflag:s14], $0x2000  }
0xbf: {  	[sflag:s14] =	ssyncset.done $0x0  }
0xc0: {  	[sflag:s14] =	ssyncadd.s32 $0xFFFFE000  }
0xc1: {  	[spmem:s15] =	stream.indirect.scatter.add.f32 [tilespmem:s31], [sflag:$0x4], $0x80, s17, s3, $0xb8;
	[tilespmem:$0x1F000] =	vst v63  }
0xc2: {  	_ =	swait.ge [sflag:s1], $0x2000  }
0xc3: {  	[sflag:s1] =	ssyncset.done $0x0  }
0xc4: {  	[sflag:s1] =	ssyncadd.s32 $0xFFFFE000  }
0xc5: {  	_ =	swait.ge [sflag:s8], $0x2000  }
0xc6: {  	[sflag:s8] =	ssyncset.done $0x0  }
0xc7: {  	[sflag:s8] =	ssyncadd.s32 $0xFFFFE000  }
0xc8: {  	[spmem:s15] =	stream.indirect.scatter.add.f32 [tilespmem:s5], [sflag:$0x4], $0x80, s2, s3, $0xb8;
	[tilespmem:$0x1F000] =	vst v63  }
0xc9: {  	_ =	swait.ge [sflag:s1], $0x2000  }
0xca: {  	[sflag:s1] =	ssyncset.done $0x0  }
0xcb: {  	s6 =	simm.s32 $0x0;
	s10 =	rddreg [dreg:$0x5];
	[sflag:s1] =	ssyncadd.s32 $0xFFFFE000  }
0xcc: {  	[tilespmem:s6], [sflag:$0x4] =	stream.linear.gather [hbm4b:s10+s6], $0x2800, $0x38;
	[tilespmem:$0x1F000] =	vst v63  }
0xcd: {  	_ =	swait.ge [sflag:s1], $0x2800  }
0xce: {  	[sflag:s1] =	ssyncset.done $0x0  }
0xcf: {  	s30 =	simm.s32 $0x2800;
	s10 =	rddreg [dreg:$0x6];
	[sflag:s1] =	ssyncadd.s32 $0xFFFFD800  }
0xd0: {  	[tilespmem:s30], [sflag:$0x4] =	stream.linear.gather [hbm4b:s10+s6], $0x2800, $0x38;
	[tilespmem:$0x1F000] =	vst v63  }
0xd1: {  	_ =	swait.ge [sflag:s1], $0x2800  }
0xd2: {  	[sflag:s1] =	ssyncset.done $0x0  }
0xd3: {  	[sflag:s1] =	ssyncadd.s32 $0xFFFFD800  }
0xd4: {  	[tilespmem:s31], [sflag:$0x1] =	stream.indirect.gather [hbm4b:s18+s3], $0x80, s6, s3, $0xb8;
	[tilespmem:$0x1F000] =	vst v63  }
0xd5: {  	s10 =	simm.s32 $0x80  }
0xd6: {  	[tilespmem:s5], [sflag:$0x2] =	stream.indirect.gather [hbm4b:s18+s3], $0x80, s10, s3, $0xb8;
	[tilespmem:$0x1F000] =	vst v63  }
0xd7: {  	s10 =	simm.s32 $0x100  }
0xd8: {  	[tilespmem:s7], [sflag:$0x3] =	stream.indirect.gather [hbm4b:s18+s3], $0x80, s10, s3, $0xb8;
	[tilespmem:$0x1F000] =	vst v63  }
0xd9: {  	_ =	swait.ge [sflag:s14], $0x2000  }
0xda: {  	[sflag:s14] =	ssyncset.done $0x0  }
0xdb: {  	s10 =	simm.s32 $0x2800;
	[sflag:s14] =	ssyncadd.s32 $0xFFFFE000  }
0xdc: {  	[spmem:s15] =	stream.indirect.scatter.add.f32 [tilespmem:s31], [sflag:$0x4], $0x80, s10, s3, $0xb8;
	[tilespmem:$0x1F000] =	vst v63  }
0xdd: {  	_ =	swait.ge [sflag:s1], $0x2000  }
0xde: {  	[sflag:s1] =	ssyncset.done $0x0  }
0xdf: {  	s10 =	simm.s32 $0x180;
	[sflag:s1] =	ssyncadd.s32 $0xFFFFE000  }
0xe0: {  	[tilespmem:s31], [sflag:$0x1] =	stream.indirect.gather [hbm4b:s18+s3], $0x80, s10, s3, $0xb8;
	[tilespmem:$0x1F000] =	vst v63  }
0xe1: {  	_ =	swait.ge [sflag:s8], $0x2000  }
0xe2: {  	[sflag:s8] =	ssyncset.done $0x0  }
0xe3: {  	s10 =	simm.s32 $0x2880;
	[sflag:s8] =	ssyncadd.s32 $0xFFFFE000  }
0xe4: {  	[spmem:s15] =	stream.indirect.scatter.add.f32 [tilespmem:s5], [sflag:$0x4], $0x80, s10, s3, $0xb8;
	[tilespmem:$0x1F000] =	vst v63  }
0xe5: {  	_ =	swait.ge [sflag:s1], $0x2000  }
0xe6: {  	[sflag:s1] =	ssyncset.done $0x0  }
0xe7: {  	s10 =	simm.s32 $0x200;
	[sflag:s1] =	ssyncadd.s32 $0xFFFFE000  }
0xe8: {  	[tilespmem:s5], [sflag:$0x2] =	stream.indirect.gather [hbm4b:s18+s3], $0x80, s10, s3, $0xb8;
	[tilespmem:$0x1F000] =	vst v63  }
0xe9: {  	_ =	swait.ge [sflag:s9], $0x2000  }
0xea: {  	[sflag:s9] =	ssyncset.done $0x0  }
0xeb: {  	s10 =	simm.s32 $0x2900;
	[sflag:s9] =	ssyncadd.s32 $0xFFFFE000  }
0xec: {  	[spmem:s15] =	stream.indirect.scatter.add.f32 [tilespmem:s7], [sflag:$0x4], $0x80, s10, s3, $0xb8;
	[tilespmem:$0x1F000] =	vst v63  }
0xed: {  	_ =	swait.ge [sflag:s1], $0x2000  }
0xee: {  	[sflag:s1] =	ssyncset.done $0x0  }
0xef: {  	s30 =	simm.s32 $0x600;
	s6 =	simm.s32 $0x280;
	[sflag:s1] =	ssyncadd.s32 $0xFFFFE000  }
.LBB2_6:
0xf0: {  	[tilespmem:s7], [sflag:$0x3] =	stream.indirect.gather [hbm4b:s18+s3], $0x80, s6, s3, $0xb8;
	[tilespmem:$0x1F000] =	vst v63  }
0xf1: {  	s6 =	smov.u32 s30  }
0xf2: {  	p0 =	sne.s32 s30, $0x9000;
	s30 =	sadd.s32 $0x600, s30;
	_ =	swait.ge [sflag:s14], $0x2000  }
0xf3: {  	s6 =	sshra.s32 s6, $0x2;
	[sflag:s14] =	ssyncset.done $0x0  }
0xf4: {  	s10 =	sadd.s32 $0x2800, s6;
	[sflag:s14] =	ssyncadd.s32 $0xFFFFE000  }
0xf5: {  	[spmem:s15] =	stream.indirect.scatter.add.f32 [tilespmem:s31], [sflag:$0x4], $0x80, s10, s3, $0xb8;
	[tilespmem:$0x1F000] =	vst v63  }
0xf6: {  	_ =	swait.ge [sflag:s1], $0x2000  }
0xf7: {  	[sflag:s1] =	ssyncset.done $0x0  }
0xf8: {  	s10 =	sadd.s32 $0x180, s6;
	[sflag:s1] =	ssyncadd.s32 $0xFFFFE000  }
0xf9: {  	[tilespmem:s31], [sflag:$0x1] =	stream.indirect.gather [hbm4b:s18+s3], $0x80, s10, s3, $0xb8;
	[tilespmem:$0x1F000] =	vst v63  }
0xfa: {  	_ =	swait.ge [sflag:s8], $0x2000  }
0xfb: {  	[sflag:s8] =	ssyncset.done $0x0  }
0xfc: {  	s10 =	sadd.s32 $0x2880, s6;
	[sflag:s8] =	ssyncadd.s32 $0xFFFFE000  }
0xfd: {  	[spmem:s15] =	stream.indirect.scatter.add.f32 [tilespmem:s5], [sflag:$0x4], $0x80, s10, s3, $0xb8;
	[tilespmem:$0x1F000] =	vst v63  }
0xfe: {  	_ =	swait.ge [sflag:s1], $0x2000  }
0xff: {  	[sflag:s1] =	ssyncset.done $0x0  }
0x100: {  	s10 =	sadd.s32 $0x200, s6;
	[sflag:s1] =	ssyncadd.s32 $0xFFFFE000  }
0x101: {  	[tilespmem:s5], [sflag:$0x2] =	stream.indirect.gather [hbm4b:s18+s3], $0x80, s10, s3, $0xb8;
	[tilespmem:$0x1F000] =	vst v63  }
0x102: {  	_ =	swait.ge [sflag:s9], $0x2000  }
0x103: {  	[sflag:s9] =	ssyncset.done $0x0  }
.Ltmp2:
0x104: {  	s10 =	sadd.s32 $0x2900, s6;
	[sflag:s9] =	ssyncadd.s32 $0xFFFFE000;
	(pc) =	sbr.rel @p0 .LBB2_6-.Ltmp2, $4  }
0x105: {  	[spmem:s15] =	stream.indirect.scatter.add.f32 [tilespmem:s7], [sflag:$0x4], $0x80, s10, s3, $0xb8;
	[tilespmem:$0x1F000] =	vst v63  }
0x106: {  	_ =	swait.ge [sflag:s1], $0x2000  }
0x107: {  	[sflag:s1] =	ssyncset.done $0x0  }
0x108: {  	s6 =	sadd.s32 $0x280, s6;
	[sflag:s1] =	ssyncadd.s32 $0xFFFFE000  }
0x109: {  	[tilespmem:s7], [sflag:$0x3] =	stream.indirect.gather [hbm4b:s18+s3], $0x80, s6, s3, $0xb8;
	[tilespmem:$0x1F000] =	vst v63  }
0x10a: {  	_ =	swait.ge [sflag:s14], $0x2000  }
0x10b: {  	[sflag:s14] =	ssyncset.done $0x0  }
0x10c: {  	s10 =	simm.s32 $0x4D80;
	[sflag:s14] =	ssyncadd.s32 $0xFFFFE000  }
0x10d: {  	[spmem:s15] =	stream.indirect.scatter.add.f32 [tilespmem:s31], [sflag:$0x4], $0x80, s10, s3, $0xb8;
	[tilespmem:$0x1F000] =	vst v63  }
0x10e: {  	_ =	swait.ge [sflag:s1], $0x2000  }
0x10f: {  	[sflag:s1] =	ssyncset.done $0x0  }
0x110: {  	[sflag:s1] =	ssyncadd.s32 $0xFFFFE000  }
0x111: {  	[tilespmem:s31], [sflag:$0x1] =	stream.indirect.gather [hbm4b:s18+s3], $0x80, s11, s3, $0xb8;
	[tilespmem:$0x1F000] =	vst v63  }
0x112: {  	_ =	swait.ge [sflag:s8], $0x2000  }
0x113: {  	[sflag:s8] =	ssyncset.done $0x0  }
0x114: {  	[sflag:s8] =	ssyncadd.s32 $0xFFFFE000  }
0x115: {  	[spmem:s15] =	stream.indirect.scatter.add.f32 [tilespmem:s5], [sflag:$0x4], $0x80, s12, s3, $0xb8;
	[tilespmem:$0x1F000] =	vst v63  }
0x116: {  	_ =	swait.ge [sflag:s1], $0x2000  }
0x117: {  	[sflag:s1] =	ssyncset.done $0x0  }
0x118: {  	[sflag:s1] =	ssyncadd.s32 $0xFFFFE000  }
0x119: {  	[tilespmem:s5], [sflag:$0x2] =	stream.indirect.gather [hbm4b:s18+s3], $0x80, s13, s3, $0xb8;
	[tilespmem:$0x1F000] =	vst v63  }
0x11a: {  	_ =	swait.ge [sflag:s9], $0x2000  }
0x11b: {  	[sflag:s9] =	ssyncset.done $0x0  }
0x11c: {  	[sflag:s9] =	ssyncadd.s32 $0xFFFFE000  }
0x11d: {  	[spmem:s15] =	stream.indirect.scatter.add.f32 [tilespmem:s7], [sflag:$0x4], $0x80, s16, s3, $0xb8;
	[tilespmem:$0x1F000] =	vst v63  }
0x11e: {  	_ =	swait.ge [sflag:s1], $0x2000  }
0x11f: {  	[sflag:s1] =	ssyncset.done $0x0  }
0x120: {  	[sflag:s1] =	ssyncadd.s32 $0xFFFFE000  }
0x121: {  	_ =	swait.ge [sflag:s14], $0x2000  }
0x122: {  	[sflag:s14] =	ssyncset.done $0x0  }
0x123: {  	[sflag:s14] =	ssyncadd.s32 $0xFFFFE000  }
0x124: {  	[spmem:s15] =	stream.indirect.scatter.add.f32 [tilespmem:s31], [sflag:$0x4], $0x80, s17, s3, $0xb8;
	[tilespmem:$0x1F000] =	vst v63  }
0x125: {  	_ =	swait.ge [sflag:s1], $0x2000  }
0x126: {  	[sflag:s1] =	ssyncset.done $0x0  }
0x127: {  	[sflag:s1] =	ssyncadd.s32 $0xFFFFE000  }
0x128: {  	_ =	swait.ge [sflag:s8], $0x2000  }
0x129: {  	[sflag:s8] =	ssyncset.done $0x0  }
0x12a: {  	[sflag:s8] =	ssyncadd.s32 $0xFFFFE000  }
0x12b: {  	[spmem:s15] =	stream.indirect.scatter.add.f32 [tilespmem:s5], [sflag:$0x4], $0x80, s2, s3, $0xb8;
	[tilespmem:$0x1F000] =	vst v63  }
0x12c: {  	_ =	swait.ge [sflag:s1], $0x2000  }
0x12d: {  	[sflag:s1] =	ssyncset.done $0x0  }
0x12e: {  	[sflag:s1] =	ssyncadd.s32 $0xFFFFE000  }
0x12f: {  	[bflag:$0x0] =	sbarrier.arrive $0xFFFF  }
0x130: {  	[tilespmem:s31], [sflag:$0x4] =	stream.linear.gather [spmem:s19], $0x2000, $0x38;
	[tilespmem:$0x1F000] =	vst v63  }
0x131: {  	_ =	swait.ge [sflag:s1], $0x2000  }
0x132: {  	[sflag:s1] =	ssyncset.done $0x0  }
0x133: {  	s30 =	rddreg [dreg:$0x7];
	[sflag:s1] =	ssyncadd.s32 $0xFFFFE000  }
0x134: {  	[hbm4b:s30+s0] =	stream.linear.scatter [tilespmem:s31], [sflag:$0x1], $0x2000, $0x38;
	[tilespmem:$0x1F000] =	vst v63  }
0x135: {  	_ = 	snop  }
0x136: {  	[tilespmem:s5], [sflag:$0x4] =	stream.linear.gather [spmem:s20], $0x2000, $0x38;
	[tilespmem:$0x1F000] =	vst v63  }
0x137: {  	_ =	swait.ge [sflag:s1], $0x2000  }
0x138: {  	[sflag:s1] =	ssyncset.done $0x0  }
0x139: {  	s10 =	rddreg [dreg:$0x8];
	[sflag:s1] =	ssyncadd.s32 $0xFFFFE000  }
0x13a: {  	[hbm4b:s10+s0] =	stream.linear.scatter [tilespmem:s5], [sflag:$0x2], $0x2000, $0x38;
	[tilespmem:$0x1F000] =	vst v63  }
0x13b: {  	_ =	swait.ge [sflag:s14], $0x2000  }
0x13c: {  	[sflag:s14] =	ssyncset.done $0x0  }
0x13d: {  	[sflag:s14] =	ssyncadd.s32 $0xFFFFE000  }
0x13e: {  	[tilespmem:s31], [sflag:$0x4] =	stream.linear.gather [spmem:s21], $0x2000, $0x38;
	[tilespmem:$0x1F000] =	vst v63  }
0x13f: {  	_ =	swait.ge [sflag:s1], $0x2000  }
0x140: {  	[sflag:s1] =	ssyncset.done $0x0  }
0x141: {  	s30 =	rddreg [dreg:$0x9];
	[sflag:s1] =	ssyncadd.s32 $0xFFFFE000  }
0x142: {  	[hbm4b:s30+s0] =	stream.linear.scatter [tilespmem:s31], [sflag:$0x1], $0x2000, $0x38;
	[tilespmem:$0x1F000] =	vst v63  }
0x143: {  	_ =	swait.ge [sflag:s8], $0x2000  }
0x144: {  	[sflag:s8] =	ssyncset.done $0x0  }
0x145: {  	[sflag:s8] =	ssyncadd.s32 $0xFFFFE000  }
0x146: {  	[tilespmem:s5], [sflag:$0x4] =	stream.linear.gather [spmem:s22], $0x2000, $0x38;
	[tilespmem:$0x1F000] =	vst v63  }
0x147: {  	_ =	swait.ge [sflag:s1], $0x2000  }
0x148: {  	[sflag:s1] =	ssyncset.done $0x0  }
0x149: {  	s10 =	rddreg [dreg:$0xa];
	[sflag:s1] =	ssyncadd.s32 $0xFFFFE000  }
0x14a: {  	[hbm4b:s10+s0] =	stream.linear.scatter [tilespmem:s5], [sflag:$0x2], $0x2000, $0x38;
	[tilespmem:$0x1F000] =	vst v63  }
0x14b: {  	_ =	swait.ge [sflag:s14], $0x2000  }
0x14c: {  	[sflag:s14] =	ssyncset.done $0x0  }
0x14d: {  	[sflag:s14] =	ssyncadd.s32 $0xFFFFE000  }
0x14e: {  	[tilespmem:s31], [sflag:$0x4] =	stream.linear.gather [spmem:s23], $0x2000, $0x38;
	[tilespmem:$0x1F000] =	vst v63  }
0x14f: {  	_ =	swait.ge [sflag:s1], $0x2000  }
0x150: {  	[sflag:s1] =	ssyncset.done $0x0  }
0x151: {  	s30 =	rddreg [dreg:$0xb];
	[sflag:s1] =	ssyncadd.s32 $0xFFFFE000  }
0x152: {  	[hbm4b:s30+s0] =	stream.linear.scatter [tilespmem:s31], [sflag:$0x1], $0x2000, $0x38;
	[tilespmem:$0x1F000] =	vst v63  }
0x153: {  	_ =	swait.ge [sflag:s8], $0x2000  }
0x154: {  	[sflag:s8] =	ssyncset.done $0x0  }
0x155: {  	[sflag:s8] =	ssyncadd.s32 $0xFFFFE000  }
0x156: {  	[tilespmem:s5], [sflag:$0x4] =	stream.linear.gather [spmem:s24], $0x2000, $0x38;
	[tilespmem:$0x1F000] =	vst v63  }
0x157: {  	_ =	swait.ge [sflag:s1], $0x2000  }
0x158: {  	[sflag:s1] =	ssyncset.done $0x0  }
0x159: {  	s10 =	rddreg [dreg:$0xc];
	[sflag:s1] =	ssyncadd.s32 $0xFFFFE000  }
0x15a: {  	[hbm4b:s10+s0] =	stream.linear.scatter [tilespmem:s5], [sflag:$0x2], $0x2000, $0x38;
	[tilespmem:$0x1F000] =	vst v63  }
0x15b: {  	_ =	swait.ge [sflag:s14], $0x2000  }
0x15c: {  	[sflag:s14] =	ssyncset.done $0x0  }
0x15d: {  	[sflag:s14] =	ssyncadd.s32 $0xFFFFE000  }
0x15e: {  	[tilespmem:s31], [sflag:$0x4] =	stream.linear.gather [spmem:s25], $0x2000, $0x38;
	[tilespmem:$0x1F000] =	vst v63  }
0x15f: {  	_ =	swait.ge [sflag:s1], $0x2000  }
0x160: {  	[sflag:s1] =	ssyncset.done $0x0  }
0x161: {  	s30 =	rddreg [dreg:$0xd];
	[sflag:s1] =	ssyncadd.s32 $0xFFFFE000  }
0x162: {  	[hbm4b:s30+s0] =	stream.linear.scatter [tilespmem:s31], [sflag:$0x1], $0x2000, $0x38;
	[tilespmem:$0x1F000] =	vst v63  }
0x163: {  	_ =	swait.ge [sflag:s8], $0x2000  }
0x164: {  	[sflag:s8] =	ssyncset.done $0x0  }
0x165: {  	[sflag:s8] =	ssyncadd.s32 $0xFFFFE000  }
0x166: {  	[tilespmem:s5], [sflag:$0x4] =	stream.linear.gather [spmem:s26], $0x2000, $0x38;
	[tilespmem:$0x1F000] =	vst v63  }
0x167: {  	_ =	swait.ge [sflag:s1], $0x2000  }
0x168: {  	[sflag:s1] =	ssyncset.done $0x0  }
0x169: {  	s10 =	rddreg [dreg:$0xe];
	[sflag:s1] =	ssyncadd.s32 $0xFFFFE000  }
0x16a: {  	[hbm4b:s10+s0] =	stream.linear.scatter [tilespmem:s5], [sflag:$0x2], $0x2000, $0x38;
	[tilespmem:$0x1F000] =	vst v63  }
0x16b: {  	_ =	swait.ge [sflag:s14], $0x2000  }
0x16c: {  	[sflag:s14] =	ssyncset.done $0x0  }
0x16d: {  	[sflag:s14] =	ssyncadd.s32 $0xFFFFE000  }
0x16e: {  	[tilespmem:s31], [sflag:$0x4] =	stream.linear.gather [spmem:s28], $0x2000, $0x38;
	[tilespmem:$0x1F000] =	vst v63  }
0x16f: {  	_ =	swait.ge [sflag:s1], $0x2000  }
0x170: {  	[sflag:s1] =	ssyncset.done $0x0  }
0x171: {  	s30 =	rddreg [dreg:$0xf];
	[sflag:s1] =	ssyncadd.s32 $0xFFFFE000  }
0x172: {  	[hbm4b:s30+s0] =	stream.linear.scatter [tilespmem:s31], [sflag:$0x1], $0x2000, $0x38;
	[tilespmem:$0x1F000] =	vst v63  }
0x173: {  	_ =	swait.ge [sflag:s8], $0x2000  }
0x174: {  	[sflag:s8] =	ssyncset.done $0x0  }
0x175: {  	[sflag:s8] =	ssyncadd.s32 $0xFFFFE000  }
0x176: {  	[tilespmem:s5], [sflag:$0x4] =	stream.linear.gather [spmem:s29], $0x2000, $0x38;
	[tilespmem:$0x1F000] =	vst v63  }
0x177: {  	_ =	swait.ge [sflag:s1], $0x2000  }
0x178: {  	[sflag:s1] =	ssyncset.done $0x0  }
0x179: {  	s10 =	rddreg [dreg:$0x10];
	[sflag:s1] =	ssyncadd.s32 $0xFFFFE000  }
0x17a: {  	[hbm4b:s10+s0] =	stream.linear.scatter [tilespmem:s5], [sflag:$0x2], $0x2000, $0x38;
	[tilespmem:$0x1F000] =	vst v63  }
0x17b: {  	_ =	swait.ge [sflag:s14], $0x2000  }
0x17c: {  	[sflag:s14] =	ssyncset.done $0x0  }
0x17d: {  	[sflag:s14] =	ssyncadd.s32 $0xFFFFE000  }
0x17e: {  	_ =	swait.ge [sflag:s8], $0x2000  }
0x17f: {  	s4 =	sadd.s32 $0x1, s4;
	s30 =	rddreg [dreg:$0x11]  }
0x180: {  	p0 =	sne.s32 s4, s30  }
.Ltmp3:
0x181: {  	_ = 	snop;
	(pc) =	sbr.rel @p0 .LBB2_1-.Ltmp3, $3  }
0x182: {  	_ =	sdelay $0x1  }
0x183: {  	[sflag:s8] =	ssyncset.done $0x0  }
0x184: {  	[sflag:s8] =	ssyncadd.s32 $0xFFFFE000  }
0x185: {  	_ =	sfence.sel $0x180000  }
0x186: {  	[bflag:$0x0] =	sbarrier.arrive $0xFFFF  }
0x187: {  	_ =	strace $0x9000004A  }
0x188: {  	s0 =	stileid.u32;
	[bflag:$0x2] =	sbarrier.arrive $0xFFFF  }
0x189: {  	p0 =	sne.s32 s0, $0x0;
	s0 =	rddreg [dreg:$0x2]  }
0x18a: {  	s0 =	sadd.s32 @!p0 $0x100000, s0  }
0x18b: {  	[sflag:s0] =	ssyncadd.tile.s32 @!p0 $0x1;
	_ =	shalt  }
.Lfunc_end2:
_tile_overlayer_lowered:
.L_overlay_start_2:
0x18c: {  	(tag) =	ssettag $0x2  }
0x18d: {  	s0 =	rddreg [dreg:$0x0];
	s2 =	stileid.u32  }
0x18e: {  	s1 =	rddreg [dreg:$0x1];
	p0 =	sne.s32 s2, $0x0  }
0x18f: {  	s3 =	rddreg [dreg:$0x2];
	[bflag:$0x3] =	sbarrier.arrive $0xFFFF;
	s2 =	simm.s32 @!p0 $0x1C04  }
0x190: {  	[timem:s3], [sflag:s2] =	dma.local @!p0 [hbm:s0], s1  }
0x191: {  	s0 =	simm.s32 @!p0 $0x4  }
0x192: {  	_ =	swait.ge @!p0 [sflag:s0], s1  }
0x193: {  	s1 =	ssub.s32 @!p0 $0x0, s1;
	[sflag:s0] =	ssyncset.done @!p0 $0x0  }
0x194: {  	[sflag:s0] =	ssyncadd.s32 @!p0 s1  }
0x195: {  	[bflag:$0x3] =	sbarrier.arrive $0xFFFF  }
0x196: {  	_ =	shalt  }

// kernel: sc_segment_sum_cnt.3.cloned.1.call-start
scs
__scs_entry_jumppad:
0x0: {  	(pc) =	sbr.rel $0x88, $3  }
0x1: {  	(tag) =	ssettag $0x0;
	lr =	simm.s32 $0x1  }
0x2: {  	[smem:$0x3F8B] =	sst lr;
	_ =	strace $0xD0000000  }
0x3: {  	_ = 	snop  }
0x4: {  	_ = 	snop  }
0x5: {  	_ = 	snop  }
0x6: {  	_ = 	snop  }
0x7: {  	_ = 	snop  }
__scs_overlays_trampoline_lowered:
0x8: {  	[smem:$0x3F9A] =	sst s0  }
0x9: {  	[smem:$0x3F9B] =	sst s1  }
0xa: {  	[smem:$0x3F9C] =	sst s2  }
0xb: {  	[smem:$0x3F9D] =	sst s3  }
0xc: {  	[smem:$0x3F9E] =	sst s4  }
0xd: {  	[smem:$0x3F9F] =	sst s5  }
0xe: {  	[smem:$0x3FA0] =	sst s6  }
0xf: {  	[smem:$0x3FA1] =	sst s7  }
0x10: {  	[smem:$0x3FA2] =	sst s8  }
0x11: {  	[smem:$0x3FA3] =	sst s9;
	s0 =	simm.s32 @!p0 $0x0  }
0x12: {  	s1 =	sld [smem:$0x3F89];
	s0 =	simm.s32 @p0 $0x1  }
0x13: {  	[smem:$0x3FA4] =	sst s0;
	s0 =	simm.s32 @!p1 $0x0  }
0x14: {  	s2 =	sld [smem:$0x3F88];
	s0 =	simm.s32 @p1 $0x1  }
0x15: {  	[smem:$0x3FA5] =	sst s0;
	s0 =	simm.s32 @!p2 $0x0  }
0x16: {  	s3 =	sld [smem:$0x3FDB];
	s0 =	simm.s32 @p2 $0x1  }
0x17: {  	s4 =	simm.s32 $0x1BF5;
	[smem:$0x3FA7] =	sst s0  }
0x18: {  	s0 =	sld [smem:$0x3F8A];
	_ =	swait.ge [sflag:s4], $0x0  }
0x19: {  	s7 =	sld [smem:$0x3F8B]  }
0x1a: {  	s8 =	sadd.s32 $0xFFFFE003, lr  }
0x1b: {  	s9 =	sadd.s32 $0xFFFFFEF7, lr;
	s5 =	simm.s32 $0xFFFFFFFF;
	p2 =	slt.u32 s8, $0xFFFFF086  }
0x1c: {  	p1 =	slt.u32 s9, $0xF7A;
	s5 =	simm.s32 @!p2 $0x0  }
0x1d: {  	s5 =	simm.s32 @p1 $0x1;
	p0 =	seq.s32 s7, s2  }
0x1e: {  	s7 =	smul.u32 @!p0 $0xF7A, s2;
	p2 =	seq.s32 @!p0 s5, $0x0  }
0x1f: {  	s9 =	smul.u32 $0xF7A, s1;
	s8 =	simm.s32 @!p0 $0x1BF5;
	p2 =	por !p2, p0  }
0x20: {  	[sflag:s8] =	ssyncset.s32 @!p0 $0xFFFFF086;
	s6 =	sadd.s32 @!p0 s3, s7;
	s7 =	simm.s32 @!p0 $0x108  }
0x21: {  	s3 =	sadd.s32 s3, s9;
	s6 =	sadd.s32 @!p0 $0x88, s6;
	s7 =	simm.s32 @p2 $0x1082  }
0x22: {  	[simem:s7], [sflag:s8] =	dma.local @!p0 [hbm:s6], $0xF7A  }
0x23: {  	s9 =	sor.u32 $0xD0000000, s2;
	s6 =	simm.s32 $0x108;
	_ =	swait.ge @!p0 [sflag:s8], $0x0  }
0x24: {  	s3 =	sadd.s32 $0x88, s3;
	s6 =	simm.s32 @!p1 $0x1082;
	[sflag:s4] =	ssyncset.s32 $0xFFFFF086  }
0x25: {  	[simem:s6], [sflag:s4] =	dma.local [hbm:s3], $0xF7A  }
0x26: {  	[smem:$0x3F8B] =	sst s1;
	(tag) =	ssettag s2;
	_ =	strace s9  }
0x27: {  	s1 =	sld [smem:$0x3F9B]  }
0x28: {  	s2 =	sld [smem:$0x3F9C]  }
0x29: {  	s4 =	sld [smem:$0x3F9E]  }
0x2a: {  	p0 =	seq.s32 s5, $0x0;
	s5 =	sld [smem:$0x3F9F]  }
0x2b: {  	s6 =	sld [smem:$0x3FA0]  }
0x2c: {  	s7 =	sld [smem:$0x3FA1]  }
0x2d: {  	s3 =	simm.s32 $0x108;
	s8 =	sld [smem:$0x3FA2]  }
0x2e: {  	s3 =	simm.s32 @!p0 $0x1082;
	s9 =	sld [smem:$0x3FA3]  }
0x2f: {  	lr =	sadd.s32 s0, s3;
	s0 =	sld [smem:$0x3F9A]  }
0x30: {  	s3 =	sld [smem:$0x3F9D]  }
0x31: {  	[smem:$0x3FA6] =	sst s10  }
0x32: {  	s10 =	sld [smem:$0x3FA4];
	_ =	sdelay $0x3  }
0x33: {  	p0 =	seq.s32 s10, $0x1;
	s10 =	sld [smem:$0x3FA6];
	_ =	sdelay $0x3  }
0x34: {  	[smem:$0x3FA6] =	sst s10  }
0x35: {  	s10 =	sld [smem:$0x3FA5];
	_ =	sdelay $0x3  }
0x36: {  	p1 =	seq.s32 s10, $0x1;
	s10 =	sld [smem:$0x3FA6];
	_ =	sdelay $0x3  }
0x37: {  	[smem:$0x3FA6] =	sst s10  }
0x38: {  	s10 =	sld [smem:$0x3FA7]  }
0x39: {  	_ = 	snop;
	(pc) =	sbr.ind lr, $3  }
0x3a: {  	_ = 	snop  }
0x3b: {  	_ = 	snop  }
0x3c: {  	p2 =	seq.s32 s10, $0x1;
	s10 =	sld [smem:$0x3FA6]  }
0x3d: {  	_ =	shalt  }
0x3e: {  	_ =	shalt  }
0x3f: {  	_ =	shalt  }
0x40: {  	_ =	shalt  }
0x41: {  	_ =	shalt  }
0x42: {  	_ =	shalt  }
0x43: {  	_ =	shalt  }
0x44: {  	_ =	shalt  }
0x45: {  	_ =	shalt  }
0x46: {  	_ =	shalt  }
0x47: {  	_ =	shalt  }
0x48: {  	_ =	shalt  }
0x49: {  	_ =	shalt  }
0x4a: {  	_ =	shalt  }
0x4b: {  	_ =	shalt  }
0x4c: {  	_ =	shalt  }
0x4d: {  	_ =	shalt  }
0x4e: {  	_ =	shalt  }
0x4f: {  	_ =	shalt  }
0x50: {  	_ =	shalt  }
0x51: {  	_ =	shalt  }
0x52: {  	_ =	shalt  }
0x53: {  	_ =	shalt  }
0x54: {  	_ =	shalt  }
0x55: {  	_ =	shalt  }
0x56: {  	_ =	shalt  }
0x57: {  	_ =	shalt  }
0x58: {  	_ =	shalt  }
0x59: {  	_ =	shalt  }
0x5a: {  	_ =	shalt  }
0x5b: {  	_ =	shalt  }
0x5c: {  	_ =	shalt  }
0x5d: {  	_ =	shalt  }
0x5e: {  	_ =	shalt  }
0x5f: {  	_ =	shalt  }
0x60: {  	_ =	shalt  }
0x61: {  	_ =	shalt  }
0x62: {  	_ =	shalt  }
0x63: {  	_ =	shalt  }
0x64: {  	_ =	shalt  }
0x65: {  	_ =	shalt  }
0x66: {  	_ =	shalt  }
0x67: {  	_ =	shalt  }
0x68: {  	_ =	shalt  }
0x69: {  	_ =	shalt  }
0x6a: {  	_ =	shalt  }
0x6b: {  	_ =	shalt  }
0x6c: {  	_ =	shalt  }
0x6d: {  	_ =	shalt  }
0x6e: {  	_ =	shalt  }
0x6f: {  	_ =	shalt  }
0x70: {  	_ =	shalt  }
0x71: {  	_ =	shalt  }
0x72: {  	_ =	shalt  }
0x73: {  	_ =	shalt  }
0x74: {  	_ =	shalt  }
0x75: {  	_ =	shalt  }
0x76: {  	_ =	shalt  }
0x77: {  	_ =	shalt  }
0x78: {  	_ =	shalt  }
0x79: {  	_ =	shalt  }
0x7a: {  	_ =	shalt  }
0x7b: {  	_ =	shalt  }
0x7c: {  	_ =	shalt  }
0x7d: {  	_ =	shalt  }
0x7e: {  	_ =	shalt  }
0x7f: {  	_ =	shalt  }
0x80: {  	_ =	shalt  }
0x81: {  	_ =	shalt  }
0x82: {  	_ =	shalt  }
0x83: {  	_ =	shalt  }
0x84: {  	_ =	shalt  }
0x85: {  	_ =	shalt  }
0x86: {  	_ =	shalt  }
0x87: {  	_ =	shalt  }
.Lfunc_end0:
.L_simem_size_0:
called_computation_lowered:
.L_overlay_start_0:
0x88: {  	s2 =	sld [smem:$0x3FD9]  }
0x89: {  	s3 =	sld [smem:$0x3FFE];
	_ =	sdelay $0x1  }
0x8a: {  	s1 =	srdreg.scid  }
0x8b: {  	s0 =	sand.u32 $0x1, s1  }
0x8c: {  	s16 =	sshll.u32 s0, $0xA;
	s2 =	sadd.s32 s3, s2  }
0x8d: {  	s2 =	sadd.s32 s2, s16  }
0x8e: {  	[smem:$0x3FB2] =	sst s2  }
0x8f: {  	_ = 	snop  }
0x90: {  	(tm) =	ssettm $0x1  }
0x91: {  	s17 =	sld [smem:$0x3FFB];
	_ =	sdelay $0x3  }
0x92: {  	_ =	strace s17  }
0x93: {  	s2 =	sld [smem:$0x3FFC];
	_ =	sdelay $0x3  }
0x94: {  	_ =	strace s2  }
0x95: {  	s2 =	sld [smem:$0x3FFD];
	_ =	sdelay $0x3  }
0x96: {  	_ =	strace s2  }
0x97: {  	_ =	strace $0x8FFFFFFF  }
0x98: {  	s18 =	sld [smem:$0x3FDB];
	_ =	sdelay $0x1  }
0x99: {  	s19 =	simm.s32 $_scs_section_size  }
0x9a: {  	s4 =	simm.s32 $_size__tile_overlayer_lowered;
	s5 =	simm.s32 $_tile_overlayer_lowered  }
0x9b: {  	s22 =	simm.s32 $0x1BFF;
	s21 =	sshll.u32 s5, $0x1;
	s2 =	sadd.s32 s19, s18  }
0x9c: {  	s6 =	simm.s32 $0x0;
	s20 =	sshll.u32 s4, $0x1;
	s4 =	sadd.s32 s21, s2  }
0x9d: {  	[timem:s6], [sflag:s22] =	dma.local [hbm:s4], s20  }
0x9e: {  	_ =	swait.ge [sflag:s22], s20  }
0x9f: {  	s3 =	ssub.s32 $0x0, s20;
	[sflag:s22] =	ssyncset.done $0x0  }
0xa0: {  	[sflag:s22] =	ssyncadd.s32 s3;
	_ =	sdelay $0x1  }
0xa1: {  	s23 =	simm.s32 $0x1B8B  }
0xa2: {  	_ =	swait.ge [sflag:s23], $0x1  }
0xa3: {  	[sflag:s23] =	ssyncset.done $0x0  }
0xa4: {  	s25 =	simm.s32 $0x1B8E;
	s24 =	sld [smem:$0x3FFE];
	[sflag:s23] =	ssyncadd.s32 $0xFFFFFFFF  }
0xa5: {  	s26 =	simm.s32 $execute0_lowered;
	[smem:$0x3FD2] =	sst s25  }
0xa6: {  	s4 =	sshll.u32 s26, $0x1;
	_ =	strace $0x80000046;
	[dreg:$0x1] =	wrdreg $0xFFFFFFFF  }
0xa7: {  	s28 =	simm.s32 $_size_execute0_lowered;
	s2 =	sadd.s32 s2, s4;
	[dreg:$0x0] =	wrdreg $0x0  }
0xa8: {  	s4 =	sshll.u32 s28, $0x1;
	[dreg:$0x2] =	wrdreg s2  }
0xa9: {  	[dreg:$0x3] =	wrdreg s4  }
0xaa: {  	[dreg:$0x4] =	wrdreg $0xC0  }
0xab: {  	_ =	task [dreg:s6], $0x5FFFF  }
0xac: {  	[dreg:$0x1] =	wrdreg $0xFFFFFFFF  }
0xad: {  	[dreg:$0x0] =	wrdreg $0x60  }
0xae: {  	[dreg:$0x2] =	wrdreg s24  }
0xaf: {  	[dreg:$0x3] =	wrdreg $0xB0000  }
0xb0: {  	[dreg:$0x4] =	wrdreg $0x9  }
0xb1: {  	_ =	task.clear_ibuf [dreg:s6], $0x5FFFF;
	_ =	strace $0x90000046  }
0xb2: {  	s29 =	simm.s32 $0x9;
	_ =	strace $0x80000048  }
0xb3: {  	_ =	swait.ge [sflag:s29], $0x1  }
0xb4: {  	[sflag:s29] =	ssyncadd.s32 $0xFFFFFFFF  }
0xb5: {  	_ =	strace $0x90000048  }
0xb6: {  	_ =	sfence  }
0xb7: {  	s30 =	sld [smem:$0x0];
	_ =	sdelay $0x2  }
0xb8: {  	s31 =	sshll.u32 s1, $0xD;
	s1 =	sshrl.u32 s1, $0x2  }
0xb9: {  	s3 =	sand.u32 $0x4000, s31;
	s1 =	sadd.s32 s1, s30  }
0xba: {  	s0 =	sor.u32 s3, s0;
	s1 =	sshll.u32 s1, $0x11  }
0xbb: {  	s0 =	sor.u32 s1, s0  }
0xbc: {  	s0 =	sadd.s32 $0x8F2B, s0  }
0xbd: {  	[sflag:s0] =	ssyncadd.remote.s32 $0x1  }
0xbe: {  	_ =	sfence.sel $0xFFFF  }
0xbf: {  	[dreg:$0x0] =	wrdreg $0xFFFFFFFF;
	(pc) =	sbr.abs _section_cstart, $3  }
0xc0: {  	[dreg:$0x1] =	wrdreg $0xFFFFFFFF  }
0xc1: {  	_ =	task.clear_ibuf [dreg:s6], $0x2FFFF;
	_ =	strace $0x9FFFFFFF  }
0xc2: {  	(tm) =	ssettm $0x7FFFFFFF  }
0xc3: {  	_ =	shalt  }
tec
execute0_lowered:
.L_overlay_start_1:
0x0: {  	(tag) =	ssettag $0x1  }
0x1: {  	s2 =	srdreg.scid;
	s0 =	rddreg [dreg:$0x0];
	s1 =	simm.s32 $0x0  }
0x2: {  	s28 =	stileid.u32;
	s2 =	sand.u32 $0x1, s2;
	[smem:$0x7FF] =	sst s1  }
0x3: {  	s14 =	sadd.s32 $0x18800, s0;
	s15 =	smul.u32 $0x14000, s28;
	s16 =	sadd.s32 $0x4800, s0  }
0x4: {  	s25 =	sshll.u32 s28, $0x1;
	s3 =	ssub.s32 $0x2, s2;
	s17 =	smul.u32 $0x140000, s2  }
0x5: {  	s4 =	sshrl.u32 s3, $0x1;
	s5 =	sadd.s32 $0x4000, s15;
	s6 =	sadd.s32 $0x6000, s15  }
0x6: {  	s7 =	sadd.s32 $0x8000, s15;
	s8 =	sadd.s32 $0xA000, s15;
	s9 =	sadd.s32 $0xC000, s15  }
0x7: {  	s11 =	sadd.s32 $0xE000, s15;
	s12 =	sadd.s32 $0x10000, s15;
	s13 =	sadd.s32 $0x12000, s15  }
0x8: {  	s10 =	ssub.s32 s3, s4;
	s3 =	sor.u32 s2, s25;
	s4 =	sor.u32 $0x2000, s15  }
0x9: {  	s15 =	sadd.s32 s15, s17;
	s20 =	sadd.s32 s17, s5;
	s3 =	smul.u32 $0x5000, s3  }
0xa: {  	s21 =	sadd.s32 s17, s6;
	s22 =	sadd.s32 s17, s7;
	s23 =	sadd.s32 s17, s8  }
0xb: {  	s15 =	sshrl.u32 s15, $0x3;
	s26 =	sadd.s32 s17, s4;
	s18 =	sshrl.u32 s3, $0x3  }
0xc: {  	s19 =	sadd.s32 $0x500, s18;
	s2 =	sadd.s32 s16, s18;
	s18 =	sadd.s32 s14, s18  }
0xd: {  	s3 =	sadd.s32 s16, s19;
	[dreg:$0x3] =	wrdreg s18;
	s14 =	sadd.s32 s14, s19  }
0xe: {  	s18 =	sadd.s32 s17, s11;
	s19 =	sadd.s32 s17, s12;
	[dreg:$0x4] =	wrdreg s14  }
0xf: {  	s14 =	sshrl.u32 s18, $0x3;
	s18 =	sshrl.u32 s19, $0x3;
	s19 =	sadd.s32 $0xA3A00, s0  }
0x10: {  	s16 =	sshrl.u32 s26, $0x3;
	s26 =	sadd.s32 $0x53A00, s0;
	s25 =	sadd.s32 s19, s15  }
0x11: {  	s24 =	sadd.s32 s17, s9;
	s15 =	sadd.s32 s26, s15;
	[dreg:$0x5] =	wrdreg s25  }
0x12: {  	s20 =	sshrl.u32 s20, $0x3;
	s25 =	sadd.s32 s19, s16;
	[dreg:$0xf] =	wrdreg s15  }
0x13: {  	s21 =	sshrl.u32 s21, $0x3;
	[dreg:$0x6] =	wrdreg s25;
	s25 =	sadd.s32 s19, s20  }
0x14: {  	s22 =	sshrl.u32 s22, $0x3;
	[dreg:$0x7] =	wrdreg s25;
	s25 =	sadd.s32 s19, s21  }
0x15: {  	s23 =	sshrl.u32 s23, $0x3;
	[dreg:$0x8] =	wrdreg s25;
	s25 =	sadd.s32 s19, s22  }
0x16: {  	s24 =	sshrl.u32 s24, $0x3;
	[dreg:$0x9] =	wrdreg s25;
	s25 =	sadd.s32 s19, s23  }
0x17: {  	[dreg:$0xa] =	wrdreg s25;
	s25 =	sadd.s32 s19, s24  }
0x18: {  	[dreg:$0xb] =	wrdreg s25;
	s25 =	sadd.s32 s19, s14  }
0x19: {  	s17 =	sadd.s32 s17, s13;
	s14 =	sadd.s32 s26, s14;
	[dreg:$0xc] =	wrdreg s25  }
0x1a: {  	s17 =	sshrl.u32 s17, $0x3;
	s25 =	sadd.s32 s19, s18;
	[dreg:$0x16] =	wrdreg s14  }
0x1b: {  	s19 =	sadd.s32 s19, s17;
	[dreg:$0xd] =	wrdreg s25  }
0x1c: {  	[dreg:$0xe] =	wrdreg s19;
	s25 =	sadd.s32 s26, s16  }
0x1d: {  	s16 =	sadd.s32 s26, s20;
	[dreg:$0x10] =	wrdreg s25  }
0x1e: {  	s19 =	sadd.s32 s26, s21;
	[dreg:$0x11] =	wrdreg s16  }
0x1f: {  	s20 =	sadd.s32 s26, s22;
	[dreg:$0x12] =	wrdreg s19  }
0x20: {  	s29 =	sadd.s32 $0x2C800, s0;
	s21 =	sadd.s32 s26, s23;
	[dreg:$0x13] =	wrdreg s20  }
0x21: {  	s10 =	smax.u32 s10, $0x1;
	s22 =	sadd.s32 s26, s24;
	[dreg:$0x14] =	wrdreg s21  }
0x22: {  	s15 =	simm.s32 $0x40;
	s14 =	simm.s32 $0x4;
	[dreg:$0x15] =	wrdreg s22  }
0x23: {  	s23 =	smul.u32 $0x50000, s28;
	s24 =	sadd.s32 s26, s18;
	s25 =	rddreg [dreg:$0x1]  }
0x24: {  	s26 =	sadd.s32 s26, s17;
	s17 =	simm.s32 $0x2;
	[dreg:$0x17] =	wrdreg s24  }
0x25: {  	s18 =	simm.s32 $0x4E80;
	[dreg:$0x18] =	wrdreg s26;
	s16 =	simm.s32 $0x7000  }
0x26: {  	s20 =	simm.s32 $0x9000;
	s21 =	simm.s32 $0x3;
	s19 =	simm.s32 $0x4F00  }
0x27: {  	_ =	strace $0x80000047;
	s28 =	sshrl.u32 s23, $0x2;
	s31 =	sadd.s32 s4, s25  }
0x28: {  	s22 =	sadd.s32 s5, s25;
	s0 =	sadd.s32 s6, s25;
	s4 =	sadd.s32 s7, s25  }
0x29: {  	s5 =	sadd.s32 s8, s25;
	s6 =	sadd.s32 s9, s25;
	s7 =	sadd.s32 s11, s25  }
0x2a: {  	s8 =	sadd.s32 s12, s25;
	s9 =	sadd.s32 s13, s25;
	[dreg:$0x19] =	wrdreg s10  }
0x2b: {  	s11 =	simm.s32 $0x5000;
	s12 =	simm.s32 $0x1;
	s13 =	simm.s32 $0x2800  }
0x2c: {  	v0 =	vimm.f32 $0.0e+00;
	v1 =	vimm.f32 $1.000000000e+00;
	s10 =	simm.s32 $0x4F80;
	s23 =	simm.s32 $0x0;
	s30 =	sadd.s32 s28, s25  }
.LBB2_1:
0x2d: {  	s24 =	simm.s32 $0x0;
	s26 =	simm.s32 $0x200  }
.LBB2_2:
0x2e: {  	p0 =	sne.s32 s26, $0x7E00;
	[tilespmem:s24+$0x5070] =	vst v0  }
0x2f: {  	[tilespmem:s24+$0x5000] =	vst v0  }
0x30: {  	[tilespmem:s24+$0x5010] =	vst v0  }
.Ltmp0:
0x31: {  	[tilespmem:s24+$0x5020] =	vst v0;
	(pc) =	sbr.rel @p0 .LBB2_2-.Ltmp0, $4  }
0x32: {  	[tilespmem:s24+$0x5030] =	vst v0  }
0x33: {  	[tilespmem:s24+$0x5040] =	vst v0  }
0x34: {  	[tilespmem:s24+$0x5050] =	vst v0  }
0x35: {  	[tilespmem:s24+$0x5060] =	vst v0;
	s24 =	sshra.s32 s26, $0x2;
	s26 =	sadd.s32 $0x200, s26  }
0x36: {  	[tilespmem:s24+$0x5070] =	vst v0  }
0x37: {  	[tilespmem:s24+$0x5000] =	vst v0  }
0x38: {  	[tilespmem:s24+$0x5010] =	vst v0  }
0x39: {  	[tilespmem:s24+$0x5020] =	vst v0  }
0x3a: {  	[tilespmem:s24+$0x5030] =	vst v0  }
0x3b: {  	[tilespmem:s24+$0x5040] =	vst v0  }
0x3c: {  	[tilespmem:s24+$0x5050] =	vst v0  }
0x3d: {  	[tilespmem:s24+$0x5060] =	vst v0  }
0x3e: {  	[spmem:s30] =	stream.linear.scatter [tilespmem:s11], [sflag:$0x1], $0x2000, $0x38;
	[tilespmem:$0x1F000] =	vst v63  }
0x3f: {  	_ = 	snop  }
0x40: {  	[spmem:s31] =	stream.linear.scatter [tilespmem:s11], [sflag:$0x1], $0x2000, $0x38;
	[tilespmem:$0x1F000] =	vst v63  }
0x41: {  	_ = 	snop  }
0x42: {  	[spmem:s22] =	stream.linear.scatter [tilespmem:s11], [sflag:$0x1], $0x2000, $0x38;
	[tilespmem:$0x1F000] =	vst v63  }
0x43: {  	_ = 	snop  }
0x44: {  	[spmem:s0] =	stream.linear.scatter [tilespmem:s11], [sflag:$0x1], $0x2000, $0x38;
	[tilespmem:$0x1F000] =	vst v63  }
0x45: {  	_ = 	snop  }
0x46: {  	[spmem:s4] =	stream.linear.scatter [tilespmem:s11], [sflag:$0x1], $0x2000, $0x38;
	[tilespmem:$0x1F000] =	vst v63  }
0x47: {  	_ = 	snop  }
0x48: {  	[spmem:s5] =	stream.linear.scatter [tilespmem:s11], [sflag:$0x1], $0x2000, $0x38;
	[tilespmem:$0x1F000] =	vst v63  }
0x49: {  	_ = 	snop  }
0x4a: {  	[spmem:s6] =	stream.linear.scatter [tilespmem:s11], [sflag:$0x1], $0x2000, $0x38;
	[tilespmem:$0x1F000] =	vst v63  }
0x4b: {  	_ = 	snop  }
0x4c: {  	[spmem:s7] =	stream.linear.scatter [tilespmem:s11], [sflag:$0x1], $0x2000, $0x38;
	[tilespmem:$0x1F000] =	vst v63  }
0x4d: {  	_ = 	snop  }
0x4e: {  	[spmem:s8] =	stream.linear.scatter [tilespmem:s11], [sflag:$0x1], $0x2000, $0x38;
	[tilespmem:$0x1F000] =	vst v63  }
0x4f: {  	_ = 	snop  }
0x50: {  	[spmem:s9] =	stream.linear.scatter [tilespmem:s11], [sflag:$0x1], $0x2000, $0x38;
	[tilespmem:$0x1F000] =	vst v63  }
0x51: {  	_ =	swait.ge [sflag:s12], $0x2000  }
0x52: {  	[sflag:s12] =	ssyncset.done $0x0  }
0x53: {  	[sflag:s12] =	ssyncadd.s32 $0xFFFFE000  }
0x54: {  	_ =	swait.ge [sflag:s12], $0x2000  }
0x55: {  	[sflag:s12] =	ssyncset.done $0x0  }
0x56: {  	[sflag:s12] =	ssyncadd.s32 $0xFFFFE000  }
0x57: {  	_ =	swait.ge [sflag:s12], $0x2000  }
0x58: {  	[sflag:s12] =	ssyncset.done $0x0  }
0x59: {  	[sflag:s12] =	ssyncadd.s32 $0xFFFFE000  }
0x5a: {  	_ =	swait.ge [sflag:s12], $0x2000  }
0x5b: {  	[sflag:s12] =	ssyncset.done $0x0  }
0x5c: {  	[sflag:s12] =	ssyncadd.s32 $0xFFFFE000  }
0x5d: {  	_ =	swait.ge [sflag:s12], $0x2000  }
0x5e: {  	[sflag:s12] =	ssyncset.done $0x0  }
0x5f: {  	[sflag:s12] =	ssyncadd.s32 $0xFFFFE000  }
0x60: {  	_ =	swait.ge [sflag:s12], $0x2000  }
0x61: {  	[sflag:s12] =	ssyncset.done $0x0  }
0x62: {  	[sflag:s12] =	ssyncadd.s32 $0xFFFFE000  }
0x63: {  	_ =	swait.ge [sflag:s12], $0x2000  }
0x64: {  	[sflag:s12] =	ssyncset.done $0x0  }
0x65: {  	[sflag:s12] =	ssyncadd.s32 $0xFFFFE000  }
0x66: {  	_ =	swait.ge [sflag:s12], $0x2000  }
0x67: {  	[sflag:s12] =	ssyncset.done $0x0  }
0x68: {  	[sflag:s12] =	ssyncadd.s32 $0xFFFFE000  }
0x69: {  	_ =	swait.ge [sflag:s12], $0x2000  }
0x6a: {  	[sflag:s12] =	ssyncset.done $0x0  }
0x6b: {  	[sflag:s12] =	ssyncadd.s32 $0xFFFFE000  }
0x6c: {  	_ =	swait.ge [sflag:s12], $0x2000  }
0x6d: {  	[sflag:s12] =	ssyncset.done $0x0  }
0x6e: {  	[sflag:s12] =	ssyncadd.s32 $0xFFFFE000  }
0x6f: {  	s24 =	simm.s32 $0x0;
	s26 =	simm.s32 $0x200;
	[bflag:$0x0] =	sbarrier.arrive $0xFFFF  }
.LBB2_4:
0x70: {  	p0 =	sne.s32 s26, $0x7E00;
	[tilespmem:s24+$0x5070] =	vst v1  }
0x71: {  	[tilespmem:s24+$0x5000] =	vst v1  }
0x72: {  	[tilespmem:s24+$0x5010] =	vst v1  }
.Ltmp1:
0x73: {  	[tilespmem:s24+$0x5020] =	vst v1;
	(pc) =	sbr.rel @p0 .LBB2_4-.Ltmp1, $4  }
0x74: {  	[tilespmem:s24+$0x5030] =	vst v1  }
0x75: {  	[tilespmem:s24+$0x5040] =	vst v1  }
0x76: {  	[tilespmem:s24+$0x5050] =	vst v1  }
0x77: {  	[tilespmem:s24+$0x5060] =	vst v1;
	s24 =	sshra.s32 s26, $0x2;
	s26 =	sadd.s32 $0x200, s26  }
0x78: {  	[tilespmem:s24+$0x5070] =	vst v1  }
0x79: {  	[tilespmem:s24+$0x5000] =	vst v1  }
0x7a: {  	[tilespmem:s24+$0x5010] =	vst v1  }
0x7b: {  	[tilespmem:s24+$0x5020] =	vst v1  }
0x7c: {  	[tilespmem:s24+$0x5030] =	vst v1  }
0x7d: {  	[tilespmem:s24+$0x5040] =	vst v1  }
0x7e: {  	[tilespmem:s24+$0x5050] =	vst v1  }
0x7f: {  	[tilespmem:s24+$0x5060] =	vst v1;
	s24 =	simm.s32 $0x0  }
0x80: {  	[tilespmem:s13], [sflag:$0x4] =	stream.linear.gather [hbm4b:s2+s24], $0x2800, $0x38;
	[tilespmem:$0x1F000] =	vst v63  }
0x81: {  	_ =	swait.ge [sflag:s14], $0x2800  }
0x82: {  	[sflag:s14] =	ssyncset.done $0x0  }
0x83: {  	[sflag:s14] =	ssyncadd.s32 $0xFFFFD800  }
.LBB2_6:
0x84: {  	p0 =	sne.s32 s24, $0x9E00  }
.Ltmp2:
0x85: {  	_ = 	snop;
	(pc) =	sbr.rel @p0 .LBB2_6-.Ltmp2, $4  }
0x86: {  	_ = 	snop  }
0x87: {  	s26 =	sshra.s32 s24, $0x2  }
0x88: {  	s24 =	sadd.s32 $0x200, s24;
	s26 =	sadd.s32 $0x2800, s26  }
0x89: {  	[spmem:s25] =	stream.indirect.scatter.add.f32 [tilespmem:s11], [sflag:$0x1], $0x80, s26, s15, $0xb8;
	[tilespmem:$0x1F000] =	vst v63  }
0x8a: {  	_ =	swait.ge [sflag:s12], $0x2000  }
0x8b: {  	s24 =	simm.s32 $0x4F;
	[sflag:s12] =	ssyncset.done $0x0  }
.LBB2_8:
0x8c: {  	p0 =	sne.s32 s24, $0x1;
	s24 =	sadd.s32 $0xFFFFFFFF, s24;
	[sflag:s12] =	ssyncadd.s32 $0xFFFFE000  }
.Ltmp3:
0x8d: {  	(pc) =	sbr.rel @p0 .LBB2_8-.Ltmp3, $3  }
0x8e: {  	_ =	sdelay $0x1  }
0x8f: {  	_ =	swait.ge [sflag:s12], $0x2000  }
0x90: {  	[sflag:s12] =	ssyncset.done $0x0  }
0x91: {  	[sflag:s12] =	ssyncadd.s32 $0xFFFFE000;
	s24 =	simm.s32 $0x0  }
0x92: {  	[tilespmem:s13], [sflag:$0x4] =	stream.linear.gather [hbm4b:s3+s24], $0x2800, $0x38;
	[tilespmem:$0x1F000] =	vst v63  }
0x93: {  	_ =	swait.ge [sflag:s14], $0x2800  }
0x94: {  	[sflag:s14] =	ssyncset.done $0x0  }
0x95: {  	[sflag:s14] =	ssyncadd.s32 $0xFFFFD800  }
.LBB2_10:
0x96: {  	p0 =	sne.s32 s24, $0x9E00  }
.Ltmp4:
0x97: {  	_ = 	snop;
	(pc) =	sbr.rel @p0 .LBB2_10-.Ltmp4, $4  }
0x98: {  	_ = 	snop  }
0x99: {  	s26 =	sshra.s32 s24, $0x2  }
0x9a: {  	s24 =	sadd.s32 $0x200, s24;
	s26 =	sadd.s32 $0x2800, s26  }
0x9b: {  	[spmem:s25] =	stream.indirect.scatter.add.f32 [tilespmem:s11], [sflag:$0x1], $0x80, s26, s15, $0xb8;
	[tilespmem:$0x1F000] =	vst v63  }
0x9c: {  	_ =	swait.ge [sflag:s12], $0x2000  }
0x9d: {  	s24 =	simm.s32 $0x4F;
	[sflag:s12] =	ssyncset.done $0x0  }
.LBB2_12:
0x9e: {  	p0 =	sne.s32 s24, $0x1;
	s24 =	sadd.s32 $0xFFFFFFFF, s24;
	[sflag:s12] =	ssyncadd.s32 $0xFFFFE000  }
.Ltmp5:
0x9f: {  	(pc) =	sbr.rel @p0 .LBB2_12-.Ltmp5, $3  }
0xa0: {  	_ =	sdelay $0x1  }
0xa1: {  	_ =	swait.ge [sflag:s12], $0x2000  }
0xa2: {  	[sflag:s12] =	ssyncset.done $0x0  }
0xa3: {  	[sflag:s12] =	ssyncadd.s32 $0xFFFFE000  }
0xa4: {  	[bflag:$0x0] =	sbarrier.arrive $0xFFFF  }
0xa5: {  	[tilespmem:s11], [sflag:$0x4] =	stream.linear.gather [spmem:s30], $0x2000, $0x38;
	[tilespmem:$0x1F000] =	vst v63  }
0xa6: {  	_ =	swait.ge [sflag:s14], $0x2000  }
0xa7: {  	[sflag:s14] =	ssyncset.done $0x0  }
0xa8: {  	s24 =	simm.s32 $0x0;
	s26 =	rddreg [dreg:$0x5];
	[sflag:s14] =	ssyncadd.s32 $0xFFFFE000  }
0xa9: {  	[hbm4b:s26+s24] =	stream.linear.scatter [tilespmem:s11], [sflag:$0x1], $0x2000, $0x38;
	[tilespmem:$0x1F000] =	vst v63  }
0xaa: {  	_ = 	snop  }
0xab: {  	[tilespmem:s16], [sflag:$0x4] =	stream.linear.gather [spmem:s31], $0x2000, $0x38;
	[tilespmem:$0x1F000] =	vst v63  }
0xac: {  	_ =	swait.ge [sflag:s14], $0x2000  }
0xad: {  	[sflag:s14] =	ssyncset.done $0x0  }
0xae: {  	s28 =	rddreg [dreg:$0x6];
	[sflag:s14] =	ssyncadd.s32 $0xFFFFE000  }
0xaf: {  	[hbm4b:s28+s24] =	stream.linear.scatter [tilespmem:s16], [sflag:$0x2], $0x2000, $0x38;
	[tilespmem:$0x1F000] =	vst v63  }
0xb0: {  	_ =	swait.ge [sflag:s12], $0x2000  }
0xb1: {  	[sflag:s12] =	ssyncset.done $0x0  }
0xb2: {  	[sflag:s12] =	ssyncadd.s32 $0xFFFFE000  }
0xb3: {  	[tilespmem:s11], [sflag:$0x4] =	stream.linear.gather [spmem:s22], $0x2000, $0x38;
	[tilespmem:$0x1F000] =	vst v63  }
0xb4: {  	_ =	swait.ge [sflag:s14], $0x2000  }
0xb5: {  	[sflag:s14] =	ssyncset.done $0x0  }
0xb6: {  	s28 =	rddreg [dreg:$0x7];
	[sflag:s14] =	ssyncadd.s32 $0xFFFFE000  }
0xb7: {  	[hbm4b:s28+s24] =	stream.linear.scatter [tilespmem:s11], [sflag:$0x1], $0x2000, $0x38;
	[tilespmem:$0x1F000] =	vst v63  }
0xb8: {  	_ =	swait.ge [sflag:s17], $0x2000  }
0xb9: {  	[sflag:s17] =	ssyncset.done $0x0  }
0xba: {  	[sflag:s17] =	ssyncadd.s32 $0xFFFFE000  }
0xbb: {  	[tilespmem:s16], [sflag:$0x4] =	stream.linear.gather [spmem:s0], $0x2000, $0x38;
	[tilespmem:$0x1F000] =	vst v63  }
0xbc: {  	_ =	swait.ge [sflag:s14], $0x2000  }
0xbd: {  	[sflag:s14] =	ssyncset.done $0x0  }
0xbe: {  	s28 =	rddreg [dreg:$0x8];
	[sflag:s14] =	ssyncadd.s32 $0xFFFFE000  }
0xbf: {  	[hbm4b:s28+s24] =	stream.linear.scatter [tilespmem:s16], [sflag:$0x2], $0x2000, $0x38;
	[tilespmem:$0x1F000] =	vst v63  }
0xc0: {  	_ =	swait.ge [sflag:s12], $0x2000  }
0xc1: {  	[sflag:s12] =	ssyncset.done $0x0  }
0xc2: {  	[sflag:s12] =	ssyncadd.s32 $0xFFFFE000  }
0xc3: {  	[tilespmem:s11], [sflag:$0x4] =	stream.linear.gather [spmem:s4], $0x2000, $0x38;
	[tilespmem:$0x1F000] =	vst v63  }
0xc4: {  	_ =	swait.ge [sflag:s14], $0x2000  }
0xc5: {  	[sflag:s14] =	ssyncset.done $0x0  }
0xc6: {  	s28 =	rddreg [dreg:$0x9];
	[sflag:s14] =	ssyncadd.s32 $0xFFFFE000  }
0xc7: {  	[hbm4b:s28+s24] =	stream.linear.scatter [tilespmem:s11], [sflag:$0x1], $0x2000, $0x38;
	[tilespmem:$0x1F000] =	vst v63  }
0xc8: {  	_ =	swait.ge [sflag:s17], $0x2000  }
0xc9: {  	[sflag:s17] =	ssyncset.done $0x0  }
0xca: {  	[sflag:s17] =	ssyncadd.s32 $0xFFFFE000  }
0xcb: {  	[tilespmem:s16], [sflag:$0x4] =	stream.linear.gather [spmem:s5], $0x2000, $0x38;
	[tilespmem:$0x1F000] =	vst v63  }
0xcc: {  	_ =	swait.ge [sflag:s14], $0x2000  }
0xcd: {  	[sflag:s14] =	ssyncset.done $0x0  }
0xce: {  	s28 =	rddreg [dreg:$0xa];
	[sflag:s14] =	ssyncadd.s32 $0xFFFFE000  }
0xcf: {  	[hbm4b:s28+s24] =	stream.linear.scatter [tilespmem:s16], [sflag:$0x2], $0x2000, $0x38;
	[tilespmem:$0x1F000] =	vst v63  }
0xd0: {  	_ =	swait.ge [sflag:s12], $0x2000  }
0xd1: {  	[sflag:s12] =	ssyncset.done $0x0  }
0xd2: {  	[sflag:s12] =	ssyncadd.s32 $0xFFFFE000  }
0xd3: {  	[tilespmem:s11], [sflag:$0x4] =	stream.linear.gather [spmem:s6], $0x2000, $0x38;
	[tilespmem:$0x1F000] =	vst v63  }
0xd4: {  	_ =	swait.ge [sflag:s14], $0x2000  }
0xd5: {  	[sflag:s14] =	ssyncset.done $0x0  }
0xd6: {  	s28 =	rddreg [dreg:$0xb];
	[sflag:s14] =	ssyncadd.s32 $0xFFFFE000  }
0xd7: {  	[hbm4b:s28+s24] =	stream.linear.scatter [tilespmem:s11], [sflag:$0x1], $0x2000, $0x38;
	[tilespmem:$0x1F000] =	vst v63  }
0xd8: {  	_ =	swait.ge [sflag:s17], $0x2000  }
0xd9: {  	[sflag:s17] =	ssyncset.done $0x0  }
0xda: {  	[sflag:s17] =	ssyncadd.s32 $0xFFFFE000  }
0xdb: {  	[tilespmem:s16], [sflag:$0x4] =	stream.linear.gather [spmem:s7], $0x2000, $0x38;
	[tilespmem:$0x1F000] =	vst v63  }
0xdc: {  	_ =	swait.ge [sflag:s14], $0x2000  }
0xdd: {  	[sflag:s14] =	ssyncset.done $0x0  }
0xde: {  	s28 =	rddreg [dreg:$0xc];
	[sflag:s14] =	ssyncadd.s32 $0xFFFFE000  }
0xdf: {  	[hbm4b:s28+s24] =	stream.linear.scatter [tilespmem:s16], [sflag:$0x2], $0x2000, $0x38;
	[tilespmem:$0x1F000] =	vst v63  }
0xe0: {  	_ =	swait.ge [sflag:s12], $0x2000  }
0xe1: {  	[sflag:s12] =	ssyncset.done $0x0  }
0xe2: {  	[sflag:s12] =	ssyncadd.s32 $0xFFFFE000  }
0xe3: {  	[tilespmem:s11], [sflag:$0x4] =	stream.linear.gather [spmem:s8], $0x2000, $0x38;
	[tilespmem:$0x1F000] =	vst v63  }
0xe4: {  	_ =	swait.ge [sflag:s14], $0x2000  }
0xe5: {  	[sflag:s14] =	ssyncset.done $0x0  }
0xe6: {  	s28 =	rddreg [dreg:$0xd];
	[sflag:s14] =	ssyncadd.s32 $0xFFFFE000  }
0xe7: {  	[hbm4b:s28+s24] =	stream.linear.scatter [tilespmem:s11], [sflag:$0x1], $0x2000, $0x38;
	[tilespmem:$0x1F000] =	vst v63  }
0xe8: {  	_ =	swait.ge [sflag:s17], $0x2000  }
0xe9: {  	[sflag:s17] =	ssyncset.done $0x0  }
0xea: {  	[sflag:s17] =	ssyncadd.s32 $0xFFFFE000  }
0xeb: {  	[tilespmem:s16], [sflag:$0x4] =	stream.linear.gather [spmem:s9], $0x2000, $0x38;
	[tilespmem:$0x1F000] =	vst v63  }
0xec: {  	_ =	swait.ge [sflag:s14], $0x2000  }
0xed: {  	[sflag:s14] =	ssyncset.done $0x0  }
0xee: {  	s28 =	rddreg [dreg:$0xe];
	[sflag:s14] =	ssyncadd.s32 $0xFFFFE000  }
0xef: {  	[hbm4b:s28+s24] =	stream.linear.scatter [tilespmem:s16], [sflag:$0x2], $0x2000, $0x38;
	[tilespmem:$0x1F000] =	vst v63  }
0xf0: {  	_ =	swait.ge [sflag:s12], $0x2000  }
0xf1: {  	[sflag:s12] =	ssyncset.done $0x0  }
0xf2: {  	[sflag:s12] =	ssyncadd.s32 $0xFFFFE000  }
0xf3: {  	_ =	swait.ge [sflag:s17], $0x2000  }
0xf4: {  	[sflag:s17] =	ssyncset.done $0x0  }
0xf5: {  	[sflag:s17] =	ssyncadd.s32 $0xFFFFE000  }
0xf6: {  	s26 =	simm.s32 $0x200;
	s24 =	simm.s32 $0x0;
	[bflag:$0x0] =	sbarrier.arrive $0xFFFF  }
.LBB2_14:
0xf7: {  	p0 =	sne.s32 s26, $0x7E00;
	[tilespmem:s24+$0x5070] =	vst v0  }
0xf8: {  	[tilespmem:s24+$0x5000] =	vst v0  }
0xf9: {  	[tilespmem:s24+$0x5010] =	vst v0  }
.Ltmp6:
0xfa: {  	[tilespmem:s24+$0x5020] =	vst v0;
	(pc) =	sbr.rel @p0 .LBB2_14-.Ltmp6, $4  }
0xfb: {  	[tilespmem:s24+$0x5030] =	vst v0  }
0xfc: {  	[tilespmem:s24+$0x5040] =	vst v0  }
0xfd: {  	[tilespmem:s24+$0x5050] =	vst v0  }
0xfe: {  	[tilespmem:s24+$0x5060] =	vst v0;
	s24 =	sshra.s32 s26, $0x2;
	s26 =	sadd.s32 $0x200, s26  }
0xff: {  	[tilespmem:s24+$0x5070] =	vst v0  }
0x100: {  	[tilespmem:s24+$0x5000] =	vst v0  }
0x101: {  	[tilespmem:s24+$0x5010] =	vst v0  }
0x102: {  	[tilespmem:s24+$0x5020] =	vst v0  }
0x103: {  	[tilespmem:s24+$0x5030] =	vst v0  }
0x104: {  	[tilespmem:s24+$0x5040] =	vst v0  }
0x105: {  	[tilespmem:s24+$0x5050] =	vst v0  }
0x106: {  	[tilespmem:s24+$0x5060] =	vst v0  }
0x107: {  	[spmem:s30] =	stream.linear.scatter [tilespmem:s11], [sflag:$0x1], $0x2000, $0x38;
	[tilespmem:$0x1F000] =	vst v63  }
0x108: {  	_ = 	snop  }
0x109: {  	[spmem:s31] =	stream.linear.scatter [tilespmem:s11], [sflag:$0x1], $0x2000, $0x38;
	[tilespmem:$0x1F000] =	vst v63  }
0x10a: {  	_ = 	snop  }
0x10b: {  	[spmem:s22] =	stream.linear.scatter [tilespmem:s11], [sflag:$0x1], $0x2000, $0x38;
	[tilespmem:$0x1F000] =	vst v63  }
0x10c: {  	_ = 	snop  }
0x10d: {  	[spmem:s0] =	stream.linear.scatter [tilespmem:s11], [sflag:$0x1], $0x2000, $0x38;
	[tilespmem:$0x1F000] =	vst v63  }
0x10e: {  	_ = 	snop  }
0x10f: {  	[spmem:s4] =	stream.linear.scatter [tilespmem:s11], [sflag:$0x1], $0x2000, $0x38;
	[tilespmem:$0x1F000] =	vst v63  }
0x110: {  	_ = 	snop  }
0x111: {  	[spmem:s5] =	stream.linear.scatter [tilespmem:s11], [sflag:$0x1], $0x2000, $0x38;
	[tilespmem:$0x1F000] =	vst v63  }
0x112: {  	_ = 	snop  }
0x113: {  	[spmem:s6] =	stream.linear.scatter [tilespmem:s11], [sflag:$0x1], $0x2000, $0x38;
	[tilespmem:$0x1F000] =	vst v63  }
0x114: {  	_ = 	snop  }
0x115: {  	[spmem:s7] =	stream.linear.scatter [tilespmem:s11], [sflag:$0x1], $0x2000, $0x38;
	[tilespmem:$0x1F000] =	vst v63  }
0x116: {  	_ = 	snop  }
0x117: {  	[spmem:s8] =	stream.linear.scatter [tilespmem:s11], [sflag:$0x1], $0x2000, $0x38;
	[tilespmem:$0x1F000] =	vst v63  }
0x118: {  	_ = 	snop  }
0x119: {  	[spmem:s9] =	stream.linear.scatter [tilespmem:s11], [sflag:$0x1], $0x2000, $0x38;
	[tilespmem:$0x1F000] =	vst v63  }
0x11a: {  	_ =	swait.ge [sflag:s12], $0x2000  }
0x11b: {  	[sflag:s12] =	ssyncset.done $0x0  }
0x11c: {  	[sflag:s12] =	ssyncadd.s32 $0xFFFFE000  }
0x11d: {  	_ =	swait.ge [sflag:s12], $0x2000  }
0x11e: {  	[sflag:s12] =	ssyncset.done $0x0  }
0x11f: {  	[sflag:s12] =	ssyncadd.s32 $0xFFFFE000  }
0x120: {  	_ =	swait.ge [sflag:s12], $0x2000  }
0x121: {  	[sflag:s12] =	ssyncset.done $0x0  }
0x122: {  	[sflag:s12] =	ssyncadd.s32 $0xFFFFE000  }
0x123: {  	_ =	swait.ge [sflag:s12], $0x2000  }
0x124: {  	[sflag:s12] =	ssyncset.done $0x0  }
0x125: {  	[sflag:s12] =	ssyncadd.s32 $0xFFFFE000  }
0x126: {  	_ =	swait.ge [sflag:s12], $0x2000  }
0x127: {  	[sflag:s12] =	ssyncset.done $0x0  }
0x128: {  	[sflag:s12] =	ssyncadd.s32 $0xFFFFE000  }
0x129: {  	_ =	swait.ge [sflag:s12], $0x2000  }
0x12a: {  	[sflag:s12] =	ssyncset.done $0x0  }
0x12b: {  	[sflag:s12] =	ssyncadd.s32 $0xFFFFE000  }
0x12c: {  	_ =	swait.ge [sflag:s12], $0x2000  }
0x12d: {  	[sflag:s12] =	ssyncset.done $0x0  }
0x12e: {  	[sflag:s12] =	ssyncadd.s32 $0xFFFFE000  }
0x12f: {  	_ =	swait.ge [sflag:s12], $0x2000  }
0x130: {  	[sflag:s12] =	ssyncset.done $0x0  }
0x131: {  	[sflag:s12] =	ssyncadd.s32 $0xFFFFE000  }
0x132: {  	_ =	swait.ge [sflag:s12], $0x2000  }
0x133: {  	[sflag:s12] =	ssyncset.done $0x0  }
0x134: {  	[sflag:s12] =	ssyncadd.s32 $0xFFFFE000  }
0x135: {  	_ =	swait.ge [sflag:s12], $0x2000  }
0x136: {  	[sflag:s12] =	ssyncset.done $0x0  }
0x137: {  	[sflag:s12] =	ssyncadd.s32 $0xFFFFE000  }
0x138: {  	[bflag:$0x0] =	sbarrier.arrive $0xFFFF  }
0x139: {  	s28 =	simm.s32 $0x0;
	s26 =	rddreg [dreg:$0x3]  }
0x13a: {  	[tilespmem:s28], [sflag:$0x4] =	stream.linear.gather [hbm4b:s26+s28], $0x2800, $0x38;
	[tilespmem:$0x1F000] =	vst v63  }
0x13b: {  	_ =	swait.ge [sflag:s14], $0x2800  }
0x13c: {  	[sflag:s14] =	ssyncset.done $0x0  }
0x13d: {  	[sflag:s14] =	ssyncadd.s32 $0xFFFFD800  }
0x13e: {  	[tilespmem:s13], [sflag:$0x4] =	stream.linear.gather [hbm4b:s2+s28], $0x2800, $0x38;
	[tilespmem:$0x1F000] =	vst v63  }
0x13f: {  	_ =	swait.ge [sflag:s14], $0x2800  }
0x140: {  	[sflag:s14] =	ssyncset.done $0x0  }
0x141: {  	[sflag:s14] =	ssyncadd.s32 $0xFFFFD800  }
0x142: {  	[tilespmem:s11], [sflag:$0x1] =	stream.indirect.gather [hbm4b:s29+s15], $0x80, s28, s15, $0xb8;
	[tilespmem:$0x1F000] =	vst v63  }
0x143: {  	s28 =	simm.s32 $0x80  }
0x144: {  	[tilespmem:s16], [sflag:$0x2] =	stream.indirect.gather [hbm4b:s29+s15], $0x80, s28, s15, $0xb8;
	[tilespmem:$0x1F000] =	vst v63  }
0x145: {  	s26 =	simm.s32 $0x100  }
0x146: {  	[tilespmem:s20], [sflag:$0x3] =	stream.indirect.gather [hbm4b:s29+s15], $0x80, s26, s15, $0xb8;
	[tilespmem:$0x1F000] =	vst v63  }
0x147: {  	_ =	swait.ge [sflag:s12], $0x2000  }
0x148: {  	[sflag:s12] =	ssyncset.done $0x0  }
0x149: {  	s28 =	simm.s32 $0x2800;
	[sflag:s12] =	ssyncadd.s32 $0xFFFFE000  }
0x14a: {  	[spmem:s25] =	stream.indirect.scatter.add.f32 [tilespmem:s11], [sflag:$0x4], $0x80, s28, s15, $0xb8;
	[tilespmem:$0x1F000] =	vst v63  }
0x14b: {  	_ =	swait.ge [sflag:s14], $0x2000  }
0x14c: {  	[sflag:s14] =	ssyncset.done $0x0  }
0x14d: {  	s26 =	simm.s32 $0x180;
	[sflag:s14] =	ssyncadd.s32 $0xFFFFE000  }
0x14e: {  	[tilespmem:s11], [sflag:$0x1] =	stream.indirect.gather [hbm4b:s29+s15], $0x80, s26, s15, $0xb8;
	[tilespmem:$0x1F000] =	vst v63  }
0x14f: {  	_ =	swait.ge [sflag:s17], $0x2000  }
0x150: {  	[sflag:s17] =	ssyncset.done $0x0  }
0x151: {  	s28 =	simm.s32 $0x2880;
	[sflag:s17] =	ssyncadd.s32 $0xFFFFE000  }
0x152: {  	[spmem:s25] =	stream.indirect.scatter.add.f32 [tilespmem:s16], [sflag:$0x4], $0x80, s28, s15, $0xb8;
	[tilespmem:$0x1F000] =	vst v63  }
0x153: {  	_ =	swait.ge [sflag:s14], $0x2000  }
0x154: {  	[sflag:s14] =	ssyncset.done $0x0  }
0x155: {  	s26 =	simm.s32 $0x200;
	[sflag:s14] =	ssyncadd.s32 $0xFFFFE000  }
0x156: {  	[tilespmem:s16], [sflag:$0x2] =	stream.indirect.gather [hbm4b:s29+s15], $0x80, s26, s15, $0xb8;
	[tilespmem:$0x1F000] =	vst v63  }
0x157: {  	_ =	swait.ge [sflag:s21], $0x2000  }
0x158: {  	[sflag:s21] =	ssyncset.done $0x0  }
0x159: {  	s28 =	simm.s32 $0x2900;
	[sflag:s21] =	ssyncadd.s32 $0xFFFFE000  }
0x15a: {  	[spmem:s25] =	stream.indirect.scatter.add.f32 [tilespmem:s20], [sflag:$0x4], $0x80, s28, s15, $0xb8;
	[tilespmem:$0x1F000] =	vst v63  }
0x15b: {  	_ =	swait.ge [sflag:s14], $0x2000  }
0x15c: {  	[sflag:s14] =	ssyncset.done $0x0  }
0x15d: {  	s24 =	simm.s32 $0x600;
	s26 =	simm.s32 $0x280;
	[sflag:s14] =	ssyncadd.s32 $0xFFFFE000  }
.LBB2_16:
0x15e: {  	[tilespmem:s20], [sflag:$0x3] =	stream.indirect.gather [hbm4b:s29+s15], $0x80, s26, s15, $0xb8;
	[tilespmem:$0x1F000] =	vst v63  }
0x15f: {  	s26 =	smov.u32 s24  }
0x160: {  	p0 =	sne.s32 s24, $0x9000;
	s24 =	sadd.s32 $0x600, s24;
	_ =	swait.ge [sflag:s12], $0x2000  }
0x161: {  	s26 =	sshra.s32 s26, $0x2;
	[sflag:s12] =	ssyncset.done $0x0  }
0x162: {  	s28 =	sadd.s32 $0x2800, s26;
	[sflag:s12] =	ssyncadd.s32 $0xFFFFE000  }
0x163: {  	[spmem:s25] =	stream.indirect.scatter.add.f32 [tilespmem:s11], [sflag:$0x4], $0x80, s28, s15, $0xb8;
	[tilespmem:$0x1F000] =	vst v63  }
0x164: {  	_ =	swait.ge [sflag:s14], $0x2000  }
0x165: {  	[sflag:s14] =	ssyncset.done $0x0  }
0x166: {  	s28 =	sadd.s32 $0x180, s26;
	[sflag:s14] =	ssyncadd.s32 $0xFFFFE000  }
0x167: {  	[tilespmem:s11], [sflag:$0x1] =	stream.indirect.gather [hbm4b:s29+s15], $0x80, s28, s15, $0xb8;
	[tilespmem:$0x1F000] =	vst v63  }
0x168: {  	_ =	swait.ge [sflag:s17], $0x2000  }
0x169: {  	[sflag:s17] =	ssyncset.done $0x0  }
0x16a: {  	s28 =	sadd.s32 $0x2880, s26;
	[sflag:s17] =	ssyncadd.s32 $0xFFFFE000  }
0x16b: {  	[spmem:s25] =	stream.indirect.scatter.add.f32 [tilespmem:s16], [sflag:$0x4], $0x80, s28, s15, $0xb8;
	[tilespmem:$0x1F000] =	vst v63  }
0x16c: {  	_ =	swait.ge [sflag:s14], $0x2000  }
0x16d: {  	[sflag:s14] =	ssyncset.done $0x0  }
0x16e: {  	s28 =	sadd.s32 $0x200, s26;
	[sflag:s14] =	ssyncadd.s32 $0xFFFFE000  }
0x16f: {  	[tilespmem:s16], [sflag:$0x2] =	stream.indirect.gather [hbm4b:s29+s15], $0x80, s28, s15, $0xb8;
	[tilespmem:$0x1F000] =	vst v63  }
0x170: {  	_ =	swait.ge [sflag:s21], $0x2000  }
0x171: {  	[sflag:s21] =	ssyncset.done $0x0  }
.Ltmp7:
0x172: {  	s28 =	sadd.s32 $0x2900, s26;
	[sflag:s21] =	ssyncadd.s32 $0xFFFFE000;
	(pc) =	sbr.rel @p0 .LBB2_16-.Ltmp7, $4  }
0x173: {  	[spmem:s25] =	stream.indirect.scatter.add.f32 [tilespmem:s20], [sflag:$0x4], $0x80, s28, s15, $0xb8;
	[tilespmem:$0x1F000] =	vst v63  }
0x174: {  	_ =	swait.ge [sflag:s14], $0x2000  }
0x175: {  	[sflag:s14] =	ssyncset.done $0x0  }
0x176: {  	s26 =	sadd.s32 $0x280, s26;
	[sflag:s14] =	ssyncadd.s32 $0xFFFFE000  }
0x177: {  	[tilespmem:s20], [sflag:$0x3] =	stream.indirect.gather [hbm4b:s29+s15], $0x80, s26, s15, $0xb8;
	[tilespmem:$0x1F000] =	vst v63  }
0x178: {  	_ =	swait.ge [sflag:s12], $0x2000  }
0x179: {  	[sflag:s12] =	ssyncset.done $0x0  }
0x17a: {  	s24 =	simm.s32 $0x4D80;
	[sflag:s12] =	ssyncadd.s32 $0xFFFFE000  }
0x17b: {  	[spmem:s25] =	stream.indirect.scatter.add.f32 [tilespmem:s11], [sflag:$0x4], $0x80, s24, s15, $0xb8;
	[tilespmem:$0x1F000] =	vst v63  }
0x17c: {  	_ =	swait.ge [sflag:s14], $0x2000  }
0x17d: {  	[sflag:s14] =	ssyncset.done $0x0  }
0x17e: {  	s26 =	simm.s32 $0x2700;
	[sflag:s14] =	ssyncadd.s32 $0xFFFFE000  }
0x17f: {  	[tilespmem:s11], [sflag:$0x1] =	stream.indirect.gather [hbm4b:s29+s15], $0x80, s26, s15, $0xb8;
	[tilespmem:$0x1F000] =	vst v63  }
0x180: {  	_ =	swait.ge [sflag:s17], $0x2000  }
0x181: {  	[sflag:s17] =	ssyncset.done $0x0  }
0x182: {  	s28 =	simm.s32 $0x4E00;
	[sflag:s17] =	ssyncadd.s32 $0xFFFFE000  }
0x183: {  	[spmem:s25] =	stream.indirect.scatter.add.f32 [tilespmem:s16], [sflag:$0x4], $0x80, s28, s15, $0xb8;
	[tilespmem:$0x1F000] =	vst v63  }
0x184: {  	_ =	swait.ge [sflag:s14], $0x2000  }
0x185: {  	[sflag:s14] =	ssyncset.done $0x0  }
0x186: {  	s26 =	simm.s32 $0x2780;
	[sflag:s14] =	ssyncadd.s32 $0xFFFFE000  }
0x187: {  	[tilespmem:s16], [sflag:$0x2] =	stream.indirect.gather [hbm4b:s29+s15], $0x80, s26, s15, $0xb8;
	[tilespmem:$0x1F000] =	vst v63  }
0x188: {  	_ =	swait.ge [sflag:s21], $0x2000  }
0x189: {  	[sflag:s21] =	ssyncset.done $0x0  }
0x18a: {  	[sflag:s21] =	ssyncadd.s32 $0xFFFFE000  }
0x18b: {  	[spmem:s25] =	stream.indirect.scatter.add.f32 [tilespmem:s20], [sflag:$0x4], $0x80, s18, s15, $0xb8;
	[tilespmem:$0x1F000] =	vst v63  }
0x18c: {  	_ =	swait.ge [sflag:s14], $0x2000  }
0x18d: {  	[sflag:s14] =	ssyncset.done $0x0  }
0x18e: {  	[sflag:s14] =	ssyncadd.s32 $0xFFFFE000  }
0x18f: {  	_ =	swait.ge [sflag:s12], $0x2000  }
0x190: {  	[sflag:s12] =	ssyncset.done $0x0  }
0x191: {  	[sflag:s12] =	ssyncadd.s32 $0xFFFFE000  }
0x192: {  	[spmem:s25] =	stream.indirect.scatter.add.f32 [tilespmem:s11], [sflag:$0x4], $0x80, s19, s15, $0xb8;
	[tilespmem:$0x1F000] =	vst v63  }
0x193: {  	_ =	swait.ge [sflag:s14], $0x2000  }
0x194: {  	[sflag:s14] =	ssyncset.done $0x0  }
0x195: {  	[sflag:s14] =	ssyncadd.s32 $0xFFFFE000  }
0x196: {  	_ =	swait.ge [sflag:s17], $0x2000  }
0x197: {  	[sflag:s17] =	ssyncset.done $0x0  }
0x198: {  	[sflag:s17] =	ssyncadd.s32 $0xFFFFE000  }
0x199: {  	[spmem:s25] =	stream.indirect.scatter.add.f32 [tilespmem:s16], [sflag:$0x4], $0x80, s10, s15, $0xb8;
	[tilespmem:$0x1F000] =	vst v63  }
0x19a: {  	_ =	swait.ge [sflag:s14], $0x2000  }
0x19b: {  	[sflag:s14] =	ssyncset.done $0x0  }
0x19c: {  	s24 =	simm.s32 $0x0;
	s28 =	rddreg [dreg:$0x4];
	[sflag:s14] =	ssyncadd.s32 $0xFFFFE000  }
0x19d: {  	[tilespmem:s24], [sflag:$0x4] =	stream.linear.gather [hbm4b:s28+s24], $0x2800, $0x38;
	[tilespmem:$0x1F000] =	vst v63  }
0x19e: {  	_ =	swait.ge [sflag:s14], $0x2800  }
0x19f: {  	[sflag:s14] =	ssyncset.done $0x0  }
0x1a0: {  	[sflag:s14] =	ssyncadd.s32 $0xFFFFD800  }
0x1a1: {  	[tilespmem:s13], [sflag:$0x4] =	stream.linear.gather [hbm4b:s3+s24], $0x2800, $0x38;
	[tilespmem:$0x1F000] =	vst v63  }
0x1a2: {  	_ =	swait.ge [sflag:s14], $0x2800  }
0x1a3: {  	[sflag:s14] =	ssyncset.done $0x0  }
0x1a4: {  	[sflag:s14] =	ssyncadd.s32 $0xFFFFD800  }
0x1a5: {  	[tilespmem:s11], [sflag:$0x1] =	stream.indirect.gather [hbm4b:s29+s15], $0x80, s24, s15, $0xb8;
	[tilespmem:$0x1F000] =	vst v63  }
0x1a6: {  	s28 =	simm.s32 $0x80  }
0x1a7: {  	[tilespmem:s16], [sflag:$0x2] =	stream.indirect.gather [hbm4b:s29+s15], $0x80, s28, s15, $0xb8;
	[tilespmem:$0x1F000] =	vst v63  }
0x1a8: {  	s26 =	simm.s32 $0x100  }
0x1a9: {  	[tilespmem:s20], [sflag:$0x3] =	stream.indirect.gather [hbm4b:s29+s15], $0x80, s26, s15, $0xb8;
	[tilespmem:$0x1F000] =	vst v63  }
0x1aa: {  	_ =	swait.ge [sflag:s12], $0x2000  }
0x1ab: {  	[sflag:s12] =	ssyncset.done $0x0  }
0x1ac: {  	s28 =	simm.s32 $0x2800;
	[sflag:s12] =	ssyncadd.s32 $0xFFFFE000  }
0x1ad: {  	[spmem:s25] =	stream.indirect.scatter.add.f32 [tilespmem:s11], [sflag:$0x4], $0x80, s28, s15, $0xb8;
	[tilespmem:$0x1F000] =	vst v63  }
0x1ae: {  	_ =	swait.ge [sflag:s14], $0x2000  }
0x1af: {  	[sflag:s14] =	ssyncset.done $0x0  }
0x1b0: {  	s26 =	simm.s32 $0x180;
	[sflag:s14] =	ssyncadd.s32 $0xFFFFE000  }
0x1b1: {  	[tilespmem:s11], [sflag:$0x1] =	stream.indirect.gather [hbm4b:s29+s15], $0x80, s26, s15, $0xb8;
	[tilespmem:$0x1F000] =	vst v63  }
0x1b2: {  	_ =	swait.ge [sflag:s17], $0x2000  }
0x1b3: {  	[sflag:s17] =	ssyncset.done $0x0  }
0x1b4: {  	s28 =	simm.s32 $0x2880;
	[sflag:s17] =	ssyncadd.s32 $0xFFFFE000  }
0x1b5: {  	[spmem:s25] =	stream.indirect.scatter.add.f32 [tilespmem:s16], [sflag:$0x4], $0x80, s28, s15, $0xb8;
	[tilespmem:$0x1F000] =	vst v63  }
0x1b6: {  	_ =	swait.ge [sflag:s14], $0x2000  }
0x1b7: {  	[sflag:s14] =	ssyncset.done $0x0  }
0x1b8: {  	s26 =	simm.s32 $0x200;
	[sflag:s14] =	ssyncadd.s32 $0xFFFFE000  }
0x1b9: {  	[tilespmem:s16], [sflag:$0x2] =	stream.indirect.gather [hbm4b:s29+s15], $0x80, s26, s15, $0xb8;
	[tilespmem:$0x1F000] =	vst v63  }
0x1ba: {  	_ =	swait.ge [sflag:s21], $0x2000  }
0x1bb: {  	[sflag:s21] =	ssyncset.done $0x0  }
0x1bc: {  	s28 =	simm.s32 $0x2900;
	[sflag:s21] =	ssyncadd.s32 $0xFFFFE000  }
0x1bd: {  	[spmem:s25] =	stream.indirect.scatter.add.f32 [tilespmem:s20], [sflag:$0x4], $0x80, s28, s15, $0xb8;
	[tilespmem:$0x1F000] =	vst v63  }
0x1be: {  	_ =	swait.ge [sflag:s14], $0x2000  }
0x1bf: {  	[sflag:s14] =	ssyncset.done $0x0  }
0x1c0: {  	s24 =	simm.s32 $0x600;
	s26 =	simm.s32 $0x280;
	[sflag:s14] =	ssyncadd.s32 $0xFFFFE000  }
.LBB2_18:
0x1c1: {  	[tilespmem:s20], [sflag:$0x3] =	stream.indirect.gather [hbm4b:s29+s15], $0x80, s26, s15, $0xb8;
	[tilespmem:$0x1F000] =	vst v63  }
0x1c2: {  	s26 =	smov.u32 s24  }
0x1c3: {  	p0 =	sne.s32 s24, $0x9000;
	s24 =	sadd.s32 $0x600, s24;
	_ =	swait.ge [sflag:s12], $0x2000  }
0x1c4: {  	s26 =	sshra.s32 s26, $0x2;
	[sflag:s12] =	ssyncset.done $0x0  }
0x1c5: {  	s28 =	sadd.s32 $0x2800, s26;
	[sflag:s12] =	ssyncadd.s32 $0xFFFFE000  }
0x1c6: {  	[spmem:s25] =	stream.indirect.scatter.add.f32 [tilespmem:s11], [sflag:$0x4], $0x80, s28, s15, $0xb8;
	[tilespmem:$0x1F000] =	vst v63  }
0x1c7: {  	_ =	swait.ge [sflag:s14], $0x2000  }
0x1c8: {  	[sflag:s14] =	ssyncset.done $0x0  }
0x1c9: {  	s28 =	sadd.s32 $0x180, s26;
	[sflag:s14] =	ssyncadd.s32 $0xFFFFE000  }
0x1ca: {  	[tilespmem:s11], [sflag:$0x1] =	stream.indirect.gather [hbm4b:s29+s15], $0x80, s28, s15, $0xb8;
	[tilespmem:$0x1F000] =	vst v63  }
0x1cb: {  	_ =	swait.ge [sflag:s17], $0x2000  }
0x1cc: {  	[sflag:s17] =	ssyncset.done $0x0  }
0x1cd: {  	s28 =	sadd.s32 $0x2880, s26;
	[sflag:s17] =	ssyncadd.s32 $0xFFFFE000  }
0x1ce: {  	[spmem:s25] =	stream.indirect.scatter.add.f32 [tilespmem:s16], [sflag:$0x4], $0x80, s28, s15, $0xb8;
	[tilespmem:$0x1F000] =	vst v63  }
0x1cf: {  	_ =	swait.ge [sflag:s14], $0x2000  }
0x1d0: {  	[sflag:s14] =	ssyncset.done $0x0  }
0x1d1: {  	s28 =	sadd.s32 $0x200, s26;
	[sflag:s14] =	ssyncadd.s32 $0xFFFFE000  }
0x1d2: {  	[tilespmem:s16], [sflag:$0x2] =	stream.indirect.gather [hbm4b:s29+s15], $0x80, s28, s15, $0xb8;
	[tilespmem:$0x1F000] =	vst v63  }
0x1d3: {  	_ =	swait.ge [sflag:s21], $0x2000  }
0x1d4: {  	[sflag:s21] =	ssyncset.done $0x0  }
.Ltmp8:
0x1d5: {  	s28 =	sadd.s32 $0x2900, s26;
	[sflag:s21] =	ssyncadd.s32 $0xFFFFE000;
	(pc) =	sbr.rel @p0 .LBB2_18-.Ltmp8, $4  }
0x1d6: {  	[spmem:s25] =	stream.indirect.scatter.add.f32 [tilespmem:s20], [sflag:$0x4], $0x80, s28, s15, $0xb8;
	[tilespmem:$0x1F000] =	vst v63  }
0x1d7: {  	_ =	swait.ge [sflag:s14], $0x2000  }
0x1d8: {  	[sflag:s14] =	ssyncset.done $0x0  }
0x1d9: {  	s26 =	sadd.s32 $0x280, s26;
	[sflag:s14] =	ssyncadd.s32 $0xFFFFE000  }
0x1da: {  	[tilespmem:s20], [sflag:$0x3] =	stream.indirect.gather [hbm4b:s29+s15], $0x80, s26, s15, $0xb8;
	[tilespmem:$0x1F000] =	vst v63  }
0x1db: {  	_ =	swait.ge [sflag:s12], $0x2000  }
0x1dc: {  	[sflag:s12] =	ssyncset.done $0x0  }
0x1dd: {  	s24 =	simm.s32 $0x4D80;
	[sflag:s12] =	ssyncadd.s32 $0xFFFFE000  }
0x1de: {  	[spmem:s25] =	stream.indirect.scatter.add.f32 [tilespmem:s11], [sflag:$0x4], $0x80, s24, s15, $0xb8;
	[tilespmem:$0x1F000] =	vst v63  }
0x1df: {  	_ =	swait.ge [sflag:s14], $0x2000  }
0x1e0: {  	[sflag:s14] =	ssyncset.done $0x0  }
0x1e1: {  	s26 =	simm.s32 $0x2700;
	[sflag:s14] =	ssyncadd.s32 $0xFFFFE000  }
0x1e2: {  	[tilespmem:s11], [sflag:$0x1] =	stream.indirect.gather [hbm4b:s29+s15], $0x80, s26, s15, $0xb8;
	[tilespmem:$0x1F000] =	vst v63  }
0x1e3: {  	_ =	swait.ge [sflag:s17], $0x2000  }
0x1e4: {  	[sflag:s17] =	ssyncset.done $0x0  }
0x1e5: {  	s28 =	simm.s32 $0x4E00;
	[sflag:s17] =	ssyncadd.s32 $0xFFFFE000  }
0x1e6: {  	[spmem:s25] =	stream.indirect.scatter.add.f32 [tilespmem:s16], [sflag:$0x4], $0x80, s28, s15, $0xb8;
	[tilespmem:$0x1F000] =	vst v63  }
0x1e7: {  	_ =	swait.ge [sflag:s14], $0x2000  }
0x1e8: {  	[sflag:s14] =	ssyncset.done $0x0  }
0x1e9: {  	s26 =	simm.s32 $0x2780;
	[sflag:s14] =	ssyncadd.s32 $0xFFFFE000  }
0x1ea: {  	[tilespmem:s16], [sflag:$0x2] =	stream.indirect.gather [hbm4b:s29+s15], $0x80, s26, s15, $0xb8;
	[tilespmem:$0x1F000] =	vst v63  }
0x1eb: {  	_ =	swait.ge [sflag:s21], $0x2000  }
0x1ec: {  	[sflag:s21] =	ssyncset.done $0x0  }
0x1ed: {  	[sflag:s21] =	ssyncadd.s32 $0xFFFFE000  }
0x1ee: {  	[spmem:s25] =	stream.indirect.scatter.add.f32 [tilespmem:s20], [sflag:$0x4], $0x80, s18, s15, $0xb8;
	[tilespmem:$0x1F000] =	vst v63  }
0x1ef: {  	_ =	swait.ge [sflag:s14], $0x2000  }
0x1f0: {  	[sflag:s14] =	ssyncset.done $0x0  }
0x1f1: {  	[sflag:s14] =	ssyncadd.s32 $0xFFFFE000  }
0x1f2: {  	_ =	swait.ge [sflag:s12], $0x2000  }
0x1f3: {  	[sflag:s12] =	ssyncset.done $0x0  }
0x1f4: {  	[sflag:s12] =	ssyncadd.s32 $0xFFFFE000  }
0x1f5: {  	[spmem:s25] =	stream.indirect.scatter.add.f32 [tilespmem:s11], [sflag:$0x4], $0x80, s19, s15, $0xb8;
	[tilespmem:$0x1F000] =	vst v63  }
0x1f6: {  	_ =	swait.ge [sflag:s14], $0x2000  }
0x1f7: {  	[sflag:s14] =	ssyncset.done $0x0  }
0x1f8: {  	[sflag:s14] =	ssyncadd.s32 $0xFFFFE000  }
0x1f9: {  	_ =	swait.ge [sflag:s17], $0x2000  }
0x1fa: {  	[sflag:s17] =	ssyncset.done $0x0  }
0x1fb: {  	[sflag:s17] =	ssyncadd.s32 $0xFFFFE000  }
0x1fc: {  	[spmem:s25] =	stream.indirect.scatter.add.f32 [tilespmem:s16], [sflag:$0x4], $0x80, s10, s15, $0xb8;
	[tilespmem:$0x1F000] =	vst v63  }
0x1fd: {  	_ =	swait.ge [sflag:s14], $0x2000  }
0x1fe: {  	[sflag:s14] =	ssyncset.done $0x0  }
0x1ff: {  	[sflag:s14] =	ssyncadd.s32 $0xFFFFE000  }
0x200: {  	[bflag:$0x0] =	sbarrier.arrive $0xFFFF  }
0x201: {  	[tilespmem:s11], [sflag:$0x4] =	stream.linear.gather [spmem:s30], $0x2000, $0x38;
	[tilespmem:$0x1F000] =	vst v63  }
0x202: {  	_ =	swait.ge [sflag:s14], $0x2000  }
0x203: {  	[sflag:s14] =	ssyncset.done $0x0  }
0x204: {  	s28 =	rddreg [dreg:$0xf];
	[sflag:s14] =	ssyncadd.s32 $0xFFFFE000  }
0x205: {  	[hbm4b:s28+s1] =	stream.linear.scatter [tilespmem:s11], [sflag:$0x1], $0x2000, $0x38;
	[tilespmem:$0x1F000] =	vst v63  }
0x206: {  	_ = 	snop  }
0x207: {  	[tilespmem:s16], [sflag:$0x4] =	stream.linear.gather [spmem:s31], $0x2000, $0x38;
	[tilespmem:$0x1F000] =	vst v63  }
0x208: {  	_ =	swait.ge [sflag:s14], $0x2000  }
0x209: {  	[sflag:s14] =	ssyncset.done $0x0  }
0x20a: {  	s26 =	rddreg [dreg:$0x10];
	[sflag:s14] =	ssyncadd.s32 $0xFFFFE000  }
0x20b: {  	[hbm4b:s26+s1] =	stream.linear.scatter [tilespmem:s16], [sflag:$0x2], $0x2000, $0x38;
	[tilespmem:$0x1F000] =	vst v63  }
0x20c: {  	_ =	swait.ge [sflag:s12], $0x2000  }
0x20d: {  	[sflag:s12] =	ssyncset.done $0x0  }
0x20e: {  	[sflag:s12] =	ssyncadd.s32 $0xFFFFE000  }
0x20f: {  	[tilespmem:s11], [sflag:$0x4] =	stream.linear.gather [spmem:s22], $0x2000, $0x38;
	[tilespmem:$0x1F000] =	vst v63  }
0x210: {  	_ =	swait.ge [sflag:s14], $0x2000  }
0x211: {  	[sflag:s14] =	ssyncset.done $0x0  }
0x212: {  	s28 =	rddreg [dreg:$0x11];
	[sflag:s14] =	ssyncadd.s32 $0xFFFFE000  }
0x213: {  	[hbm4b:s28+s1] =	stream.linear.scatter [tilespmem:s11], [sflag:$0x1], $0x2000, $0x38;
	[tilespmem:$0x1F000] =	vst v63  }
0x214: {  	_ =	swait.ge [sflag:s17], $0x2000  }
0x215: {  	[sflag:s17] =	ssyncset.done $0x0  }
0x216: {  	[sflag:s17] =	ssyncadd.s32 $0xFFFFE000  }
0x217: {  	[tilespmem:s16], [sflag:$0x4] =	stream.linear.gather [spmem:s0], $0x2000, $0x38;
	[tilespmem:$0x1F000] =	vst v63  }
0x218: {  	_ =	swait.ge [sflag:s14], $0x2000  }
0x219: {  	[sflag:s14] =	ssyncset.done $0x0  }
0x21a: {  	s26 =	rddreg [dreg:$0x12];
	[sflag:s14] =	ssyncadd.s32 $0xFFFFE000  }
0x21b: {  	[hbm4b:s26+s1] =	stream.linear.scatter [tilespmem:s16], [sflag:$0x2], $0x2000, $0x38;
	[tilespmem:$0x1F000] =	vst v63  }
0x21c: {  	_ =	swait.ge [sflag:s12], $0x2000  }
0x21d: {  	[sflag:s12] =	ssyncset.done $0x0  }
0x21e: {  	[sflag:s12] =	ssyncadd.s32 $0xFFFFE000  }
0x21f: {  	[tilespmem:s11], [sflag:$0x4] =	stream.linear.gather [spmem:s4], $0x2000, $0x38;
	[tilespmem:$0x1F000] =	vst v63  }
0x220: {  	_ =	swait.ge [sflag:s14], $0x2000  }
0x221: {  	[sflag:s14] =	ssyncset.done $0x0  }
0x222: {  	s28 =	rddreg [dreg:$0x13];
	[sflag:s14] =	ssyncadd.s32 $0xFFFFE000  }
0x223: {  	[hbm4b:s28+s1] =	stream.linear.scatter [tilespmem:s11], [sflag:$0x1], $0x2000, $0x38;
	[tilespmem:$0x1F000] =	vst v63  }
0x224: {  	_ =	swait.ge [sflag:s17], $0x2000  }
0x225: {  	[sflag:s17] =	ssyncset.done $0x0  }
0x226: {  	[sflag:s17] =	ssyncadd.s32 $0xFFFFE000  }
0x227: {  	[tilespmem:s16], [sflag:$0x4] =	stream.linear.gather [spmem:s5], $0x2000, $0x38;
	[tilespmem:$0x1F000] =	vst v63  }
0x228: {  	_ =	swait.ge [sflag:s14], $0x2000  }
0x229: {  	[sflag:s14] =	ssyncset.done $0x0  }
0x22a: {  	s26 =	rddreg [dreg:$0x14];
	[sflag:s14] =	ssyncadd.s32 $0xFFFFE000  }
0x22b: {  	[hbm4b:s26+s1] =	stream.linear.scatter [tilespmem:s16], [sflag:$0x2], $0x2000, $0x38;
	[tilespmem:$0x1F000] =	vst v63  }
0x22c: {  	_ =	swait.ge [sflag:s12], $0x2000  }
0x22d: {  	[sflag:s12] =	ssyncset.done $0x0  }
0x22e: {  	[sflag:s12] =	ssyncadd.s32 $0xFFFFE000  }
0x22f: {  	[tilespmem:s11], [sflag:$0x4] =	stream.linear.gather [spmem:s6], $0x2000, $0x38;
	[tilespmem:$0x1F000] =	vst v63  }
0x230: {  	_ =	swait.ge [sflag:s14], $0x2000  }
0x231: {  	[sflag:s14] =	ssyncset.done $0x0  }
0x232: {  	s28 =	rddreg [dreg:$0x15];
	[sflag:s14] =	ssyncadd.s32 $0xFFFFE000  }
0x233: {  	[hbm4b:s28+s1] =	stream.linear.scatter [tilespmem:s11], [sflag:$0x1], $0x2000, $0x38;
	[tilespmem:$0x1F000] =	vst v63  }
0x234: {  	_ =	swait.ge [sflag:s17], $0x2000  }
0x235: {  	[sflag:s17] =	ssyncset.done $0x0  }
0x236: {  	[sflag:s17] =	ssyncadd.s32 $0xFFFFE000  }
0x237: {  	[tilespmem:s16], [sflag:$0x4] =	stream.linear.gather [spmem:s7], $0x2000, $0x38;
	[tilespmem:$0x1F000] =	vst v63  }
0x238: {  	_ =	swait.ge [sflag:s14], $0x2000  }
0x239: {  	[sflag:s14] =	ssyncset.done $0x0  }
0x23a: {  	s26 =	rddreg [dreg:$0x16];
	[sflag:s14] =	ssyncadd.s32 $0xFFFFE000  }
0x23b: {  	[hbm4b:s26+s1] =	stream.linear.scatter [tilespmem:s16], [sflag:$0x2], $0x2000, $0x38;
	[tilespmem:$0x1F000] =	vst v63  }
0x23c: {  	_ =	swait.ge [sflag:s12], $0x2000  }
0x23d: {  	[sflag:s12] =	ssyncset.done $0x0  }
0x23e: {  	[sflag:s12] =	ssyncadd.s32 $0xFFFFE000  }
0x23f: {  	[tilespmem:s11], [sflag:$0x4] =	stream.linear.gather [spmem:s8], $0x2000, $0x38;
	[tilespmem:$0x1F000] =	vst v63  }
0x240: {  	_ =	swait.ge [sflag:s14], $0x2000  }
0x241: {  	[sflag:s14] =	ssyncset.done $0x0  }
0x242: {  	s28 =	rddreg [dreg:$0x17];
	[sflag:s14] =	ssyncadd.s32 $0xFFFFE000  }
0x243: {  	[hbm4b:s28+s1] =	stream.linear.scatter [tilespmem:s11], [sflag:$0x1], $0x2000, $0x38;
	[tilespmem:$0x1F000] =	vst v63  }
0x244: {  	_ =	swait.ge [sflag:s17], $0x2000  }
0x245: {  	[sflag:s17] =	ssyncset.done $0x0  }
0x246: {  	[sflag:s17] =	ssyncadd.s32 $0xFFFFE000  }
0x247: {  	[tilespmem:s16], [sflag:$0x4] =	stream.linear.gather [spmem:s9], $0x2000, $0x38;
	[tilespmem:$0x1F000] =	vst v63  }
0x248: {  	_ =	swait.ge [sflag:s14], $0x2000  }
0x249: {  	[sflag:s14] =	ssyncset.done $0x0  }
0x24a: {  	s26 =	rddreg [dreg:$0x18];
	[sflag:s14] =	ssyncadd.s32 $0xFFFFE000  }
0x24b: {  	[hbm4b:s26+s1] =	stream.linear.scatter [tilespmem:s16], [sflag:$0x2], $0x2000, $0x38;
	[tilespmem:$0x1F000] =	vst v63  }
0x24c: {  	_ =	swait.ge [sflag:s12], $0x2000  }
0x24d: {  	[sflag:s12] =	ssyncset.done $0x0  }
0x24e: {  	[sflag:s12] =	ssyncadd.s32 $0xFFFFE000  }
0x24f: {  	_ =	swait.ge [sflag:s17], $0x2000  }
0x250: {  	s23 =	sadd.s32 $0x1, s23;
	s28 =	rddreg [dreg:$0x19]  }
0x251: {  	p0 =	sne.s32 s23, s28  }
.Ltmp9:
0x252: {  	_ = 	snop;
	(pc) =	sbr.rel @p0 .LBB2_1-.Ltmp9, $3  }
0x253: {  	_ =	sdelay $0x1  }
0x254: {  	[sflag:s17] =	ssyncset.done $0x0  }
0x255: {  	[sflag:s17] =	ssyncadd.s32 $0xFFFFE000  }
0x256: {  	_ =	sfence.sel $0x180000  }
0x257: {  	[bflag:$0x0] =	sbarrier.arrive $0xFFFF  }
0x258: {  	_ =	strace $0x90000047  }
0x259: {  	s0 =	stileid.u32;
	[bflag:$0x2] =	sbarrier.arrive $0xFFFF  }
0x25a: {  	p0 =	sne.s32 s0, $0x0;
	s0 =	rddreg [dreg:$0x2]  }
0x25b: {  	s0 =	sadd.s32 @!p0 $0x100000, s0  }
0x25c: {  	[sflag:s0] =	ssyncadd.tile.s32 @!p0 $0x1;
	_ =	shalt  }
.Lfunc_end2:
_tile_overlayer_lowered:
.L_overlay_start_2:
0x25d: {  	(tag) =	ssettag $0x2  }
0x25e: {  	s0 =	rddreg [dreg:$0x0];
	s2 =	stileid.u32  }
0x25f: {  	s1 =	rddreg [dreg:$0x1];
	p0 =	sne.s32 s2, $0x0  }
0x260: {  	s3 =	rddreg [dreg:$0x2];
	[bflag:$0x3] =	sbarrier.arrive $0xFFFF;
	s2 =	simm.s32 @!p0 $0x1C04  }
0x261: {  	[timem:s3], [sflag:s2] =	dma.local @!p0 [hbm:s0], s1  }
0x262: {  	s0 =	simm.s32 @!p0 $0x4  }
0x263: {  	_ =	swait.ge @!p0 [sflag:s0], s1  }
0x264: {  	s1 =	ssub.s32 @!p0 $0x0, s1;
	[sflag:s0] =	ssyncset.done @!p0 $0x0  }
0x265: {  	[sflag:s0] =	ssyncadd.s32 @!p0 s1  }
0x266: {  	[bflag:$0x3] =	sbarrier.arrive $0xFFFF  }
0x267: {  	_ =	shalt  }

</sc_bundles>
